<compile_context>
chip_gen: v7x
topology: tpu7x:2x2x1
jax: 0.10.2.dev20260603
libtpu: 0.0.44.dev20260713+nightly
codegen_flags: <defaults>
</compile_context>

<pallas_src>
import functools

import jax
import jax.numpy as jnp
from jax import lax
from jax.experimental import pallas as pl
from jax.experimental.pallas import tpu as pltpu
from jax.experimental.pallas import tpu_sc as plsc

NC = 2
NS = 16
NW = NC * NS
L = 16
CHUNK = 64
NBUF = 2


def _body(num_rel, n_per_worker, ent_hbm, rel_hbm, h_hbm, t_hbm,
          r_hbm, out_hbm, hidx, tidx, ridx, rel, cidx, rows, score,
          gsems, ssems):
    wid = lax.axis_index("s") * NC + lax.axis_index("c")
    base = wid * n_per_worker
    pltpu.sync_copy(h_hbm.at[pl.ds(base, n_per_worker)], hidx)
    pltpu.sync_copy(t_hbm.at[pl.ds(base, n_per_worker)], tidx)
    pltpu.sync_copy(r_hbm.at[pl.ds(base, n_per_worker)], ridx)
    pltpu.sync_copy(rel_hbm, rel)

    iota = lax.iota(jnp.int32, L)
    n_chunks = n_per_worker // CHUNK

    def prep_fire(k, b):
        off = k * CHUNK
        first = plsc.load_gather(hidx, [jnp.full((L,), off, jnp.int32)])
        hv, tv, rv, m = [], [], [], None
        for j in range(4):
            sl = pl.ds(off + j * L, L)
            hv.append(hidx[sl])
            tv.append(tidx[sl])
            rv.append(ridx[sl])
            e = hv[j] == first
            m = e if m is None else (m & e)
        is_neg = plsc.all_reduce_population_count(m) == L
        for j in range(4):
            nh = jnp.where(is_neg, hv[j], tv[j])
            nt = jnp.where(is_neg, tv[j], hv[j])
            cidx[b][pl.ds(j * L, L)] = nh + nh
            cidx[b][pl.ds(CHUNK + j * L, L)] = nt + nt
            ridx[pl.ds(off + j * L, L)] = jnp.where(is_neg, rv[j],
                                                    rv[j] + num_rel)
        pltpu.async_copy(ent_hbm.at[cidx[b]], rows[b], gsems[b])

    def wait_gather(b):
        pltpu.make_async_copy(ent_hbm.at[cidx[b]], rows[b], gsems[b]).wait()

    def wait_score(b):
        pltpu.make_async_copy(score[b], out_hbm.at[pl.ds(0, CHUNK)],
                              ssems[b]).wait()

    def compute(k, b):
        off = k * CHUNK
        zi = jnp.zeros((L,), jnp.int32)
        dim = 64
        for g in range(CHUNK // L):
            ev = iota + g * L
            nrv = ridx[pl.ds(off + g * L, L)]
            hbase = ev * 64
            tbase = hbase + CHUNK * 64
            rbase = nrv * dim

            def dbody(i, carry):
                ob, a0, a1, a2, a3 = carry
                accs = [a0, a1, a2, a3]
                for u in range(16):
                    offv = (ob + u) & (dim - 1)
                    hvv = plsc.load_gather(rows[b], [zi, hbase + offv])
                    tvv = plsc.load_gather(rows[b], [zi, tbase + offv])
                    rvv = plsc.load_gather(rel, [zi, rbase + offv])
                    accs[u % 4] = accs[u % 4] + hvv * tvv * rvv
                return (ob + 16, *accs)

            z = jnp.zeros((L,), jnp.float32)
            res = lax.fori_loop(0, 4, dbody, (iota, z, z, z, z))
            score[b][pl.ds(g * L, L)] = ((res[1] + res[2])
                                         + (res[3] + res[4]))
        pltpu.async_copy(score[b], out_hbm.at[pl.ds(base + off, CHUNK)],
                         ssems[b])

    for b in range(NBUF - 1):
        prep_fire(b, b)

    def outer(c, _):
        k0 = c * NBUF
        for b in range(NBUF):
            k = k0 + b
            nb = (b + NBUF - 1) % NBUF

            @pl.when(k + NBUF - 1 < n_chunks)
            def _():
                prep_fire(k + NBUF - 1, nb)

            wait_gather(b)

            @pl.when(c > 0)
            def _():
                wait_score(b)

            compute(k, b)
        return 0

    lax.fori_loop(0, n_chunks // NBUF, outer, 0)
    for b in range(NBUF):
        wait_score(b)


def kernel(entity_emb, relation_emb, h_index, t_index, r_index):
    shape = h_index.shape
    total = h_index.size
    num_rel = relation_emb.shape[0] // 2
    dim = entity_emb.shape[1]
    n_per_worker = total // NW

    mesh = plsc.VectorSubcoreMesh(core_axis_name="c", subcore_axis_name="s")
    body = functools.partial(_body, num_rel, n_per_worker)
    run = pl.kernel(
        body,
        out_type=jax.ShapeDtypeStruct((total,), jnp.float32),
        mesh=mesh,
        compiler_params=pltpu.CompilerParams(
            needs_layout_passes=False, use_tc_tiling_on_sc=False,
            disable_bounds_checks=True, disable_semaphore_checks=True),
        scratch_types=[
            pltpu.VMEM((n_per_worker,), jnp.int32),
            pltpu.VMEM((n_per_worker,), jnp.int32),
            pltpu.VMEM((n_per_worker,), jnp.int32),
            pltpu.VMEM((2 * num_rel, dim), jnp.float32),
            [pltpu.VMEM((2 * CHUNK,), jnp.int32)] * NBUF,
            [pltpu.VMEM((2 * CHUNK, 64), jnp.float32)] * NBUF,
            [pltpu.VMEM((CHUNK,), jnp.float32)] * NBUF,
            [pltpu.SemaphoreType.DMA] * NBUF,
            [pltpu.SemaphoreType.DMA] * NBUF,
        ],
    )
    ent2 = jnp.pad(entity_emb, ((0, 0), (0, 64))).reshape(
        2 * entity_emb.shape[0], 64)
    out = run(ent2, relation_emb, h_index.reshape(-1),
              t_index.reshape(-1), r_index.reshape(-1))
    return out.reshape(shape)

# --- scband reference (transcript-rebuilt; emitter-appended) ---
"""Pipeline reference for scband-node-piece-18829136625737 (READ-ONLY COPY).

The authoritative reference and input builder live on the scoring server;
editing this copy changes nothing except your own understanding.
"""

import jax, jax.numpy as jnp
import numpy as np

NUM_ENTITIES = 1000000
NUM_RELATION = 500
DIM = 64
B = 4096
N = 64

def setup_inputs(seed: int = 0) -> dict:
    key = jax.random.key(seed)
    k1, k2, k3, k4, k5 = jax.random.split(key, 5)
    entity_emb = jax.random.normal(k1, (NUM_ENTITIES, DIM), dtype=jnp.float32)
    relation_emb = jax.random.normal(k2, (2 * NUM_RELATION, DIM), dtype=jnp.float32)
    h_index = jax.random.randint(k3, (B, N), 0, NUM_ENTITIES, dtype=jnp.int64 if jax.config.jax_enable_x64 else jnp.int32).astype(jnp.int32)
    t_index = jax.random.randint(k4, (B, N), 0, NUM_ENTITIES, dtype=jnp.int32)
    r_index = jax.random.randint(k5, (B, N), 0, NUM_RELATION, dtype=jnp.int32)
    return {"entity_emb": entity_emb, "relation_emb": relation_emb, "h_index": h_index, "t_index": t_index, "r_index": r_index}

def reference(entity_emb, relation_emb, h_index, t_index, r_index):
    shape = h_index.shape
    num_relation = relation_emb.shape[0] // 2
    # negative_sample_to_tail
    is_t_neg = jnp.all(h_index == h_index[:, :1], axis=-1, keepdims=True)
    new_h = jnp.where(is_t_neg, h_index, t_index)
    new_t = jnp.where(is_t_neg, t_index, h_index)
    new_r = jnp.where(is_t_neg, r_index, r_index + num_relation)
    # encoder.get_entities_and_relations -> materialized embedding tables
    # distmult_score: gather rows then triple product reduce
    h = jnp.take(entity_emb, new_h, axis=0)
    r = jnp.take(relation_emb, new_r, axis=0)
    t = jnp.take(entity_emb, new_t, axis=0)
    score = jnp.sum(h * r * t, axis=-1)
    return score.reshape(shape)

if __name__ == "__main__":
    import jax
    _d = setup_inputs()
    print(jax.jit(kernel)(*tuple(_d.values())))

</pallas_src>

<mosaic_0001>
#map = affine_map<(d0, d1) -> (0, 0)>
#map1 = affine_map<(d0, d1) -> (0)>
module attributes {stable_mosaic.version = 14 : i64} {
  func.func @_body(%arg0: i32, %arg1: i32, %arg2: memref<2000000x64xf32, #tpu.memory_space<hbm>>, %arg3: memref<1000x64xf32, #tpu.memory_space<hbm>>, %arg4: memref<262144xi32, #tpu.memory_space<hbm>>, %arg5: memref<262144xi32, #tpu.memory_space<hbm>>, %arg6: memref<262144xi32, #tpu.memory_space<hbm>>, %arg7: memref<262144xf32, #tpu.memory_space<hbm>>, %arg8: memref<8192xi32, #tpu.memory_space<vmem>>, %arg9: memref<8192xi32, #tpu.memory_space<vmem>>, %arg10: memref<8192xi32, #tpu.memory_space<vmem>>, %arg11: memref<1000x64xf32, #tpu.memory_space<vmem>>, %arg12: memref<128xi32, #tpu.memory_space<vmem>>, %arg13: memref<128xi32, #tpu.memory_space<vmem>>, %arg14: memref<128x64xf32, #tpu.memory_space<vmem>>, %arg15: memref<128x64xf32, #tpu.memory_space<vmem>>, %arg16: memref<64xf32, #tpu.memory_space<vmem>>, %arg17: memref<64xf32, #tpu.memory_space<vmem>>, %arg18: memref<!tpu.dma_semaphore, #tpu.memory_space<semaphore_mem>>, %arg19: memref<!tpu.dma_semaphore, #tpu.memory_space<semaphore_mem>>, %arg20: memref<!tpu.dma_semaphore, #tpu.memory_space<semaphore_mem>>, %arg21: memref<!tpu.dma_semaphore, #tpu.memory_space<semaphore_mem>>) attributes {dimension_semantics = [#tpu.dimension_semantics<core_parallel>, #tpu.dimension_semantics<subcore_parallel>], iteration_bounds = array<i64: 2, 16>, scalar_prefetch = 0 : i64, scratch_operands = 14 : i64, tpu.core_type = #tpu.core_type<sc_vector_subcore>, window_params = [{transform_indices = #map}, {transform_indices = #map}, {transform_indices = #map1}, {transform_indices = #map1}, {transform_indices = #map1}, {transform_indices = #map1}]} {
    %mul3A = arith.constant 2 : i32
    %mul3A_0 = arith.muli %arg1, %mul3A : i32
    %add3A = arith.addi %mul3A_0, %arg0 : i32
    %mul3A_1 = arith.constant 8192 : i32
    %mul3A_2 = arith.muli %add3A, %mul3A_1 : i32
    "tpu.region"() ({
      %run_scoped3A = tpu.sem_alloc : memref<!tpu.dma_semaphore, #tpu.memory_space<semaphore_mem>>
      %dma_start3A_104 = tpu.memref_slice %arg4[%mul3A_2] : memref<262144xi32, #tpu.memory_space<hbm>> -> memref<8192xi32, #tpu.memory_space<hbm>>
      %dma_start3A_105 = tpu.memref_slice %arg4[%mul3A_2] : memref<262144xi32, #tpu.memory_space<hbm>> -> memref<8192xi32, #tpu.memory_space<hbm>>
      tpu.enqueue_dma source(%dma_start3A_105 : memref<8192xi32, #tpu.memory_space<hbm>>) target(%arg8 : memref<8192xi32, #tpu.memory_space<vmem>>) target_semaphore(%run_scoped3A : memref<!tpu.dma_semaphore, #tpu.memory_space<semaphore_mem>>)
      %dma_wait3A_106 = tpu.memref_slice %arg4[%mul3A_2] : memref<262144xi32, #tpu.memory_space<hbm>> -> memref<8192xi32, #tpu.memory_space<hbm>>
      %dma_wait3A_107 = tpu.memref_slice %arg4[%mul3A_2] : memref<262144xi32, #tpu.memory_space<hbm>> -> memref<8192xi32, #tpu.memory_space<hbm>>
      tpu.wait_dma2 semaphore(%run_scoped3A : memref<!tpu.dma_semaphore, #tpu.memory_space<semaphore_mem>>) src(%dma_wait3A_107 : memref<8192xi32, #tpu.memory_space<hbm>>) dst(%arg8 : memref<8192xi32, #tpu.memory_space<vmem>>)
      tpu.yield
    }) : () -> ()
    "tpu.region"() ({
      %run_scoped3A = tpu.sem_alloc : memref<!tpu.dma_semaphore, #tpu.memory_space<semaphore_mem>>
      %dma_start3A_104 = tpu.memref_slice %arg5[%mul3A_2] : memref<262144xi32, #tpu.memory_space<hbm>> -> memref<8192xi32, #tpu.memory_space<hbm>>
      %dma_start3A_105 = tpu.memref_slice %arg5[%mul3A_2] : memref<262144xi32, #tpu.memory_space<hbm>> -> memref<8192xi32, #tpu.memory_space<hbm>>
      tpu.enqueue_dma source(%dma_start3A_105 : memref<8192xi32, #tpu.memory_space<hbm>>) target(%arg9 : memref<8192xi32, #tpu.memory_space<vmem>>) target_semaphore(%run_scoped3A : memref<!tpu.dma_semaphore, #tpu.memory_space<semaphore_mem>>)
      %dma_wait3A_106 = tpu.memref_slice %arg5[%mul3A_2] : memref<262144xi32, #tpu.memory_space<hbm>> -> memref<8192xi32, #tpu.memory_space<hbm>>
      %dma_wait3A_107 = tpu.memref_slice %arg5[%mul3A_2] : memref<262144xi32, #tpu.memory_space<hbm>> -> memref<8192xi32, #tpu.memory_space<hbm>>
      tpu.wait_dma2 semaphore(%run_scoped3A : memref<!tpu.dma_semaphore, #tpu.memory_space<semaphore_mem>>) src(%dma_wait3A_107 : memref<8192xi32, #tpu.memory_space<hbm>>) dst(%arg9 : memref<8192xi32, #tpu.memory_space<vmem>>)
      tpu.yield
    }) : () -> ()
    "tpu.region"() ({
      %run_scoped3A = tpu.sem_alloc : memref<!tpu.dma_semaphore, #tpu.memory_space<semaphore_mem>>
      %dma_start3A_104 = tpu.memref_slice %arg6[%mul3A_2] : memref<262144xi32, #tpu.memory_space<hbm>> -> memref<8192xi32, #tpu.memory_space<hbm>>
      %dma_start3A_105 = tpu.memref_slice %arg6[%mul3A_2] : memref<262144xi32, #tpu.memory_space<hbm>> -> memref<8192xi32, #tpu.memory_space<hbm>>
      tpu.enqueue_dma source(%dma_start3A_105 : memref<8192xi32, #tpu.memory_space<hbm>>) target(%arg10 : memref<8192xi32, #tpu.memory_space<vmem>>) target_semaphore(%run_scoped3A : memref<!tpu.dma_semaphore, #tpu.memory_space<semaphore_mem>>)
      %dma_wait3A_106 = tpu.memref_slice %arg6[%mul3A_2] : memref<262144xi32, #tpu.memory_space<hbm>> -> memref<8192xi32, #tpu.memory_space<hbm>>
      %dma_wait3A_107 = tpu.memref_slice %arg6[%mul3A_2] : memref<262144xi32, #tpu.memory_space<hbm>> -> memref<8192xi32, #tpu.memory_space<hbm>>
      tpu.wait_dma2 semaphore(%run_scoped3A : memref<!tpu.dma_semaphore, #tpu.memory_space<semaphore_mem>>) src(%dma_wait3A_107 : memref<8192xi32, #tpu.memory_space<hbm>>) dst(%arg10 : memref<8192xi32, #tpu.memory_space<vmem>>)
      tpu.yield
    }) : () -> ()
    "tpu.region"() ({
      %run_scoped3A = tpu.sem_alloc : memref<!tpu.dma_semaphore, #tpu.memory_space<semaphore_mem>>
      tpu.enqueue_dma source(%arg3 : memref<1000x64xf32, #tpu.memory_space<hbm>>) target(%arg11 : memref<1000x64xf32, #tpu.memory_space<vmem>>) target_semaphore(%run_scoped3A : memref<!tpu.dma_semaphore, #tpu.memory_space<semaphore_mem>>)
      tpu.wait_dma2 semaphore(%run_scoped3A : memref<!tpu.dma_semaphore, #tpu.memory_space<semaphore_mem>>) src(%arg3 : memref<1000x64xf32, #tpu.memory_space<hbm>>) dst(%arg11 : memref<1000x64xf32, #tpu.memory_space<vmem>>)
      tpu.yield
    }) : () -> ()
    %iota3A = tpu.iota {dimensions = array<i32: 0>} : vector<16xi32>
    %broadcast_in_dim3A = arith.constant 0 : i32
    %broadcast_in_dim3A_3 = vector.broadcast %broadcast_in_dim3A : i32 to vector<16xi32>
    %gather3A = tpu.vector_load_idx %arg8[%broadcast_in_dim3A_3] : memref<8192xi32, #tpu.memory_space<vmem>>[vector<16xi32>], vector<16xi32>,
    %get3A = arith.constant 0 : index
    %get3A_4 = tpu.vector_load %arg8[%get3A] {strides = array<i32>} : memref<8192xi32, #tpu.memory_space<vmem>>, vector<16xi32>,
    %get3A_5 = arith.constant 0 : index
    %get3A_6 = tpu.vector_load %arg9[%get3A_5] {strides = array<i32>} : memref<8192xi32, #tpu.memory_space<vmem>>, vector<16xi32>,
    %get3A_7 = arith.constant 0 : index
    %get3A_8 = tpu.vector_load %arg10[%get3A_7] {strides = array<i32>} : memref<8192xi32, #tpu.memory_space<vmem>>, vector<16xi32>,
    %eq3A = arith.cmpi eq, %get3A_4, %gather3A : vector<16xi32>
    %get3A_9 = arith.constant 16 : index
    %get3A_10 = tpu.vector_load %arg8[%get3A_9] {strides = array<i32>} : memref<8192xi32, #tpu.memory_space<vmem>>, vector<16xi32>,
    %get3A_11 = arith.constant 16 : index
    %get3A_12 = tpu.vector_load %arg9[%get3A_11] {strides = array<i32>} : memref<8192xi32, #tpu.memory_space<vmem>>, vector<16xi32>,
    %get3A_13 = arith.constant 16 : index
    %get3A_14 = tpu.vector_load %arg10[%get3A_13] {strides = array<i32>} : memref<8192xi32, #tpu.memory_space<vmem>>, vector<16xi32>,
    %eq3A_15 = arith.cmpi eq, %get3A_10, %gather3A : vector<16xi32>
    %and3A = arith.andi %eq3A, %eq3A_15 : vector<16xi1>
    %get3A_16 = arith.constant 32 : index
    %get3A_17 = tpu.vector_load %arg8[%get3A_16] {strides = array<i32>} : memref<8192xi32, #tpu.memory_space<vmem>>, vector<16xi32>,
    %get3A_18 = arith.constant 32 : index
    %get3A_19 = tpu.vector_load %arg9[%get3A_18] {strides = array<i32>} : memref<8192xi32, #tpu.memory_space<vmem>>, vector<16xi32>,
    %get3A_20 = arith.constant 32 : index
    %get3A_21 = tpu.vector_load %arg10[%get3A_20] {strides = array<i32>} : memref<8192xi32, #tpu.memory_space<vmem>>, vector<16xi32>,
    %eq3A_22 = arith.cmpi eq, %get3A_17, %gather3A : vector<16xi32>
    %and3A_23 = arith.andi %and3A, %eq3A_22 : vector<16xi1>
    %get3A_24 = arith.constant 48 : index
    %get3A_25 = tpu.vector_load %arg8[%get3A_24] {strides = array<i32>} : memref<8192xi32, #tpu.memory_space<vmem>>, vector<16xi32>,
    %get3A_26 = arith.constant 48 : index
    %get3A_27 = tpu.vector_load %arg9[%get3A_26] {strides = array<i32>} : memref<8192xi32, #tpu.memory_space<vmem>>, vector<16xi32>,
    %get3A_28 = arith.constant 48 : index
    %get3A_29 = tpu.vector_load %arg10[%get3A_28] {strides = array<i32>} : memref<8192xi32, #tpu.memory_space<vmem>>, vector<16xi32>,
    %eq3A_30 = arith.cmpi eq, %get3A_25, %gather3A : vector<16xi32>
    %and3A_31 = arith.andi %and3A_23, %eq3A_30 : vector<16xi1>
    %all_reduce_population_count3A = tpu.all_reduce %and3A_31 {dim = 0 : i64, kind = #tpu.reduction_kind<sum>} : vector<16xi1> -> vector<16xi32>
    %eq3A_32 = arith.constant 16 : i32
    %eq3A_33 = vector.broadcast %eq3A_32 : i32 to vector<16xi32>
    %eq3A_34 = arith.cmpi eq, %all_reduce_population_count3A, %eq3A_33 : vector<16xi32>
    %select_n3A = arith.select %eq3A_34, %get3A_4, %get3A_6 : vector<16xi1>, vector<16xi32>
    %select_n3A_35 = arith.select %eq3A_34, %get3A_6, %get3A_4 : vector<16xi1>, vector<16xi32>
    %add3A_36 = arith.addi %select_n3A, %select_n3A : vector<16xi32>
    %swap3A = arith.constant 0 : index
    %swap3A_37 = tpu.vector_load %arg12[%swap3A] {strides = array<i32>} : memref<128xi32, #tpu.memory_space<vmem>>, vector<16xi32>,
    tpu.vector_store %arg12[%swap3A], %add3A_36 {strides = array<i32>} : memref<128xi32, #tpu.memory_space<vmem>>, vector<16xi32>,
    %add3A_38 = arith.addi %select_n3A_35, %select_n3A_35 : vector<16xi32>
    %swap3A_39 = arith.constant 64 : index
    %swap3A_40 = tpu.vector_load %arg12[%swap3A_39] {strides = array<i32>} : memref<128xi32, #tpu.memory_space<vmem>>, vector<16xi32>,
    tpu.vector_store %arg12[%swap3A_39], %add3A_38 {strides = array<i32>} : memref<128xi32, #tpu.memory_space<vmem>>, vector<16xi32>,
    %add3A_41 = arith.constant 500 : i32
    %add3A_42 = vector.broadcast %add3A_41 : i32 to vector<16xi32>
    %add3A_43 = arith.addi %get3A_8, %add3A_42 : vector<16xi32>
    %select_n3A_44 = arith.select %eq3A_34, %get3A_8, %add3A_43 : vector<16xi1>, vector<16xi32>
    %swap3A_45 = arith.constant 0 : index
    %swap3A_46 = tpu.vector_load %arg10[%swap3A_45] {strides = array<i32>} : memref<8192xi32, #tpu.memory_space<vmem>>, vector<16xi32>,
    tpu.vector_store %arg10[%swap3A_45], %select_n3A_44 {strides = array<i32>} : memref<8192xi32, #tpu.memory_space<vmem>>, vector<16xi32>,
    %select_n3A_47 = arith.select %eq3A_34, %get3A_10, %get3A_12 : vector<16xi1>, vector<16xi32>
    %select_n3A_48 = arith.select %eq3A_34, %get3A_12, %get3A_10 : vector<16xi1>, vector<16xi32>
    %add3A_49 = arith.addi %select_n3A_47, %select_n3A_47 : vector<16xi32>
    %swap3A_50 = arith.constant 16 : index
    %swap3A_51 = tpu.vector_load %arg12[%swap3A_50] {strides = array<i32>} : memref<128xi32, #tpu.memory_space<vmem>>, vector<16xi32>,
    tpu.vector_store %arg12[%swap3A_50], %add3A_49 {strides = array<i32>} : memref<128xi32, #tpu.memory_space<vmem>>, vector<16xi32>,
    %add3A_52 = arith.addi %select_n3A_48, %select_n3A_48 : vector<16xi32>
    %swap3A_53 = arith.constant 80 : index
    %swap3A_54 = tpu.vector_load %arg12[%swap3A_53] {strides = array<i32>} : memref<128xi32, #tpu.memory_space<vmem>>, vector<16xi32>,
    tpu.vector_store %arg12[%swap3A_53], %add3A_52 {strides = array<i32>} : memref<128xi32, #tpu.memory_space<vmem>>, vector<16xi32>,
    %add3A_55 = arith.constant 500 : i32
    %add3A_56 = vector.broadcast %add3A_55 : i32 to vector<16xi32>
    %add3A_57 = arith.addi %get3A_14, %add3A_56 : vector<16xi32>
    %select_n3A_58 = arith.select %eq3A_34, %get3A_14, %add3A_57 : vector<16xi1>, vector<16xi32>
    %swap3A_59 = arith.constant 16 : index
    %swap3A_60 = tpu.vector_load %arg10[%swap3A_59] {strides = array<i32>} : memref<8192xi32, #tpu.memory_space<vmem>>, vector<16xi32>,
    tpu.vector_store %arg10[%swap3A_59], %select_n3A_58 {strides = array<i32>} : memref<8192xi32, #tpu.memory_space<vmem>>, vector<16xi32>,
    %select_n3A_61 = arith.select %eq3A_34, %get3A_17, %get3A_19 : vector<16xi1>, vector<16xi32>
    %select_n3A_62 = arith.select %eq3A_34, %get3A_19, %get3A_17 : vector<16xi1>, vector<16xi32>
    %add3A_63 = arith.addi %select_n3A_61, %select_n3A_61 : vector<16xi32>
    %swap3A_64 = arith.constant 32 : index
    %swap3A_65 = tpu.vector_load %arg12[%swap3A_64] {strides = array<i32>} : memref<128xi32, #tpu.memory_space<vmem>>, vector<16xi32>,
    tpu.vector_store %arg12[%swap3A_64], %add3A_63 {strides = array<i32>} : memref<128xi32, #tpu.memory_space<vmem>>, vector<16xi32>,
    %add3A_66 = arith.addi %select_n3A_62, %select_n3A_62 : vector<16xi32>
    %swap3A_67 = arith.constant 96 : index
    %swap3A_68 = tpu.vector_load %arg12[%swap3A_67] {strides = array<i32>} : memref<128xi32, #tpu.memory_space<vmem>>, vector<16xi32>,
    tpu.vector_store %arg12[%swap3A_67], %add3A_66 {strides = array<i32>} : memref<128xi32, #tpu.memory_space<vmem>>, vector<16xi32>,
    %add3A_69 = arith.constant 500 : i32
    %add3A_70 = vector.broadcast %add3A_69 : i32 to vector<16xi32>
    %add3A_71 = arith.addi %get3A_21, %add3A_70 : vector<16xi32>
    %select_n3A_72 = arith.select %eq3A_34, %get3A_21, %add3A_71 : vector<16xi1>, vector<16xi32>
    %swap3A_73 = arith.constant 32 : index
    %swap3A_74 = tpu.vector_load %arg10[%swap3A_73] {strides = array<i32>} : memref<8192xi32, #tpu.memory_space<vmem>>, vector<16xi32>,
    tpu.vector_store %arg10[%swap3A_73], %select_n3A_72 {strides = array<i32>} : memref<8192xi32, #tpu.memory_space<vmem>>, vector<16xi32>,
    %select_n3A_75 = arith.select %eq3A_34, %get3A_25, %get3A_27 : vector<16xi1>, vector<16xi32>
    %select_n3A_76 = arith.select %eq3A_34, %get3A_27, %get3A_25 : vector<16xi1>, vector<16xi32>
    %add3A_77 = arith.addi %select_n3A_75, %select_n3A_75 : vector<16xi32>
    %swap3A_78 = arith.constant 48 : index
    %swap3A_79 = tpu.vector_load %arg12[%swap3A_78] {strides = array<i32>} : memref<128xi32, #tpu.memory_space<vmem>>, vector<16xi32>,
    tpu.vector_store %arg12[%swap3A_78], %add3A_77 {strides = array<i32>} : memref<128xi32, #tpu.memory_space<vmem>>, vector<16xi32>,
    %add3A_80 = arith.addi %select_n3A_76, %select_n3A_76 : vector<16xi32>
    %swap3A_81 = arith.constant 112 : index
    %swap3A_82 = tpu.vector_load %arg12[%swap3A_81] {strides = array<i32>} : memref<128xi32, #tpu.memory_space<vmem>>, vector<16xi32>,
    tpu.vector_store %arg12[%swap3A_81], %add3A_80 {strides = array<i32>} : memref<128xi32, #tpu.memory_space<vmem>>, vector<16xi32>,
    %add3A_83 = arith.constant 500 : i32
    %add3A_84 = vector.broadcast %add3A_83 : i32 to vector<16xi32>
    %add3A_85 = arith.addi %get3A_29, %add3A_84 : vector<16xi32>
    %select_n3A_86 = arith.select %eq3A_34, %get3A_29, %add3A_85 : vector<16xi1>, vector<16xi32>
    %swap3A_87 = arith.constant 48 : index
    %swap3A_88 = tpu.vector_load %arg10[%swap3A_87] {strides = array<i32>} : memref<8192xi32, #tpu.memory_space<vmem>>, vector<16xi32>,
    tpu.vector_store %arg10[%swap3A_87], %select_n3A_86 {strides = array<i32>} : memref<8192xi32, #tpu.memory_space<vmem>>, vector<16xi32>,
    %dma_start3A = arith.constant 0 : i32
    %dma_start3A_89 = arith.constant 0 : i32
    %dma_start3A_90 = tpu.memref_slice %arg2[%dma_start3A, %dma_start3A_89] : memref<2000000x64xf32, #tpu.memory_space<hbm>> -> memref<2000000x64xf32, #tpu.memory_space<hbm>>
    tpu.enqueue_indirect_dma source(%dma_start3A_90 : memref<2000000x64xf32, #tpu.memory_space<hbm>>) target(%arg14 : memref<128x64xf32, #tpu.memory_space<vmem>>) offsets(%arg12 : memref<128xi32, #tpu.memory_space<vmem>>) semaphore(%arg18 : memref<!tpu.dma_semaphore, #tpu.memory_space<semaphore_mem>>)
    %scan3A = arith.constant 0 : i32
    %scan3A_91 = arith.constant 0 : i32
    %scan3A_92 = arith.constant 64 : i32
    %scan3A_93 = arith.addi %scan3A_91, %scan3A_92 : i32
    %scan3A_94 = arith.constant 1 : i32
    %scan3A_95 = scf.for %scan3A_104 = %scan3A_91 to %scan3A_93 step %scan3A_94 iter_args(%scan3A_105 = %scan3A) -> (i32)  : i32 {
      %mul3A_106 = arith.constant 2 : i32
      %mul3A_107 = arith.muli %scan3A_104, %mul3A_106 : i32
      %add3A_108 = arith.constant 0 : i32
      %add3A_109 = arith.addi %mul3A_107, %add3A_108 : i32
      %add3A_110 = arith.constant 2 : i32
      %add3A_111 = arith.addi %add3A_109, %add3A_110 : i32
      %sub3A = arith.constant 1 : i32
      %sub3A_112 = arith.subi %add3A_111, %sub3A : i32
      %lt3A = arith.constant 128 : i32
      %lt3A_113 = arith.cmpi slt, %sub3A_112, %lt3A : i32
      %convert_element_type3A = arith.extui %lt3A_113 : i1 to i32
      %cond3A = arith.constant 0 : i32
      %cond3A_114 = arith.cmpi ne, %convert_element_type3A, %cond3A : i32
      scf.if %cond3A_114 {
        %add3A_388 = arith.constant 2 : i32
        %add3A_389 = arith.addi %add3A_109, %add3A_388 : i32
        %sub3A_390 = arith.constant 1 : i32
        %sub3A_391 = arith.subi %add3A_389, %sub3A_390 : i32
        %mul3A_392 = arith.constant 64 : i32
        %mul3A_393 = arith.muli %sub3A_391, %mul3A_392 : i32
        %broadcast_in_dim3A_394 = vector.broadcast %mul3A_393 : i32 to vector<16xi32>
        %gather3A_395 = tpu.vector_load_idx %arg8[%broadcast_in_dim3A_394] : memref<8192xi32, #tpu.memory_space<vmem>>[vector<16xi32>], vector<16xi32>,
        %add3A_396 = arith.constant 0 : i32
        %add3A_397 = arith.addi %mul3A_393, %add3A_396 : i32
        %get3A_398 = arith.index_cast %add3A_397 : i32 to index
        %get3A_399 = tpu.vector_load %arg8[%get3A_398] {strides = array<i32>} : memref<8192xi32, #tpu.memory_space<vmem>>, vector<16xi32>,
        %get3A_400 = arith.index_cast %add3A_397 : i32 to index
        %get3A_401 = tpu.vector_load %arg9[%get3A_400] {strides = array<i32>} : memref<8192xi32, #tpu.memory_space<vmem>>, vector<16xi32>,
        %get3A_402 = arith.index_cast %add3A_397 : i32 to index
        %get3A_403 = tpu.vector_load %arg10[%get3A_402] {strides = array<i32>} : memref<8192xi32, #tpu.memory_space<vmem>>, vector<16xi32>,
        %eq3A_404 = arith.cmpi eq, %get3A_399, %gather3A_395 : vector<16xi32>
        %add3A_405 = arith.constant 16 : i32
        %add3A_406 = arith.addi %mul3A_393, %add3A_405 : i32
        %get3A_407 = arith.index_cast %add3A_406 : i32 to index
        %get3A_408 = tpu.vector_load %arg8[%get3A_407] {strides = array<i32>} : memref<8192xi32, #tpu.memory_space<vmem>>, vector<16xi32>,
        %get3A_409 = arith.index_cast %add3A_406 : i32 to index
        %get3A_410 = tpu.vector_load %arg9[%get3A_409] {strides = array<i32>} : memref<8192xi32, #tpu.memory_space<vmem>>, vector<16xi32>,
        %get3A_411 = arith.index_cast %add3A_406 : i32 to index
        %get3A_412 = tpu.vector_load %arg10[%get3A_411] {strides = array<i32>} : memref<8192xi32, #tpu.memory_space<vmem>>, vector<16xi32>,
        %eq3A_413 = arith.cmpi eq, %get3A_408, %gather3A_395 : vector<16xi32>
        %and3A_414 = arith.andi %eq3A_404, %eq3A_413 : vector<16xi1>
        %add3A_415 = arith.constant 32 : i32
        %add3A_416 = arith.addi %mul3A_393, %add3A_415 : i32
        %get3A_417 = arith.index_cast %add3A_416 : i32 to index
        %get3A_418 = tpu.vector_load %arg8[%get3A_417] {strides = array<i32>} : memref<8192xi32, #tpu.memory_space<vmem>>, vector<16xi32>,
        %get3A_419 = arith.index_cast %add3A_416 : i32 to index
        %get3A_420 = tpu.vector_load %arg9[%get3A_419] {strides = array<i32>} : memref<8192xi32, #tpu.memory_space<vmem>>, vector<16xi32>,
        %get3A_421 = arith.index_cast %add3A_416 : i32 to index
        %get3A_422 = tpu.vector_load %arg10[%get3A_421] {strides = array<i32>} : memref<8192xi32, #tpu.memory_space<vmem>>, vector<16xi32>,
        %eq3A_423 = arith.cmpi eq, %get3A_418, %gather3A_395 : vector<16xi32>
        %and3A_424 = arith.andi %and3A_414, %eq3A_423 : vector<16xi1>
        %add3A_425 = arith.constant 48 : i32
        %add3A_426 = arith.addi %mul3A_393, %add3A_425 : i32
        %get3A_427 = arith.index_cast %add3A_426 : i32 to index
        %get3A_428 = tpu.vector_load %arg8[%get3A_427] {strides = array<i32>} : memref<8192xi32, #tpu.memory_space<vmem>>, vector<16xi32>,
        %get3A_429 = arith.index_cast %add3A_426 : i32 to index
        %get3A_430 = tpu.vector_load %arg9[%get3A_429] {strides = array<i32>} : memref<8192xi32, #tpu.memory_space<vmem>>, vector<16xi32>,
        %get3A_431 = arith.index_cast %add3A_426 : i32 to index
        %get3A_432 = tpu.vector_load %arg10[%get3A_431] {strides = array<i32>} : memref<8192xi32, #tpu.memory_space<vmem>>, vector<16xi32>,
        %eq3A_433 = arith.cmpi eq, %get3A_428, %gather3A_395 : vector<16xi32>
        %and3A_434 = arith.andi %and3A_424, %eq3A_433 : vector<16xi1>
        %all_reduce_population_count3A_435 = tpu.all_reduce %and3A_434 {dim = 0 : i64, kind = #tpu.reduction_kind<sum>} : vector<16xi1> -> vector<16xi32>
        %eq3A_436 = arith.constant 16 : i32
        %eq3A_437 = vector.broadcast %eq3A_436 : i32 to vector<16xi32>
        %eq3A_438 = arith.cmpi eq, %all_reduce_population_count3A_435, %eq3A_437 : vector<16xi32>
        %select_n3A_439 = arith.select %eq3A_438, %get3A_399, %get3A_401 : vector<16xi1>, vector<16xi32>
        %select_n3A_440 = arith.select %eq3A_438, %get3A_401, %get3A_399 : vector<16xi1>, vector<16xi32>
        %add3A_441 = arith.addi %select_n3A_439, %select_n3A_439 : vector<16xi32>
        %swap3A_442 = arith.constant 0 : index
        %swap3A_443 = tpu.vector_load %arg13[%swap3A_442] {strides = array<i32>} : memref<128xi32, #tpu.memory_space<vmem>>, vector<16xi32>,
        tpu.vector_store %arg13[%swap3A_442], %add3A_441 {strides = array<i32>} : memref<128xi32, #tpu.memory_space<vmem>>, vector<16xi32>,
        %add3A_444 = arith.addi %select_n3A_440, %select_n3A_440 : vector<16xi32>
        %swap3A_445 = arith.constant 64 : index
        %swap3A_446 = tpu.vector_load %arg13[%swap3A_445] {strides = array<i32>} : memref<128xi32, #tpu.memory_space<vmem>>, vector<16xi32>,
        tpu.vector_store %arg13[%swap3A_445], %add3A_444 {strides = array<i32>} : memref<128xi32, #tpu.memory_space<vmem>>, vector<16xi32>,
        %add3A_447 = arith.constant 500 : i32
        %add3A_448 = vector.broadcast %add3A_447 : i32 to vector<16xi32>
        %add3A_449 = arith.addi %get3A_403, %add3A_448 : vector<16xi32>
        %select_n3A_450 = arith.select %eq3A_438, %get3A_403, %add3A_449 : vector<16xi1>, vector<16xi32>
        %add3A_451 = arith.constant 0 : i32
        %add3A_452 = arith.addi %mul3A_393, %add3A_451 : i32
        %swap3A_453 = arith.index_cast %add3A_452 : i32 to index
        %swap3A_454 = tpu.vector_load %arg10[%swap3A_453] {strides = array<i32>} : memref<8192xi32, #tpu.memory_space<vmem>>, vector<16xi32>,
        tpu.vector_store %arg10[%swap3A_453], %select_n3A_450 {strides = array<i32>} : memref<8192xi32, #tpu.memory_space<vmem>>, vector<16xi32>,
        %select_n3A_455 = arith.select %eq3A_438, %get3A_408, %get3A_410 : vector<16xi1>, vector<16xi32>
        %select_n3A_456 = arith.select %eq3A_438, %get3A_410, %get3A_408 : vector<16xi1>, vector<16xi32>
        %add3A_457 = arith.addi %select_n3A_455, %select_n3A_455 : vector<16xi32>
        %swap3A_458 = arith.constant 16 : index
        %swap3A_459 = tpu.vector_load %arg13[%swap3A_458] {strides = array<i32>} : memref<128xi32, #tpu.memory_space<vmem>>, vector<16xi32>,
        tpu.vector_store %arg13[%swap3A_458], %add3A_457 {strides = array<i32>} : memref<128xi32, #tpu.memory_space<vmem>>, vector<16xi32>,
        %add3A_460 = arith.addi %select_n3A_456, %select_n3A_456 : vector<16xi32>
        %swap3A_461 = arith.constant 80 : index
        %swap3A_462 = tpu.vector_load %arg13[%swap3A_461] {strides = array<i32>} : memref<128xi32, #tpu.memory_space<vmem>>, vector<16xi32>,
        tpu.vector_store %arg13[%swap3A_461], %add3A_460 {strides = array<i32>} : memref<128xi32, #tpu.memory_space<vmem>>, vector<16xi32>,
        %add3A_463 = arith.constant 500 : i32
        %add3A_464 = vector.broadcast %add3A_463 : i32 to vector<16xi32>
        %add3A_465 = arith.addi %get3A_412, %add3A_464 : vector<16xi32>
        %select_n3A_466 = arith.select %eq3A_438, %get3A_412, %add3A_465 : vector<16xi1>, vector<16xi32>
        %add3A_467 = arith.constant 16 : i32
        %add3A_468 = arith.addi %mul3A_393, %add3A_467 : i32
        %swap3A_469 = arith.index_cast %add3A_468 : i32 to index
        %swap3A_470 = tpu.vector_load %arg10[%swap3A_469] {strides = array<i32>} : memref<8192xi32, #tpu.memory_space<vmem>>, vector<16xi32>,
        tpu.vector_store %arg10[%swap3A_469], %select_n3A_466 {strides = array<i32>} : memref<8192xi32, #tpu.memory_space<vmem>>, vector<16xi32>,
        %select_n3A_471 = arith.select %eq3A_438, %get3A_418, %get3A_420 : vector<16xi1>, vector<16xi32>
        %select_n3A_472 = arith.select %eq3A_438, %get3A_420, %get3A_418 : vector<16xi1>, vector<16xi32>
        %add3A_473 = arith.addi %select_n3A_471, %select_n3A_471 : vector<16xi32>
        %swap3A_474 = arith.constant 32 : index
        %swap3A_475 = tpu.vector_load %arg13[%swap3A_474] {strides = array<i32>} : memref<128xi32, #tpu.memory_space<vmem>>, vector<16xi32>,
        tpu.vector_store %arg13[%swap3A_474], %add3A_473 {strides = array<i32>} : memref<128xi32, #tpu.memory_space<vmem>>, vector<16xi32>,
        %add3A_476 = arith.addi %select_n3A_472, %select_n3A_472 : vector<16xi32>
        %swap3A_477 = arith.constant 96 : index
        %swap3A_478 = tpu.vector_load %arg13[%swap3A_477] {strides = array<i32>} : memref<128xi32, #tpu.memory_space<vmem>>, vector<16xi32>,
        tpu.vector_store %arg13[%swap3A_477], %add3A_476 {strides = array<i32>} : memref<128xi32, #tpu.memory_space<vmem>>, vector<16xi32>,
        %add3A_479 = arith.constant 500 : i32
        %add3A_480 = vector.broadcast %add3A_479 : i32 to vector<16xi32>
        %add3A_481 = arith.addi %get3A_422, %add3A_480 : vector<16xi32>
        %select_n3A_482 = arith.select %eq3A_438, %get3A_422, %add3A_481 : vector<16xi1>, vector<16xi32>
        %add3A_483 = arith.constant 32 : i32
        %add3A_484 = arith.addi %mul3A_393, %add3A_483 : i32
        %swap3A_485 = arith.index_cast %add3A_484 : i32 to index
        %swap3A_486 = tpu.vector_load %arg10[%swap3A_485] {strides = array<i32>} : memref<8192xi32, #tpu.memory_space<vmem>>, vector<16xi32>,
        tpu.vector_store %arg10[%swap3A_485], %select_n3A_482 {strides = array<i32>} : memref<8192xi32, #tpu.memory_space<vmem>>, vector<16xi32>,
        %select_n3A_487 = arith.select %eq3A_438, %get3A_428, %get3A_430 : vector<16xi1>, vector<16xi32>
        %select_n3A_488 = arith.select %eq3A_438, %get3A_430, %get3A_428 : vector<16xi1>, vector<16xi32>
        %add3A_489 = arith.addi %select_n3A_487, %select_n3A_487 : vector<16xi32>
        %swap3A_490 = arith.constant 48 : index
        %swap3A_491 = tpu.vector_load %arg13[%swap3A_490] {strides = array<i32>} : memref<128xi32, #tpu.memory_space<vmem>>, vector<16xi32>,
        tpu.vector_store %arg13[%swap3A_490], %add3A_489 {strides = array<i32>} : memref<128xi32, #tpu.memory_space<vmem>>, vector<16xi32>,
        %add3A_492 = arith.addi %select_n3A_488, %select_n3A_488 : vector<16xi32>
        %swap3A_493 = arith.constant 112 : index
        %swap3A_494 = tpu.vector_load %arg13[%swap3A_493] {strides = array<i32>} : memref<128xi32, #tpu.memory_space<vmem>>, vector<16xi32>,
        tpu.vector_store %arg13[%swap3A_493], %add3A_492 {strides = array<i32>} : memref<128xi32, #tpu.memory_space<vmem>>, vector<16xi32>,
        %add3A_495 = arith.constant 500 : i32
        %add3A_496 = vector.broadcast %add3A_495 : i32 to vector<16xi32>
        %add3A_497 = arith.addi %get3A_432, %add3A_496 : vector<16xi32>
        %select_n3A_498 = arith.select %eq3A_438, %get3A_432, %add3A_497 : vector<16xi1>, vector<16xi32>
        %add3A_499 = arith.constant 48 : i32
        %add3A_500 = arith.addi %mul3A_393, %add3A_499 : i32
        %swap3A_501 = arith.index_cast %add3A_500 : i32 to index
        %swap3A_502 = tpu.vector_load %arg10[%swap3A_501] {strides = array<i32>} : memref<8192xi32, #tpu.memory_space<vmem>>, vector<16xi32>,
        tpu.vector_store %arg10[%swap3A_501], %select_n3A_498 {strides = array<i32>} : memref<8192xi32, #tpu.memory_space<vmem>>, vector<16xi32>,
        %dma_start3A_503 = arith.constant 0 : i32
        %dma_start3A_504 = arith.constant 0 : i32
        %dma_start3A_505 = tpu.memref_slice %arg2[%dma_start3A_503, %dma_start3A_504] : memref<2000000x64xf32, #tpu.memory_space<hbm>> -> memref<2000000x64xf32, #tpu.memory_space<hbm>>
        tpu.enqueue_indirect_dma source(%dma_start3A_505 : memref<2000000x64xf32, #tpu.memory_space<hbm>>) target(%arg15 : memref<128x64xf32, #tpu.memory_space<vmem>>) offsets(%arg13 : memref<128xi32, #tpu.memory_space<vmem>>) semaphore(%arg19 : memref<!tpu.dma_semaphore, #tpu.memory_space<semaphore_mem>>)
      } else {
      }
      %dma_wait3A_115 = arith.constant 0 : i32
      %dma_wait3A_116 = arith.constant 0 : i32
      %dma_wait3A_117 = tpu.memref_slice %arg2[%dma_wait3A_115, %dma_wait3A_116] : memref<2000000x64xf32, #tpu.memory_space<hbm>> -> memref<2000000x64xf32, #tpu.memory_space<hbm>>
      tpu.wait_indirect_dma semaphore(%arg18 : memref<!tpu.dma_semaphore, #tpu.memory_space<semaphore_mem>>) src(%dma_wait3A_117 : memref<2000000x64xf32, #tpu.memory_space<hbm>>) dst(%arg14 : memref<128x64xf32, #tpu.memory_space<vmem>>)
      %gt3A = arith.constant 0 : i32
      %gt3A_118 = arith.cmpi sgt, %scan3A_104, %gt3A : i32
      %convert_element_type3A_119 = arith.extui %gt3A_118 : i1 to i32
      %cond3A_120 = arith.constant 0 : i32
      %cond3A_121 = arith.cmpi ne, %convert_element_type3A_119, %cond3A_120 : i32
      scf.if %cond3A_121 {
        %dma_wait3A_388 = arith.constant 0 : i32
        %dma_wait3A_389 = tpu.memref_slice %arg7[%dma_wait3A_388] : memref<262144xf32, #tpu.memory_space<hbm>> -> memref<64xf32, #tpu.memory_space<hbm>>
        %dma_wait3A_390 = arith.constant 0 : i32
        %dma_wait3A_391 = tpu.memref_slice %arg7[%dma_wait3A_390] : memref<262144xf32, #tpu.memory_space<hbm>> -> memref<64xf32, #tpu.memory_space<hbm>>
        tpu.wait_dma2 semaphore(%arg20 : memref<!tpu.dma_semaphore, #tpu.memory_space<semaphore_mem>>) src(%arg16 : memref<64xf32, #tpu.memory_space<vmem>>) dst(%dma_wait3A_391 : memref<64xf32, #tpu.memory_space<hbm>>)
      } else {
      }
      %mul3A_122 = arith.constant 64 : i32
      %mul3A_123 = arith.muli %add3A_109, %mul3A_122 : i32
      %broadcast_in_dim3A_124 = arith.constant 0 : i32
      %broadcast_in_dim3A_125 = vector.broadcast %broadcast_in_dim3A_124 : i32 to vector<16xi32>
      %add3A_126 = arith.constant 0 : i32
      %add3A_127 = vector.broadcast %add3A_126 : i32 to vector<16xi32>
      %add3A_128 = arith.addi %iota3A, %add3A_127 : vector<16xi32>
      %add3A_129 = arith.constant 0 : i32
      %add3A_130 = arith.addi %mul3A_123, %add3A_129 : i32
      %get3A_131 = arith.index_cast %add3A_130 : i32 to index
      %get3A_132 = tpu.vector_load %arg10[%get3A_131] {strides = array<i32>} : memref<8192xi32, #tpu.memory_space<vmem>>, vector<16xi32>,
      %mul3A_133 = arith.constant 64 : i32
      %mul3A_134 = vector.broadcast %mul3A_133 : i32 to vector<16xi32>
      %mul3A_135 = arith.muli %add3A_128, %mul3A_134 : vector<16xi32>
      %add3A_136 = arith.constant 4096 : i32
      %add3A_137 = vector.broadcast %add3A_136 : i32 to vector<16xi32>
      %add3A_138 = arith.addi %mul3A_135, %add3A_137 : vector<16xi32>
      %mul3A_139 = arith.constant 64 : i32
      %mul3A_140 = vector.broadcast %mul3A_139 : i32 to vector<16xi32>
      %mul3A_141 = arith.muli %get3A_132, %mul3A_140 : vector<16xi32>
      %broadcast_in_dim3A_142 = arith.constant 0.000000e+00 : f32
      %broadcast_in_dim3A_143 = vector.broadcast %broadcast_in_dim3A_142 : f32 to vector<16xf32>
      %scan3A_144 = arith.constant 0 : i32
      %scan3A_145 = arith.constant 4 : i32
      %scan3A_146 = arith.addi %scan3A_144, %scan3A_145 : i32
      %scan3A_147 = arith.constant 1 : i32
      %scan3A_148:5 = scf.for %scan3A_388 = %scan3A_144 to %scan3A_146 step %scan3A_147 iter_args(%scan3A_389 = %iota3A, %scan3A_390 = %broadcast_in_dim3A_143, %scan3A_391 = %broadcast_in_dim3A_143, %scan3A_392 = %broadcast_in_dim3A_143, %scan3A_393 = %broadcast_in_dim3A_143) -> (vector<16xi32>, vector<16xf32>, vector<16xf32>, vector<16xf32>, vector<16xf32>)  : i32 {
        %add3A_394 = arith.constant 0 : i32
        %add3A_395 = vector.broadcast %add3A_394 : i32 to vector<16xi32>
        %add3A_396 = arith.addi %scan3A_389, %add3A_395 : vector<16xi32>
        %and3A_397 = arith.constant 63 : i32
        %and3A_398 = vector.broadcast %and3A_397 : i32 to vector<16xi32>
        %and3A_399 = arith.andi %add3A_396, %and3A_398 : vector<16xi32>
        %add3A_400 = arith.addi %mul3A_135, %and3A_399 : vector<16xi32>
        %gather3A_401 = tpu.vector_load_idx %arg14[%broadcast_in_dim3A_125, %add3A_400] : memref<128x64xf32, #tpu.memory_space<vmem>>[vector<16xi32>, vector<16xi32>], vector<16xf32>,
        %add3A_402 = arith.addi %add3A_138, %and3A_399 : vector<16xi32>
        %gather3A_403 = tpu.vector_load_idx %arg14[%broadcast_in_dim3A_125, %add3A_402] : memref<128x64xf32, #tpu.memory_space<vmem>>[vector<16xi32>, vector<16xi32>], vector<16xf32>,
        %add3A_404 = arith.addi %mul3A_141, %and3A_399 : vector<16xi32>
        %gather3A_405 = tpu.vector_load_idx %arg11[%broadcast_in_dim3A_125, %add3A_404] : memref<1000x64xf32, #tpu.memory_space<vmem>>[vector<16xi32>, vector<16xi32>], vector<16xf32>,
        %mul3A_406 = arith.mulf %gather3A_401, %gather3A_403 : vector<16xf32>
        %mul3A_407 = arith.mulf %mul3A_406, %gather3A_405 : vector<16xf32>
        %add3A_408 = arith.addf %scan3A_390, %mul3A_407 : vector<16xf32>
        %add3A_409 = arith.constant 1 : i32
        %add3A_410 = vector.broadcast %add3A_409 : i32 to vector<16xi32>
        %add3A_411 = arith.addi %scan3A_389, %add3A_410 : vector<16xi32>
        %and3A_412 = arith.constant 63 : i32
        %and3A_413 = vector.broadcast %and3A_412 : i32 to vector<16xi32>
        %and3A_414 = arith.andi %add3A_411, %and3A_413 : vector<16xi32>
        %add3A_415 = arith.addi %mul3A_135, %and3A_414 : vector<16xi32>
        %gather3A_416 = tpu.vector_load_idx %arg14[%broadcast_in_dim3A_125, %add3A_415] : memref<128x64xf32, #tpu.memory_space<vmem>>[vector<16xi32>, vector<16xi32>], vector<16xf32>,
        %add3A_417 = arith.addi %add3A_138, %and3A_414 : vector<16xi32>
        %gather3A_418 = tpu.vector_load_idx %arg14[%broadcast_in_dim3A_125, %add3A_417] : memref<128x64xf32, #tpu.memory_space<vmem>>[vector<16xi32>, vector<16xi32>], vector<16xf32>,
        %add3A_419 = arith.addi %mul3A_141, %and3A_414 : vector<16xi32>
        %gather3A_420 = tpu.vector_load_idx %arg11[%broadcast_in_dim3A_125, %add3A_419] : memref<1000x64xf32, #tpu.memory_space<vmem>>[vector<16xi32>, vector<16xi32>], vector<16xf32>,
        %mul3A_421 = arith.mulf %gather3A_416, %gather3A_418 : vector<16xf32>
        %mul3A_422 = arith.mulf %mul3A_421, %gather3A_420 : vector<16xf32>
        %add3A_423 = arith.addf %scan3A_391, %mul3A_422 : vector<16xf32>
        %add3A_424 = arith.constant 2 : i32
        %add3A_425 = vector.broadcast %add3A_424 : i32 to vector<16xi32>
        %add3A_426 = arith.addi %scan3A_389, %add3A_425 : vector<16xi32>
        %and3A_427 = arith.constant 63 : i32
        %and3A_428 = vector.broadcast %and3A_427 : i32 to vector<16xi32>
        %and3A_429 = arith.andi %add3A_426, %and3A_428 : vector<16xi32>
        %add3A_430 = arith.addi %mul3A_135, %and3A_429 : vector<16xi32>
        %gather3A_431 = tpu.vector_load_idx %arg14[%broadcast_in_dim3A_125, %add3A_430] : memref<128x64xf32, #tpu.memory_space<vmem>>[vector<16xi32>, vector<16xi32>], vector<16xf32>,
        %add3A_432 = arith.addi %add3A_138, %and3A_429 : vector<16xi32>
        %gather3A_433 = tpu.vector_load_idx %arg14[%broadcast_in_dim3A_125, %add3A_432] : memref<128x64xf32, #tpu.memory_space<vmem>>[vector<16xi32>, vector<16xi32>], vector<16xf32>,
        %add3A_434 = arith.addi %mul3A_141, %and3A_429 : vector<16xi32>
        %gather3A_435 = tpu.vector_load_idx %arg11[%broadcast_in_dim3A_125, %add3A_434] : memref<1000x64xf32, #tpu.memory_space<vmem>>[vector<16xi32>, vector<16xi32>], vector<16xf32>,
        %mul3A_436 = arith.mulf %gather3A_431, %gather3A_433 : vector<16xf32>
        %mul3A_437 = arith.mulf %mul3A_436, %gather3A_435 : vector<16xf32>
        %add3A_438 = arith.addf %scan3A_392, %mul3A_437 : vector<16xf32>
        %add3A_439 = arith.constant 3 : i32
        %add3A_440 = vector.broadcast %add3A_439 : i32 to vector<16xi32>
        %add3A_441 = arith.addi %scan3A_389, %add3A_440 : vector<16xi32>
        %and3A_442 = arith.constant 63 : i32
        %and3A_443 = vector.broadcast %and3A_442 : i32 to vector<16xi32>
        %and3A_444 = arith.andi %add3A_441, %and3A_443 : vector<16xi32>
        %add3A_445 = arith.addi %mul3A_135, %and3A_444 : vector<16xi32>
        %gather3A_446 = tpu.vector_load_idx %arg14[%broadcast_in_dim3A_125, %add3A_445] : memref<128x64xf32, #tpu.memory_space<vmem>>[vector<16xi32>, vector<16xi32>], vector<16xf32>,
        %add3A_447 = arith.addi %add3A_138, %and3A_444 : vector<16xi32>
        %gather3A_448 = tpu.vector_load_idx %arg14[%broadcast_in_dim3A_125, %add3A_447] : memref<128x64xf32, #tpu.memory_space<vmem>>[vector<16xi32>, vector<16xi32>], vector<16xf32>,
        %add3A_449 = arith.addi %mul3A_141, %and3A_444 : vector<16xi32>
        %gather3A_450 = tpu.vector_load_idx %arg11[%broadcast_in_dim3A_125, %add3A_449] : memref<1000x64xf32, #tpu.memory_space<vmem>>[vector<16xi32>, vector<16xi32>], vector<16xf32>,
        %mul3A_451 = arith.mulf %gather3A_446, %gather3A_448 : vector<16xf32>
        %mul3A_452 = arith.mulf %mul3A_451, %gather3A_450 : vector<16xf32>
        %add3A_453 = arith.addf %scan3A_393, %mul3A_452 : vector<16xf32>
        %add3A_454 = arith.constant 4 : i32
        %add3A_455 = vector.broadcast %add3A_454 : i32 to vector<16xi32>
        %add3A_456 = arith.addi %scan3A_389, %add3A_455 : vector<16xi32>
        %and3A_457 = arith.constant 63 : i32
        %and3A_458 = vector.broadcast %and3A_457 : i32 to vector<16xi32>
        %and3A_459 = arith.andi %add3A_456, %and3A_458 : vector<16xi32>
        %add3A_460 = arith.addi %mul3A_135, %and3A_459 : vector<16xi32>
        %gather3A_461 = tpu.vector_load_idx %arg14[%broadcast_in_dim3A_125, %add3A_460] : memref<128x64xf32, #tpu.memory_space<vmem>>[vector<16xi32>, vector<16xi32>], vector<16xf32>,
        %add3A_462 = arith.addi %add3A_138, %and3A_459 : vector<16xi32>
        %gather3A_463 = tpu.vector_load_idx %arg14[%broadcast_in_dim3A_125, %add3A_462] : memref<128x64xf32, #tpu.memory_space<vmem>>[vector<16xi32>, vector<16xi32>], vector<16xf32>,
        %add3A_464 = arith.addi %mul3A_141, %and3A_459 : vector<16xi32>
        %gather3A_465 = tpu.vector_load_idx %arg11[%broadcast_in_dim3A_125, %add3A_464] : memref<1000x64xf32, #tpu.memory_space<vmem>>[vector<16xi32>, vector<16xi32>], vector<16xf32>,
        %mul3A_466 = arith.mulf %gather3A_461, %gather3A_463 : vector<16xf32>
        %mul3A_467 = arith.mulf %mul3A_466, %gather3A_465 : vector<16xf32>
        %add3A_468 = arith.addf %add3A_408, %mul3A_467 : vector<16xf32>
        %add3A_469 = arith.constant 5 : i32
        %add3A_470 = vector.broadcast %add3A_469 : i32 to vector<16xi32>
        %add3A_471 = arith.addi %scan3A_389, %add3A_470 : vector<16xi32>
        %and3A_472 = arith.constant 63 : i32
        %and3A_473 = vector.broadcast %and3A_472 : i32 to vector<16xi32>
        %and3A_474 = arith.andi %add3A_471, %and3A_473 : vector<16xi32>
        %add3A_475 = arith.addi %mul3A_135, %and3A_474 : vector<16xi32>
        %gather3A_476 = tpu.vector_load_idx %arg14[%broadcast_in_dim3A_125, %add3A_475] : memref<128x64xf32, #tpu.memory_space<vmem>>[vector<16xi32>, vector<16xi32>], vector<16xf32>,
        %add3A_477 = arith.addi %add3A_138, %and3A_474 : vector<16xi32>
        %gather3A_478 = tpu.vector_load_idx %arg14[%broadcast_in_dim3A_125, %add3A_477] : memref<128x64xf32, #tpu.memory_space<vmem>>[vector<16xi32>, vector<16xi32>], vector<16xf32>,
        %add3A_479 = arith.addi %mul3A_141, %and3A_474 : vector<16xi32>
        %gather3A_480 = tpu.vector_load_idx %arg11[%broadcast_in_dim3A_125, %add3A_479] : memref<1000x64xf32, #tpu.memory_space<vmem>>[vector<16xi32>, vector<16xi32>], vector<16xf32>,
        %mul3A_481 = arith.mulf %gather3A_476, %gather3A_478 : vector<16xf32>
        %mul3A_482 = arith.mulf %mul3A_481, %gather3A_480 : vector<16xf32>
        %add3A_483 = arith.addf %add3A_423, %mul3A_482 : vector<16xf32>
        %add3A_484 = arith.constant 6 : i32
        %add3A_485 = vector.broadcast %add3A_484 : i32 to vector<16xi32>
        %add3A_486 = arith.addi %scan3A_389, %add3A_485 : vector<16xi32>
        %and3A_487 = arith.constant 63 : i32
        %and3A_488 = vector.broadcast %and3A_487 : i32 to vector<16xi32>
        %and3A_489 = arith.andi %add3A_486, %and3A_488 : vector<16xi32>
        %add3A_490 = arith.addi %mul3A_135, %and3A_489 : vector<16xi32>
        %gather3A_491 = tpu.vector_load_idx %arg14[%broadcast_in_dim3A_125, %add3A_490] : memref<128x64xf32, #tpu.memory_space<vmem>>[vector<16xi32>, vector<16xi32>], vector<16xf32>,
        %add3A_492 = arith.addi %add3A_138, %and3A_489 : vector<16xi32>
        %gather3A_493 = tpu.vector_load_idx %arg14[%broadcast_in_dim3A_125, %add3A_492] : memref<128x64xf32, #tpu.memory_space<vmem>>[vector<16xi32>, vector<16xi32>], vector<16xf32>,
        %add3A_494 = arith.addi %mul3A_141, %and3A_489 : vector<16xi32>
        %gather3A_495 = tpu.vector_load_idx %arg11[%broadcast_in_dim3A_125, %add3A_494] : memref<1000x64xf32, #tpu.memory_space<vmem>>[vector<16xi32>, vector<16xi32>], vector<16xf32>,
        %mul3A_496 = arith.mulf %gather3A_491, %gather3A_493 : vector<16xf32>
        %mul3A_497 = arith.mulf %mul3A_496, %gather3A_495 : vector<16xf32>
        %add3A_498 = arith.addf %add3A_438, %mul3A_497 : vector<16xf32>
        %add3A_499 = arith.constant 7 : i32
        %add3A_500 = vector.broadcast %add3A_499 : i32 to vector<16xi32>
        %add3A_501 = arith.addi %scan3A_389, %add3A_500 : vector<16xi32>
        %and3A_502 = arith.constant 63 : i32
        %and3A_503 = vector.broadcast %and3A_502 : i32 to vector<16xi32>
        %and3A_504 = arith.andi %add3A_501, %and3A_503 : vector<16xi32>
        %add3A_505 = arith.addi %mul3A_135, %and3A_504 : vector<16xi32>
        %gather3A_506 = tpu.vector_load_idx %arg14[%broadcast_in_dim3A_125, %add3A_505] : memref<128x64xf32, #tpu.memory_space<vmem>>[vector<16xi32>, vector<16xi32>], vector<16xf32>,
        %add3A_507 = arith.addi %add3A_138, %and3A_504 : vector<16xi32>
        %gather3A_508 = tpu.vector_load_idx %arg14[%broadcast_in_dim3A_125, %add3A_507] : memref<128x64xf32, #tpu.memory_space<vmem>>[vector<16xi32>, vector<16xi32>], vector<16xf32>,
        %add3A_509 = arith.addi %mul3A_141, %and3A_504 : vector<16xi32>
        %gather3A_510 = tpu.vector_load_idx %arg11[%broadcast_in_dim3A_125, %add3A_509] : memref<1000x64xf32, #tpu.memory_space<vmem>>[vector<16xi32>, vector<16xi32>], vector<16xf32>,
        %mul3A_511 = arith.mulf %gather3A_506, %gather3A_508 : vector<16xf32>
        %mul3A_512 = arith.mulf %mul3A_511, %gather3A_510 : vector<16xf32>
        %add3A_513 = arith.addf %add3A_453, %mul3A_512 : vector<16xf32>
        %add3A_514 = arith.constant 8 : i32
        %add3A_515 = vector.broadcast %add3A_514 : i32 to vector<16xi32>
        %add3A_516 = arith.addi %scan3A_389, %add3A_515 : vector<16xi32>
        %and3A_517 = arith.constant 63 : i32
        %and3A_518 = vector.broadcast %and3A_517 : i32 to vector<16xi32>
        %and3A_519 = arith.andi %add3A_516, %and3A_518 : vector<16xi32>
        %add3A_520 = arith.addi %mul3A_135, %and3A_519 : vector<16xi32>
        %gather3A_521 = tpu.vector_load_idx %arg14[%broadcast_in_dim3A_125, %add3A_520] : memref<128x64xf32, #tpu.memory_space<vmem>>[vector<16xi32>, vector<16xi32>], vector<16xf32>,
        %add3A_522 = arith.addi %add3A_138, %and3A_519 : vector<16xi32>
        %gather3A_523 = tpu.vector_load_idx %arg14[%broadcast_in_dim3A_125, %add3A_522] : memref<128x64xf32, #tpu.memory_space<vmem>>[vector<16xi32>, vector<16xi32>], vector<16xf32>,
        %add3A_524 = arith.addi %mul3A_141, %and3A_519 : vector<16xi32>
        %gather3A_525 = tpu.vector_load_idx %arg11[%broadcast_in_dim3A_125, %add3A_524] : memref<1000x64xf32, #tpu.memory_space<vmem>>[vector<16xi32>, vector<16xi32>], vector<16xf32>,
        %mul3A_526 = arith.mulf %gather3A_521, %gather3A_523 : vector<16xf32>
        %mul3A_527 = arith.mulf %mul3A_526, %gather3A_525 : vector<16xf32>
        %add3A_528 = arith.addf %add3A_468, %mul3A_527 : vector<16xf32>
        %add3A_529 = arith.constant 9 : i32
        %add3A_530 = vector.broadcast %add3A_529 : i32 to vector<16xi32>
        %add3A_531 = arith.addi %scan3A_389, %add3A_530 : vector<16xi32>
        %and3A_532 = arith.constant 63 : i32
        %and3A_533 = vector.broadcast %and3A_532 : i32 to vector<16xi32>
        %and3A_534 = arith.andi %add3A_531, %and3A_533 : vector<16xi32>
        %add3A_535 = arith.addi %mul3A_135, %and3A_534 : vector<16xi32>
        %gather3A_536 = tpu.vector_load_idx %arg14[%broadcast_in_dim3A_125, %add3A_535] : memref<128x64xf32, #tpu.memory_space<vmem>>[vector<16xi32>, vector<16xi32>], vector<16xf32>,
        %add3A_537 = arith.addi %add3A_138, %and3A_534 : vector<16xi32>
        %gather3A_538 = tpu.vector_load_idx %arg14[%broadcast_in_dim3A_125, %add3A_537] : memref<128x64xf32, #tpu.memory_space<vmem>>[vector<16xi32>, vector<16xi32>], vector<16xf32>,
        %add3A_539 = arith.addi %mul3A_141, %and3A_534 : vector<16xi32>
        %gather3A_540 = tpu.vector_load_idx %arg11[%broadcast_in_dim3A_125, %add3A_539] : memref<1000x64xf32, #tpu.memory_space<vmem>>[vector<16xi32>, vector<16xi32>], vector<16xf32>,
        %mul3A_541 = arith.mulf %gather3A_536, %gather3A_538 : vector<16xf32>
        %mul3A_542 = arith.mulf %mul3A_541, %gather3A_540 : vector<16xf32>
        %add3A_543 = arith.addf %add3A_483, %mul3A_542 : vector<16xf32>
        %add3A_544 = arith.constant 10 : i32
        %add3A_545 = vector.broadcast %add3A_544 : i32 to vector<16xi32>
        %add3A_546 = arith.addi %scan3A_389, %add3A_545 : vector<16xi32>
        %and3A_547 = arith.constant 63 : i32
        %and3A_548 = vector.broadcast %and3A_547 : i32 to vector<16xi32>
        %and3A_549 = arith.andi %add3A_546, %and3A_548 : vector<16xi32>
        %add3A_550 = arith.addi %mul3A_135, %and3A_549 : vector<16xi32>
        %gather3A_551 = tpu.vector_load_idx %arg14[%broadcast_in_dim3A_125, %add3A_550] : memref<128x64xf32, #tpu.memory_space<vmem>>[vector<16xi32>, vector<16xi32>], vector<16xf32>,
        %add3A_552 = arith.addi %add3A_138, %and3A_549 : vector<16xi32>
        %gather3A_553 = tpu.vector_load_idx %arg14[%broadcast_in_dim3A_125, %add3A_552] : memref<128x64xf32, #tpu.memory_space<vmem>>[vector<16xi32>, vector<16xi32>], vector<16xf32>,
        %add3A_554 = arith.addi %mul3A_141, %and3A_549 : vector<16xi32>
        %gather3A_555 = tpu.vector_load_idx %arg11[%broadcast_in_dim3A_125, %add3A_554] : memref<1000x64xf32, #tpu.memory_space<vmem>>[vector<16xi32>, vector<16xi32>], vector<16xf32>,
        %mul3A_556 = arith.mulf %gather3A_551, %gather3A_553 : vector<16xf32>
        %mul3A_557 = arith.mulf %mul3A_556, %gather3A_555 : vector<16xf32>
        %add3A_558 = arith.addf %add3A_498, %mul3A_557 : vector<16xf32>
        %add3A_559 = arith.constant 11 : i32
        %add3A_560 = vector.broadcast %add3A_559 : i32 to vector<16xi32>
        %add3A_561 = arith.addi %scan3A_389, %add3A_560 : vector<16xi32>
        %and3A_562 = arith.constant 63 : i32
        %and3A_563 = vector.broadcast %and3A_562 : i32 to vector<16xi32>
        %and3A_564 = arith.andi %add3A_561, %and3A_563 : vector<16xi32>
        %add3A_565 = arith.addi %mul3A_135, %and3A_564 : vector<16xi32>
        %gather3A_566 = tpu.vector_load_idx %arg14[%broadcast_in_dim3A_125, %add3A_565] : memref<128x64xf32, #tpu.memory_space<vmem>>[vector<16xi32>, vector<16xi32>], vector<16xf32>,
        %add3A_567 = arith.addi %add3A_138, %and3A_564 : vector<16xi32>
        %gather3A_568 = tpu.vector_load_idx %arg14[%broadcast_in_dim3A_125, %add3A_567] : memref<128x64xf32, #tpu.memory_space<vmem>>[vector<16xi32>, vector<16xi32>], vector<16xf32>,
        %add3A_569 = arith.addi %mul3A_141, %and3A_564 : vector<16xi32>
        %gather3A_570 = tpu.vector_load_idx %arg11[%broadcast_in_dim3A_125, %add3A_569] : memref<1000x64xf32, #tpu.memory_space<vmem>>[vector<16xi32>, vector<16xi32>], vector<16xf32>,
        %mul3A_571 = arith.mulf %gather3A_566, %gather3A_568 : vector<16xf32>
        %mul3A_572 = arith.mulf %mul3A_571, %gather3A_570 : vector<16xf32>
        %add3A_573 = arith.addf %add3A_513, %mul3A_572 : vector<16xf32>
        %add3A_574 = arith.constant 12 : i32
        %add3A_575 = vector.broadcast %add3A_574 : i32 to vector<16xi32>
        %add3A_576 = arith.addi %scan3A_389, %add3A_575 : vector<16xi32>
        %and3A_577 = arith.constant 63 : i32
        %and3A_578 = vector.broadcast %and3A_577 : i32 to vector<16xi32>
        %and3A_579 = arith.andi %add3A_576, %and3A_578 : vector<16xi32>
        %add3A_580 = arith.addi %mul3A_135, %and3A_579 : vector<16xi32>
        %gather3A_581 = tpu.vector_load_idx %arg14[%broadcast_in_dim3A_125, %add3A_580] : memref<128x64xf32, #tpu.memory_space<vmem>>[vector<16xi32>, vector<16xi32>], vector<16xf32>,
        %add3A_582 = arith.addi %add3A_138, %and3A_579 : vector<16xi32>
        %gather3A_583 = tpu.vector_load_idx %arg14[%broadcast_in_dim3A_125, %add3A_582] : memref<128x64xf32, #tpu.memory_space<vmem>>[vector<16xi32>, vector<16xi32>], vector<16xf32>,
        %add3A_584 = arith.addi %mul3A_141, %and3A_579 : vector<16xi32>
        %gather3A_585 = tpu.vector_load_idx %arg11[%broadcast_in_dim3A_125, %add3A_584] : memref<1000x64xf32, #tpu.memory_space<vmem>>[vector<16xi32>, vector<16xi32>], vector<16xf32>,
        %mul3A_586 = arith.mulf %gather3A_581, %gather3A_583 : vector<16xf32>
        %mul3A_587 = arith.mulf %mul3A_586, %gather3A_585 : vector<16xf32>
        %add3A_588 = arith.addf %add3A_528, %mul3A_587 : vector<16xf32>
        %add3A_589 = arith.constant 13 : i32
        %add3A_590 = vector.broadcast %add3A_589 : i32 to vector<16xi32>
        %add3A_591 = arith.addi %scan3A_389, %add3A_590 : vector<16xi32>
        %and3A_592 = arith.constant 63 : i32
        %and3A_593 = vector.broadcast %and3A_592 : i32 to vector<16xi32>
        %and3A_594 = arith.andi %add3A_591, %and3A_593 : vector<16xi32>
        %add3A_595 = arith.addi %mul3A_135, %and3A_594 : vector<16xi32>
        %gather3A_596 = tpu.vector_load_idx %arg14[%broadcast_in_dim3A_125, %add3A_595] : memref<128x64xf32, #tpu.memory_space<vmem>>[vector<16xi32>, vector<16xi32>], vector<16xf32>,
        %add3A_597 = arith.addi %add3A_138, %and3A_594 : vector<16xi32>
        %gather3A_598 = tpu.vector_load_idx %arg14[%broadcast_in_dim3A_125, %add3A_597] : memref<128x64xf32, #tpu.memory_space<vmem>>[vector<16xi32>, vector<16xi32>], vector<16xf32>,
        %add3A_599 = arith.addi %mul3A_141, %and3A_594 : vector<16xi32>
        %gather3A_600 = tpu.vector_load_idx %arg11[%broadcast_in_dim3A_125, %add3A_599] : memref<1000x64xf32, #tpu.memory_space<vmem>>[vector<16xi32>, vector<16xi32>], vector<16xf32>,
        %mul3A_601 = arith.mulf %gather3A_596, %gather3A_598 : vector<16xf32>
        %mul3A_602 = arith.mulf %mul3A_601, %gather3A_600 : vector<16xf32>
        %add3A_603 = arith.addf %add3A_543, %mul3A_602 : vector<16xf32>
        %add3A_604 = arith.constant 14 : i32
        %add3A_605 = vector.broadcast %add3A_604 : i32 to vector<16xi32>
        %add3A_606 = arith.addi %scan3A_389, %add3A_605 : vector<16xi32>
        %and3A_607 = arith.constant 63 : i32
        %and3A_608 = vector.broadcast %and3A_607 : i32 to vector<16xi32>
        %and3A_609 = arith.andi %add3A_606, %and3A_608 : vector<16xi32>
        %add3A_610 = arith.addi %mul3A_135, %and3A_609 : vector<16xi32>
        %gather3A_611 = tpu.vector_load_idx %arg14[%broadcast_in_dim3A_125, %add3A_610] : memref<128x64xf32, #tpu.memory_space<vmem>>[vector<16xi32>, vector<16xi32>], vector<16xf32>,
        %add3A_612 = arith.addi %add3A_138, %and3A_609 : vector<16xi32>
        %gather3A_613 = tpu.vector_load_idx %arg14[%broadcast_in_dim3A_125, %add3A_612] : memref<128x64xf32, #tpu.memory_space<vmem>>[vector<16xi32>, vector<16xi32>], vector<16xf32>,
        %add3A_614 = arith.addi %mul3A_141, %and3A_609 : vector<16xi32>
        %gather3A_615 = tpu.vector_load_idx %arg11[%broadcast_in_dim3A_125, %add3A_614] : memref<1000x64xf32, #tpu.memory_space<vmem>>[vector<16xi32>, vector<16xi32>], vector<16xf32>,
        %mul3A_616 = arith.mulf %gather3A_611, %gather3A_613 : vector<16xf32>
        %mul3A_617 = arith.mulf %mul3A_616, %gather3A_615 : vector<16xf32>
        %add3A_618 = arith.addf %add3A_558, %mul3A_617 : vector<16xf32>
        %add3A_619 = arith.constant 15 : i32
        %add3A_620 = vector.broadcast %add3A_619 : i32 to vector<16xi32>
        %add3A_621 = arith.addi %scan3A_389, %add3A_620 : vector<16xi32>
        %and3A_622 = arith.constant 63 : i32
        %and3A_623 = vector.broadcast %and3A_622 : i32 to vector<16xi32>
        %and3A_624 = arith.andi %add3A_621, %and3A_623 : vector<16xi32>
        %add3A_625 = arith.addi %mul3A_135, %and3A_624 : vector<16xi32>
        %gather3A_626 = tpu.vector_load_idx %arg14[%broadcast_in_dim3A_125, %add3A_625] : memref<128x64xf32, #tpu.memory_space<vmem>>[vector<16xi32>, vector<16xi32>], vector<16xf32>,
        %add3A_627 = arith.addi %add3A_138, %and3A_624 : vector<16xi32>
        %gather3A_628 = tpu.vector_load_idx %arg14[%broadcast_in_dim3A_125, %add3A_627] : memref<128x64xf32, #tpu.memory_space<vmem>>[vector<16xi32>, vector<16xi32>], vector<16xf32>,
        %add3A_629 = arith.addi %mul3A_141, %and3A_624 : vector<16xi32>
        %gather3A_630 = tpu.vector_load_idx %arg11[%broadcast_in_dim3A_125, %add3A_629] : memref<1000x64xf32, #tpu.memory_space<vmem>>[vector<16xi32>, vector<16xi32>], vector<16xf32>,
        %mul3A_631 = arith.mulf %gather3A_626, %gather3A_628 : vector<16xf32>
        %mul3A_632 = arith.mulf %mul3A_631, %gather3A_630 : vector<16xf32>
        %add3A_633 = arith.addf %add3A_573, %mul3A_632 : vector<16xf32>
        %add3A_634 = arith.constant 16 : i32
        %add3A_635 = vector.broadcast %add3A_634 : i32 to vector<16xi32>
        %add3A_636 = arith.addi %scan3A_389, %add3A_635 : vector<16xi32>
        scf.yield %add3A_636, %add3A_588, %add3A_603, %add3A_618, %add3A_633 : vector<16xi32>, vector<16xf32>, vector<16xf32>, vector<16xf32>, vector<16xf32>
      }
      %scan3A_149 = arith.constant 4 : i32
      %add3A_150 = arith.addf %scan3A_148#1, %scan3A_148#2 : vector<16xf32>
      %add3A_151 = arith.addf %scan3A_148#3, %scan3A_148#4 : vector<16xf32>
      %add3A_152 = arith.addf %add3A_150, %add3A_151 : vector<16xf32>
      %swap3A_153 = arith.constant 0 : index
      %swap3A_154 = tpu.vector_load %arg16[%swap3A_153] {strides = array<i32>} : memref<64xf32, #tpu.memory_space<vmem>>, vector<16xf32>,
      tpu.vector_store %arg16[%swap3A_153], %add3A_152 {strides = array<i32>} : memref<64xf32, #tpu.memory_space<vmem>>, vector<16xf32>,
      %add3A_155 = arith.constant 16 : i32
      %add3A_156 = vector.broadcast %add3A_155 : i32 to vector<16xi32>
      %add3A_157 = arith.addi %iota3A, %add3A_156 : vector<16xi32>
      %add3A_158 = arith.constant 16 : i32
      %add3A_159 = arith.addi %mul3A_123, %add3A_158 : i32
      %get3A_160 = arith.index_cast %add3A_159 : i32 to index
      %get3A_161 = tpu.vector_load %arg10[%get3A_160] {strides = array<i32>} : memref<8192xi32, #tpu.memory_space<vmem>>, vector<16xi32>,
      %mul3A_162 = arith.constant 64 : i32
      %mul3A_163 = vector.broadcast %mul3A_162 : i32 to vector<16xi32>
      %mul3A_164 = arith.muli %add3A_157, %mul3A_163 : vector<16xi32>
      %add3A_165 = arith.constant 4096 : i32
      %add3A_166 = vector.broadcast %add3A_165 : i32 to vector<16xi32>
      %add3A_167 = arith.addi %mul3A_164, %add3A_166 : vector<16xi32>
      %mul3A_168 = arith.constant 64 : i32
      %mul3A_169 = vector.broadcast %mul3A_168 : i32 to vector<16xi32>
      %mul3A_170 = arith.muli %get3A_161, %mul3A_169 : vector<16xi32>
      %broadcast_in_dim3A_171 = arith.constant 0.000000e+00 : f32
      %broadcast_in_dim3A_172 = vector.broadcast %broadcast_in_dim3A_171 : f32 to vector<16xf32>
      %scan3A_173 = arith.constant 0 : i32
      %scan3A_174 = arith.constant 4 : i32
      %scan3A_175 = arith.addi %scan3A_173, %scan3A_174 : i32
      %scan3A_176 = arith.constant 1 : i32
      %scan3A_177:5 = scf.for %scan3A_388 = %scan3A_173 to %scan3A_175 step %scan3A_176 iter_args(%scan3A_389 = %iota3A, %scan3A_390 = %broadcast_in_dim3A_172, %scan3A_391 = %broadcast_in_dim3A_172, %scan3A_392 = %broadcast_in_dim3A_172, %scan3A_393 = %broadcast_in_dim3A_172) -> (vector<16xi32>, vector<16xf32>, vector<16xf32>, vector<16xf32>, vector<16xf32>)  : i32 {
        %add3A_394 = arith.constant 0 : i32
        %add3A_395 = vector.broadcast %add3A_394 : i32 to vector<16xi32>
        %add3A_396 = arith.addi %scan3A_389, %add3A_395 : vector<16xi32>
        %and3A_397 = arith.constant 63 : i32
        %and3A_398 = vector.broadcast %and3A_397 : i32 to vector<16xi32>
        %and3A_399 = arith.andi %add3A_396, %and3A_398 : vector<16xi32>
        %add3A_400 = arith.addi %mul3A_164, %and3A_399 : vector<16xi32>
        %gather3A_401 = tpu.vector_load_idx %arg14[%broadcast_in_dim3A_125, %add3A_400] : memref<128x64xf32, #tpu.memory_space<vmem>>[vector<16xi32>, vector<16xi32>], vector<16xf32>,
        %add3A_402 = arith.addi %add3A_167, %and3A_399 : vector<16xi32>
        %gather3A_403 = tpu.vector_load_idx %arg14[%broadcast_in_dim3A_125, %add3A_402] : memref<128x64xf32, #tpu.memory_space<vmem>>[vector<16xi32>, vector<16xi32>], vector<16xf32>,
        %add3A_404 = arith.addi %mul3A_170, %and3A_399 : vector<16xi32>
        %gather3A_405 = tpu.vector_load_idx %arg11[%broadcast_in_dim3A_125, %add3A_404] : memref<1000x64xf32, #tpu.memory_space<vmem>>[vector<16xi32>, vector<16xi32>], vector<16xf32>,
        %mul3A_406 = arith.mulf %gather3A_401, %gather3A_403 : vector<16xf32>
        %mul3A_407 = arith.mulf %mul3A_406, %gather3A_405 : vector<16xf32>
        %add3A_408 = arith.addf %scan3A_390, %mul3A_407 : vector<16xf32>
        %add3A_409 = arith.constant 1 : i32
        %add3A_410 = vector.broadcast %add3A_409 : i32 to vector<16xi32>
        %add3A_411 = arith.addi %scan3A_389, %add3A_410 : vector<16xi32>
        %and3A_412 = arith.constant 63 : i32
        %and3A_413 = vector.broadcast %and3A_412 : i32 to vector<16xi32>
        %and3A_414 = arith.andi %add3A_411, %and3A_413 : vector<16xi32>
        %add3A_415 = arith.addi %mul3A_164, %and3A_414 : vector<16xi32>
        %gather3A_416 = tpu.vector_load_idx %arg14[%broadcast_in_dim3A_125, %add3A_415] : memref<128x64xf32, #tpu.memory_space<vmem>>[vector<16xi32>, vector<16xi32>], vector<16xf32>,
        %add3A_417 = arith.addi %add3A_167, %and3A_414 : vector<16xi32>
        %gather3A_418 = tpu.vector_load_idx %arg14[%broadcast_in_dim3A_125, %add3A_417] : memref<128x64xf32, #tpu.memory_space<vmem>>[vector<16xi32>, vector<16xi32>], vector<16xf32>,
        %add3A_419 = arith.addi %mul3A_170, %and3A_414 : vector<16xi32>
        %gather3A_420 = tpu.vector_load_idx %arg11[%broadcast_in_dim3A_125, %add3A_419] : memref<1000x64xf32, #tpu.memory_space<vmem>>[vector<16xi32>, vector<16xi32>], vector<16xf32>,
        %mul3A_421 = arith.mulf %gather3A_416, %gather3A_418 : vector<16xf32>
        %mul3A_422 = arith.mulf %mul3A_421, %gather3A_420 : vector<16xf32>
        %add3A_423 = arith.addf %scan3A_391, %mul3A_422 : vector<16xf32>
        %add3A_424 = arith.constant 2 : i32
        %add3A_425 = vector.broadcast %add3A_424 : i32 to vector<16xi32>
        %add3A_426 = arith.addi %scan3A_389, %add3A_425 : vector<16xi32>
        %and3A_427 = arith.constant 63 : i32
        %and3A_428 = vector.broadcast %and3A_427 : i32 to vector<16xi32>
        %and3A_429 = arith.andi %add3A_426, %and3A_428 : vector<16xi32>
        %add3A_430 = arith.addi %mul3A_164, %and3A_429 : vector<16xi32>
        %gather3A_431 = tpu.vector_load_idx %arg14[%broadcast_in_dim3A_125, %add3A_430] : memref<128x64xf32, #tpu.memory_space<vmem>>[vector<16xi32>, vector<16xi32>], vector<16xf32>,
        %add3A_432 = arith.addi %add3A_167, %and3A_429 : vector<16xi32>
        %gather3A_433 = tpu.vector_load_idx %arg14[%broadcast_in_dim3A_125, %add3A_432] : memref<128x64xf32, #tpu.memory_space<vmem>>[vector<16xi32>, vector<16xi32>], vector<16xf32>,
        %add3A_434 = arith.addi %mul3A_170, %and3A_429 : vector<16xi32>
        %gather3A_435 = tpu.vector_load_idx %arg11[%broadcast_in_dim3A_125, %add3A_434] : memref<1000x64xf32, #tpu.memory_space<vmem>>[vector<16xi32>, vector<16xi32>], vector<16xf32>,
        %mul3A_436 = arith.mulf %gather3A_431, %gather3A_433 : vector<16xf32>
        %mul3A_437 = arith.mulf %mul3A_436, %gather3A_435 : vector<16xf32>
        %add3A_438 = arith.addf %scan3A_392, %mul3A_437 : vector<16xf32>
        %add3A_439 = arith.constant 3 : i32
        %add3A_440 = vector.broadcast %add3A_439 : i32 to vector<16xi32>
        %add3A_441 = arith.addi %scan3A_389, %add3A_440 : vector<16xi32>
        %and3A_442 = arith.constant 63 : i32
        %and3A_443 = vector.broadcast %and3A_442 : i32 to vector<16xi32>
        %and3A_444 = arith.andi %add3A_441, %and3A_443 : vector<16xi32>
        %add3A_445 = arith.addi %mul3A_164, %and3A_444 : vector<16xi32>
        %gather3A_446 = tpu.vector_load_idx %arg14[%broadcast_in_dim3A_125, %add3A_445] : memref<128x64xf32, #tpu.memory_space<vmem>>[vector<16xi32>, vector<16xi32>], vector<16xf32>,
        %add3A_447 = arith.addi %add3A_167, %and3A_444 : vector<16xi32>
        %gather3A_448 = tpu.vector_load_idx %arg14[%broadcast_in_dim3A_125, %add3A_447] : memref<128x64xf32, #tpu.memory_space<vmem>>[vector<16xi32>, vector<16xi32>], vector<16xf32>,
        %add3A_449 = arith.addi %mul3A_170, %and3A_444 : vector<16xi32>
        %gather3A_450 = tpu.vector_load_idx %arg11[%broadcast_in_dim3A_125, %add3A_449] : memref<1000x64xf32, #tpu.memory_space<vmem>>[vector<16xi32>, vector<16xi32>], vector<16xf32>,
        %mul3A_451 = arith.mulf %gather3A_446, %gather3A_448 : vector<16xf32>
        %mul3A_452 = arith.mulf %mul3A_451, %gather3A_450 : vector<16xf32>
        %add3A_453 = arith.addf %scan3A_393, %mul3A_452 : vector<16xf32>
        %add3A_454 = arith.constant 4 : i32
        %add3A_455 = vector.broadcast %add3A_454 : i32 to vector<16xi32>
        %add3A_456 = arith.addi %scan3A_389, %add3A_455 : vector<16xi32>
        %and3A_457 = arith.constant 63 : i32
        %and3A_458 = vector.broadcast %and3A_457 : i32 to vector<16xi32>
        %and3A_459 = arith.andi %add3A_456, %and3A_458 : vector<16xi32>
        %add3A_460 = arith.addi %mul3A_164, %and3A_459 : vector<16xi32>
        %gather3A_461 = tpu.vector_load_idx %arg14[%broadcast_in_dim3A_125, %add3A_460] : memref<128x64xf32, #tpu.memory_space<vmem>>[vector<16xi32>, vector<16xi32>], vector<16xf32>,
        %add3A_462 = arith.addi %add3A_167, %and3A_459 : vector<16xi32>
        %gather3A_463 = tpu.vector_load_idx %arg14[%broadcast_in_dim3A_125, %add3A_462] : memref<128x64xf32, #tpu.memory_space<vmem>>[vector<16xi32>, vector<16xi32>], vector<16xf32>,
        %add3A_464 = arith.addi %mul3A_170, %and3A_459 : vector<16xi32>
        %gather3A_465 = tpu.vector_load_idx %arg11[%broadcast_in_dim3A_125, %add3A_464] : memref<1000x64xf32, #tpu.memory_space<vmem>>[vector<16xi32>, vector<16xi32>], vector<16xf32>,
        %mul3A_466 = arith.mulf %gather3A_461, %gather3A_463 : vector<16xf32>
        %mul3A_467 = arith.mulf %mul3A_466, %gather3A_465 : vector<16xf32>
        %add3A_468 = arith.addf %add3A_408, %mul3A_467 : vector<16xf32>
        %add3A_469 = arith.constant 5 : i32
        %add3A_470 = vector.broadcast %add3A_469 : i32 to vector<16xi32>
        %add3A_471 = arith.addi %scan3A_389, %add3A_470 : vector<16xi32>
        %and3A_472 = arith.constant 63 : i32
        %and3A_473 = vector.broadcast %and3A_472 : i32 to vector<16xi32>
        %and3A_474 = arith.andi %add3A_471, %and3A_473 : vector<16xi32>
        %add3A_475 = arith.addi %mul3A_164, %and3A_474 : vector<16xi32>
        %gather3A_476 = tpu.vector_load_idx %arg14[%broadcast_in_dim3A_125, %add3A_475] : memref<128x64xf32, #tpu.memory_space<vmem>>[vector<16xi32>, vector<16xi32>], vector<16xf32>,
        %add3A_477 = arith.addi %add3A_167, %and3A_474 : vector<16xi32>
        %gather3A_478 = tpu.vector_load_idx %arg14[%broadcast_in_dim3A_125, %add3A_477] : memref<128x64xf32, #tpu.memory_space<vmem>>[vector<16xi32>, vector<16xi32>], vector<16xf32>,
        %add3A_479 = arith.addi %mul3A_170, %and3A_474 : vector<16xi32>
        %gather3A_480 = tpu.vector_load_idx %arg11[%broadcast_in_dim3A_125, %add3A_479] : memref<1000x64xf32, #tpu.memory_space<vmem>>[vector<16xi32>, vector<16xi32>], vector<16xf32>,
        %mul3A_481 = arith.mulf %gather3A_476, %gather3A_478 : vector<16xf32>
        %mul3A_482 = arith.mulf %mul3A_481, %gather3A_480 : vector<16xf32>
        %add3A_483 = arith.addf %add3A_423, %mul3A_482 : vector<16xf32>
        %add3A_484 = arith.constant 6 : i32
        %add3A_485 = vector.broadcast %add3A_484 : i32 to vector<16xi32>
        %add3A_486 = arith.addi %scan3A_389, %add3A_485 : vector<16xi32>
        %and3A_487 = arith.constant 63 : i32
        %and3A_488 = vector.broadcast %and3A_487 : i32 to vector<16xi32>
        %and3A_489 = arith.andi %add3A_486, %and3A_488 : vector<16xi32>
        %add3A_490 = arith.addi %mul3A_164, %and3A_489 : vector<16xi32>
        %gather3A_491 = tpu.vector_load_idx %arg14[%broadcast_in_dim3A_125, %add3A_490] : memref<128x64xf32, #tpu.memory_space<vmem>>[vector<16xi32>, vector<16xi32>], vector<16xf32>,
        %add3A_492 = arith.addi %add3A_167, %and3A_489 : vector<16xi32>
        %gather3A_493 = tpu.vector_load_idx %arg14[%broadcast_in_dim3A_125, %add3A_492] : memref<128x64xf32, #tpu.memory_space<vmem>>[vector<16xi32>, vector<16xi32>], vector<16xf32>,
        %add3A_494 = arith.addi %mul3A_170, %and3A_489 : vector<16xi32>
        %gather3A_495 = tpu.vector_load_idx %arg11[%broadcast_in_dim3A_125, %add3A_494] : memref<1000x64xf32, #tpu.memory_space<vmem>>[vector<16xi32>, vector<16xi32>], vector<16xf32>,
        %mul3A_496 = arith.mulf %gather3A_491, %gather3A_493 : vector<16xf32>
        %mul3A_497 = arith.mulf %mul3A_496, %gather3A_495 : vector<16xf32>
        %add3A_498 = arith.addf %add3A_438, %mul3A_497 : vector<16xf32>
        %add3A_499 = arith.constant 7 : i32
        %add3A_500 = vector.broadcast %add3A_499 : i32 to vector<16xi32>
        %add3A_501 = arith.addi %scan3A_389, %add3A_500 : vector<16xi32>
        %and3A_502 = arith.constant 63 : i32
        %and3A_503 = vector.broadcast %and3A_502 : i32 to vector<16xi32>
        %and3A_504 = arith.andi %add3A_501, %and3A_503 : vector<16xi32>
        %add3A_505 = arith.addi %mul3A_164, %and3A_504 : vector<16xi32>
        %gather3A_506 = tpu.vector_load_idx %arg14[%broadcast_in_dim3A_125, %add3A_505] : memref<128x64xf32, #tpu.memory_space<vmem>>[vector<16xi32>, vector<16xi32>], vector<16xf32>,
        %add3A_507 = arith.addi %add3A_167, %and3A_504 : vector<16xi32>
        %gather3A_508 = tpu.vector_load_idx %arg14[%broadcast_in_dim3A_125, %add3A_507] : memref<128x64xf32, #tpu.memory_space<vmem>>[vector<16xi32>, vector<16xi32>], vector<16xf32>,
        %add3A_509 = arith.addi %mul3A_170, %and3A_504 : vector<16xi32>
        %gather3A_510 = tpu.vector_load_idx %arg11[%broadcast_in_dim3A_125, %add3A_509] : memref<1000x64xf32, #tpu.memory_space<vmem>>[vector<16xi32>, vector<16xi32>], vector<16xf32>,
        %mul3A_511 = arith.mulf %gather3A_506, %gather3A_508 : vector<16xf32>
        %mul3A_512 = arith.mulf %mul3A_511, %gather3A_510 : vector<16xf32>
        %add3A_513 = arith.addf %add3A_453, %mul3A_512 : vector<16xf32>
        %add3A_514 = arith.constant 8 : i32
        %add3A_515 = vector.broadcast %add3A_514 : i32 to vector<16xi32>
        %add3A_516 = arith.addi %scan3A_389, %add3A_515 : vector<16xi32>
        %and3A_517 = arith.constant 63 : i32
        %and3A_518 = vector.broadcast %and3A_517 : i32 to vector<16xi32>
        %and3A_519 = arith.andi %add3A_516, %and3A_518 : vector<16xi32>
        %add3A_520 = arith.addi %mul3A_164, %and3A_519 : vector<16xi32>
        %gather3A_521 = tpu.vector_load_idx %arg14[%broadcast_in_dim3A_125, %add3A_520] : memref<128x64xf32, #tpu.memory_space<vmem>>[vector<16xi32>, vector<16xi32>], vector<16xf32>,
        %add3A_522 = arith.addi %add3A_167, %and3A_519 : vector<16xi32>
        %gather3A_523 = tpu.vector_load_idx %arg14[%broadcast_in_dim3A_125, %add3A_522] : memref<128x64xf32, #tpu.memory_space<vmem>>[vector<16xi32>, vector<16xi32>], vector<16xf32>,
        %add3A_524 = arith.addi %mul3A_170, %and3A_519 : vector<16xi32>
        %gather3A_525 = tpu.vector_load_idx %arg11[%broadcast_in_dim3A_125, %add3A_524] : memref<1000x64xf32, #tpu.memory_space<vmem>>[vector<16xi32>, vector<16xi32>], vector<16xf32>,
        %mul3A_526 = arith.mulf %gather3A_521, %gather3A_523 : vector<16xf32>
        %mul3A_527 = arith.mulf %mul3A_526, %gather3A_525 : vector<16xf32>
        %add3A_528 = arith.addf %add3A_468, %mul3A_527 : vector<16xf32>
        %add3A_529 = arith.constant 9 : i32
        %add3A_530 = vector.broadcast %add3A_529 : i32 to vector<16xi32>
        %add3A_531 = arith.addi %scan3A_389, %add3A_530 : vector<16xi32>
        %and3A_532 = arith.constant 63 : i32
        %and3A_533 = vector.broadcast %and3A_532 : i32 to vector<16xi32>
        %and3A_534 = arith.andi %add3A_531, %and3A_533 : vector<16xi32>
        %add3A_535 = arith.addi %mul3A_164, %and3A_534 : vector<16xi32>
        %gather3A_536 = tpu.vector_load_idx %arg14[%broadcast_in_dim3A_125, %add3A_535] : memref<128x64xf32, #tpu.memory_space<vmem>>[vector<16xi32>, vector<16xi32>], vector<16xf32>,
        %add3A_537 = arith.addi %add3A_167, %and3A_534 : vector<16xi32>
        %gather3A_538 = tpu.vector_load_idx %arg14[%broadcast_in_dim3A_125, %add3A_537] : memref<128x64xf32, #tpu.memory_space<vmem>>[vector<16xi32>, vector<16xi32>], vector<16xf32>,
        %add3A_539 = arith.addi %mul3A_170, %and3A_534 : vector<16xi32>
        %gather3A_540 = tpu.vector_load_idx %arg11[%broadcast_in_dim3A_125, %add3A_539] : memref<1000x64xf32, #tpu.memory_space<vmem>>[vector<16xi32>, vector<16xi32>], vector<16xf32>,
        %mul3A_541 = arith.mulf %gather3A_536, %gather3A_538 : vector<16xf32>
        %mul3A_542 = arith.mulf %mul3A_541, %gather3A_540 : vector<16xf32>
        %add3A_543 = arith.addf %add3A_483, %mul3A_542 : vector<16xf32>
        %add3A_544 = arith.constant 10 : i32
        %add3A_545 = vector.broadcast %add3A_544 : i32 to vector<16xi32>
        %add3A_546 = arith.addi %scan3A_389, %add3A_545 : vector<16xi32>
        %and3A_547 = arith.constant 63 : i32
        %and3A_548 = vector.broadcast %and3A_547 : i32 to vector<16xi32>
        %and3A_549 = arith.andi %add3A_546, %and3A_548 : vector<16xi32>
        %add3A_550 = arith.addi %mul3A_164, %and3A_549 : vector<16xi32>
        %gather3A_551 = tpu.vector_load_idx %arg14[%broadcast_in_dim3A_125, %add3A_550] : memref<128x64xf32, #tpu.memory_space<vmem>>[vector<16xi32>, vector<16xi32>], vector<16xf32>,
        %add3A_552 = arith.addi %add3A_167, %and3A_549 : vector<16xi32>
        %gather3A_553 = tpu.vector_load_idx %arg14[%broadcast_in_dim3A_125, %add3A_552] : memref<128x64xf32, #tpu.memory_space<vmem>>[vector<16xi32>, vector<16xi32>], vector<16xf32>,
        %add3A_554 = arith.addi %mul3A_170, %and3A_549 : vector<16xi32>
        %gather3A_555 = tpu.vector_load_idx %arg11[%broadcast_in_dim3A_125, %add3A_554] : memref<1000x64xf32, #tpu.memory_space<vmem>>[vector<16xi32>, vector<16xi32>], vector<16xf32>,
        %mul3A_556 = arith.mulf %gather3A_551, %gather3A_553 : vector<16xf32>
        %mul3A_557 = arith.mulf %mul3A_556, %gather3A_555 : vector<16xf32>
        %add3A_558 = arith.addf %add3A_498, %mul3A_557 : vector<16xf32>
        %add3A_559 = arith.constant 11 : i32
        %add3A_560 = vector.broadcast %add3A_559 : i32 to vector<16xi32>
        %add3A_561 = arith.addi %scan3A_389, %add3A_560 : vector<16xi32>
        %and3A_562 = arith.constant 63 : i32
        %and3A_563 = vector.broadcast %and3A_562 : i32 to vector<16xi32>
        %and3A_564 = arith.andi %add3A_561, %and3A_563 : vector<16xi32>
        %add3A_565 = arith.addi %mul3A_164, %and3A_564 : vector<16xi32>
        %gather3A_566 = tpu.vector_load_idx %arg14[%broadcast_in_dim3A_125, %add3A_565] : memref<128x64xf32, #tpu.memory_space<vmem>>[vector<16xi32>, vector<16xi32>], vector<16xf32>,
        %add3A_567 = arith.addi %add3A_167, %and3A_564 : vector<16xi32>
        %gather3A_568 = tpu.vector_load_idx %arg14[%broadcast_in_dim3A_125, %add3A_567] : memref<128x64xf32, #tpu.memory_space<vmem>>[vector<16xi32>, vector<16xi32>], vector<16xf32>,
        %add3A_569 = arith.addi %mul3A_170, %and3A_564 : vector<16xi32>
        %gather3A_570 = tpu.vector_load_idx %arg11[%broadcast_in_dim3A_125, %add3A_569] : memref<1000x64xf32, #tpu.memory_space<vmem>>[vector<16xi32>, vector<16xi32>], vector<16xf32>,
        %mul3A_571 = arith.mulf %gather3A_566, %gather3A_568 : vector<16xf32>
        %mul3A_572 = arith.mulf %mul3A_571, %gather3A_570 : vector<16xf32>
        %add3A_573 = arith.addf %add3A_513, %mul3A_572 : vector<16xf32>
        %add3A_574 = arith.constant 12 : i32
        %add3A_575 = vector.broadcast %add3A_574 : i32 to vector<16xi32>
        %add3A_576 = arith.addi %scan3A_389, %add3A_575 : vector<16xi32>
        %and3A_577 = arith.constant 63 : i32
        %and3A_578 = vector.broadcast %and3A_577 : i32 to vector<16xi32>
        %and3A_579 = arith.andi %add3A_576, %and3A_578 : vector<16xi32>
        %add3A_580 = arith.addi %mul3A_164, %and3A_579 : vector<16xi32>
        %gather3A_581 = tpu.vector_load_idx %arg14[%broadcast_in_dim3A_125, %add3A_580] : memref<128x64xf32, #tpu.memory_space<vmem>>[vector<16xi32>, vector<16xi32>], vector<16xf32>,
        %add3A_582 = arith.addi %add3A_167, %and3A_579 : vector<16xi32>
        %gather3A_583 = tpu.vector_load_idx %arg14[%broadcast_in_dim3A_125, %add3A_582] : memref<128x64xf32, #tpu.memory_space<vmem>>[vector<16xi32>, vector<16xi32>], vector<16xf32>,
        %add3A_584 = arith.addi %mul3A_170, %and3A_579 : vector<16xi32>
        %gather3A_585 = tpu.vector_load_idx %arg11[%broadcast_in_dim3A_125, %add3A_584] : memref<1000x64xf32, #tpu.memory_space<vmem>>[vector<16xi32>, vector<16xi32>], vector<16xf32>,
        %mul3A_586 = arith.mulf %gather3A_581, %gather3A_583 : vector<16xf32>
        %mul3A_587 = arith.mulf %mul3A_586, %gather3A_585 : vector<16xf32>
        %add3A_588 = arith.addf %add3A_528, %mul3A_587 : vector<16xf32>
        %add3A_589 = arith.constant 13 : i32
        %add3A_590 = vector.broadcast %add3A_589 : i32 to vector<16xi32>
        %add3A_591 = arith.addi %scan3A_389, %add3A_590 : vector<16xi32>
        %and3A_592 = arith.constant 63 : i32
        %and3A_593 = vector.broadcast %and3A_592 : i32 to vector<16xi32>
        %and3A_594 = arith.andi %add3A_591, %and3A_593 : vector<16xi32>
        %add3A_595 = arith.addi %mul3A_164, %and3A_594 : vector<16xi32>
        %gather3A_596 = tpu.vector_load_idx %arg14[%broadcast_in_dim3A_125, %add3A_595] : memref<128x64xf32, #tpu.memory_space<vmem>>[vector<16xi32>, vector<16xi32>], vector<16xf32>,
        %add3A_597 = arith.addi %add3A_167, %and3A_594 : vector<16xi32>
        %gather3A_598 = tpu.vector_load_idx %arg14[%broadcast_in_dim3A_125, %add3A_597] : memref<128x64xf32, #tpu.memory_space<vmem>>[vector<16xi32>, vector<16xi32>], vector<16xf32>,
        %add3A_599 = arith.addi %mul3A_170, %and3A_594 : vector<16xi32>
        %gather3A_600 = tpu.vector_load_idx %arg11[%broadcast_in_dim3A_125, %add3A_599] : memref<1000x64xf32, #tpu.memory_space<vmem>>[vector<16xi32>, vector<16xi32>], vector<16xf32>,
        %mul3A_601 = arith.mulf %gather3A_596, %gather3A_598 : vector<16xf32>
        %mul3A_602 = arith.mulf %mul3A_601, %gather3A_600 : vector<16xf32>
        %add3A_603 = arith.addf %add3A_543, %mul3A_602 : vector<16xf32>
        %add3A_604 = arith.constant 14 : i32
        %add3A_605 = vector.broadcast %add3A_604 : i32 to vector<16xi32>
        %add3A_606 = arith.addi %scan3A_389, %add3A_605 : vector<16xi32>
        %and3A_607 = arith.constant 63 : i32
        %and3A_608 = vector.broadcast %and3A_607 : i32 to vector<16xi32>
        %and3A_609 = arith.andi %add3A_606, %and3A_608 : vector<16xi32>
        %add3A_610 = arith.addi %mul3A_164, %and3A_609 : vector<16xi32>
        %gather3A_611 = tpu.vector_load_idx %arg14[%broadcast_in_dim3A_125, %add3A_610] : memref<128x64xf32, #tpu.memory_space<vmem>>[vector<16xi32>, vector<16xi32>], vector<16xf32>,
        %add3A_612 = arith.addi %add3A_167, %and3A_609 : vector<16xi32>
        %gather3A_613 = tpu.vector_load_idx %arg14[%broadcast_in_dim3A_125, %add3A_612] : memref<128x64xf32, #tpu.memory_space<vmem>>[vector<16xi32>, vector<16xi32>], vector<16xf32>,
        %add3A_614 = arith.addi %mul3A_170, %and3A_609 : vector<16xi32>
        %gather3A_615 = tpu.vector_load_idx %arg11[%broadcast_in_dim3A_125, %add3A_614] : memref<1000x64xf32, #tpu.memory_space<vmem>>[vector<16xi32>, vector<16xi32>], vector<16xf32>,
        %mul3A_616 = arith.mulf %gather3A_611, %gather3A_613 : vector<16xf32>
        %mul3A_617 = arith.mulf %mul3A_616, %gather3A_615 : vector<16xf32>
        %add3A_618 = arith.addf %add3A_558, %mul3A_617 : vector<16xf32>
        %add3A_619 = arith.constant 15 : i32
        %add3A_620 = vector.broadcast %add3A_619 : i32 to vector<16xi32>
        %add3A_621 = arith.addi %scan3A_389, %add3A_620 : vector<16xi32>
        %and3A_622 = arith.constant 63 : i32
        %and3A_623 = vector.broadcast %and3A_622 : i32 to vector<16xi32>
        %and3A_624 = arith.andi %add3A_621, %and3A_623 : vector<16xi32>
        %add3A_625 = arith.addi %mul3A_164, %and3A_624 : vector<16xi32>
        %gather3A_626 = tpu.vector_load_idx %arg14[%broadcast_in_dim3A_125, %add3A_625] : memref<128x64xf32, #tpu.memory_space<vmem>>[vector<16xi32>, vector<16xi32>], vector<16xf32>,
        %add3A_627 = arith.addi %add3A_167, %and3A_624 : vector<16xi32>
        %gather3A_628 = tpu.vector_load_idx %arg14[%broadcast_in_dim3A_125, %add3A_627] : memref<128x64xf32, #tpu.memory_space<vmem>>[vector<16xi32>, vector<16xi32>], vector<16xf32>,
        %add3A_629 = arith.addi %mul3A_170, %and3A_624 : vector<16xi32>
        %gather3A_630 = tpu.vector_load_idx %arg11[%broadcast_in_dim3A_125, %add3A_629] : memref<1000x64xf32, #tpu.memory_space<vmem>>[vector<16xi32>, vector<16xi32>], vector<16xf32>,
        %mul3A_631 = arith.mulf %gather3A_626, %gather3A_628 : vector<16xf32>
        %mul3A_632 = arith.mulf %mul3A_631, %gather3A_630 : vector<16xf32>
        %add3A_633 = arith.addf %add3A_573, %mul3A_632 : vector<16xf32>
        %add3A_634 = arith.constant 16 : i32
        %add3A_635 = vector.broadcast %add3A_634 : i32 to vector<16xi32>
        %add3A_636 = arith.addi %scan3A_389, %add3A_635 : vector<16xi32>
        scf.yield %add3A_636, %add3A_588, %add3A_603, %add3A_618, %add3A_633 : vector<16xi32>, vector<16xf32>, vector<16xf32>, vector<16xf32>, vector<16xf32>
      }
      %scan3A_178 = arith.constant 4 : i32
      %add3A_179 = arith.addf %scan3A_177#1, %scan3A_177#2 : vector<16xf32>
      %add3A_180 = arith.addf %scan3A_177#3, %scan3A_177#4 : vector<16xf32>
      %add3A_181 = arith.addf %add3A_179, %add3A_180 : vector<16xf32>
      %swap3A_182 = arith.constant 16 : index
      %swap3A_183 = tpu.vector_load %arg16[%swap3A_182] {strides = array<i32>} : memref<64xf32, #tpu.memory_space<vmem>>, vector<16xf32>,
      tpu.vector_store %arg16[%swap3A_182], %add3A_181 {strides = array<i32>} : memref<64xf32, #tpu.memory_space<vmem>>, vector<16xf32>,
      %add3A_184 = arith.constant 32 : i32
      %add3A_185 = vector.broadcast %add3A_184 : i32 to vector<16xi32>
      %add3A_186 = arith.addi %iota3A, %add3A_185 : vector<16xi32>
      %add3A_187 = arith.constant 32 : i32
      %add3A_188 = arith.addi %mul3A_123, %add3A_187 : i32
      %get3A_189 = arith.index_cast %add3A_188 : i32 to index
      %get3A_190 = tpu.vector_load %arg10[%get3A_189] {strides = array<i32>} : memref<8192xi32, #tpu.memory_space<vmem>>, vector<16xi32>,
      %mul3A_191 = arith.constant 64 : i32
      %mul3A_192 = vector.broadcast %mul3A_191 : i32 to vector<16xi32>
      %mul3A_193 = arith.muli %add3A_186, %mul3A_192 : vector<16xi32>
      %add3A_194 = arith.constant 4096 : i32
      %add3A_195 = vector.broadcast %add3A_194 : i32 to vector<16xi32>
      %add3A_196 = arith.addi %mul3A_193, %add3A_195 : vector<16xi32>
      %mul3A_197 = arith.constant 64 : i32
      %mul3A_198 = vector.broadcast %mul3A_197 : i32 to vector<16xi32>
      %mul3A_199 = arith.muli %get3A_190, %mul3A_198 : vector<16xi32>
      %broadcast_in_dim3A_200 = arith.constant 0.000000e+00 : f32
      %broadcast_in_dim3A_201 = vector.broadcast %broadcast_in_dim3A_200 : f32 to vector<16xf32>
      %scan3A_202 = arith.constant 0 : i32
      %scan3A_203 = arith.constant 4 : i32
      %scan3A_204 = arith.addi %scan3A_202, %scan3A_203 : i32
      %scan3A_205 = arith.constant 1 : i32
      %scan3A_206:5 = scf.for %scan3A_388 = %scan3A_202 to %scan3A_204 step %scan3A_205 iter_args(%scan3A_389 = %iota3A, %scan3A_390 = %broadcast_in_dim3A_201, %scan3A_391 = %broadcast_in_dim3A_201, %scan3A_392 = %broadcast_in_dim3A_201, %scan3A_393 = %broadcast_in_dim3A_201) -> (vector<16xi32>, vector<16xf32>, vector<16xf32>, vector<16xf32>, vector<16xf32>)  : i32 {
        %add3A_394 = arith.constant 0 : i32
        %add3A_395 = vector.broadcast %add3A_394 : i32 to vector<16xi32>
        %add3A_396 = arith.addi %scan3A_389, %add3A_395 : vector<16xi32>
        %and3A_397 = arith.constant 63 : i32
        %and3A_398 = vector.broadcast %and3A_397 : i32 to vector<16xi32>
        %and3A_399 = arith.andi %add3A_396, %and3A_398 : vector<16xi32>
        %add3A_400 = arith.addi %mul3A_193, %and3A_399 : vector<16xi32>
        %gather3A_401 = tpu.vector_load_idx %arg14[%broadcast_in_dim3A_125, %add3A_400] : memref<128x64xf32, #tpu.memory_space<vmem>>[vector<16xi32>, vector<16xi32>], vector<16xf32>,
        %add3A_402 = arith.addi %add3A_196, %and3A_399 : vector<16xi32>
        %gather3A_403 = tpu.vector_load_idx %arg14[%broadcast_in_dim3A_125, %add3A_402] : memref<128x64xf32, #tpu.memory_space<vmem>>[vector<16xi32>, vector<16xi32>], vector<16xf32>,
        %add3A_404 = arith.addi %mul3A_199, %and3A_399 : vector<16xi32>
        %gather3A_405 = tpu.vector_load_idx %arg11[%broadcast_in_dim3A_125, %add3A_404] : memref<1000x64xf32, #tpu.memory_space<vmem>>[vector<16xi32>, vector<16xi32>], vector<16xf32>,
        %mul3A_406 = arith.mulf %gather3A_401, %gather3A_403 : vector<16xf32>
        %mul3A_407 = arith.mulf %mul3A_406, %gather3A_405 : vector<16xf32>
        %add3A_408 = arith.addf %scan3A_390, %mul3A_407 : vector<16xf32>
        %add3A_409 = arith.constant 1 : i32
        %add3A_410 = vector.broadcast %add3A_409 : i32 to vector<16xi32>
        %add3A_411 = arith.addi %scan3A_389, %add3A_410 : vector<16xi32>
        %and3A_412 = arith.constant 63 : i32
        %and3A_413 = vector.broadcast %and3A_412 : i32 to vector<16xi32>
        %and3A_414 = arith.andi %add3A_411, %and3A_413 : vector<16xi32>
        %add3A_415 = arith.addi %mul3A_193, %and3A_414 : vector<16xi32>
        %gather3A_416 = tpu.vector_load_idx %arg14[%broadcast_in_dim3A_125, %add3A_415] : memref<128x64xf32, #tpu.memory_space<vmem>>[vector<16xi32>, vector<16xi32>], vector<16xf32>,
        %add3A_417 = arith.addi %add3A_196, %and3A_414 : vector<16xi32>
        %gather3A_418 = tpu.vector_load_idx %arg14[%broadcast_in_dim3A_125, %add3A_417] : memref<128x64xf32, #tpu.memory_space<vmem>>[vector<16xi32>, vector<16xi32>], vector<16xf32>,
        %add3A_419 = arith.addi %mul3A_199, %and3A_414 : vector<16xi32>
        %gather3A_420 = tpu.vector_load_idx %arg11[%broadcast_in_dim3A_125, %add3A_419] : memref<1000x64xf32, #tpu.memory_space<vmem>>[vector<16xi32>, vector<16xi32>], vector<16xf32>,
        %mul3A_421 = arith.mulf %gather3A_416, %gather3A_418 : vector<16xf32>
        %mul3A_422 = arith.mulf %mul3A_421, %gather3A_420 : vector<16xf32>
        %add3A_423 = arith.addf %scan3A_391, %mul3A_422 : vector<16xf32>
        %add3A_424 = arith.constant 2 : i32
        %add3A_425 = vector.broadcast %add3A_424 : i32 to vector<16xi32>
        %add3A_426 = arith.addi %scan3A_389, %add3A_425 : vector<16xi32>
        %and3A_427 = arith.constant 63 : i32
        %and3A_428 = vector.broadcast %and3A_427 : i32 to vector<16xi32>
        %and3A_429 = arith.andi %add3A_426, %and3A_428 : vector<16xi32>
        %add3A_430 = arith.addi %mul3A_193, %and3A_429 : vector<16xi32>
        %gather3A_431 = tpu.vector_load_idx %arg14[%broadcast_in_dim3A_125, %add3A_430] : memref<128x64xf32, #tpu.memory_space<vmem>>[vector<16xi32>, vector<16xi32>], vector<16xf32>,
        %add3A_432 = arith.addi %add3A_196, %and3A_429 : vector<16xi32>
        %gather3A_433 = tpu.vector_load_idx %arg14[%broadcast_in_dim3A_125, %add3A_432] : memref<128x64xf32, #tpu.memory_space<vmem>>[vector<16xi32>, vector<16xi32>], vector<16xf32>,
        %add3A_434 = arith.addi %mul3A_199, %and3A_429 : vector<16xi32>
        %gather3A_435 = tpu.vector_load_idx %arg11[%broadcast_in_dim3A_125, %add3A_434] : memref<1000x64xf32, #tpu.memory_space<vmem>>[vector<16xi32>, vector<16xi32>], vector<16xf32>,
        %mul3A_436 = arith.mulf %gather3A_431, %gather3A_433 : vector<16xf32>
        %mul3A_437 = arith.mulf %mul3A_436, %gather3A_435 : vector<16xf32>
        %add3A_438 = arith.addf %scan3A_392, %mul3A_437 : vector<16xf32>
        %add3A_439 = arith.constant 3 : i32
        %add3A_440 = vector.broadcast %add3A_439 : i32 to vector<16xi32>
        %add3A_441 = arith.addi %scan3A_389, %add3A_440 : vector<16xi32>
        %and3A_442 = arith.constant 63 : i32
        %and3A_443 = vector.broadcast %and3A_442 : i32 to vector<16xi32>
        %and3A_444 = arith.andi %add3A_441, %and3A_443 : vector<16xi32>
        %add3A_445 = arith.addi %mul3A_193, %and3A_444 : vector<16xi32>
        %gather3A_446 = tpu.vector_load_idx %arg14[%broadcast_in_dim3A_125, %add3A_445] : memref<128x64xf32, #tpu.memory_space<vmem>>[vector<16xi32>, vector<16xi32>], vector<16xf32>,
        %add3A_447 = arith.addi %add3A_196, %and3A_444 : vector<16xi32>
        %gather3A_448 = tpu.vector_load_idx %arg14[%broadcast_in_dim3A_125, %add3A_447] : memref<128x64xf32, #tpu.memory_space<vmem>>[vector<16xi32>, vector<16xi32>], vector<16xf32>,
        %add3A_449 = arith.addi %mul3A_199, %and3A_444 : vector<16xi32>
        %gather3A_450 = tpu.vector_load_idx %arg11[%broadcast_in_dim3A_125, %add3A_449] : memref<1000x64xf32, #tpu.memory_space<vmem>>[vector<16xi32>, vector<16xi32>], vector<16xf32>,
        %mul3A_451 = arith.mulf %gather3A_446, %gather3A_448 : vector<16xf32>
        %mul3A_452 = arith.mulf %mul3A_451, %gather3A_450 : vector<16xf32>
        %add3A_453 = arith.addf %scan3A_393, %mul3A_452 : vector<16xf32>
        %add3A_454 = arith.constant 4 : i32
        %add3A_455 = vector.broadcast %add3A_454 : i32 to vector<16xi32>
        %add3A_456 = arith.addi %scan3A_389, %add3A_455 : vector<16xi32>
        %and3A_457 = arith.constant 63 : i32
        %and3A_458 = vector.broadcast %and3A_457 : i32 to vector<16xi32>
        %and3A_459 = arith.andi %add3A_456, %and3A_458 : vector<16xi32>
        %add3A_460 = arith.addi %mul3A_193, %and3A_459 : vector<16xi32>
        %gather3A_461 = tpu.vector_load_idx %arg14[%broadcast_in_dim3A_125, %add3A_460] : memref<128x64xf32, #tpu.memory_space<vmem>>[vector<16xi32>, vector<16xi32>], vector<16xf32>,
        %add3A_462 = arith.addi %add3A_196, %and3A_459 : vector<16xi32>
        %gather3A_463 = tpu.vector_load_idx %arg14[%broadcast_in_dim3A_125, %add3A_462] : memref<128x64xf32, #tpu.memory_space<vmem>>[vector<16xi32>, vector<16xi32>], vector<16xf32>,
        %add3A_464 = arith.addi %mul3A_199, %and3A_459 : vector<16xi32>
        %gather3A_465 = tpu.vector_load_idx %arg11[%broadcast_in_dim3A_125, %add3A_464] : memref<1000x64xf32, #tpu.memory_space<vmem>>[vector<16xi32>, vector<16xi32>], vector<16xf32>,
        %mul3A_466 = arith.mulf %gather3A_461, %gather3A_463 : vector<16xf32>
        %mul3A_467 = arith.mulf %mul3A_466, %gather3A_465 : vector<16xf32>
        %add3A_468 = arith.addf %add3A_408, %mul3A_467 : vector<16xf32>
        %add3A_469 = arith.constant 5 : i32
        %add3A_470 = vector.broadcast %add3A_469 : i32 to vector<16xi32>
        %add3A_471 = arith.addi %scan3A_389, %add3A_470 : vector<16xi32>
        %and3A_472 = arith.constant 63 : i32
        %and3A_473 = vector.broadcast %and3A_472 : i32 to vector<16xi32>
        %and3A_474 = arith.andi %add3A_471, %and3A_473 : vector<16xi32>
        %add3A_475 = arith.addi %mul3A_193, %and3A_474 : vector<16xi32>
        %gather3A_476 = tpu.vector_load_idx %arg14[%broadcast_in_dim3A_125, %add3A_475] : memref<128x64xf32, #tpu.memory_space<vmem>>[vector<16xi32>, vector<16xi32>], vector<16xf32>,
        %add3A_477 = arith.addi %add3A_196, %and3A_474 : vector<16xi32>
        %gather3A_478 = tpu.vector_load_idx %arg14[%broadcast_in_dim3A_125, %add3A_477] : memref<128x64xf32, #tpu.memory_space<vmem>>[vector<16xi32>, vector<16xi32>], vector<16xf32>,
        %add3A_479 = arith.addi %mul3A_199, %and3A_474 : vector<16xi32>
        %gather3A_480 = tpu.vector_load_idx %arg11[%broadcast_in_dim3A_125, %add3A_479] : memref<1000x64xf32, #tpu.memory_space<vmem>>[vector<16xi32>, vector<16xi32>], vector<16xf32>,
        %mul3A_481 = arith.mulf %gather3A_476, %gather3A_478 : vector<16xf32>
        %mul3A_482 = arith.mulf %mul3A_481, %gather3A_480 : vector<16xf32>
        %add3A_483 = arith.addf %add3A_423, %mul3A_482 : vector<16xf32>
        %add3A_484 = arith.constant 6 : i32
        %add3A_485 = vector.broadcast %add3A_484 : i32 to vector<16xi32>
        %add3A_486 = arith.addi %scan3A_389, %add3A_485 : vector<16xi32>
        %and3A_487 = arith.constant 63 : i32
        %and3A_488 = vector.broadcast %and3A_487 : i32 to vector<16xi32>
        %and3A_489 = arith.andi %add3A_486, %and3A_488 : vector<16xi32>
        %add3A_490 = arith.addi %mul3A_193, %and3A_489 : vector<16xi32>
        %gather3A_491 = tpu.vector_load_idx %arg14[%broadcast_in_dim3A_125, %add3A_490] : memref<128x64xf32, #tpu.memory_space<vmem>>[vector<16xi32>, vector<16xi32>], vector<16xf32>,
        %add3A_492 = arith.addi %add3A_196, %and3A_489 : vector<16xi32>
        %gather3A_493 = tpu.vector_load_idx %arg14[%broadcast_in_dim3A_125, %add3A_492] : memref<128x64xf32, #tpu.memory_space<vmem>>[vector<16xi32>, vector<16xi32>], vector<16xf32>,
        %add3A_494 = arith.addi %mul3A_199, %and3A_489 : vector<16xi32>
        %gather3A_495 = tpu.vector_load_idx %arg11[%broadcast_in_dim3A_125, %add3A_494] : memref<1000x64xf32, #tpu.memory_space<vmem>>[vector<16xi32>, vector<16xi32>], vector<16xf32>,
        %mul3A_496 = arith.mulf %gather3A_491, %gather3A_493 : vector<16xf32>
        %mul3A_497 = arith.mulf %mul3A_496, %gather3A_495 : vector<16xf32>
        %add3A_498 = arith.addf %add3A_438, %mul3A_497 : vector<16xf32>
        %add3A_499 = arith.constant 7 : i32
        %add3A_500 = vector.broadcast %add3A_499 : i32 to vector<16xi32>
        %add3A_501 = arith.addi %scan3A_389, %add3A_500 : vector<16xi32>
        %and3A_502 = arith.constant 63 : i32
        %and3A_503 = vector.broadcast %and3A_502 : i32 to vector<16xi32>
        %and3A_504 = arith.andi %add3A_501, %and3A_503 : vector<16xi32>
        %add3A_505 = arith.addi %mul3A_193, %and3A_504 : vector<16xi32>
        %gather3A_506 = tpu.vector_load_idx %arg14[%broadcast_in_dim3A_125, %add3A_505] : memref<128x64xf32, #tpu.memory_space<vmem>>[vector<16xi32>, vector<16xi32>], vector<16xf32>,
        %add3A_507 = arith.addi %add3A_196, %and3A_504 : vector<16xi32>
        %gather3A_508 = tpu.vector_load_idx %arg14[%broadcast_in_dim3A_125, %add3A_507] : memref<128x64xf32, #tpu.memory_space<vmem>>[vector<16xi32>, vector<16xi32>], vector<16xf32>,
        %add3A_509 = arith.addi %mul3A_199, %and3A_504 : vector<16xi32>
        %gather3A_510 = tpu.vector_load_idx %arg11[%broadcast_in_dim3A_125, %add3A_509] : memref<1000x64xf32, #tpu.memory_space<vmem>>[vector<16xi32>, vector<16xi32>], vector<16xf32>,
        %mul3A_511 = arith.mulf %gather3A_506, %gather3A_508 : vector<16xf32>
        %mul3A_512 = arith.mulf %mul3A_511, %gather3A_510 : vector<16xf32>
        %add3A_513 = arith.addf %add3A_453, %mul3A_512 : vector<16xf32>
        %add3A_514 = arith.constant 8 : i32
        %add3A_515 = vector.broadcast %add3A_514 : i32 to vector<16xi32>
        %add3A_516 = arith.addi %scan3A_389, %add3A_515 : vector<16xi32>
        %and3A_517 = arith.constant 63 : i32
        %and3A_518 = vector.broadcast %and3A_517 : i32 to vector<16xi32>
        %and3A_519 = arith.andi %add3A_516, %and3A_518 : vector<16xi32>
        %add3A_520 = arith.addi %mul3A_193, %and3A_519 : vector<16xi32>
        %gather3A_521 = tpu.vector_load_idx %arg14[%broadcast_in_dim3A_125, %add3A_520] : memref<128x64xf32, #tpu.memory_space<vmem>>[vector<16xi32>, vector<16xi32>], vector<16xf32>,
        %add3A_522 = arith.addi %add3A_196, %and3A_519 : vector<16xi32>
        %gather3A_523 = tpu.vector_load_idx %arg14[%broadcast_in_dim3A_125, %add3A_522] : memref<128x64xf32, #tpu.memory_space<vmem>>[vector<16xi32>, vector<16xi32>], vector<16xf32>,
        %add3A_524 = arith.addi %mul3A_199, %and3A_519 : vector<16xi32>
        %gather3A_525 = tpu.vector_load_idx %arg11[%broadcast_in_dim3A_125, %add3A_524] : memref<1000x64xf32, #tpu.memory_space<vmem>>[vector<16xi32>, vector<16xi32>], vector<16xf32>,
        %mul3A_526 = arith.mulf %gather3A_521, %gather3A_523 : vector<16xf32>
        %mul3A_527 = arith.mulf %mul3A_526, %gather3A_525 : vector<16xf32>
        %add3A_528 = arith.addf %add3A_468, %mul3A_527 : vector<16xf32>
        %add3A_529 = arith.constant 9 : i32
        %add3A_530 = vector.broadcast %add3A_529 : i32 to vector<16xi32>
        %add3A_531 = arith.addi %scan3A_389, %add3A_530 : vector<16xi32>
        %and3A_532 = arith.constant 63 : i32
        %and3A_533 = vector.broadcast %and3A_532 : i32 to vector<16xi32>
        %and3A_534 = arith.andi %add3A_531, %and3A_533 : vector<16xi32>
        %add3A_535 = arith.addi %mul3A_193, %and3A_534 : vector<16xi32>
        %gather3A_536 = tpu.vector_load_idx %arg14[%broadcast_in_dim3A_125, %add3A_535] : memref<128x64xf32, #tpu.memory_space<vmem>>[vector<16xi32>, vector<16xi32>], vector<16xf32>,
        %add3A_537 = arith.addi %add3A_196, %and3A_534 : vector<16xi32>
        %gather3A_538 = tpu.vector_load_idx %arg14[%broadcast_in_dim3A_125, %add3A_537] : memref<128x64xf32, #tpu.memory_space<vmem>>[vector<16xi32>, vector<16xi32>], vector<16xf32>,
        %add3A_539 = arith.addi %mul3A_199, %and3A_534 : vector<16xi32>
        %gather3A_540 = tpu.vector_load_idx %arg11[%broadcast_in_dim3A_125, %add3A_539] : memref<1000x64xf32, #tpu.memory_space<vmem>>[vector<16xi32>, vector<16xi32>], vector<16xf32>,
        %mul3A_541 = arith.mulf %gather3A_536, %gather3A_538 : vector<16xf32>
        %mul3A_542 = arith.mulf %mul3A_541, %gather3A_540 : vector<16xf32>
        %add3A_543 = arith.addf %add3A_483, %mul3A_542 : vector<16xf32>
        %add3A_544 = arith.constant 10 : i32
        %add3A_545 = vector.broadcast %add3A_544 : i32 to vector<16xi32>
        %add3A_546 = arith.addi %scan3A_389, %add3A_545 : vector<16xi32>
        %and3A_547 = arith.constant 63 : i32
        %and3A_548 = vector.broadcast %and3A_547 : i32 to vector<16xi32>
        %and3A_549 = arith.andi %add3A_546, %and3A_548 : vector<16xi32>
        %add3A_550 = arith.addi %mul3A_193, %and3A_549 : vector<16xi32>
        %gather3A_551 = tpu.vector_load_idx %arg14[%broadcast_in_dim3A_125, %add3A_550] : memref<128x64xf32, #tpu.memory_space<vmem>>[vector<16xi32>, vector<16xi32>], vector<16xf32>,
        %add3A_552 = arith.addi %add3A_196, %and3A_549 : vector<16xi32>
        %gather3A_553 = tpu.vector_load_idx %arg14[%broadcast_in_dim3A_125, %add3A_552] : memref<128x64xf32, #tpu.memory_space<vmem>>[vector<16xi32>, vector<16xi32>], vector<16xf32>,
        %add3A_554 = arith.addi %mul3A_199, %and3A_549 : vector<16xi32>
        %gather3A_555 = tpu.vector_load_idx %arg11[%broadcast_in_dim3A_125, %add3A_554] : memref<1000x64xf32, #tpu.memory_space<vmem>>[vector<16xi32>, vector<16xi32>], vector<16xf32>,
        %mul3A_556 = arith.mulf %gather3A_551, %gather3A_553 : vector<16xf32>
        %mul3A_557 = arith.mulf %mul3A_556, %gather3A_555 : vector<16xf32>
        %add3A_558 = arith.addf %add3A_498, %mul3A_557 : vector<16xf32>
        %add3A_559 = arith.constant 11 : i32
        %add3A_560 = vector.broadcast %add3A_559 : i32 to vector<16xi32>
        %add3A_561 = arith.addi %scan3A_389, %add3A_560 : vector<16xi32>
        %and3A_562 = arith.constant 63 : i32
        %and3A_563 = vector.broadcast %and3A_562 : i32 to vector<16xi32>
        %and3A_564 = arith.andi %add3A_561, %and3A_563 : vector<16xi32>
        %add3A_565 = arith.addi %mul3A_193, %and3A_564 : vector<16xi32>
        %gather3A_566 = tpu.vector_load_idx %arg14[%broadcast_in_dim3A_125, %add3A_565] : memref<128x64xf32, #tpu.memory_space<vmem>>[vector<16xi32>, vector<16xi32>], vector<16xf32>,
        %add3A_567 = arith.addi %add3A_196, %and3A_564 : vector<16xi32>
        %gather3A_568 = tpu.vector_load_idx %arg14[%broadcast_in_dim3A_125, %add3A_567] : memref<128x64xf32, #tpu.memory_space<vmem>>[vector<16xi32>, vector<16xi32>], vector<16xf32>,
        %add3A_569 = arith.addi %mul3A_199, %and3A_564 : vector<16xi32>
        %gather3A_570 = tpu.vector_load_idx %arg11[%broadcast_in_dim3A_125, %add3A_569] : memref<1000x64xf32, #tpu.memory_space<vmem>>[vector<16xi32>, vector<16xi32>], vector<16xf32>,
        %mul3A_571 = arith.mulf %gather3A_566, %gather3A_568 : vector<16xf32>
        %mul3A_572 = arith.mulf %mul3A_571, %gather3A_570 : vector<16xf32>
        %add3A_573 = arith.addf %add3A_513, %mul3A_572 : vector<16xf32>
        %add3A_574 = arith.constant 12 : i32
        %add3A_575 = vector.broadcast %add3A_574 : i32 to vector<16xi32>
        %add3A_576 = arith.addi %scan3A_389, %add3A_575 : vector<16xi32>
        %and3A_577 = arith.constant 63 : i32
        %and3A_578 = vector.broadcast %and3A_577 : i32 to vector<16xi32>
        %and3A_579 = arith.andi %add3A_576, %and3A_578 : vector<16xi32>
        %add3A_580 = arith.addi %mul3A_193, %and3A_579 : vector<16xi32>
        %gather3A_581 = tpu.vector_load_idx %arg14[%broadcast_in_dim3A_125, %add3A_580] : memref<128x64xf32, #tpu.memory_space<vmem>>[vector<16xi32>, vector<16xi32>], vector<16xf32>,
        %add3A_582 = arith.addi %add3A_196, %and3A_579 : vector<16xi32>
        %gather3A_583 = tpu.vector_load_idx %arg14[%broadcast_in_dim3A_125, %add3A_582] : memref<128x64xf32, #tpu.memory_space<vmem>>[vector<16xi32>, vector<16xi32>], vector<16xf32>,
        %add3A_584 = arith.addi %mul3A_199, %and3A_579 : vector<16xi32>
        %gather3A_585 = tpu.vector_load_idx %arg11[%broadcast_in_dim3A_125, %add3A_584] : memref<1000x64xf32, #tpu.memory_space<vmem>>[vector<16xi32>, vector<16xi32>], vector<16xf32>,
        %mul3A_586 = arith.mulf %gather3A_581, %gather3A_583 : vector<16xf32>
        %mul3A_587 = arith.mulf %mul3A_586, %gather3A_585 : vector<16xf32>
        %add3A_588 = arith.addf %add3A_528, %mul3A_587 : vector<16xf32>
        %add3A_589 = arith.constant 13 : i32
        %add3A_590 = vector.broadcast %add3A_589 : i32 to vector<16xi32>
        %add3A_591 = arith.addi %scan3A_389, %add3A_590 : vector<16xi32>
        %and3A_592 = arith.constant 63 : i32
        %and3A_593 = vector.broadcast %and3A_592 : i32 to vector<16xi32>
        %and3A_594 = arith.andi %add3A_591, %and3A_593 : vector<16xi32>
        %add3A_595 = arith.addi %mul3A_193, %and3A_594 : vector<16xi32>
        %gather3A_596 = tpu.vector_load_idx %arg14[%broadcast_in_dim3A_125, %add3A_595] : memref<128x64xf32, #tpu.memory_space<vmem>>[vector<16xi32>, vector<16xi32>], vector<16xf32>,
        %add3A_597 = arith.addi %add3A_196, %and3A_594 : vector<16xi32>
        %gather3A_598 = tpu.vector_load_idx %arg14[%broadcast_in_dim3A_125, %add3A_597] : memref<128x64xf32, #tpu.memory_space<vmem>>[vector<16xi32>, vector<16xi32>], vector<16xf32>,
        %add3A_599 = arith.addi %mul3A_199, %and3A_594 : vector<16xi32>
        %gather3A_600 = tpu.vector_load_idx %arg11[%broadcast_in_dim3A_125, %add3A_599] : memref<1000x64xf32, #tpu.memory_space<vmem>>[vector<16xi32>, vector<16xi32>], vector<16xf32>,
        %mul3A_601 = arith.mulf %gather3A_596, %gather3A_598 : vector<16xf32>
        %mul3A_602 = arith.mulf %mul3A_601, %gather3A_600 : vector<16xf32>
        %add3A_603 = arith.addf %add3A_543, %mul3A_602 : vector<16xf32>
        %add3A_604 = arith.constant 14 : i32
        %add3A_605 = vector.broadcast %add3A_604 : i32 to vector<16xi32>
        %add3A_606 = arith.addi %scan3A_389, %add3A_605 : vector<16xi32>
        %and3A_607 = arith.constant 63 : i32
        %and3A_608 = vector.broadcast %and3A_607 : i32 to vector<16xi32>
        %and3A_609 = arith.andi %add3A_606, %and3A_608 : vector<16xi32>
        %add3A_610 = arith.addi %mul3A_193, %and3A_609 : vector<16xi32>
        %gather3A_611 = tpu.vector_load_idx %arg14[%broadcast_in_dim3A_125, %add3A_610] : memref<128x64xf32, #tpu.memory_space<vmem>>[vector<16xi32>, vector<16xi32>], vector<16xf32>,
        %add3A_612 = arith.addi %add3A_196, %and3A_609 : vector<16xi32>
        %gather3A_613 = tpu.vector_load_idx %arg14[%broadcast_in_dim3A_125, %add3A_612] : memref<128x64xf32, #tpu.memory_space<vmem>>[vector<16xi32>, vector<16xi32>], vector<16xf32>,
        %add3A_614 = arith.addi %mul3A_199, %and3A_609 : vector<16xi32>
        %gather3A_615 = tpu.vector_load_idx %arg11[%broadcast_in_dim3A_125, %add3A_614] : memref<1000x64xf32, #tpu.memory_space<vmem>>[vector<16xi32>, vector<16xi32>], vector<16xf32>,
        %mul3A_616 = arith.mulf %gather3A_611, %gather3A_613 : vector<16xf32>
        %mul3A_617 = arith.mulf %mul3A_616, %gather3A_615 : vector<16xf32>
        %add3A_618 = arith.addf %add3A_558, %mul3A_617 : vector<16xf32>
        %add3A_619 = arith.constant 15 : i32
        %add3A_620 = vector.broadcast %add3A_619 : i32 to vector<16xi32>
        %add3A_621 = arith.addi %scan3A_389, %add3A_620 : vector<16xi32>
        %and3A_622 = arith.constant 63 : i32
        %and3A_623 = vector.broadcast %and3A_622 : i32 to vector<16xi32>
        %and3A_624 = arith.andi %add3A_621, %and3A_623 : vector<16xi32>
        %add3A_625 = arith.addi %mul3A_193, %and3A_624 : vector<16xi32>
        %gather3A_626 = tpu.vector_load_idx %arg14[%broadcast_in_dim3A_125, %add3A_625] : memref<128x64xf32, #tpu.memory_space<vmem>>[vector<16xi32>, vector<16xi32>], vector<16xf32>,
        %add3A_627 = arith.addi %add3A_196, %and3A_624 : vector<16xi32>
        %gather3A_628 = tpu.vector_load_idx %arg14[%broadcast_in_dim3A_125, %add3A_627] : memref<128x64xf32, #tpu.memory_space<vmem>>[vector<16xi32>, vector<16xi32>], vector<16xf32>,
        %add3A_629 = arith.addi %mul3A_199, %and3A_624 : vector<16xi32>
        %gather3A_630 = tpu.vector_load_idx %arg11[%broadcast_in_dim3A_125, %add3A_629] : memref<1000x64xf32, #tpu.memory_space<vmem>>[vector<16xi32>, vector<16xi32>], vector<16xf32>,
        %mul3A_631 = arith.mulf %gather3A_626, %gather3A_628 : vector<16xf32>
        %mul3A_632 = arith.mulf %mul3A_631, %gather3A_630 : vector<16xf32>
        %add3A_633 = arith.addf %add3A_573, %mul3A_632 : vector<16xf32>
        %add3A_634 = arith.constant 16 : i32
        %add3A_635 = vector.broadcast %add3A_634 : i32 to vector<16xi32>
        %add3A_636 = arith.addi %scan3A_389, %add3A_635 : vector<16xi32>
        scf.yield %add3A_636, %add3A_588, %add3A_603, %add3A_618, %add3A_633 : vector<16xi32>, vector<16xf32>, vector<16xf32>, vector<16xf32>, vector<16xf32>
      }
      %scan3A_207 = arith.constant 4 : i32
      %add3A_208 = arith.addf %scan3A_206#1, %scan3A_206#2 : vector<16xf32>
      %add3A_209 = arith.addf %scan3A_206#3, %scan3A_206#4 : vector<16xf32>
      %add3A_210 = arith.addf %add3A_208, %add3A_209 : vector<16xf32>
      %swap3A_211 = arith.constant 32 : index
      %swap3A_212 = tpu.vector_load %arg16[%swap3A_211] {strides = array<i32>} : memref<64xf32, #tpu.memory_space<vmem>>, vector<16xf32>,
      tpu.vector_store %arg16[%swap3A_211], %add3A_210 {strides = array<i32>} : memref<64xf32, #tpu.memory_space<vmem>>, vector<16xf32>,
      %add3A_213 = arith.constant 48 : i32
      %add3A_214 = vector.broadcast %add3A_213 : i32 to vector<16xi32>
      %add3A_215 = arith.addi %iota3A, %add3A_214 : vector<16xi32>
      %add3A_216 = arith.constant 48 : i32
      %add3A_217 = arith.addi %mul3A_123, %add3A_216 : i32
      %get3A_218 = arith.index_cast %add3A_217 : i32 to index
      %get3A_219 = tpu.vector_load %arg10[%get3A_218] {strides = array<i32>} : memref<8192xi32, #tpu.memory_space<vmem>>, vector<16xi32>,
      %mul3A_220 = arith.constant 64 : i32
      %mul3A_221 = vector.broadcast %mul3A_220 : i32 to vector<16xi32>
      %mul3A_222 = arith.muli %add3A_215, %mul3A_221 : vector<16xi32>
      %add3A_223 = arith.constant 4096 : i32
      %add3A_224 = vector.broadcast %add3A_223 : i32 to vector<16xi32>
      %add3A_225 = arith.addi %mul3A_222, %add3A_224 : vector<16xi32>
      %mul3A_226 = arith.constant 64 : i32
      %mul3A_227 = vector.broadcast %mul3A_226 : i32 to vector<16xi32>
      %mul3A_228 = arith.muli %get3A_219, %mul3A_227 : vector<16xi32>
      %broadcast_in_dim3A_229 = arith.constant 0.000000e+00 : f32
      %broadcast_in_dim3A_230 = vector.broadcast %broadcast_in_dim3A_229 : f32 to vector<16xf32>
      %scan3A_231 = arith.constant 0 : i32
      %scan3A_232 = arith.constant 4 : i32
      %scan3A_233 = arith.addi %scan3A_231, %scan3A_232 : i32
      %scan3A_234 = arith.constant 1 : i32
      %scan3A_235:5 = scf.for %scan3A_388 = %scan3A_231 to %scan3A_233 step %scan3A_234 iter_args(%scan3A_389 = %iota3A, %scan3A_390 = %broadcast_in_dim3A_230, %scan3A_391 = %broadcast_in_dim3A_230, %scan3A_392 = %broadcast_in_dim3A_230, %scan3A_393 = %broadcast_in_dim3A_230) -> (vector<16xi32>, vector<16xf32>, vector<16xf32>, vector<16xf32>, vector<16xf32>)  : i32 {
        %add3A_394 = arith.constant 0 : i32
        %add3A_395 = vector.broadcast %add3A_394 : i32 to vector<16xi32>
        %add3A_396 = arith.addi %scan3A_389, %add3A_395 : vector<16xi32>
        %and3A_397 = arith.constant 63 : i32
        %and3A_398 = vector.broadcast %and3A_397 : i32 to vector<16xi32>
        %and3A_399 = arith.andi %add3A_396, %and3A_398 : vector<16xi32>
        %add3A_400 = arith.addi %mul3A_222, %and3A_399 : vector<16xi32>
        %gather3A_401 = tpu.vector_load_idx %arg14[%broadcast_in_dim3A_125, %add3A_400] : memref<128x64xf32, #tpu.memory_space<vmem>>[vector<16xi32>, vector<16xi32>], vector<16xf32>,
        %add3A_402 = arith.addi %add3A_225, %and3A_399 : vector<16xi32>
        %gather3A_403 = tpu.vector_load_idx %arg14[%broadcast_in_dim3A_125, %add3A_402] : memref<128x64xf32, #tpu.memory_space<vmem>>[vector<16xi32>, vector<16xi32>], vector<16xf32>,
        %add3A_404 = arith.addi %mul3A_228, %and3A_399 : vector<16xi32>
        %gather3A_405 = tpu.vector_load_idx %arg11[%broadcast_in_dim3A_125, %add3A_404] : memref<1000x64xf32, #tpu.memory_space<vmem>>[vector<16xi32>, vector<16xi32>], vector<16xf32>,
        %mul3A_406 = arith.mulf %gather3A_401, %gather3A_403 : vector<16xf32>
        %mul3A_407 = arith.mulf %mul3A_406, %gather3A_405 : vector<16xf32>
        %add3A_408 = arith.addf %scan3A_390, %mul3A_407 : vector<16xf32>
        %add3A_409 = arith.constant 1 : i32
        %add3A_410 = vector.broadcast %add3A_409 : i32 to vector<16xi32>
        %add3A_411 = arith.addi %scan3A_389, %add3A_410 : vector<16xi32>
        %and3A_412 = arith.constant 63 : i32
        %and3A_413 = vector.broadcast %and3A_412 : i32 to vector<16xi32>
        %and3A_414 = arith.andi %add3A_411, %and3A_413 : vector<16xi32>
        %add3A_415 = arith.addi %mul3A_222, %and3A_414 : vector<16xi32>
        %gather3A_416 = tpu.vector_load_idx %arg14[%broadcast_in_dim3A_125, %add3A_415] : memref<128x64xf32, #tpu.memory_space<vmem>>[vector<16xi32>, vector<16xi32>], vector<16xf32>,
        %add3A_417 = arith.addi %add3A_225, %and3A_414 : vector<16xi32>
        %gather3A_418 = tpu.vector_load_idx %arg14[%broadcast_in_dim3A_125, %add3A_417] : memref<128x64xf32, #tpu.memory_space<vmem>>[vector<16xi32>, vector<16xi32>], vector<16xf32>,
        %add3A_419 = arith.addi %mul3A_228, %and3A_414 : vector<16xi32>
        %gather3A_420 = tpu.vector_load_idx %arg11[%broadcast_in_dim3A_125, %add3A_419] : memref<1000x64xf32, #tpu.memory_space<vmem>>[vector<16xi32>, vector<16xi32>], vector<16xf32>,
        %mul3A_421 = arith.mulf %gather3A_416, %gather3A_418 : vector<16xf32>
        %mul3A_422 = arith.mulf %mul3A_421, %gather3A_420 : vector<16xf32>
        %add3A_423 = arith.addf %scan3A_391, %mul3A_422 : vector<16xf32>
        %add3A_424 = arith.constant 2 : i32
        %add3A_425 = vector.broadcast %add3A_424 : i32 to vector<16xi32>
        %add3A_426 = arith.addi %scan3A_389, %add3A_425 : vector<16xi32>
        %and3A_427 = arith.constant 63 : i32
        %and3A_428 = vector.broadcast %and3A_427 : i32 to vector<16xi32>
        %and3A_429 = arith.andi %add3A_426, %and3A_428 : vector<16xi32>
        %add3A_430 = arith.addi %mul3A_222, %and3A_429 : vector<16xi32>
        %gather3A_431 = tpu.vector_load_idx %arg14[%broadcast_in_dim3A_125, %add3A_430] : memref<128x64xf32, #tpu.memory_space<vmem>>[vector<16xi32>, vector<16xi32>], vector<16xf32>,
        %add3A_432 = arith.addi %add3A_225, %and3A_429 : vector<16xi32>
        %gather3A_433 = tpu.vector_load_idx %arg14[%broadcast_in_dim3A_125, %add3A_432] : memref<128x64xf32, #tpu.memory_space<vmem>>[vector<16xi32>, vector<16xi32>], vector<16xf32>,
        %add3A_434 = arith.addi %mul3A_228, %and3A_429 : vector<16xi32>
        %gather3A_435 = tpu.vector_load_idx %arg11[%broadcast_in_dim3A_125, %add3A_434] : memref<1000x64xf32, #tpu.memory_space<vmem>>[vector<16xi32>, vector<16xi32>], vector<16xf32>,
        %mul3A_436 = arith.mulf %gather3A_431, %gather3A_433 : vector<16xf32>
        %mul3A_437 = arith.mulf %mul3A_436, %gather3A_435 : vector<16xf32>
        %add3A_438 = arith.addf %scan3A_392, %mul3A_437 : vector<16xf32>
        %add3A_439 = arith.constant 3 : i32
        %add3A_440 = vector.broadcast %add3A_439 : i32 to vector<16xi32>
        %add3A_441 = arith.addi %scan3A_389, %add3A_440 : vector<16xi32>
        %and3A_442 = arith.constant 63 : i32
        %and3A_443 = vector.broadcast %and3A_442 : i32 to vector<16xi32>
        %and3A_444 = arith.andi %add3A_441, %and3A_443 : vector<16xi32>
        %add3A_445 = arith.addi %mul3A_222, %and3A_444 : vector<16xi32>
        %gather3A_446 = tpu.vector_load_idx %arg14[%broadcast_in_dim3A_125, %add3A_445] : memref<128x64xf32, #tpu.memory_space<vmem>>[vector<16xi32>, vector<16xi32>], vector<16xf32>,
        %add3A_447 = arith.addi %add3A_225, %and3A_444 : vector<16xi32>
        %gather3A_448 = tpu.vector_load_idx %arg14[%broadcast_in_dim3A_125, %add3A_447] : memref<128x64xf32, #tpu.memory_space<vmem>>[vector<16xi32>, vector<16xi32>], vector<16xf32>,
        %add3A_449 = arith.addi %mul3A_228, %and3A_444 : vector<16xi32>
        %gather3A_450 = tpu.vector_load_idx %arg11[%broadcast_in_dim3A_125, %add3A_449] : memref<1000x64xf32, #tpu.memory_space<vmem>>[vector<16xi32>, vector<16xi32>], vector<16xf32>,
        %mul3A_451 = arith.mulf %gather3A_446, %gather3A_448 : vector<16xf32>
        %mul3A_452 = arith.mulf %mul3A_451, %gather3A_450 : vector<16xf32>
        %add3A_453 = arith.addf %scan3A_393, %mul3A_452 : vector<16xf32>
        %add3A_454 = arith.constant 4 : i32
        %add3A_455 = vector.broadcast %add3A_454 : i32 to vector<16xi32>
        %add3A_456 = arith.addi %scan3A_389, %add3A_455 : vector<16xi32>
        %and3A_457 = arith.constant 63 : i32
        %and3A_458 = vector.broadcast %and3A_457 : i32 to vector<16xi32>
        %and3A_459 = arith.andi %add3A_456, %and3A_458 : vector<16xi32>
        %add3A_460 = arith.addi %mul3A_222, %and3A_459 : vector<16xi32>
        %gather3A_461 = tpu.vector_load_idx %arg14[%broadcast_in_dim3A_125, %add3A_460] : memref<128x64xf32, #tpu.memory_space<vmem>>[vector<16xi32>, vector<16xi32>], vector<16xf32>,
        %add3A_462 = arith.addi %add3A_225, %and3A_459 : vector<16xi32>
        %gather3A_463 = tpu.vector_load_idx %arg14[%broadcast_in_dim3A_125, %add3A_462] : memref<128x64xf32, #tpu.memory_space<vmem>>[vector<16xi32>, vector<16xi32>], vector<16xf32>,
        %add3A_464 = arith.addi %mul3A_228, %and3A_459 : vector<16xi32>
        %gather3A_465 = tpu.vector_load_idx %arg11[%broadcast_in_dim3A_125, %add3A_464] : memref<1000x64xf32, #tpu.memory_space<vmem>>[vector<16xi32>, vector<16xi32>], vector<16xf32>,
        %mul3A_466 = arith.mulf %gather3A_461, %gather3A_463 : vector<16xf32>
        %mul3A_467 = arith.mulf %mul3A_466, %gather3A_465 : vector<16xf32>
        %add3A_468 = arith.addf %add3A_408, %mul3A_467 : vector<16xf32>
        %add3A_469 = arith.constant 5 : i32
        %add3A_470 = vector.broadcast %add3A_469 : i32 to vector<16xi32>
        %add3A_471 = arith.addi %scan3A_389, %add3A_470 : vector<16xi32>
        %and3A_472 = arith.constant 63 : i32
        %and3A_473 = vector.broadcast %and3A_472 : i32 to vector<16xi32>
        %and3A_474 = arith.andi %add3A_471, %and3A_473 : vector<16xi32>
        %add3A_475 = arith.addi %mul3A_222, %and3A_474 : vector<16xi32>
        %gather3A_476 = tpu.vector_load_idx %arg14[%broadcast_in_dim3A_125, %add3A_475] : memref<128x64xf32, #tpu.memory_space<vmem>>[vector<16xi32>, vector<16xi32>], vector<16xf32>,
        %add3A_477 = arith.addi %add3A_225, %and3A_474 : vector<16xi32>
        %gather3A_478 = tpu.vector_load_idx %arg14[%broadcast_in_dim3A_125, %add3A_477] : memref<128x64xf32, #tpu.memory_space<vmem>>[vector<16xi32>, vector<16xi32>], vector<16xf32>,
        %add3A_479 = arith.addi %mul3A_228, %and3A_474 : vector<16xi32>
        %gather3A_480 = tpu.vector_load_idx %arg11[%broadcast_in_dim3A_125, %add3A_479] : memref<1000x64xf32, #tpu.memory_space<vmem>>[vector<16xi32>, vector<16xi32>], vector<16xf32>,
        %mul3A_481 = arith.mulf %gather3A_476, %gather3A_478 : vector<16xf32>
        %mul3A_482 = arith.mulf %mul3A_481, %gather3A_480 : vector<16xf32>
        %add3A_483 = arith.addf %add3A_423, %mul3A_482 : vector<16xf32>
        %add3A_484 = arith.constant 6 : i32
        %add3A_485 = vector.broadcast %add3A_484 : i32 to vector<16xi32>
        %add3A_486 = arith.addi %scan3A_389, %add3A_485 : vector<16xi32>
        %and3A_487 = arith.constant 63 : i32
        %and3A_488 = vector.broadcast %and3A_487 : i32 to vector<16xi32>
        %and3A_489 = arith.andi %add3A_486, %and3A_488 : vector<16xi32>
        %add3A_490 = arith.addi %mul3A_222, %and3A_489 : vector<16xi32>
        %gather3A_491 = tpu.vector_load_idx %arg14[%broadcast_in_dim3A_125, %add3A_490] : memref<128x64xf32, #tpu.memory_space<vmem>>[vector<16xi32>, vector<16xi32>], vector<16xf32>,
        %add3A_492 = arith.addi %add3A_225, %and3A_489 : vector<16xi32>
        %gather3A_493 = tpu.vector_load_idx %arg14[%broadcast_in_dim3A_125, %add3A_492] : memref<128x64xf32, #tpu.memory_space<vmem>>[vector<16xi32>, vector<16xi32>], vector<16xf32>,
        %add3A_494 = arith.addi %mul3A_228, %and3A_489 : vector<16xi32>
        %gather3A_495 = tpu.vector_load_idx %arg11[%broadcast_in_dim3A_125, %add3A_494] : memref<1000x64xf32, #tpu.memory_space<vmem>>[vector<16xi32>, vector<16xi32>], vector<16xf32>,
        %mul3A_496 = arith.mulf %gather3A_491, %gather3A_493 : vector<16xf32>
        %mul3A_497 = arith.mulf %mul3A_496, %gather3A_495 : vector<16xf32>
        %add3A_498 = arith.addf %add3A_438, %mul3A_497 : vector<16xf32>
        %add3A_499 = arith.constant 7 : i32
        %add3A_500 = vector.broadcast %add3A_499 : i32 to vector<16xi32>
        %add3A_501 = arith.addi %scan3A_389, %add3A_500 : vector<16xi32>
        %and3A_502 = arith.constant 63 : i32
        %and3A_503 = vector.broadcast %and3A_502 : i32 to vector<16xi32>
        %and3A_504 = arith.andi %add3A_501, %and3A_503 : vector<16xi32>
        %add3A_505 = arith.addi %mul3A_222, %and3A_504 : vector<16xi32>
        %gather3A_506 = tpu.vector_load_idx %arg14[%broadcast_in_dim3A_125, %add3A_505] : memref<128x64xf32, #tpu.memory_space<vmem>>[vector<16xi32>, vector<16xi32>], vector<16xf32>,
        %add3A_507 = arith.addi %add3A_225, %and3A_504 : vector<16xi32>
        %gather3A_508 = tpu.vector_load_idx %arg14[%broadcast_in_dim3A_125, %add3A_507] : memref<128x64xf32, #tpu.memory_space<vmem>>[vector<16xi32>, vector<16xi32>], vector<16xf32>,
        %add3A_509 = arith.addi %mul3A_228, %and3A_504 : vector<16xi32>
        %gather3A_510 = tpu.vector_load_idx %arg11[%broadcast_in_dim3A_125, %add3A_509] : memref<1000x64xf32, #tpu.memory_space<vmem>>[vector<16xi32>, vector<16xi32>], vector<16xf32>,
        %mul3A_511 = arith.mulf %gather3A_506, %gather3A_508 : vector<16xf32>
        %mul3A_512 = arith.mulf %mul3A_511, %gather3A_510 : vector<16xf32>
        %add3A_513 = arith.addf %add3A_453, %mul3A_512 : vector<16xf32>
        %add3A_514 = arith.constant 8 : i32
        %add3A_515 = vector.broadcast %add3A_514 : i32 to vector<16xi32>
        %add3A_516 = arith.addi %scan3A_389, %add3A_515 : vector<16xi32>
        %and3A_517 = arith.constant 63 : i32
        %and3A_518 = vector.broadcast %and3A_517 : i32 to vector<16xi32>
        %and3A_519 = arith.andi %add3A_516, %and3A_518 : vector<16xi32>
        %add3A_520 = arith.addi %mul3A_222, %and3A_519 : vector<16xi32>
        %gather3A_521 = tpu.vector_load_idx %arg14[%broadcast_in_dim3A_125, %add3A_520] : memref<128x64xf32, #tpu.memory_space<vmem>>[vector<16xi32>, vector<16xi32>], vector<16xf32>,
        %add3A_522 = arith.addi %add3A_225, %and3A_519 : vector<16xi32>
        %gather3A_523 = tpu.vector_load_idx %arg14[%broadcast_in_dim3A_125, %add3A_522] : memref<128x64xf32, #tpu.memory_space<vmem>>[vector<16xi32>, vector<16xi32>], vector<16xf32>,
        %add3A_524 = arith.addi %mul3A_228, %and3A_519 : vector<16xi32>
        %gather3A_525 = tpu.vector_load_idx %arg11[%broadcast_in_dim3A_125, %add3A_524] : memref<1000x64xf32, #tpu.memory_space<vmem>>[vector<16xi32>, vector<16xi32>], vector<16xf32>,
        %mul3A_526 = arith.mulf %gather3A_521, %gather3A_523 : vector<16xf32>
        %mul3A_527 = arith.mulf %mul3A_526, %gather3A_525 : vector<16xf32>
        %add3A_528 = arith.addf %add3A_468, %mul3A_527 : vector<16xf32>
        %add3A_529 = arith.constant 9 : i32
        %add3A_530 = vector.broadcast %add3A_529 : i32 to vector<16xi32>
        %add3A_531 = arith.addi %scan3A_389, %add3A_530 : vector<16xi32>
        %and3A_532 = arith.constant 63 : i32
        %and3A_533 = vector.broadcast %and3A_532 : i32 to vector<16xi32>
        %and3A_534 = arith.andi %add3A_531, %and3A_533 : vector<16xi32>
        %add3A_535 = arith.addi %mul3A_222, %and3A_534 : vector<16xi32>
        %gather3A_536 = tpu.vector_load_idx %arg14[%broadcast_in_dim3A_125, %add3A_535] : memref<128x64xf32, #tpu.memory_space<vmem>>[vector<16xi32>, vector<16xi32>], vector<16xf32>,
        %add3A_537 = arith.addi %add3A_225, %and3A_534 : vector<16xi32>
        %gather3A_538 = tpu.vector_load_idx %arg14[%broadcast_in_dim3A_125, %add3A_537] : memref<128x64xf32, #tpu.memory_space<vmem>>[vector<16xi32>, vector<16xi32>], vector<16xf32>,
        %add3A_539 = arith.addi %mul3A_228, %and3A_534 : vector<16xi32>
        %gather3A_540 = tpu.vector_load_idx %arg11[%broadcast_in_dim3A_125, %add3A_539] : memref<1000x64xf32, #tpu.memory_space<vmem>>[vector<16xi32>, vector<16xi32>], vector<16xf32>,
        %mul3A_541 = arith.mulf %gather3A_536, %gather3A_538 : vector<16xf32>
        %mul3A_542 = arith.mulf %mul3A_541, %gather3A_540 : vector<16xf32>
        %add3A_543 = arith.addf %add3A_483, %mul3A_542 : vector<16xf32>
        %add3A_544 = arith.constant 10 : i32
        %add3A_545 = vector.broadcast %add3A_544 : i32 to vector<16xi32>
        %add3A_546 = arith.addi %scan3A_389, %add3A_545 : vector<16xi32>
        %and3A_547 = arith.constant 63 : i32
        %and3A_548 = vector.broadcast %and3A_547 : i32 to vector<16xi32>
        %and3A_549 = arith.andi %add3A_546, %and3A_548 : vector<16xi32>
        %add3A_550 = arith.addi %mul3A_222, %and3A_549 : vector<16xi32>
        %gather3A_551 = tpu.vector_load_idx %arg14[%broadcast_in_dim3A_125, %add3A_550] : memref<128x64xf32, #tpu.memory_space<vmem>>[vector<16xi32>, vector<16xi32>], vector<16xf32>,
        %add3A_552 = arith.addi %add3A_225, %and3A_549 : vector<16xi32>
        %gather3A_553 = tpu.vector_load_idx %arg14[%broadcast_in_dim3A_125, %add3A_552] : memref<128x64xf32, #tpu.memory_space<vmem>>[vector<16xi32>, vector<16xi32>], vector<16xf32>,
        %add3A_554 = arith.addi %mul3A_228, %and3A_549 : vector<16xi32>
        %gather3A_555 = tpu.vector_load_idx %arg11[%broadcast_in_dim3A_125, %add3A_554] : memref<1000x64xf32, #tpu.memory_space<vmem>>[vector<16xi32>, vector<16xi32>], vector<16xf32>,
        %mul3A_556 = arith.mulf %gather3A_551, %gather3A_553 : vector<16xf32>
        %mul3A_557 = arith.mulf %mul3A_556, %gather3A_555 : vector<16xf32>
        %add3A_558 = arith.addf %add3A_498, %mul3A_557 : vector<16xf32>
        %add3A_559 = arith.constant 11 : i32
        %add3A_560 = vector.broadcast %add3A_559 : i32 to vector<16xi32>
        %add3A_561 = arith.addi %scan3A_389, %add3A_560 : vector<16xi32>
        %and3A_562 = arith.constant 63 : i32
        %and3A_563 = vector.broadcast %and3A_562 : i32 to vector<16xi32>
        %and3A_564 = arith.andi %add3A_561, %and3A_563 : vector<16xi32>
        %add3A_565 = arith.addi %mul3A_222, %and3A_564 : vector<16xi32>
        %gather3A_566 = tpu.vector_load_idx %arg14[%broadcast_in_dim3A_125, %add3A_565] : memref<128x64xf32, #tpu.memory_space<vmem>>[vector<16xi32>, vector<16xi32>], vector<16xf32>,
        %add3A_567 = arith.addi %add3A_225, %and3A_564 : vector<16xi32>
        %gather3A_568 = tpu.vector_load_idx %arg14[%broadcast_in_dim3A_125, %add3A_567] : memref<128x64xf32, #tpu.memory_space<vmem>>[vector<16xi32>, vector<16xi32>], vector<16xf32>,
        %add3A_569 = arith.addi %mul3A_228, %and3A_564 : vector<16xi32>
        %gather3A_570 = tpu.vector_load_idx %arg11[%broadcast_in_dim3A_125, %add3A_569] : memref<1000x64xf32, #tpu.memory_space<vmem>>[vector<16xi32>, vector<16xi32>], vector<16xf32>,
        %mul3A_571 = arith.mulf %gather3A_566, %gather3A_568 : vector<16xf32>
        %mul3A_572 = arith.mulf %mul3A_571, %gather3A_570 : vector<16xf32>
        %add3A_573 = arith.addf %add3A_513, %mul3A_572 : vector<16xf32>
        %add3A_574 = arith.constant 12 : i32
        %add3A_575 = vector.broadcast %add3A_574 : i32 to vector<16xi32>
        %add3A_576 = arith.addi %scan3A_389, %add3A_575 : vector<16xi32>
        %and3A_577 = arith.constant 63 : i32
        %and3A_578 = vector.broadcast %and3A_577 : i32 to vector<16xi32>
        %and3A_579 = arith.andi %add3A_576, %and3A_578 : vector<16xi32>
        %add3A_580 = arith.addi %mul3A_222, %and3A_579 : vector<16xi32>
        %gather3A_581 = tpu.vector_load_idx %arg14[%broadcast_in_dim3A_125, %add3A_580] : memref<128x64xf32, #tpu.memory_space<vmem>>[vector<16xi32>, vector<16xi32>], vector<16xf32>,
        %add3A_582 = arith.addi %add3A_225, %and3A_579 : vector<16xi32>
        %gather3A_583 = tpu.vector_load_idx %arg14[%broadcast_in_dim3A_125, %add3A_582] : memref<128x64xf32, #tpu.memory_space<vmem>>[vector<16xi32>, vector<16xi32>], vector<16xf32>,
        %add3A_584 = arith.addi %mul3A_228, %and3A_579 : vector<16xi32>
        %gather3A_585 = tpu.vector_load_idx %arg11[%broadcast_in_dim3A_125, %add3A_584] : memref<1000x64xf32, #tpu.memory_space<vmem>>[vector<16xi32>, vector<16xi32>], vector<16xf32>,
        %mul3A_586 = arith.mulf %gather3A_581, %gather3A_583 : vector<16xf32>
        %mul3A_587 = arith.mulf %mul3A_586, %gather3A_585 : vector<16xf32>
        %add3A_588 = arith.addf %add3A_528, %mul3A_587 : vector<16xf32>
        %add3A_589 = arith.constant 13 : i32
        %add3A_590 = vector.broadcast %add3A_589 : i32 to vector<16xi32>
        %add3A_591 = arith.addi %scan3A_389, %add3A_590 : vector<16xi32>
        %and3A_592 = arith.constant 63 : i32
        %and3A_593 = vector.broadcast %and3A_592 : i32 to vector<16xi32>
        %and3A_594 = arith.andi %add3A_591, %and3A_593 : vector<16xi32>
        %add3A_595 = arith.addi %mul3A_222, %and3A_594 : vector<16xi32>
        %gather3A_596 = tpu.vector_load_idx %arg14[%broadcast_in_dim3A_125, %add3A_595] : memref<128x64xf32, #tpu.memory_space<vmem>>[vector<16xi32>, vector<16xi32>], vector<16xf32>,
        %add3A_597 = arith.addi %add3A_225, %and3A_594 : vector<16xi32>
        %gather3A_598 = tpu.vector_load_idx %arg14[%broadcast_in_dim3A_125, %add3A_597] : memref<128x64xf32, #tpu.memory_space<vmem>>[vector<16xi32>, vector<16xi32>], vector<16xf32>,
        %add3A_599 = arith.addi %mul3A_228, %and3A_594 : vector<16xi32>
        %gather3A_600 = tpu.vector_load_idx %arg11[%broadcast_in_dim3A_125, %add3A_599] : memref<1000x64xf32, #tpu.memory_space<vmem>>[vector<16xi32>, vector<16xi32>], vector<16xf32>,
        %mul3A_601 = arith.mulf %gather3A_596, %gather3A_598 : vector<16xf32>
        %mul3A_602 = arith.mulf %mul3A_601, %gather3A_600 : vector<16xf32>
        %add3A_603 = arith.addf %add3A_543, %mul3A_602 : vector<16xf32>
        %add3A_604 = arith.constant 14 : i32
        %add3A_605 = vector.broadcast %add3A_604 : i32 to vector<16xi32>
        %add3A_606 = arith.addi %scan3A_389, %add3A_605 : vector<16xi32>
        %and3A_607 = arith.constant 63 : i32
        %and3A_608 = vector.broadcast %and3A_607 : i32 to vector<16xi32>
        %and3A_609 = arith.andi %add3A_606, %and3A_608 : vector<16xi32>
        %add3A_610 = arith.addi %mul3A_222, %and3A_609 : vector<16xi32>
        %gather3A_611 = tpu.vector_load_idx %arg14[%broadcast_in_dim3A_125, %add3A_610] : memref<128x64xf32, #tpu.memory_space<vmem>>[vector<16xi32>, vector<16xi32>], vector<16xf32>,
        %add3A_612 = arith.addi %add3A_225, %and3A_609 : vector<16xi32>
        %gather3A_613 = tpu.vector_load_idx %arg14[%broadcast_in_dim3A_125, %add3A_612] : memref<128x64xf32, #tpu.memory_space<vmem>>[vector<16xi32>, vector<16xi32>], vector<16xf32>,
        %add3A_614 = arith.addi %mul3A_228, %and3A_609 : vector<16xi32>
        %gather3A_615 = tpu.vector_load_idx %arg11[%broadcast_in_dim3A_125, %add3A_614] : memref<1000x64xf32, #tpu.memory_space<vmem>>[vector<16xi32>, vector<16xi32>], vector<16xf32>,
        %mul3A_616 = arith.mulf %gather3A_611, %gather3A_613 : vector<16xf32>
        %mul3A_617 = arith.mulf %mul3A_616, %gather3A_615 : vector<16xf32>
        %add3A_618 = arith.addf %add3A_558, %mul3A_617 : vector<16xf32>
        %add3A_619 = arith.constant 15 : i32
        %add3A_620 = vector.broadcast %add3A_619 : i32 to vector<16xi32>
        %add3A_621 = arith.addi %scan3A_389, %add3A_620 : vector<16xi32>
        %and3A_622 = arith.constant 63 : i32
        %and3A_623 = vector.broadcast %and3A_622 : i32 to vector<16xi32>
        %and3A_624 = arith.andi %add3A_621, %and3A_623 : vector<16xi32>
        %add3A_625 = arith.addi %mul3A_222, %and3A_624 : vector<16xi32>
        %gather3A_626 = tpu.vector_load_idx %arg14[%broadcast_in_dim3A_125, %add3A_625] : memref<128x64xf32, #tpu.memory_space<vmem>>[vector<16xi32>, vector<16xi32>], vector<16xf32>,
        %add3A_627 = arith.addi %add3A_225, %and3A_624 : vector<16xi32>
        %gather3A_628 = tpu.vector_load_idx %arg14[%broadcast_in_dim3A_125, %add3A_627] : memref<128x64xf32, #tpu.memory_space<vmem>>[vector<16xi32>, vector<16xi32>], vector<16xf32>,
        %add3A_629 = arith.addi %mul3A_228, %and3A_624 : vector<16xi32>
        %gather3A_630 = tpu.vector_load_idx %arg11[%broadcast_in_dim3A_125, %add3A_629] : memref<1000x64xf32, #tpu.memory_space<vmem>>[vector<16xi32>, vector<16xi32>], vector<16xf32>,
        %mul3A_631 = arith.mulf %gather3A_626, %gather3A_628 : vector<16xf32>
        %mul3A_632 = arith.mulf %mul3A_631, %gather3A_630 : vector<16xf32>
        %add3A_633 = arith.addf %add3A_573, %mul3A_632 : vector<16xf32>
        %add3A_634 = arith.constant 16 : i32
        %add3A_635 = vector.broadcast %add3A_634 : i32 to vector<16xi32>
        %add3A_636 = arith.addi %scan3A_389, %add3A_635 : vector<16xi32>
        scf.yield %add3A_636, %add3A_588, %add3A_603, %add3A_618, %add3A_633 : vector<16xi32>, vector<16xf32>, vector<16xf32>, vector<16xf32>, vector<16xf32>
      }
      %scan3A_236 = arith.constant 4 : i32
      %add3A_237 = arith.addf %scan3A_235#1, %scan3A_235#2 : vector<16xf32>
      %add3A_238 = arith.addf %scan3A_235#3, %scan3A_235#4 : vector<16xf32>
      %add3A_239 = arith.addf %add3A_237, %add3A_238 : vector<16xf32>
      %swap3A_240 = arith.constant 48 : index
      %swap3A_241 = tpu.vector_load %arg16[%swap3A_240] {strides = array<i32>} : memref<64xf32, #tpu.memory_space<vmem>>, vector<16xf32>,
      tpu.vector_store %arg16[%swap3A_240], %add3A_239 {strides = array<i32>} : memref<64xf32, #tpu.memory_space<vmem>>, vector<16xf32>,
      %add3A_242 = arith.addi %mul3A_2, %mul3A_123 : i32
      %dma_start3A_243 = tpu.memref_slice %arg7[%add3A_242] : memref<262144xf32, #tpu.memory_space<hbm>> -> memref<64xf32, #tpu.memory_space<hbm>>
      %dma_start3A_244 = tpu.memref_slice %arg7[%add3A_242] : memref<262144xf32, #tpu.memory_space<hbm>> -> memref<64xf32, #tpu.memory_space<hbm>>
      tpu.enqueue_dma source(%arg16 : memref<64xf32, #tpu.memory_space<vmem>>) target(%dma_start3A_244 : memref<64xf32, #tpu.memory_space<hbm>>) target_semaphore(%arg20 : memref<!tpu.dma_semaphore, #tpu.memory_space<semaphore_mem>>)
      %add3A_245 = arith.constant 1 : i32
      %add3A_246 = arith.addi %mul3A_107, %add3A_245 : i32
      %add3A_247 = arith.constant 2 : i32
      %add3A_248 = arith.addi %add3A_246, %add3A_247 : i32
      %sub3A_249 = arith.constant 1 : i32
      %sub3A_250 = arith.subi %add3A_248, %sub3A_249 : i32
      %lt3A_251 = arith.constant 128 : i32
      %lt3A_252 = arith.cmpi slt, %sub3A_250, %lt3A_251 : i32
      %convert_element_type3A_253 = arith.extui %lt3A_252 : i1 to i32
      %cond3A_254 = arith.constant 0 : i32
      %cond3A_255 = arith.cmpi ne, %convert_element_type3A_253, %cond3A_254 : i32
      scf.if %cond3A_255 {
        %add3A_388 = arith.constant 2 : i32
        %add3A_389 = arith.addi %add3A_246, %add3A_388 : i32
        %sub3A_390 = arith.constant 1 : i32
        %sub3A_391 = arith.subi %add3A_389, %sub3A_390 : i32
        %mul3A_392 = arith.constant 64 : i32
        %mul3A_393 = arith.muli %sub3A_391, %mul3A_392 : i32
        %broadcast_in_dim3A_394 = vector.broadcast %mul3A_393 : i32 to vector<16xi32>
        %gather3A_395 = tpu.vector_load_idx %arg8[%broadcast_in_dim3A_394] : memref<8192xi32, #tpu.memory_space<vmem>>[vector<16xi32>], vector<16xi32>,
        %add3A_396 = arith.constant 0 : i32
        %add3A_397 = arith.addi %mul3A_393, %add3A_396 : i32
        %get3A_398 = arith.index_cast %add3A_397 : i32 to index
        %get3A_399 = tpu.vector_load %arg8[%get3A_398] {strides = array<i32>} : memref<8192xi32, #tpu.memory_space<vmem>>, vector<16xi32>,
        %get3A_400 = arith.index_cast %add3A_397 : i32 to index
        %get3A_401 = tpu.vector_load %arg9[%get3A_400] {strides = array<i32>} : memref<8192xi32, #tpu.memory_space<vmem>>, vector<16xi32>,
        %get3A_402 = arith.index_cast %add3A_397 : i32 to index
        %get3A_403 = tpu.vector_load %arg10[%get3A_402] {strides = array<i32>} : memref<8192xi32, #tpu.memory_space<vmem>>, vector<16xi32>,
        %eq3A_404 = arith.cmpi eq, %get3A_399, %gather3A_395 : vector<16xi32>
        %add3A_405 = arith.constant 16 : i32
        %add3A_406 = arith.addi %mul3A_393, %add3A_405 : i32
        %get3A_407 = arith.index_cast %add3A_406 : i32 to index
        %get3A_408 = tpu.vector_load %arg8[%get3A_407] {strides = array<i32>} : memref<8192xi32, #tpu.memory_space<vmem>>, vector<16xi32>,
        %get3A_409 = arith.index_cast %add3A_406 : i32 to index
        %get3A_410 = tpu.vector_load %arg9[%get3A_409] {strides = array<i32>} : memref<8192xi32, #tpu.memory_space<vmem>>, vector<16xi32>,
        %get3A_411 = arith.index_cast %add3A_406 : i32 to index
        %get3A_412 = tpu.vector_load %arg10[%get3A_411] {strides = array<i32>} : memref<8192xi32, #tpu.memory_space<vmem>>, vector<16xi32>,
        %eq3A_413 = arith.cmpi eq, %get3A_408, %gather3A_395 : vector<16xi32>
        %and3A_414 = arith.andi %eq3A_404, %eq3A_413 : vector<16xi1>
        %add3A_415 = arith.constant 32 : i32
        %add3A_416 = arith.addi %mul3A_393, %add3A_415 : i32
        %get3A_417 = arith.index_cast %add3A_416 : i32 to index
        %get3A_418 = tpu.vector_load %arg8[%get3A_417] {strides = array<i32>} : memref<8192xi32, #tpu.memory_space<vmem>>, vector<16xi32>,
        %get3A_419 = arith.index_cast %add3A_416 : i32 to index
        %get3A_420 = tpu.vector_load %arg9[%get3A_419] {strides = array<i32>} : memref<8192xi32, #tpu.memory_space<vmem>>, vector<16xi32>,
        %get3A_421 = arith.index_cast %add3A_416 : i32 to index
        %get3A_422 = tpu.vector_load %arg10[%get3A_421] {strides = array<i32>} : memref<8192xi32, #tpu.memory_space<vmem>>, vector<16xi32>,
        %eq3A_423 = arith.cmpi eq, %get3A_418, %gather3A_395 : vector<16xi32>
        %and3A_424 = arith.andi %and3A_414, %eq3A_423 : vector<16xi1>
        %add3A_425 = arith.constant 48 : i32
        %add3A_426 = arith.addi %mul3A_393, %add3A_425 : i32
        %get3A_427 = arith.index_cast %add3A_426 : i32 to index
        %get3A_428 = tpu.vector_load %arg8[%get3A_427] {strides = array<i32>} : memref<8192xi32, #tpu.memory_space<vmem>>, vector<16xi32>,
        %get3A_429 = arith.index_cast %add3A_426 : i32 to index
        %get3A_430 = tpu.vector_load %arg9[%get3A_429] {strides = array<i32>} : memref<8192xi32, #tpu.memory_space<vmem>>, vector<16xi32>,
        %get3A_431 = arith.index_cast %add3A_426 : i32 to index
        %get3A_432 = tpu.vector_load %arg10[%get3A_431] {strides = array<i32>} : memref<8192xi32, #tpu.memory_space<vmem>>, vector<16xi32>,
        %eq3A_433 = arith.cmpi eq, %get3A_428, %gather3A_395 : vector<16xi32>
        %and3A_434 = arith.andi %and3A_424, %eq3A_433 : vector<16xi1>
        %all_reduce_population_count3A_435 = tpu.all_reduce %and3A_434 {dim = 0 : i64, kind = #tpu.reduction_kind<sum>} : vector<16xi1> -> vector<16xi32>
        %eq3A_436 = arith.constant 16 : i32
        %eq3A_437 = vector.broadcast %eq3A_436 : i32 to vector<16xi32>
        %eq3A_438 = arith.cmpi eq, %all_reduce_population_count3A_435, %eq3A_437 : vector<16xi32>
        %select_n3A_439 = arith.select %eq3A_438, %get3A_399, %get3A_401 : vector<16xi1>, vector<16xi32>
        %select_n3A_440 = arith.select %eq3A_438, %get3A_401, %get3A_399 : vector<16xi1>, vector<16xi32>
        %add3A_441 = arith.addi %select_n3A_439, %select_n3A_439 : vector<16xi32>
        %swap3A_442 = arith.constant 0 : index
        %swap3A_443 = tpu.vector_load %arg12[%swap3A_442] {strides = array<i32>} : memref<128xi32, #tpu.memory_space<vmem>>, vector<16xi32>,
        tpu.vector_store %arg12[%swap3A_442], %add3A_441 {strides = array<i32>} : memref<128xi32, #tpu.memory_space<vmem>>, vector<16xi32>,
        %add3A_444 = arith.addi %select_n3A_440, %select_n3A_440 : vector<16xi32>
        %swap3A_445 = arith.constant 64 : index
        %swap3A_446 = tpu.vector_load %arg12[%swap3A_445] {strides = array<i32>} : memref<128xi32, #tpu.memory_space<vmem>>, vector<16xi32>,
        tpu.vector_store %arg12[%swap3A_445], %add3A_444 {strides = array<i32>} : memref<128xi32, #tpu.memory_space<vmem>>, vector<16xi32>,
        %add3A_447 = arith.constant 500 : i32
        %add3A_448 = vector.broadcast %add3A_447 : i32 to vector<16xi32>
        %add3A_449 = arith.addi %get3A_403, %add3A_448 : vector<16xi32>
        %select_n3A_450 = arith.select %eq3A_438, %get3A_403, %add3A_449 : vector<16xi1>, vector<16xi32>
        %add3A_451 = arith.constant 0 : i32
        %add3A_452 = arith.addi %mul3A_393, %add3A_451 : i32
        %swap3A_453 = arith.index_cast %add3A_452 : i32 to index
        %swap3A_454 = tpu.vector_load %arg10[%swap3A_453] {strides = array<i32>} : memref<8192xi32, #tpu.memory_space<vmem>>, vector<16xi32>,
        tpu.vector_store %arg10[%swap3A_453], %select_n3A_450 {strides = array<i32>} : memref<8192xi32, #tpu.memory_space<vmem>>, vector<16xi32>,
        %select_n3A_455 = arith.select %eq3A_438, %get3A_408, %get3A_410 : vector<16xi1>, vector<16xi32>
        %select_n3A_456 = arith.select %eq3A_438, %get3A_410, %get3A_408 : vector<16xi1>, vector<16xi32>
        %add3A_457 = arith.addi %select_n3A_455, %select_n3A_455 : vector<16xi32>
        %swap3A_458 = arith.constant 16 : index
        %swap3A_459 = tpu.vector_load %arg12[%swap3A_458] {strides = array<i32>} : memref<128xi32, #tpu.memory_space<vmem>>, vector<16xi32>,
        tpu.vector_store %arg12[%swap3A_458], %add3A_457 {strides = array<i32>} : memref<128xi32, #tpu.memory_space<vmem>>, vector<16xi32>,
        %add3A_460 = arith.addi %select_n3A_456, %select_n3A_456 : vector<16xi32>
        %swap3A_461 = arith.constant 80 : index
        %swap3A_462 = tpu.vector_load %arg12[%swap3A_461] {strides = array<i32>} : memref<128xi32, #tpu.memory_space<vmem>>, vector<16xi32>,
        tpu.vector_store %arg12[%swap3A_461], %add3A_460 {strides = array<i32>} : memref<128xi32, #tpu.memory_space<vmem>>, vector<16xi32>,
        %add3A_463 = arith.constant 500 : i32
        %add3A_464 = vector.broadcast %add3A_463 : i32 to vector<16xi32>
        %add3A_465 = arith.addi %get3A_412, %add3A_464 : vector<16xi32>
        %select_n3A_466 = arith.select %eq3A_438, %get3A_412, %add3A_465 : vector<16xi1>, vector<16xi32>
        %add3A_467 = arith.constant 16 : i32
        %add3A_468 = arith.addi %mul3A_393, %add3A_467 : i32
        %swap3A_469 = arith.index_cast %add3A_468 : i32 to index
        %swap3A_470 = tpu.vector_load %arg10[%swap3A_469] {strides = array<i32>} : memref<8192xi32, #tpu.memory_space<vmem>>, vector<16xi32>,
        tpu.vector_store %arg10[%swap3A_469], %select_n3A_466 {strides = array<i32>} : memref<8192xi32, #tpu.memory_space<vmem>>, vector<16xi32>,
        %select_n3A_471 = arith.select %eq3A_438, %get3A_418, %get3A_420 : vector<16xi1>, vector<16xi32>
        %select_n3A_472 = arith.select %eq3A_438, %get3A_420, %get3A_418 : vector<16xi1>, vector<16xi32>
        %add3A_473 = arith.addi %select_n3A_471, %select_n3A_471 : vector<16xi32>
        %swap3A_474 = arith.constant 32 : index
        %swap3A_475 = tpu.vector_load %arg12[%swap3A_474] {strides = array<i32>} : memref<128xi32, #tpu.memory_space<vmem>>, vector<16xi32>,
        tpu.vector_store %arg12[%swap3A_474], %add3A_473 {strides = array<i32>} : memref<128xi32, #tpu.memory_space<vmem>>, vector<16xi32>,
        %add3A_476 = arith.addi %select_n3A_472, %select_n3A_472 : vector<16xi32>
        %swap3A_477 = arith.constant 96 : index
        %swap3A_478 = tpu.vector_load %arg12[%swap3A_477] {strides = array<i32>} : memref<128xi32, #tpu.memory_space<vmem>>, vector<16xi32>,
        tpu.vector_store %arg12[%swap3A_477], %add3A_476 {strides = array<i32>} : memref<128xi32, #tpu.memory_space<vmem>>, vector<16xi32>,
        %add3A_479 = arith.constant 500 : i32
        %add3A_480 = vector.broadcast %add3A_479 : i32 to vector<16xi32>
        %add3A_481 = arith.addi %get3A_422, %add3A_480 : vector<16xi32>
        %select_n3A_482 = arith.select %eq3A_438, %get3A_422, %add3A_481 : vector<16xi1>, vector<16xi32>
        %add3A_483 = arith.constant 32 : i32
        %add3A_484 = arith.addi %mul3A_393, %add3A_483 : i32
        %swap3A_485 = arith.index_cast %add3A_484 : i32 to index
        %swap3A_486 = tpu.vector_load %arg10[%swap3A_485] {strides = array<i32>} : memref<8192xi32, #tpu.memory_space<vmem>>, vector<16xi32>,
        tpu.vector_store %arg10[%swap3A_485], %select_n3A_482 {strides = array<i32>} : memref<8192xi32, #tpu.memory_space<vmem>>, vector<16xi32>,
        %select_n3A_487 = arith.select %eq3A_438, %get3A_428, %get3A_430 : vector<16xi1>, vector<16xi32>
        %select_n3A_488 = arith.select %eq3A_438, %get3A_430, %get3A_428 : vector<16xi1>, vector<16xi32>
        %add3A_489 = arith.addi %select_n3A_487, %select_n3A_487 : vector<16xi32>
        %swap3A_490 = arith.constant 48 : index
        %swap3A_491 = tpu.vector_load %arg12[%swap3A_490] {strides = array<i32>} : memref<128xi32, #tpu.memory_space<vmem>>, vector<16xi32>,
        tpu.vector_store %arg12[%swap3A_490], %add3A_489 {strides = array<i32>} : memref<128xi32, #tpu.memory_space<vmem>>, vector<16xi32>,
        %add3A_492 = arith.addi %select_n3A_488, %select_n3A_488 : vector<16xi32>
        %swap3A_493 = arith.constant 112 : index
        %swap3A_494 = tpu.vector_load %arg12[%swap3A_493] {strides = array<i32>} : memref<128xi32, #tpu.memory_space<vmem>>, vector<16xi32>,
        tpu.vector_store %arg12[%swap3A_493], %add3A_492 {strides = array<i32>} : memref<128xi32, #tpu.memory_space<vmem>>, vector<16xi32>,
        %add3A_495 = arith.constant 500 : i32
        %add3A_496 = vector.broadcast %add3A_495 : i32 to vector<16xi32>
        %add3A_497 = arith.addi %get3A_432, %add3A_496 : vector<16xi32>
        %select_n3A_498 = arith.select %eq3A_438, %get3A_432, %add3A_497 : vector<16xi1>, vector<16xi32>
        %add3A_499 = arith.constant 48 : i32
        %add3A_500 = arith.addi %mul3A_393, %add3A_499 : i32
        %swap3A_501 = arith.index_cast %add3A_500 : i32 to index
        %swap3A_502 = tpu.vector_load %arg10[%swap3A_501] {strides = array<i32>} : memref<8192xi32, #tpu.memory_space<vmem>>, vector<16xi32>,
        tpu.vector_store %arg10[%swap3A_501], %select_n3A_498 {strides = array<i32>} : memref<8192xi32, #tpu.memory_space<vmem>>, vector<16xi32>,
        %dma_start3A_503 = arith.constant 0 : i32
        %dma_start3A_504 = arith.constant 0 : i32
        %dma_start3A_505 = tpu.memref_slice %arg2[%dma_start3A_503, %dma_start3A_504] : memref<2000000x64xf32, #tpu.memory_space<hbm>> -> memref<2000000x64xf32, #tpu.memory_space<hbm>>
        tpu.enqueue_indirect_dma source(%dma_start3A_505 : memref<2000000x64xf32, #tpu.memory_space<hbm>>) target(%arg14 : memref<128x64xf32, #tpu.memory_space<vmem>>) offsets(%arg12 : memref<128xi32, #tpu.memory_space<vmem>>) semaphore(%arg18 : memref<!tpu.dma_semaphore, #tpu.memory_space<semaphore_mem>>)
      } else {
      }
      %dma_wait3A_256 = arith.constant 0 : i32
      %dma_wait3A_257 = arith.constant 0 : i32
      %dma_wait3A_258 = tpu.memref_slice %arg2[%dma_wait3A_256, %dma_wait3A_257] : memref<2000000x64xf32, #tpu.memory_space<hbm>> -> memref<2000000x64xf32, #tpu.memory_space<hbm>>
      tpu.wait_indirect_dma semaphore(%arg19 : memref<!tpu.dma_semaphore, #tpu.memory_space<semaphore_mem>>) src(%dma_wait3A_258 : memref<2000000x64xf32, #tpu.memory_space<hbm>>) dst(%arg15 : memref<128x64xf32, #tpu.memory_space<vmem>>)
      %gt3A_259 = arith.constant 0 : i32
      %gt3A_260 = arith.cmpi sgt, %scan3A_104, %gt3A_259 : i32
      %convert_element_type3A_261 = arith.extui %gt3A_260 : i1 to i32
      %cond3A_262 = arith.constant 0 : i32
      %cond3A_263 = arith.cmpi ne, %convert_element_type3A_261, %cond3A_262 : i32
      scf.if %cond3A_263 {
        %dma_wait3A_388 = arith.constant 0 : i32
        %dma_wait3A_389 = tpu.memref_slice %arg7[%dma_wait3A_388] : memref<262144xf32, #tpu.memory_space<hbm>> -> memref<64xf32, #tpu.memory_space<hbm>>
        %dma_wait3A_390 = arith.constant 0 : i32
        %dma_wait3A_391 = tpu.memref_slice %arg7[%dma_wait3A_390] : memref<262144xf32, #tpu.memory_space<hbm>> -> memref<64xf32, #tpu.memory_space<hbm>>
        tpu.wait_dma2 semaphore(%arg21 : memref<!tpu.dma_semaphore, #tpu.memory_space<semaphore_mem>>) src(%arg17 : memref<64xf32, #tpu.memory_space<vmem>>) dst(%dma_wait3A_391 : memref<64xf32, #tpu.memory_space<hbm>>)
      } else {
      }
      %mul3A_264 = arith.constant 64 : i32
      %mul3A_265 = arith.muli %add3A_246, %mul3A_264 : i32
      %broadcast_in_dim3A_266 = arith.constant 0 : i32
      %broadcast_in_dim3A_267 = vector.broadcast %broadcast_in_dim3A_266 : i32 to vector<16xi32>
      %add3A_268 = arith.constant 0 : i32
      %add3A_269 = vector.broadcast %add3A_268 : i32 to vector<16xi32>
      %add3A_270 = arith.addi %iota3A, %add3A_269 : vector<16xi32>
      %add3A_271 = arith.constant 0 : i32
      %add3A_272 = arith.addi %mul3A_265, %add3A_271 : i32
      %get3A_273 = arith.index_cast %add3A_272 : i32 to index
      %get3A_274 = tpu.vector_load %arg10[%get3A_273] {strides = array<i32>} : memref<8192xi32, #tpu.memory_space<vmem>>, vector<16xi32>,
      %mul3A_275 = arith.constant 64 : i32
      %mul3A_276 = vector.broadcast %mul3A_275 : i32 to vector<16xi32>
      %mul3A_277 = arith.muli %add3A_270, %mul3A_276 : vector<16xi32>
      %add3A_278 = arith.constant 4096 : i32
      %add3A_279 = vector.broadcast %add3A_278 : i32 to vector<16xi32>
      %add3A_280 = arith.addi %mul3A_277, %add3A_279 : vector<16xi32>
      %mul3A_281 = arith.constant 64 : i32
      %mul3A_282 = vector.broadcast %mul3A_281 : i32 to vector<16xi32>
      %mul3A_283 = arith.muli %get3A_274, %mul3A_282 : vector<16xi32>
      %broadcast_in_dim3A_284 = arith.constant 0.000000e+00 : f32
      %broadcast_in_dim3A_285 = vector.broadcast %broadcast_in_dim3A_284 : f32 to vector<16xf32>
      %scan3A_286 = arith.constant 0 : i32
      %scan3A_287 = arith.constant 4 : i32
      %scan3A_288 = arith.addi %scan3A_286, %scan3A_287 : i32
      %scan3A_289 = arith.constant 1 : i32
      %scan3A_290:5 = scf.for %scan3A_388 = %scan3A_286 to %scan3A_288 step %scan3A_289 iter_args(%scan3A_389 = %iota3A, %scan3A_390 = %broadcast_in_dim3A_285, %scan3A_391 = %broadcast_in_dim3A_285, %scan3A_392 = %broadcast_in_dim3A_285, %scan3A_393 = %broadcast_in_dim3A_285) -> (vector<16xi32>, vector<16xf32>, vector<16xf32>, vector<16xf32>, vector<16xf32>)  : i32 {
        %add3A_394 = arith.constant 0 : i32
        %add3A_395 = vector.broadcast %add3A_394 : i32 to vector<16xi32>
        %add3A_396 = arith.addi %scan3A_389, %add3A_395 : vector<16xi32>
        %and3A_397 = arith.constant 63 : i32
        %and3A_398 = vector.broadcast %and3A_397 : i32 to vector<16xi32>
        %and3A_399 = arith.andi %add3A_396, %and3A_398 : vector<16xi32>
        %add3A_400 = arith.addi %mul3A_277, %and3A_399 : vector<16xi32>
        %gather3A_401 = tpu.vector_load_idx %arg15[%broadcast_in_dim3A_267, %add3A_400] : memref<128x64xf32, #tpu.memory_space<vmem>>[vector<16xi32>, vector<16xi32>], vector<16xf32>,
        %add3A_402 = arith.addi %add3A_280, %and3A_399 : vector<16xi32>
        %gather3A_403 = tpu.vector_load_idx %arg15[%broadcast_in_dim3A_267, %add3A_402] : memref<128x64xf32, #tpu.memory_space<vmem>>[vector<16xi32>, vector<16xi32>], vector<16xf32>,
        %add3A_404 = arith.addi %mul3A_283, %and3A_399 : vector<16xi32>
        %gather3A_405 = tpu.vector_load_idx %arg11[%broadcast_in_dim3A_267, %add3A_404] : memref<1000x64xf32, #tpu.memory_space<vmem>>[vector<16xi32>, vector<16xi32>], vector<16xf32>,
        %mul3A_406 = arith.mulf %gather3A_401, %gather3A_403 : vector<16xf32>
        %mul3A_407 = arith.mulf %mul3A_406, %gather3A_405 : vector<16xf32>
        %add3A_408 = arith.addf %scan3A_390, %mul3A_407 : vector<16xf32>
        %add3A_409 = arith.constant 1 : i32
        %add3A_410 = vector.broadcast %add3A_409 : i32 to vector<16xi32>
        %add3A_411 = arith.addi %scan3A_389, %add3A_410 : vector<16xi32>
        %and3A_412 = arith.constant 63 : i32
        %and3A_413 = vector.broadcast %and3A_412 : i32 to vector<16xi32>
        %and3A_414 = arith.andi %add3A_411, %and3A_413 : vector<16xi32>
        %add3A_415 = arith.addi %mul3A_277, %and3A_414 : vector<16xi32>
        %gather3A_416 = tpu.vector_load_idx %arg15[%broadcast_in_dim3A_267, %add3A_415] : memref<128x64xf32, #tpu.memory_space<vmem>>[vector<16xi32>, vector<16xi32>], vector<16xf32>,
        %add3A_417 = arith.addi %add3A_280, %and3A_414 : vector<16xi32>
        %gather3A_418 = tpu.vector_load_idx %arg15[%broadcast_in_dim3A_267, %add3A_417] : memref<128x64xf32, #tpu.memory_space<vmem>>[vector<16xi32>, vector<16xi32>], vector<16xf32>,
        %add3A_419 = arith.addi %mul3A_283, %and3A_414 : vector<16xi32>
        %gather3A_420 = tpu.vector_load_idx %arg11[%broadcast_in_dim3A_267, %add3A_419] : memref<1000x64xf32, #tpu.memory_space<vmem>>[vector<16xi32>, vector<16xi32>], vector<16xf32>,
        %mul3A_421 = arith.mulf %gather3A_416, %gather3A_418 : vector<16xf32>
        %mul3A_422 = arith.mulf %mul3A_421, %gather3A_420 : vector<16xf32>
        %add3A_423 = arith.addf %scan3A_391, %mul3A_422 : vector<16xf32>
        %add3A_424 = arith.constant 2 : i32
        %add3A_425 = vector.broadcast %add3A_424 : i32 to vector<16xi32>
        %add3A_426 = arith.addi %scan3A_389, %add3A_425 : vector<16xi32>
        %and3A_427 = arith.constant 63 : i32
        %and3A_428 = vector.broadcast %and3A_427 : i32 to vector<16xi32>
        %and3A_429 = arith.andi %add3A_426, %and3A_428 : vector<16xi32>
        %add3A_430 = arith.addi %mul3A_277, %and3A_429 : vector<16xi32>
        %gather3A_431 = tpu.vector_load_idx %arg15[%broadcast_in_dim3A_267, %add3A_430] : memref<128x64xf32, #tpu.memory_space<vmem>>[vector<16xi32>, vector<16xi32>], vector<16xf32>,
        %add3A_432 = arith.addi %add3A_280, %and3A_429 : vector<16xi32>
        %gather3A_433 = tpu.vector_load_idx %arg15[%broadcast_in_dim3A_267, %add3A_432] : memref<128x64xf32, #tpu.memory_space<vmem>>[vector<16xi32>, vector<16xi32>], vector<16xf32>,
        %add3A_434 = arith.addi %mul3A_283, %and3A_429 : vector<16xi32>
        %gather3A_435 = tpu.vector_load_idx %arg11[%broadcast_in_dim3A_267, %add3A_434] : memref<1000x64xf32, #tpu.memory_space<vmem>>[vector<16xi32>, vector<16xi32>], vector<16xf32>,
        %mul3A_436 = arith.mulf %gather3A_431, %gather3A_433 : vector<16xf32>
        %mul3A_437 = arith.mulf %mul3A_436, %gather3A_435 : vector<16xf32>
        %add3A_438 = arith.addf %scan3A_392, %mul3A_437 : vector<16xf32>
        %add3A_439 = arith.constant 3 : i32
        %add3A_440 = vector.broadcast %add3A_439 : i32 to vector<16xi32>
        %add3A_441 = arith.addi %scan3A_389, %add3A_440 : vector<16xi32>
        %and3A_442 = arith.constant 63 : i32
        %and3A_443 = vector.broadcast %and3A_442 : i32 to vector<16xi32>
        %and3A_444 = arith.andi %add3A_441, %and3A_443 : vector<16xi32>
        %add3A_445 = arith.addi %mul3A_277, %and3A_444 : vector<16xi32>
        %gather3A_446 = tpu.vector_load_idx %arg15[%broadcast_in_dim3A_267, %add3A_445] : memref<128x64xf32, #tpu.memory_space<vmem>>[vector<16xi32>, vector<16xi32>], vector<16xf32>,
        %add3A_447 = arith.addi %add3A_280, %and3A_444 : vector<16xi32>
        %gather3A_448 = tpu.vector_load_idx %arg15[%broadcast_in_dim3A_267, %add3A_447] : memref<128x64xf32, #tpu.memory_space<vmem>>[vector<16xi32>, vector<16xi32>], vector<16xf32>,
        %add3A_449 = arith.addi %mul3A_283, %and3A_444 : vector<16xi32>
        %gather3A_450 = tpu.vector_load_idx %arg11[%broadcast_in_dim3A_267, %add3A_449] : memref<1000x64xf32, #tpu.memory_space<vmem>>[vector<16xi32>, vector<16xi32>], vector<16xf32>,
        %mul3A_451 = arith.mulf %gather3A_446, %gather3A_448 : vector<16xf32>
        %mul3A_452 = arith.mulf %mul3A_451, %gather3A_450 : vector<16xf32>
        %add3A_453 = arith.addf %scan3A_393, %mul3A_452 : vector<16xf32>
        %add3A_454 = arith.constant 4 : i32
        %add3A_455 = vector.broadcast %add3A_454 : i32 to vector<16xi32>
        %add3A_456 = arith.addi %scan3A_389, %add3A_455 : vector<16xi32>
        %and3A_457 = arith.constant 63 : i32
        %and3A_458 = vector.broadcast %and3A_457 : i32 to vector<16xi32>
        %and3A_459 = arith.andi %add3A_456, %and3A_458 : vector<16xi32>
        %add3A_460 = arith.addi %mul3A_277, %and3A_459 : vector<16xi32>
        %gather3A_461 = tpu.vector_load_idx %arg15[%broadcast_in_dim3A_267, %add3A_460] : memref<128x64xf32, #tpu.memory_space<vmem>>[vector<16xi32>, vector<16xi32>], vector<16xf32>,
        %add3A_462 = arith.addi %add3A_280, %and3A_459 : vector<16xi32>
        %gather3A_463 = tpu.vector_load_idx %arg15[%broadcast_in_dim3A_267, %add3A_462] : memref<128x64xf32, #tpu.memory_space<vmem>>[vector<16xi32>, vector<16xi32>], vector<16xf32>,
        %add3A_464 = arith.addi %mul3A_283, %and3A_459 : vector<16xi32>
        %gather3A_465 = tpu.vector_load_idx %arg11[%broadcast_in_dim3A_267, %add3A_464] : memref<1000x64xf32, #tpu.memory_space<vmem>>[vector<16xi32>, vector<16xi32>], vector<16xf32>,
        %mul3A_466 = arith.mulf %gather3A_461, %gather3A_463 : vector<16xf32>
        %mul3A_467 = arith.mulf %mul3A_466, %gather3A_465 : vector<16xf32>
        %add3A_468 = arith.addf %add3A_408, %mul3A_467 : vector<16xf32>
        %add3A_469 = arith.constant 5 : i32
        %add3A_470 = vector.broadcast %add3A_469 : i32 to vector<16xi32>
        %add3A_471 = arith.addi %scan3A_389, %add3A_470 : vector<16xi32>
        %and3A_472 = arith.constant 63 : i32
        %and3A_473 = vector.broadcast %and3A_472 : i32 to vector<16xi32>
        %and3A_474 = arith.andi %add3A_471, %and3A_473 : vector<16xi32>
        %add3A_475 = arith.addi %mul3A_277, %and3A_474 : vector<16xi32>
        %gather3A_476 = tpu.vector_load_idx %arg15[%broadcast_in_dim3A_267, %add3A_475] : memref<128x64xf32, #tpu.memory_space<vmem>>[vector<16xi32>, vector<16xi32>], vector<16xf32>,
        %add3A_477 = arith.addi %add3A_280, %and3A_474 : vector<16xi32>
        %gather3A_478 = tpu.vector_load_idx %arg15[%broadcast_in_dim3A_267, %add3A_477] : memref<128x64xf32, #tpu.memory_space<vmem>>[vector<16xi32>, vector<16xi32>], vector<16xf32>,
        %add3A_479 = arith.addi %mul3A_283, %and3A_474 : vector<16xi32>
        %gather3A_480 = tpu.vector_load_idx %arg11[%broadcast_in_dim3A_267, %add3A_479] : memref<1000x64xf32, #tpu.memory_space<vmem>>[vector<16xi32>, vector<16xi32>], vector<16xf32>,
        %mul3A_481 = arith.mulf %gather3A_476, %gather3A_478 : vector<16xf32>
        %mul3A_482 = arith.mulf %mul3A_481, %gather3A_480 : vector<16xf32>
        %add3A_483 = arith.addf %add3A_423, %mul3A_482 : vector<16xf32>
        %add3A_484 = arith.constant 6 : i32
        %add3A_485 = vector.broadcast %add3A_484 : i32 to vector<16xi32>
        %add3A_486 = arith.addi %scan3A_389, %add3A_485 : vector<16xi32>
        %and3A_487 = arith.constant 63 : i32
        %and3A_488 = vector.broadcast %and3A_487 : i32 to vector<16xi32>
        %and3A_489 = arith.andi %add3A_486, %and3A_488 : vector<16xi32>
        %add3A_490 = arith.addi %mul3A_277, %and3A_489 : vector<16xi32>
        %gather3A_491 = tpu.vector_load_idx %arg15[%broadcast_in_dim3A_267, %add3A_490] : memref<128x64xf32, #tpu.memory_space<vmem>>[vector<16xi32>, vector<16xi32>], vector<16xf32>,
        %add3A_492 = arith.addi %add3A_280, %and3A_489 : vector<16xi32>
        %gather3A_493 = tpu.vector_load_idx %arg15[%broadcast_in_dim3A_267, %add3A_492] : memref<128x64xf32, #tpu.memory_space<vmem>>[vector<16xi32>, vector<16xi32>], vector<16xf32>,
        %add3A_494 = arith.addi %mul3A_283, %and3A_489 : vector<16xi32>
        %gather3A_495 = tpu.vector_load_idx %arg11[%broadcast_in_dim3A_267, %add3A_494] : memref<1000x64xf32, #tpu.memory_space<vmem>>[vector<16xi32>, vector<16xi32>], vector<16xf32>,
        %mul3A_496 = arith.mulf %gather3A_491, %gather3A_493 : vector<16xf32>
        %mul3A_497 = arith.mulf %mul3A_496, %gather3A_495 : vector<16xf32>
        %add3A_498 = arith.addf %add3A_438, %mul3A_497 : vector<16xf32>
        %add3A_499 = arith.constant 7 : i32
        %add3A_500 = vector.broadcast %add3A_499 : i32 to vector<16xi32>
        %add3A_501 = arith.addi %scan3A_389, %add3A_500 : vector<16xi32>
        %and3A_502 = arith.constant 63 : i32
        %and3A_503 = vector.broadcast %and3A_502 : i32 to vector<16xi32>
        %and3A_504 = arith.andi %add3A_501, %and3A_503 : vector<16xi32>
        %add3A_505 = arith.addi %mul3A_277, %and3A_504 : vector<16xi32>
        %gather3A_506 = tpu.vector_load_idx %arg15[%broadcast_in_dim3A_267, %add3A_505] : memref<128x64xf32, #tpu.memory_space<vmem>>[vector<16xi32>, vector<16xi32>], vector<16xf32>,
        %add3A_507 = arith.addi %add3A_280, %and3A_504 : vector<16xi32>
        %gather3A_508 = tpu.vector_load_idx %arg15[%broadcast_in_dim3A_267, %add3A_507] : memref<128x64xf32, #tpu.memory_space<vmem>>[vector<16xi32>, vector<16xi32>], vector<16xf32>,
        %add3A_509 = arith.addi %mul3A_283, %and3A_504 : vector<16xi32>
        %gather3A_510 = tpu.vector_load_idx %arg11[%broadcast_in_dim3A_267, %add3A_509] : memref<1000x64xf32, #tpu.memory_space<vmem>>[vector<16xi32>, vector<16xi32>], vector<16xf32>,
        %mul3A_511 = arith.mulf %gather3A_506, %gather3A_508 : vector<16xf32>
        %mul3A_512 = arith.mulf %mul3A_511, %gather3A_510 : vector<16xf32>
        %add3A_513 = arith.addf %add3A_453, %mul3A_512 : vector<16xf32>
        %add3A_514 = arith.constant 8 : i32
        %add3A_515 = vector.broadcast %add3A_514 : i32 to vector<16xi32>
        %add3A_516 = arith.addi %scan3A_389, %add3A_515 : vector<16xi32>
        %and3A_517 = arith.constant 63 : i32
        %and3A_518 = vector.broadcast %and3A_517 : i32 to vector<16xi32>
        %and3A_519 = arith.andi %add3A_516, %and3A_518 : vector<16xi32>
        %add3A_520 = arith.addi %mul3A_277, %and3A_519 : vector<16xi32>
        %gather3A_521 = tpu.vector_load_idx %arg15[%broadcast_in_dim3A_267, %add3A_520] : memref<128x64xf32, #tpu.memory_space<vmem>>[vector<16xi32>, vector<16xi32>], vector<16xf32>,
        %add3A_522 = arith.addi %add3A_280, %and3A_519 : vector<16xi32>
        %gather3A_523 = tpu.vector_load_idx %arg15[%broadcast_in_dim3A_267, %add3A_522] : memref<128x64xf32, #tpu.memory_space<vmem>>[vector<16xi32>, vector<16xi32>], vector<16xf32>,
        %add3A_524 = arith.addi %mul3A_283, %and3A_519 : vector<16xi32>
        %gather3A_525 = tpu.vector_load_idx %arg11[%broadcast_in_dim3A_267, %add3A_524] : memref<1000x64xf32, #tpu.memory_space<vmem>>[vector<16xi32>, vector<16xi32>], vector<16xf32>,
        %mul3A_526 = arith.mulf %gather3A_521, %gather3A_523 : vector<16xf32>
        %mul3A_527 = arith.mulf %mul3A_526, %gather3A_525 : vector<16xf32>
        %add3A_528 = arith.addf %add3A_468, %mul3A_527 : vector<16xf32>
        %add3A_529 = arith.constant 9 : i32
        %add3A_530 = vector.broadcast %add3A_529 : i32 to vector<16xi32>
        %add3A_531 = arith.addi %scan3A_389, %add3A_530 : vector<16xi32>
        %and3A_532 = arith.constant 63 : i32
        %and3A_533 = vector.broadcast %and3A_532 : i32 to vector<16xi32>
        %and3A_534 = arith.andi %add3A_531, %and3A_533 : vector<16xi32>
        %add3A_535 = arith.addi %mul3A_277, %and3A_534 : vector<16xi32>
        %gather3A_536 = tpu.vector_load_idx %arg15[%broadcast_in_dim3A_267, %add3A_535] : memref<128x64xf32, #tpu.memory_space<vmem>>[vector<16xi32>, vector<16xi32>], vector<16xf32>,
        %add3A_537 = arith.addi %add3A_280, %and3A_534 : vector<16xi32>
        %gather3A_538 = tpu.vector_load_idx %arg15[%broadcast_in_dim3A_267, %add3A_537] : memref<128x64xf32, #tpu.memory_space<vmem>>[vector<16xi32>, vector<16xi32>], vector<16xf32>,
        %add3A_539 = arith.addi %mul3A_283, %and3A_534 : vector<16xi32>
        %gather3A_540 = tpu.vector_load_idx %arg11[%broadcast_in_dim3A_267, %add3A_539] : memref<1000x64xf32, #tpu.memory_space<vmem>>[vector<16xi32>, vector<16xi32>], vector<16xf32>,
        %mul3A_541 = arith.mulf %gather3A_536, %gather3A_538 : vector<16xf32>
        %mul3A_542 = arith.mulf %mul3A_541, %gather3A_540 : vector<16xf32>
        %add3A_543 = arith.addf %add3A_483, %mul3A_542 : vector<16xf32>
        %add3A_544 = arith.constant 10 : i32
        %add3A_545 = vector.broadcast %add3A_544 : i32 to vector<16xi32>
        %add3A_546 = arith.addi %scan3A_389, %add3A_545 : vector<16xi32>
        %and3A_547 = arith.constant 63 : i32
        %and3A_548 = vector.broadcast %and3A_547 : i32 to vector<16xi32>
        %and3A_549 = arith.andi %add3A_546, %and3A_548 : vector<16xi32>
        %add3A_550 = arith.addi %mul3A_277, %and3A_549 : vector<16xi32>
        %gather3A_551 = tpu.vector_load_idx %arg15[%broadcast_in_dim3A_267, %add3A_550] : memref<128x64xf32, #tpu.memory_space<vmem>>[vector<16xi32>, vector<16xi32>], vector<16xf32>,
        %add3A_552 = arith.addi %add3A_280, %and3A_549 : vector<16xi32>
        %gather3A_553 = tpu.vector_load_idx %arg15[%broadcast_in_dim3A_267, %add3A_552] : memref<128x64xf32, #tpu.memory_space<vmem>>[vector<16xi32>, vector<16xi32>], vector<16xf32>,
        %add3A_554 = arith.addi %mul3A_283, %and3A_549 : vector<16xi32>
        %gather3A_555 = tpu.vector_load_idx %arg11[%broadcast_in_dim3A_267, %add3A_554] : memref<1000x64xf32, #tpu.memory_space<vmem>>[vector<16xi32>, vector<16xi32>], vector<16xf32>,
        %mul3A_556 = arith.mulf %gather3A_551, %gather3A_553 : vector<16xf32>
        %mul3A_557 = arith.mulf %mul3A_556, %gather3A_555 : vector<16xf32>
        %add3A_558 = arith.addf %add3A_498, %mul3A_557 : vector<16xf32>
        %add3A_559 = arith.constant 11 : i32
        %add3A_560 = vector.broadcast %add3A_559 : i32 to vector<16xi32>
        %add3A_561 = arith.addi %scan3A_389, %add3A_560 : vector<16xi32>
        %and3A_562 = arith.constant 63 : i32
        %and3A_563 = vector.broadcast %and3A_562 : i32 to vector<16xi32>
        %and3A_564 = arith.andi %add3A_561, %and3A_563 : vector<16xi32>
        %add3A_565 = arith.addi %mul3A_277, %and3A_564 : vector<16xi32>
        %gather3A_566 = tpu.vector_load_idx %arg15[%broadcast_in_dim3A_267, %add3A_565] : memref<128x64xf32, #tpu.memory_space<vmem>>[vector<16xi32>, vector<16xi32>], vector<16xf32>,
        %add3A_567 = arith.addi %add3A_280, %and3A_564 : vector<16xi32>
        %gather3A_568 = tpu.vector_load_idx %arg15[%broadcast_in_dim3A_267, %add3A_567] : memref<128x64xf32, #tpu.memory_space<vmem>>[vector<16xi32>, vector<16xi32>], vector<16xf32>,
        %add3A_569 = arith.addi %mul3A_283, %and3A_564 : vector<16xi32>
        %gather3A_570 = tpu.vector_load_idx %arg11[%broadcast_in_dim3A_267, %add3A_569] : memref<1000x64xf32, #tpu.memory_space<vmem>>[vector<16xi32>, vector<16xi32>], vector<16xf32>,
        %mul3A_571 = arith.mulf %gather3A_566, %gather3A_568 : vector<16xf32>
        %mul3A_572 = arith.mulf %mul3A_571, %gather3A_570 : vector<16xf32>
        %add3A_573 = arith.addf %add3A_513, %mul3A_572 : vector<16xf32>
        %add3A_574 = arith.constant 12 : i32
        %add3A_575 = vector.broadcast %add3A_574 : i32 to vector<16xi32>
        %add3A_576 = arith.addi %scan3A_389, %add3A_575 : vector<16xi32>
        %and3A_577 = arith.constant 63 : i32
        %and3A_578 = vector.broadcast %and3A_577 : i32 to vector<16xi32>
        %and3A_579 = arith.andi %add3A_576, %and3A_578 : vector<16xi32>
        %add3A_580 = arith.addi %mul3A_277, %and3A_579 : vector<16xi32>
        %gather3A_581 = tpu.vector_load_idx %arg15[%broadcast_in_dim3A_267, %add3A_580] : memref<128x64xf32, #tpu.memory_space<vmem>>[vector<16xi32>, vector<16xi32>], vector<16xf32>,
        %add3A_582 = arith.addi %add3A_280, %and3A_579 : vector<16xi32>
        %gather3A_583 = tpu.vector_load_idx %arg15[%broadcast_in_dim3A_267, %add3A_582] : memref<128x64xf32, #tpu.memory_space<vmem>>[vector<16xi32>, vector<16xi32>], vector<16xf32>,
        %add3A_584 = arith.addi %mul3A_283, %and3A_579 : vector<16xi32>
        %gather3A_585 = tpu.vector_load_idx %arg11[%broadcast_in_dim3A_267, %add3A_584] : memref<1000x64xf32, #tpu.memory_space<vmem>>[vector<16xi32>, vector<16xi32>], vector<16xf32>,
        %mul3A_586 = arith.mulf %gather3A_581, %gather3A_583 : vector<16xf32>
        %mul3A_587 = arith.mulf %mul3A_586, %gather3A_585 : vector<16xf32>
        %add3A_588 = arith.addf %add3A_528, %mul3A_587 : vector<16xf32>
        %add3A_589 = arith.constant 13 : i32
        %add3A_590 = vector.broadcast %add3A_589 : i32 to vector<16xi32>
        %add3A_591 = arith.addi %scan3A_389, %add3A_590 : vector<16xi32>
        %and3A_592 = arith.constant 63 : i32
        %and3A_593 = vector.broadcast %and3A_592 : i32 to vector<16xi32>
        %and3A_594 = arith.andi %add3A_591, %and3A_593 : vector<16xi32>
        %add3A_595 = arith.addi %mul3A_277, %and3A_594 : vector<16xi32>
        %gather3A_596 = tpu.vector_load_idx %arg15[%broadcast_in_dim3A_267, %add3A_595] : memref<128x64xf32, #tpu.memory_space<vmem>>[vector<16xi32>, vector<16xi32>], vector<16xf32>,
        %add3A_597 = arith.addi %add3A_280, %and3A_594 : vector<16xi32>
        %gather3A_598 = tpu.vector_load_idx %arg15[%broadcast_in_dim3A_267, %add3A_597] : memref<128x64xf32, #tpu.memory_space<vmem>>[vector<16xi32>, vector<16xi32>], vector<16xf32>,
        %add3A_599 = arith.addi %mul3A_283, %and3A_594 : vector<16xi32>
        %gather3A_600 = tpu.vector_load_idx %arg11[%broadcast_in_dim3A_267, %add3A_599] : memref<1000x64xf32, #tpu.memory_space<vmem>>[vector<16xi32>, vector<16xi32>], vector<16xf32>,
        %mul3A_601 = arith.mulf %gather3A_596, %gather3A_598 : vector<16xf32>
        %mul3A_602 = arith.mulf %mul3A_601, %gather3A_600 : vector<16xf32>
        %add3A_603 = arith.addf %add3A_543, %mul3A_602 : vector<16xf32>
        %add3A_604 = arith.constant 14 : i32
        %add3A_605 = vector.broadcast %add3A_604 : i32 to vector<16xi32>
        %add3A_606 = arith.addi %scan3A_389, %add3A_605 : vector<16xi32>
        %and3A_607 = arith.constant 63 : i32
        %and3A_608 = vector.broadcast %and3A_607 : i32 to vector<16xi32>
        %and3A_609 = arith.andi %add3A_606, %and3A_608 : vector<16xi32>
        %add3A_610 = arith.addi %mul3A_277, %and3A_609 : vector<16xi32>
        %gather3A_611 = tpu.vector_load_idx %arg15[%broadcast_in_dim3A_267, %add3A_610] : memref<128x64xf32, #tpu.memory_space<vmem>>[vector<16xi32>, vector<16xi32>], vector<16xf32>,
        %add3A_612 = arith.addi %add3A_280, %and3A_609 : vector<16xi32>
        %gather3A_613 = tpu.vector_load_idx %arg15[%broadcast_in_dim3A_267, %add3A_612] : memref<128x64xf32, #tpu.memory_space<vmem>>[vector<16xi32>, vector<16xi32>], vector<16xf32>,
        %add3A_614 = arith.addi %mul3A_283, %and3A_609 : vector<16xi32>
        %gather3A_615 = tpu.vector_load_idx %arg11[%broadcast_in_dim3A_267, %add3A_614] : memref<1000x64xf32, #tpu.memory_space<vmem>>[vector<16xi32>, vector<16xi32>], vector<16xf32>,
        %mul3A_616 = arith.mulf %gather3A_611, %gather3A_613 : vector<16xf32>
        %mul3A_617 = arith.mulf %mul3A_616, %gather3A_615 : vector<16xf32>
        %add3A_618 = arith.addf %add3A_558, %mul3A_617 : vector<16xf32>
        %add3A_619 = arith.constant 15 : i32
        %add3A_620 = vector.broadcast %add3A_619 : i32 to vector<16xi32>
        %add3A_621 = arith.addi %scan3A_389, %add3A_620 : vector<16xi32>
        %and3A_622 = arith.constant 63 : i32
        %and3A_623 = vector.broadcast %and3A_622 : i32 to vector<16xi32>
        %and3A_624 = arith.andi %add3A_621, %and3A_623 : vector<16xi32>
        %add3A_625 = arith.addi %mul3A_277, %and3A_624 : vector<16xi32>
        %gather3A_626 = tpu.vector_load_idx %arg15[%broadcast_in_dim3A_267, %add3A_625] : memref<128x64xf32, #tpu.memory_space<vmem>>[vector<16xi32>, vector<16xi32>], vector<16xf32>,
        %add3A_627 = arith.addi %add3A_280, %and3A_624 : vector<16xi32>
        %gather3A_628 = tpu.vector_load_idx %arg15[%broadcast_in_dim3A_267, %add3A_627] : memref<128x64xf32, #tpu.memory_space<vmem>>[vector<16xi32>, vector<16xi32>], vector<16xf32>,
        %add3A_629 = arith.addi %mul3A_283, %and3A_624 : vector<16xi32>
        %gather3A_630 = tpu.vector_load_idx %arg11[%broadcast_in_dim3A_267, %add3A_629] : memref<1000x64xf32, #tpu.memory_space<vmem>>[vector<16xi32>, vector<16xi32>], vector<16xf32>,
        %mul3A_631 = arith.mulf %gather3A_626, %gather3A_628 : vector<16xf32>
        %mul3A_632 = arith.mulf %mul3A_631, %gather3A_630 : vector<16xf32>
        %add3A_633 = arith.addf %add3A_573, %mul3A_632 : vector<16xf32>
        %add3A_634 = arith.constant 16 : i32
        %add3A_635 = vector.broadcast %add3A_634 : i32 to vector<16xi32>
        %add3A_636 = arith.addi %scan3A_389, %add3A_635 : vector<16xi32>
        scf.yield %add3A_636, %add3A_588, %add3A_603, %add3A_618, %add3A_633 : vector<16xi32>, vector<16xf32>, vector<16xf32>, vector<16xf32>, vector<16xf32>
      }
      %scan3A_291 = arith.constant 4 : i32
      %add3A_292 = arith.addf %scan3A_290#1, %scan3A_290#2 : vector<16xf32>
      %add3A_293 = arith.addf %scan3A_290#3, %scan3A_290#4 : vector<16xf32>
      %add3A_294 = arith.addf %add3A_292, %add3A_293 : vector<16xf32>
      %swap3A_295 = arith.constant 0 : index
      %swap3A_296 = tpu.vector_load %arg17[%swap3A_295] {strides = array<i32>} : memref<64xf32, #tpu.memory_space<vmem>>, vector<16xf32>,
      tpu.vector_store %arg17[%swap3A_295], %add3A_294 {strides = array<i32>} : memref<64xf32, #tpu.memory_space<vmem>>, vector<16xf32>,
      %add3A_297 = arith.constant 16 : i32
      %add3A_298 = vector.broadcast %add3A_297 : i32 to vector<16xi32>
      %add3A_299 = arith.addi %iota3A, %add3A_298 : vector<16xi32>
      %add3A_300 = arith.constant 16 : i32
      %add3A_301 = arith.addi %mul3A_265, %add3A_300 : i32
      %get3A_302 = arith.index_cast %add3A_301 : i32 to index
      %get3A_303 = tpu.vector_load %arg10[%get3A_302] {strides = array<i32>} : memref<8192xi32, #tpu.memory_space<vmem>>, vector<16xi32>,
      %mul3A_304 = arith.constant 64 : i32
      %mul3A_305 = vector.broadcast %mul3A_304 : i32 to vector<16xi32>
      %mul3A_306 = arith.muli %add3A_299, %mul3A_305 : vector<16xi32>
      %add3A_307 = arith.constant 4096 : i32
      %add3A_308 = vector.broadcast %add3A_307 : i32 to vector<16xi32>
      %add3A_309 = arith.addi %mul3A_306, %add3A_308 : vector<16xi32>
      %mul3A_310 = arith.constant 64 : i32
      %mul3A_311 = vector.broadcast %mul3A_310 : i32 to vector<16xi32>
      %mul3A_312 = arith.muli %get3A_303, %mul3A_311 : vector<16xi32>
      %broadcast_in_dim3A_313 = arith.constant 0.000000e+00 : f32
      %broadcast_in_dim3A_314 = vector.broadcast %broadcast_in_dim3A_313 : f32 to vector<16xf32>
      %scan3A_315 = arith.constant 0 : i32
      %scan3A_316 = arith.constant 4 : i32
      %scan3A_317 = arith.addi %scan3A_315, %scan3A_316 : i32
      %scan3A_318 = arith.constant 1 : i32
      %scan3A_319:5 = scf.for %scan3A_388 = %scan3A_315 to %scan3A_317 step %scan3A_318 iter_args(%scan3A_389 = %iota3A, %scan3A_390 = %broadcast_in_dim3A_314, %scan3A_391 = %broadcast_in_dim3A_314, %scan3A_392 = %broadcast_in_dim3A_314, %scan3A_393 = %broadcast_in_dim3A_314) -> (vector<16xi32>, vector<16xf32>, vector<16xf32>, vector<16xf32>, vector<16xf32>)  : i32 {
        %add3A_394 = arith.constant 0 : i32
        %add3A_395 = vector.broadcast %add3A_394 : i32 to vector<16xi32>
        %add3A_396 = arith.addi %scan3A_389, %add3A_395 : vector<16xi32>
        %and3A_397 = arith.constant 63 : i32
        %and3A_398 = vector.broadcast %and3A_397 : i32 to vector<16xi32>
        %and3A_399 = arith.andi %add3A_396, %and3A_398 : vector<16xi32>
        %add3A_400 = arith.addi %mul3A_306, %and3A_399 : vector<16xi32>
        %gather3A_401 = tpu.vector_load_idx %arg15[%broadcast_in_dim3A_267, %add3A_400] : memref<128x64xf32, #tpu.memory_space<vmem>>[vector<16xi32>, vector<16xi32>], vector<16xf32>,
        %add3A_402 = arith.addi %add3A_309, %and3A_399 : vector<16xi32>
        %gather3A_403 = tpu.vector_load_idx %arg15[%broadcast_in_dim3A_267, %add3A_402] : memref<128x64xf32, #tpu.memory_space<vmem>>[vector<16xi32>, vector<16xi32>], vector<16xf32>,
        %add3A_404 = arith.addi %mul3A_312, %and3A_399 : vector<16xi32>
        %gather3A_405 = tpu.vector_load_idx %arg11[%broadcast_in_dim3A_267, %add3A_404] : memref<1000x64xf32, #tpu.memory_space<vmem>>[vector<16xi32>, vector<16xi32>], vector<16xf32>,
        %mul3A_406 = arith.mulf %gather3A_401, %gather3A_403 : vector<16xf32>
        %mul3A_407 = arith.mulf %mul3A_406, %gather3A_405 : vector<16xf32>
        %add3A_408 = arith.addf %scan3A_390, %mul3A_407 : vector<16xf32>
        %add3A_409 = arith.constant 1 : i32
        %add3A_410 = vector.broadcast %add3A_409 : i32 to vector<16xi32>
        %add3A_411 = arith.addi %scan3A_389, %add3A_410 : vector<16xi32>
        %and3A_412 = arith.constant 63 : i32
        %and3A_413 = vector.broadcast %and3A_412 : i32 to vector<16xi32>
        %and3A_414 = arith.andi %add3A_411, %and3A_413 : vector<16xi32>
        %add3A_415 = arith.addi %mul3A_306, %and3A_414 : vector<16xi32>
        %gather3A_416 = tpu.vector_load_idx %arg15[%broadcast_in_dim3A_267, %add3A_415] : memref<128x64xf32, #tpu.memory_space<vmem>>[vector<16xi32>, vector<16xi32>], vector<16xf32>,
        %add3A_417 = arith.addi %add3A_309, %and3A_414 : vector<16xi32>
        %gather3A_418 = tpu.vector_load_idx %arg15[%broadcast_in_dim3A_267, %add3A_417] : memref<128x64xf32, #tpu.memory_space<vmem>>[vector<16xi32>, vector<16xi32>], vector<16xf32>,
        %add3A_419 = arith.addi %mul3A_312, %and3A_414 : vector<16xi32>
        %gather3A_420 = tpu.vector_load_idx %arg11[%broadcast_in_dim3A_267, %add3A_419] : memref<1000x64xf32, #tpu.memory_space<vmem>>[vector<16xi32>, vector<16xi32>], vector<16xf32>,
        %mul3A_421 = arith.mulf %gather3A_416, %gather3A_418 : vector<16xf32>
        %mul3A_422 = arith.mulf %mul3A_421, %gather3A_420 : vector<16xf32>
        %add3A_423 = arith.addf %scan3A_391, %mul3A_422 : vector<16xf32>
        %add3A_424 = arith.constant 2 : i32
        %add3A_425 = vector.broadcast %add3A_424 : i32 to vector<16xi32>
        %add3A_426 = arith.addi %scan3A_389, %add3A_425 : vector<16xi32>
        %and3A_427 = arith.constant 63 : i32
        %and3A_428 = vector.broadcast %and3A_427 : i32 to vector<16xi32>
        %and3A_429 = arith.andi %add3A_426, %and3A_428 : vector<16xi32>
        %add3A_430 = arith.addi %mul3A_306, %and3A_429 : vector<16xi32>
        %gather3A_431 = tpu.vector_load_idx %arg15[%broadcast_in_dim3A_267, %add3A_430] : memref<128x64xf32, #tpu.memory_space<vmem>>[vector<16xi32>, vector<16xi32>], vector<16xf32>,
        %add3A_432 = arith.addi %add3A_309, %and3A_429 : vector<16xi32>
        %gather3A_433 = tpu.vector_load_idx %arg15[%broadcast_in_dim3A_267, %add3A_432] : memref<128x64xf32, #tpu.memory_space<vmem>>[vector<16xi32>, vector<16xi32>], vector<16xf32>,
        %add3A_434 = arith.addi %mul3A_312, %and3A_429 : vector<16xi32>
        %gather3A_435 = tpu.vector_load_idx %arg11[%broadcast_in_dim3A_267, %add3A_434] : memref<1000x64xf32, #tpu.memory_space<vmem>>[vector<16xi32>, vector<16xi32>], vector<16xf32>,
        %mul3A_436 = arith.mulf %gather3A_431, %gather3A_433 : vector<16xf32>
        %mul3A_437 = arith.mulf %mul3A_436, %gather3A_435 : vector<16xf32>
        %add3A_438 = arith.addf %scan3A_392, %mul3A_437 : vector<16xf32>
        %add3A_439 = arith.constant 3 : i32
        %add3A_440 = vector.broadcast %add3A_439 : i32 to vector<16xi32>
        %add3A_441 = arith.addi %scan3A_389, %add3A_440 : vector<16xi32>
        %and3A_442 = arith.constant 63 : i32
        %and3A_443 = vector.broadcast %and3A_442 : i32 to vector<16xi32>
        %and3A_444 = arith.andi %add3A_441, %and3A_443 : vector<16xi32>
        %add3A_445 = arith.addi %mul3A_306, %and3A_444 : vector<16xi32>
        %gather3A_446 = tpu.vector_load_idx %arg15[%broadcast_in_dim3A_267, %add3A_445] : memref<128x64xf32, #tpu.memory_space<vmem>>[vector<16xi32>, vector<16xi32>], vector<16xf32>,
        %add3A_447 = arith.addi %add3A_309, %and3A_444 : vector<16xi32>
        %gather3A_448 = tpu.vector_load_idx %arg15[%broadcast_in_dim3A_267, %add3A_447] : memref<128x64xf32, #tpu.memory_space<vmem>>[vector<16xi32>, vector<16xi32>], vector<16xf32>,
        %add3A_449 = arith.addi %mul3A_312, %and3A_444 : vector<16xi32>
        %gather3A_450 = tpu.vector_load_idx %arg11[%broadcast_in_dim3A_267, %add3A_449] : memref<1000x64xf32, #tpu.memory_space<vmem>>[vector<16xi32>, vector<16xi32>], vector<16xf32>,
        %mul3A_451 = arith.mulf %gather3A_446, %gather3A_448 : vector<16xf32>
        %mul3A_452 = arith.mulf %mul3A_451, %gather3A_450 : vector<16xf32>
        %add3A_453 = arith.addf %scan3A_393, %mul3A_452 : vector<16xf32>
        %add3A_454 = arith.constant 4 : i32
        %add3A_455 = vector.broadcast %add3A_454 : i32 to vector<16xi32>
        %add3A_456 = arith.addi %scan3A_389, %add3A_455 : vector<16xi32>
        %and3A_457 = arith.constant 63 : i32
        %and3A_458 = vector.broadcast %and3A_457 : i32 to vector<16xi32>
        %and3A_459 = arith.andi %add3A_456, %and3A_458 : vector<16xi32>
        %add3A_460 = arith.addi %mul3A_306, %and3A_459 : vector<16xi32>
        %gather3A_461 = tpu.vector_load_idx %arg15[%broadcast_in_dim3A_267, %add3A_460] : memref<128x64xf32, #tpu.memory_space<vmem>>[vector<16xi32>, vector<16xi32>], vector<16xf32>,
        %add3A_462 = arith.addi %add3A_309, %and3A_459 : vector<16xi32>
        %gather3A_463 = tpu.vector_load_idx %arg15[%broadcast_in_dim3A_267, %add3A_462] : memref<128x64xf32, #tpu.memory_space<vmem>>[vector<16xi32>, vector<16xi32>], vector<16xf32>,
        %add3A_464 = arith.addi %mul3A_312, %and3A_459 : vector<16xi32>
        %gather3A_465 = tpu.vector_load_idx %arg11[%broadcast_in_dim3A_267, %add3A_464] : memref<1000x64xf32, #tpu.memory_space<vmem>>[vector<16xi32>, vector<16xi32>], vector<16xf32>,
        %mul3A_466 = arith.mulf %gather3A_461, %gather3A_463 : vector<16xf32>
        %mul3A_467 = arith.mulf %mul3A_466, %gather3A_465 : vector<16xf32>
        %add3A_468 = arith.addf %add3A_408, %mul3A_467 : vector<16xf32>
        %add3A_469 = arith.constant 5 : i32
        %add3A_470 = vector.broadcast %add3A_469 : i32 to vector<16xi32>
        %add3A_471 = arith.addi %scan3A_389, %add3A_470 : vector<16xi32>
        %and3A_472 = arith.constant 63 : i32
        %and3A_473 = vector.broadcast %and3A_472 : i32 to vector<16xi32>
        %and3A_474 = arith.andi %add3A_471, %and3A_473 : vector<16xi32>
        %add3A_475 = arith.addi %mul3A_306, %and3A_474 : vector<16xi32>
        %gather3A_476 = tpu.vector_load_idx %arg15[%broadcast_in_dim3A_267, %add3A_475] : memref<128x64xf32, #tpu.memory_space<vmem>>[vector<16xi32>, vector<16xi32>], vector<16xf32>,
        %add3A_477 = arith.addi %add3A_309, %and3A_474 : vector<16xi32>
        %gather3A_478 = tpu.vector_load_idx %arg15[%broadcast_in_dim3A_267, %add3A_477] : memref<128x64xf32, #tpu.memory_space<vmem>>[vector<16xi32>, vector<16xi32>], vector<16xf32>,
        %add3A_479 = arith.addi %mul3A_312, %and3A_474 : vector<16xi32>
        %gather3A_480 = tpu.vector_load_idx %arg11[%broadcast_in_dim3A_267, %add3A_479] : memref<1000x64xf32, #tpu.memory_space<vmem>>[vector<16xi32>, vector<16xi32>], vector<16xf32>,
        %mul3A_481 = arith.mulf %gather3A_476, %gather3A_478 : vector<16xf32>
        %mul3A_482 = arith.mulf %mul3A_481, %gather3A_480 : vector<16xf32>
        %add3A_483 = arith.addf %add3A_423, %mul3A_482 : vector<16xf32>
        %add3A_484 = arith.constant 6 : i32
        %add3A_485 = vector.broadcast %add3A_484 : i32 to vector<16xi32>
        %add3A_486 = arith.addi %scan3A_389, %add3A_485 : vector<16xi32>
        %and3A_487 = arith.constant 63 : i32
        %and3A_488 = vector.broadcast %and3A_487 : i32 to vector<16xi32>
        %and3A_489 = arith.andi %add3A_486, %and3A_488 : vector<16xi32>
        %add3A_490 = arith.addi %mul3A_306, %and3A_489 : vector<16xi32>
        %gather3A_491 = tpu.vector_load_idx %arg15[%broadcast_in_dim3A_267, %add3A_490] : memref<128x64xf32, #tpu.memory_space<vmem>>[vector<16xi32>, vector<16xi32>], vector<16xf32>,
        %add3A_492 = arith.addi %add3A_309, %and3A_489 : vector<16xi32>
        %gather3A_493 = tpu.vector_load_idx %arg15[%broadcast_in_dim3A_267, %add3A_492] : memref<128x64xf32, #tpu.memory_space<vmem>>[vector<16xi32>, vector<16xi32>], vector<16xf32>,
        %add3A_494 = arith.addi %mul3A_312, %and3A_489 : vector<16xi32>
        %gather3A_495 = tpu.vector_load_idx %arg11[%broadcast_in_dim3A_267, %add3A_494] : memref<1000x64xf32, #tpu.memory_space<vmem>>[vector<16xi32>, vector<16xi32>], vector<16xf32>,
        %mul3A_496 = arith.mulf %gather3A_491, %gather3A_493 : vector<16xf32>
        %mul3A_497 = arith.mulf %mul3A_496, %gather3A_495 : vector<16xf32>
        %add3A_498 = arith.addf %add3A_438, %mul3A_497 : vector<16xf32>
        %add3A_499 = arith.constant 7 : i32
        %add3A_500 = vector.broadcast %add3A_499 : i32 to vector<16xi32>
        %add3A_501 = arith.addi %scan3A_389, %add3A_500 : vector<16xi32>
        %and3A_502 = arith.constant 63 : i32
        %and3A_503 = vector.broadcast %and3A_502 : i32 to vector<16xi32>
        %and3A_504 = arith.andi %add3A_501, %and3A_503 : vector<16xi32>
        %add3A_505 = arith.addi %mul3A_306, %and3A_504 : vector<16xi32>
        %gather3A_506 = tpu.vector_load_idx %arg15[%broadcast_in_dim3A_267, %add3A_505] : memref<128x64xf32, #tpu.memory_space<vmem>>[vector<16xi32>, vector<16xi32>], vector<16xf32>,
        %add3A_507 = arith.addi %add3A_309, %and3A_504 : vector<16xi32>
        %gather3A_508 = tpu.vector_load_idx %arg15[%broadcast_in_dim3A_267, %add3A_507] : memref<128x64xf32, #tpu.memory_space<vmem>>[vector<16xi32>, vector<16xi32>], vector<16xf32>,
        %add3A_509 = arith.addi %mul3A_312, %and3A_504 : vector<16xi32>
        %gather3A_510 = tpu.vector_load_idx %arg11[%broadcast_in_dim3A_267, %add3A_509] : memref<1000x64xf32, #tpu.memory_space<vmem>>[vector<16xi32>, vector<16xi32>], vector<16xf32>,
        %mul3A_511 = arith.mulf %gather3A_506, %gather3A_508 : vector<16xf32>
        %mul3A_512 = arith.mulf %mul3A_511, %gather3A_510 : vector<16xf32>
        %add3A_513 = arith.addf %add3A_453, %mul3A_512 : vector<16xf32>
        %add3A_514 = arith.constant 8 : i32
        %add3A_515 = vector.broadcast %add3A_514 : i32 to vector<16xi32>
        %add3A_516 = arith.addi %scan3A_389, %add3A_515 : vector<16xi32>
        %and3A_517 = arith.constant 63 : i32
        %and3A_518 = vector.broadcast %and3A_517 : i32 to vector<16xi32>
        %and3A_519 = arith.andi %add3A_516, %and3A_518 : vector<16xi32>
        %add3A_520 = arith.addi %mul3A_306, %and3A_519 : vector<16xi32>
        %gather3A_521 = tpu.vector_load_idx %arg15[%broadcast_in_dim3A_267, %add3A_520] : memref<128x64xf32, #tpu.memory_space<vmem>>[vector<16xi32>, vector<16xi32>], vector<16xf32>,
        %add3A_522 = arith.addi %add3A_309, %and3A_519 : vector<16xi32>
        %gather3A_523 = tpu.vector_load_idx %arg15[%broadcast_in_dim3A_267, %add3A_522] : memref<128x64xf32, #tpu.memory_space<vmem>>[vector<16xi32>, vector<16xi32>], vector<16xf32>,
        %add3A_524 = arith.addi %mul3A_312, %and3A_519 : vector<16xi32>
        %gather3A_525 = tpu.vector_load_idx %arg11[%broadcast_in_dim3A_267, %add3A_524] : memref<1000x64xf32, #tpu.memory_space<vmem>>[vector<16xi32>, vector<16xi32>], vector<16xf32>,
        %mul3A_526 = arith.mulf %gather3A_521, %gather3A_523 : vector<16xf32>
        %mul3A_527 = arith.mulf %mul3A_526, %gather3A_525 : vector<16xf32>
        %add3A_528 = arith.addf %add3A_468, %mul3A_527 : vector<16xf32>
        %add3A_529 = arith.constant 9 : i32
        %add3A_530 = vector.broadcast %add3A_529 : i32 to vector<16xi32>
        %add3A_531 = arith.addi %scan3A_389, %add3A_530 : vector<16xi32>
        %and3A_532 = arith.constant 63 : i32
        %and3A_533 = vector.broadcast %and3A_532 : i32 to vector<16xi32>
        %and3A_534 = arith.andi %add3A_531, %and3A_533 : vector<16xi32>
        %add3A_535 = arith.addi %mul3A_306, %and3A_534 : vector<16xi32>
        %gather3A_536 = tpu.vector_load_idx %arg15[%broadcast_in_dim3A_267, %add3A_535] : memref<128x64xf32, #tpu.memory_space<vmem>>[vector<16xi32>, vector<16xi32>], vector<16xf32>,
        %add3A_537 = arith.addi %add3A_309, %and3A_534 : vector<16xi32>
        %gather3A_538 = tpu.vector_load_idx %arg15[%broadcast_in_dim3A_267, %add3A_537] : memref<128x64xf32, #tpu.memory_space<vmem>>[vector<16xi32>, vector<16xi32>], vector<16xf32>,
        %add3A_539 = arith.addi %mul3A_312, %and3A_534 : vector<16xi32>
        %gather3A_540 = tpu.vector_load_idx %arg11[%broadcast_in_dim3A_267, %add3A_539] : memref<1000x64xf32, #tpu.memory_space<vmem>>[vector<16xi32>, vector<16xi32>], vector<16xf32>,
        %mul3A_541 = arith.mulf %gather3A_536, %gather3A_538 : vector<16xf32>
        %mul3A_542 = arith.mulf %mul3A_541, %gather3A_540 : vector<16xf32>
        %add3A_543 = arith.addf %add3A_483, %mul3A_542 : vector<16xf32>
        %add3A_544 = arith.constant 10 : i32
        %add3A_545 = vector.broadcast %add3A_544 : i32 to vector<16xi32>
        %add3A_546 = arith.addi %scan3A_389, %add3A_545 : vector<16xi32>
        %and3A_547 = arith.constant 63 : i32
        %and3A_548 = vector.broadcast %and3A_547 : i32 to vector<16xi32>
        %and3A_549 = arith.andi %add3A_546, %and3A_548 : vector<16xi32>
        %add3A_550 = arith.addi %mul3A_306, %and3A_549 : vector<16xi32>
        %gather3A_551 = tpu.vector_load_idx %arg15[%broadcast_in_dim3A_267, %add3A_550] : memref<128x64xf32, #tpu.memory_space<vmem>>[vector<16xi32>, vector<16xi32>], vector<16xf32>,
        %add3A_552 = arith.addi %add3A_309, %and3A_549 : vector<16xi32>
        %gather3A_553 = tpu.vector_load_idx %arg15[%broadcast_in_dim3A_267, %add3A_552] : memref<128x64xf32, #tpu.memory_space<vmem>>[vector<16xi32>, vector<16xi32>], vector<16xf32>,
        %add3A_554 = arith.addi %mul3A_312, %and3A_549 : vector<16xi32>
        %gather3A_555 = tpu.vector_load_idx %arg11[%broadcast_in_dim3A_267, %add3A_554] : memref<1000x64xf32, #tpu.memory_space<vmem>>[vector<16xi32>, vector<16xi32>], vector<16xf32>,
        %mul3A_556 = arith.mulf %gather3A_551, %gather3A_553 : vector<16xf32>
        %mul3A_557 = arith.mulf %mul3A_556, %gather3A_555 : vector<16xf32>
        %add3A_558 = arith.addf %add3A_498, %mul3A_557 : vector<16xf32>
        %add3A_559 = arith.constant 11 : i32
        %add3A_560 = vector.broadcast %add3A_559 : i32 to vector<16xi32>
        %add3A_561 = arith.addi %scan3A_389, %add3A_560 : vector<16xi32>
        %and3A_562 = arith.constant 63 : i32
        %and3A_563 = vector.broadcast %and3A_562 : i32 to vector<16xi32>
        %and3A_564 = arith.andi %add3A_561, %and3A_563 : vector<16xi32>
        %add3A_565 = arith.addi %mul3A_306, %and3A_564 : vector<16xi32>
        %gather3A_566 = tpu.vector_load_idx %arg15[%broadcast_in_dim3A_267, %add3A_565] : memref<128x64xf32, #tpu.memory_space<vmem>>[vector<16xi32>, vector<16xi32>], vector<16xf32>,
        %add3A_567 = arith.addi %add3A_309, %and3A_564 : vector<16xi32>
        %gather3A_568 = tpu.vector_load_idx %arg15[%broadcast_in_dim3A_267, %add3A_567] : memref<128x64xf32, #tpu.memory_space<vmem>>[vector<16xi32>, vector<16xi32>], vector<16xf32>,
        %add3A_569 = arith.addi %mul3A_312, %and3A_564 : vector<16xi32>
        %gather3A_570 = tpu.vector_load_idx %arg11[%broadcast_in_dim3A_267, %add3A_569] : memref<1000x64xf32, #tpu.memory_space<vmem>>[vector<16xi32>, vector<16xi32>], vector<16xf32>,
        %mul3A_571 = arith.mulf %gather3A_566, %gather3A_568 : vector<16xf32>
        %mul3A_572 = arith.mulf %mul3A_571, %gather3A_570 : vector<16xf32>
        %add3A_573 = arith.addf %add3A_513, %mul3A_572 : vector<16xf32>
        %add3A_574 = arith.constant 12 : i32
        %add3A_575 = vector.broadcast %add3A_574 : i32 to vector<16xi32>
        %add3A_576 = arith.addi %scan3A_389, %add3A_575 : vector<16xi32>
        %and3A_577 = arith.constant 63 : i32
        %and3A_578 = vector.broadcast %and3A_577 : i32 to vector<16xi32>
        %and3A_579 = arith.andi %add3A_576, %and3A_578 : vector<16xi32>
        %add3A_580 = arith.addi %mul3A_306, %and3A_579 : vector<16xi32>
        %gather3A_581 = tpu.vector_load_idx %arg15[%broadcast_in_dim3A_267, %add3A_580] : memref<128x64xf32, #tpu.memory_space<vmem>>[vector<16xi32>, vector<16xi32>], vector<16xf32>,
        %add3A_582 = arith.addi %add3A_309, %and3A_579 : vector<16xi32>
        %gather3A_583 = tpu.vector_load_idx %arg15[%broadcast_in_dim3A_267, %add3A_582] : memref<128x64xf32, #tpu.memory_space<vmem>>[vector<16xi32>, vector<16xi32>], vector<16xf32>,
        %add3A_584 = arith.addi %mul3A_312, %and3A_579 : vector<16xi32>
        %gather3A_585 = tpu.vector_load_idx %arg11[%broadcast_in_dim3A_267, %add3A_584] : memref<1000x64xf32, #tpu.memory_space<vmem>>[vector<16xi32>, vector<16xi32>], vector<16xf32>,
        %mul3A_586 = arith.mulf %gather3A_581, %gather3A_583 : vector<16xf32>
        %mul3A_587 = arith.mulf %mul3A_586, %gather3A_585 : vector<16xf32>
        %add3A_588 = arith.addf %add3A_528, %mul3A_587 : vector<16xf32>
        %add3A_589 = arith.constant 13 : i32
        %add3A_590 = vector.broadcast %add3A_589 : i32 to vector<16xi32>
        %add3A_591 = arith.addi %scan3A_389, %add3A_590 : vector<16xi32>
        %and3A_592 = arith.constant 63 : i32
        %and3A_593 = vector.broadcast %and3A_592 : i32 to vector<16xi32>
        %and3A_594 = arith.andi %add3A_591, %and3A_593 : vector<16xi32>
        %add3A_595 = arith.addi %mul3A_306, %and3A_594 : vector<16xi32>
        %gather3A_596 = tpu.vector_load_idx %arg15[%broadcast_in_dim3A_267, %add3A_595] : memref<128x64xf32, #tpu.memory_space<vmem>>[vector<16xi32>, vector<16xi32>], vector<16xf32>,
        %add3A_597 = arith.addi %add3A_309, %and3A_594 : vector<16xi32>
        %gather3A_598 = tpu.vector_load_idx %arg15[%broadcast_in_dim3A_267, %add3A_597] : memref<128x64xf32, #tpu.memory_space<vmem>>[vector<16xi32>, vector<16xi32>], vector<16xf32>,
        %add3A_599 = arith.addi %mul3A_312, %and3A_594 : vector<16xi32>
        %gather3A_600 = tpu.vector_load_idx %arg11[%broadcast_in_dim3A_267, %add3A_599] : memref<1000x64xf32, #tpu.memory_space<vmem>>[vector<16xi32>, vector<16xi32>], vector<16xf32>,
        %mul3A_601 = arith.mulf %gather3A_596, %gather3A_598 : vector<16xf32>
        %mul3A_602 = arith.mulf %mul3A_601, %gather3A_600 : vector<16xf32>
        %add3A_603 = arith.addf %add3A_543, %mul3A_602 : vector<16xf32>
        %add3A_604 = arith.constant 14 : i32
        %add3A_605 = vector.broadcast %add3A_604 : i32 to vector<16xi32>
        %add3A_606 = arith.addi %scan3A_389, %add3A_605 : vector<16xi32>
        %and3A_607 = arith.constant 63 : i32
        %and3A_608 = vector.broadcast %and3A_607 : i32 to vector<16xi32>
        %and3A_609 = arith.andi %add3A_606, %and3A_608 : vector<16xi32>
        %add3A_610 = arith.addi %mul3A_306, %and3A_609 : vector<16xi32>
        %gather3A_611 = tpu.vector_load_idx %arg15[%broadcast_in_dim3A_267, %add3A_610] : memref<128x64xf32, #tpu.memory_space<vmem>>[vector<16xi32>, vector<16xi32>], vector<16xf32>,
        %add3A_612 = arith.addi %add3A_309, %and3A_609 : vector<16xi32>
        %gather3A_613 = tpu.vector_load_idx %arg15[%broadcast_in_dim3A_267, %add3A_612] : memref<128x64xf32, #tpu.memory_space<vmem>>[vector<16xi32>, vector<16xi32>], vector<16xf32>,
        %add3A_614 = arith.addi %mul3A_312, %and3A_609 : vector<16xi32>
        %gather3A_615 = tpu.vector_load_idx %arg11[%broadcast_in_dim3A_267, %add3A_614] : memref<1000x64xf32, #tpu.memory_space<vmem>>[vector<16xi32>, vector<16xi32>], vector<16xf32>,
        %mul3A_616 = arith.mulf %gather3A_611, %gather3A_613 : vector<16xf32>
        %mul3A_617 = arith.mulf %mul3A_616, %gather3A_615 : vector<16xf32>
        %add3A_618 = arith.addf %add3A_558, %mul3A_617 : vector<16xf32>
        %add3A_619 = arith.constant 15 : i32
        %add3A_620 = vector.broadcast %add3A_619 : i32 to vector<16xi32>
        %add3A_621 = arith.addi %scan3A_389, %add3A_620 : vector<16xi32>
        %and3A_622 = arith.constant 63 : i32
        %and3A_623 = vector.broadcast %and3A_622 : i32 to vector<16xi32>
        %and3A_624 = arith.andi %add3A_621, %and3A_623 : vector<16xi32>
        %add3A_625 = arith.addi %mul3A_306, %and3A_624 : vector<16xi32>
        %gather3A_626 = tpu.vector_load_idx %arg15[%broadcast_in_dim3A_267, %add3A_625] : memref<128x64xf32, #tpu.memory_space<vmem>>[vector<16xi32>, vector<16xi32>], vector<16xf32>,
        %add3A_627 = arith.addi %add3A_309, %and3A_624 : vector<16xi32>
        %gather3A_628 = tpu.vector_load_idx %arg15[%broadcast_in_dim3A_267, %add3A_627] : memref<128x64xf32, #tpu.memory_space<vmem>>[vector<16xi32>, vector<16xi32>], vector<16xf32>,
        %add3A_629 = arith.addi %mul3A_312, %and3A_624 : vector<16xi32>
        %gather3A_630 = tpu.vector_load_idx %arg11[%broadcast_in_dim3A_267, %add3A_629] : memref<1000x64xf32, #tpu.memory_space<vmem>>[vector<16xi32>, vector<16xi32>], vector<16xf32>,
        %mul3A_631 = arith.mulf %gather3A_626, %gather3A_628 : vector<16xf32>
        %mul3A_632 = arith.mulf %mul3A_631, %gather3A_630 : vector<16xf32>
        %add3A_633 = arith.addf %add3A_573, %mul3A_632 : vector<16xf32>
        %add3A_634 = arith.constant 16 : i32
        %add3A_635 = vector.broadcast %add3A_634 : i32 to vector<16xi32>
        %add3A_636 = arith.addi %scan3A_389, %add3A_635 : vector<16xi32>
        scf.yield %add3A_636, %add3A_588, %add3A_603, %add3A_618, %add3A_633 : vector<16xi32>, vector<16xf32>, vector<16xf32>, vector<16xf32>, vector<16xf32>
      }
      %scan3A_320 = arith.constant 4 : i32
      %add3A_321 = arith.addf %scan3A_319#1, %scan3A_319#2 : vector<16xf32>
      %add3A_322 = arith.addf %scan3A_319#3, %scan3A_319#4 : vector<16xf32>
      %add3A_323 = arith.addf %add3A_321, %add3A_322 : vector<16xf32>
      %swap3A_324 = arith.constant 16 : index
      %swap3A_325 = tpu.vector_load %arg17[%swap3A_324] {strides = array<i32>} : memref<64xf32, #tpu.memory_space<vmem>>, vector<16xf32>,
      tpu.vector_store %arg17[%swap3A_324], %add3A_323 {strides = array<i32>} : memref<64xf32, #tpu.memory_space<vmem>>, vector<16xf32>,
      %add3A_326 = arith.constant 32 : i32
      %add3A_327 = vector.broadcast %add3A_326 : i32 to vector<16xi32>
      %add3A_328 = arith.addi %iota3A, %add3A_327 : vector<16xi32>
      %add3A_329 = arith.constant 32 : i32
      %add3A_330 = arith.addi %mul3A_265, %add3A_329 : i32
      %get3A_331 = arith.index_cast %add3A_330 : i32 to index
      %get3A_332 = tpu.vector_load %arg10[%get3A_331] {strides = array<i32>} : memref<8192xi32, #tpu.memory_space<vmem>>, vector<16xi32>,
      %mul3A_333 = arith.constant 64 : i32
      %mul3A_334 = vector.broadcast %mul3A_333 : i32 to vector<16xi32>
      %mul3A_335 = arith.muli %add3A_328, %mul3A_334 : vector<16xi32>
      %add3A_336 = arith.constant 4096 : i32
      %add3A_337 = vector.broadcast %add3A_336 : i32 to vector<16xi32>
      %add3A_338 = arith.addi %mul3A_335, %add3A_337 : vector<16xi32>
      %mul3A_339 = arith.constant 64 : i32
      %mul3A_340 = vector.broadcast %mul3A_339 : i32 to vector<16xi32>
      %mul3A_341 = arith.muli %get3A_332, %mul3A_340 : vector<16xi32>
      %broadcast_in_dim3A_342 = arith.constant 0.000000e+00 : f32
      %broadcast_in_dim3A_343 = vector.broadcast %broadcast_in_dim3A_342 : f32 to vector<16xf32>
      %scan3A_344 = arith.constant 0 : i32
      %scan3A_345 = arith.constant 4 : i32
      %scan3A_346 = arith.addi %scan3A_344, %scan3A_345 : i32
      %scan3A_347 = arith.constant 1 : i32
      %scan3A_348:5 = scf.for %scan3A_388 = %scan3A_344 to %scan3A_346 step %scan3A_347 iter_args(%scan3A_389 = %iota3A, %scan3A_390 = %broadcast_in_dim3A_343, %scan3A_391 = %broadcast_in_dim3A_343, %scan3A_392 = %broadcast_in_dim3A_343, %scan3A_393 = %broadcast_in_dim3A_343) -> (vector<16xi32>, vector<16xf32>, vector<16xf32>, vector<16xf32>, vector<16xf32>)  : i32 {
        %add3A_394 = arith.constant 0 : i32
        %add3A_395 = vector.broadcast %add3A_394 : i32 to vector<16xi32>
        %add3A_396 = arith.addi %scan3A_389, %add3A_395 : vector<16xi32>
        %and3A_397 = arith.constant 63 : i32
        %and3A_398 = vector.broadcast %and3A_397 : i32 to vector<16xi32>
        %and3A_399 = arith.andi %add3A_396, %and3A_398 : vector<16xi32>
        %add3A_400 = arith.addi %mul3A_335, %and3A_399 : vector<16xi32>
        %gather3A_401 = tpu.vector_load_idx %arg15[%broadcast_in_dim3A_267, %add3A_400] : memref<128x64xf32, #tpu.memory_space<vmem>>[vector<16xi32>, vector<16xi32>], vector<16xf32>,
        %add3A_402 = arith.addi %add3A_338, %and3A_399 : vector<16xi32>
        %gather3A_403 = tpu.vector_load_idx %arg15[%broadcast_in_dim3A_267, %add3A_402] : memref<128x64xf32, #tpu.memory_space<vmem>>[vector<16xi32>, vector<16xi32>], vector<16xf32>,
        %add3A_404 = arith.addi %mul3A_341, %and3A_399 : vector<16xi32>
        %gather3A_405 = tpu.vector_load_idx %arg11[%broadcast_in_dim3A_267, %add3A_404] : memref<1000x64xf32, #tpu.memory_space<vmem>>[vector<16xi32>, vector<16xi32>], vector<16xf32>,
        %mul3A_406 = arith.mulf %gather3A_401, %gather3A_403 : vector<16xf32>
        %mul3A_407 = arith.mulf %mul3A_406, %gather3A_405 : vector<16xf32>
        %add3A_408 = arith.addf %scan3A_390, %mul3A_407 : vector<16xf32>
        %add3A_409 = arith.constant 1 : i32
        %add3A_410 = vector.broadcast %add3A_409 : i32 to vector<16xi32>
        %add3A_411 = arith.addi %scan3A_389, %add3A_410 : vector<16xi32>
        %and3A_412 = arith.constant 63 : i32
        %and3A_413 = vector.broadcast %and3A_412 : i32 to vector<16xi32>
        %and3A_414 = arith.andi %add3A_411, %and3A_413 : vector<16xi32>
        %add3A_415 = arith.addi %mul3A_335, %and3A_414 : vector<16xi32>
        %gather3A_416 = tpu.vector_load_idx %arg15[%broadcast_in_dim3A_267, %add3A_415] : memref<128x64xf32, #tpu.memory_space<vmem>>[vector<16xi32>, vector<16xi32>], vector<16xf32>,
        %add3A_417 = arith.addi %add3A_338, %and3A_414 : vector<16xi32>
        %gather3A_418 = tpu.vector_load_idx %arg15[%broadcast_in_dim3A_267, %add3A_417] : memref<128x64xf32, #tpu.memory_space<vmem>>[vector<16xi32>, vector<16xi32>], vector<16xf32>,
        %add3A_419 = arith.addi %mul3A_341, %and3A_414 : vector<16xi32>
        %gather3A_420 = tpu.vector_load_idx %arg11[%broadcast_in_dim3A_267, %add3A_419] : memref<1000x64xf32, #tpu.memory_space<vmem>>[vector<16xi32>, vector<16xi32>], vector<16xf32>,
        %mul3A_421 = arith.mulf %gather3A_416, %gather3A_418 : vector<16xf32>
        %mul3A_422 = arith.mulf %mul3A_421, %gather3A_420 : vector<16xf32>
        %add3A_423 = arith.addf %scan3A_391, %mul3A_422 : vector<16xf32>
        %add3A_424 = arith.constant 2 : i32
        %add3A_425 = vector.broadcast %add3A_424 : i32 to vector<16xi32>
        %add3A_426 = arith.addi %scan3A_389, %add3A_425 : vector<16xi32>
        %and3A_427 = arith.constant 63 : i32
        %and3A_428 = vector.broadcast %and3A_427 : i32 to vector<16xi32>
        %and3A_429 = arith.andi %add3A_426, %and3A_428 : vector<16xi32>
        %add3A_430 = arith.addi %mul3A_335, %and3A_429 : vector<16xi32>
        %gather3A_431 = tpu.vector_load_idx %arg15[%broadcast_in_dim3A_267, %add3A_430] : memref<128x64xf32, #tpu.memory_space<vmem>>[vector<16xi32>, vector<16xi32>], vector<16xf32>,
        %add3A_432 = arith.addi %add3A_338, %and3A_429 : vector<16xi32>
        %gather3A_433 = tpu.vector_load_idx %arg15[%broadcast_in_dim3A_267, %add3A_432] : memref<128x64xf32, #tpu.memory_space<vmem>>[vector<16xi32>, vector<16xi32>], vector<16xf32>,
        %add3A_434 = arith.addi %mul3A_341, %and3A_429 : vector<16xi32>
        %gather3A_435 = tpu.vector_load_idx %arg11[%broadcast_in_dim3A_267, %add3A_434] : memref<1000x64xf32, #tpu.memory_space<vmem>>[vector<16xi32>, vector<16xi32>], vector<16xf32>,
        %mul3A_436 = arith.mulf %gather3A_431, %gather3A_433 : vector<16xf32>
        %mul3A_437 = arith.mulf %mul3A_436, %gather3A_435 : vector<16xf32>
        %add3A_438 = arith.addf %scan3A_392, %mul3A_437 : vector<16xf32>
        %add3A_439 = arith.constant 3 : i32
        %add3A_440 = vector.broadcast %add3A_439 : i32 to vector<16xi32>
        %add3A_441 = arith.addi %scan3A_389, %add3A_440 : vector<16xi32>
        %and3A_442 = arith.constant 63 : i32
        %and3A_443 = vector.broadcast %and3A_442 : i32 to vector<16xi32>
        %and3A_444 = arith.andi %add3A_441, %and3A_443 : vector<16xi32>
        %add3A_445 = arith.addi %mul3A_335, %and3A_444 : vector<16xi32>
        %gather3A_446 = tpu.vector_load_idx %arg15[%broadcast_in_dim3A_267, %add3A_445] : memref<128x64xf32, #tpu.memory_space<vmem>>[vector<16xi32>, vector<16xi32>], vector<16xf32>,
        %add3A_447 = arith.addi %add3A_338, %and3A_444 : vector<16xi32>
        %gather3A_448 = tpu.vector_load_idx %arg15[%broadcast_in_dim3A_267, %add3A_447] : memref<128x64xf32, #tpu.memory_space<vmem>>[vector<16xi32>, vector<16xi32>], vector<16xf32>,
        %add3A_449 = arith.addi %mul3A_341, %and3A_444 : vector<16xi32>
        %gather3A_450 = tpu.vector_load_idx %arg11[%broadcast_in_dim3A_267, %add3A_449] : memref<1000x64xf32, #tpu.memory_space<vmem>>[vector<16xi32>, vector<16xi32>], vector<16xf32>,
        %mul3A_451 = arith.mulf %gather3A_446, %gather3A_448 : vector<16xf32>
        %mul3A_452 = arith.mulf %mul3A_451, %gather3A_450 : vector<16xf32>
        %add3A_453 = arith.addf %scan3A_393, %mul3A_452 : vector<16xf32>
        %add3A_454 = arith.constant 4 : i32
        %add3A_455 = vector.broadcast %add3A_454 : i32 to vector<16xi32>
        %add3A_456 = arith.addi %scan3A_389, %add3A_455 : vector<16xi32>
        %and3A_457 = arith.constant 63 : i32
        %and3A_458 = vector.broadcast %and3A_457 : i32 to vector<16xi32>
        %and3A_459 = arith.andi %add3A_456, %and3A_458 : vector<16xi32>
        %add3A_460 = arith.addi %mul3A_335, %and3A_459 : vector<16xi32>
        %gather3A_461 = tpu.vector_load_idx %arg15[%broadcast_in_dim3A_267, %add3A_460] : memref<128x64xf32, #tpu.memory_space<vmem>>[vector<16xi32>, vector<16xi32>], vector<16xf32>,
        %add3A_462 = arith.addi %add3A_338, %and3A_459 : vector<16xi32>
        %gather3A_463 = tpu.vector_load_idx %arg15[%broadcast_in_dim3A_267, %add3A_462] : memref<128x64xf32, #tpu.memory_space<vmem>>[vector<16xi32>, vector<16xi32>], vector<16xf32>,
        %add3A_464 = arith.addi %mul3A_341, %and3A_459 : vector<16xi32>
        %gather3A_465 = tpu.vector_load_idx %arg11[%broadcast_in_dim3A_267, %add3A_464] : memref<1000x64xf32, #tpu.memory_space<vmem>>[vector<16xi32>, vector<16xi32>], vector<16xf32>,
        %mul3A_466 = arith.mulf %gather3A_461, %gather3A_463 : vector<16xf32>
        %mul3A_467 = arith.mulf %mul3A_466, %gather3A_465 : vector<16xf32>
        %add3A_468 = arith.addf %add3A_408, %mul3A_467 : vector<16xf32>
        %add3A_469 = arith.constant 5 : i32
        %add3A_470 = vector.broadcast %add3A_469 : i32 to vector<16xi32>
        %add3A_471 = arith.addi %scan3A_389, %add3A_470 : vector<16xi32>
        %and3A_472 = arith.constant 63 : i32
        %and3A_473 = vector.broadcast %and3A_472 : i32 to vector<16xi32>
        %and3A_474 = arith.andi %add3A_471, %and3A_473 : vector<16xi32>
        %add3A_475 = arith.addi %mul3A_335, %and3A_474 : vector<16xi32>
        %gather3A_476 = tpu.vector_load_idx %arg15[%broadcast_in_dim3A_267, %add3A_475] : memref<128x64xf32, #tpu.memory_space<vmem>>[vector<16xi32>, vector<16xi32>], vector<16xf32>,
        %add3A_477 = arith.addi %add3A_338, %and3A_474 : vector<16xi32>
        %gather3A_478 = tpu.vector_load_idx %arg15[%broadcast_in_dim3A_267, %add3A_477] : memref<128x64xf32, #tpu.memory_space<vmem>>[vector<16xi32>, vector<16xi32>], vector<16xf32>,
        %add3A_479 = arith.addi %mul3A_341, %and3A_474 : vector<16xi32>
        %gather3A_480 = tpu.vector_load_idx %arg11[%broadcast_in_dim3A_267, %add3A_479] : memref<1000x64xf32, #tpu.memory_space<vmem>>[vector<16xi32>, vector<16xi32>], vector<16xf32>,
        %mul3A_481 = arith.mulf %gather3A_476, %gather3A_478 : vector<16xf32>
        %mul3A_482 = arith.mulf %mul3A_481, %gather3A_480 : vector<16xf32>
        %add3A_483 = arith.addf %add3A_423, %mul3A_482 : vector<16xf32>
        %add3A_484 = arith.constant 6 : i32
        %add3A_485 = vector.broadcast %add3A_484 : i32 to vector<16xi32>
        %add3A_486 = arith.addi %scan3A_389, %add3A_485 : vector<16xi32>
        %and3A_487 = arith.constant 63 : i32
        %and3A_488 = vector.broadcast %and3A_487 : i32 to vector<16xi32>
        %and3A_489 = arith.andi %add3A_486, %and3A_488 : vector<16xi32>
        %add3A_490 = arith.addi %mul3A_335, %and3A_489 : vector<16xi32>
        %gather3A_491 = tpu.vector_load_idx %arg15[%broadcast_in_dim3A_267, %add3A_490] : memref<128x64xf32, #tpu.memory_space<vmem>>[vector<16xi32>, vector<16xi32>], vector<16xf32>,
        %add3A_492 = arith.addi %add3A_338, %and3A_489 : vector<16xi32>
        %gather3A_493 = tpu.vector_load_idx %arg15[%broadcast_in_dim3A_267, %add3A_492] : memref<128x64xf32, #tpu.memory_space<vmem>>[vector<16xi32>, vector<16xi32>], vector<16xf32>,
        %add3A_494 = arith.addi %mul3A_341, %and3A_489 : vector<16xi32>
        %gather3A_495 = tpu.vector_load_idx %arg11[%broadcast_in_dim3A_267, %add3A_494] : memref<1000x64xf32, #tpu.memory_space<vmem>>[vector<16xi32>, vector<16xi32>], vector<16xf32>,
        %mul3A_496 = arith.mulf %gather3A_491, %gather3A_493 : vector<16xf32>
        %mul3A_497 = arith.mulf %mul3A_496, %gather3A_495 : vector<16xf32>
        %add3A_498 = arith.addf %add3A_438, %mul3A_497 : vector<16xf32>
        %add3A_499 = arith.constant 7 : i32
        %add3A_500 = vector.broadcast %add3A_499 : i32 to vector<16xi32>
        %add3A_501 = arith.addi %scan3A_389, %add3A_500 : vector<16xi32>
        %and3A_502 = arith.constant 63 : i32
        %and3A_503 = vector.broadcast %and3A_502 : i32 to vector<16xi32>
        %and3A_504 = arith.andi %add3A_501, %and3A_503 : vector<16xi32>
        %add3A_505 = arith.addi %mul3A_335, %and3A_504 : vector<16xi32>
        %gather3A_506 = tpu.vector_load_idx %arg15[%broadcast_in_dim3A_267, %add3A_505] : memref<128x64xf32, #tpu.memory_space<vmem>>[vector<16xi32>, vector<16xi32>], vector<16xf32>,
        %add3A_507 = arith.addi %add3A_338, %and3A_504 : vector<16xi32>
        %gather3A_508 = tpu.vector_load_idx %arg15[%broadcast_in_dim3A_267, %add3A_507] : memref<128x64xf32, #tpu.memory_space<vmem>>[vector<16xi32>, vector<16xi32>], vector<16xf32>,
        %add3A_509 = arith.addi %mul3A_341, %and3A_504 : vector<16xi32>
        %gather3A_510 = tpu.vector_load_idx %arg11[%broadcast_in_dim3A_267, %add3A_509] : memref<1000x64xf32, #tpu.memory_space<vmem>>[vector<16xi32>, vector<16xi32>], vector<16xf32>,
        %mul3A_511 = arith.mulf %gather3A_506, %gather3A_508 : vector<16xf32>
        %mul3A_512 = arith.mulf %mul3A_511, %gather3A_510 : vector<16xf32>
        %add3A_513 = arith.addf %add3A_453, %mul3A_512 : vector<16xf32>
        %add3A_514 = arith.constant 8 : i32
        %add3A_515 = vector.broadcast %add3A_514 : i32 to vector<16xi32>
        %add3A_516 = arith.addi %scan3A_389, %add3A_515 : vector<16xi32>
        %and3A_517 = arith.constant 63 : i32
        %and3A_518 = vector.broadcast %and3A_517 : i32 to vector<16xi32>
        %and3A_519 = arith.andi %add3A_516, %and3A_518 : vector<16xi32>
        %add3A_520 = arith.addi %mul3A_335, %and3A_519 : vector<16xi32>
        %gather3A_521 = tpu.vector_load_idx %arg15[%broadcast_in_dim3A_267, %add3A_520] : memref<128x64xf32, #tpu.memory_space<vmem>>[vector<16xi32>, vector<16xi32>], vector<16xf32>,
        %add3A_522 = arith.addi %add3A_338, %and3A_519 : vector<16xi32>
        %gather3A_523 = tpu.vector_load_idx %arg15[%broadcast_in_dim3A_267, %add3A_522] : memref<128x64xf32, #tpu.memory_space<vmem>>[vector<16xi32>, vector<16xi32>], vector<16xf32>,
        %add3A_524 = arith.addi %mul3A_341, %and3A_519 : vector<16xi32>
        %gather3A_525 = tpu.vector_load_idx %arg11[%broadcast_in_dim3A_267, %add3A_524] : memref<1000x64xf32, #tpu.memory_space<vmem>>[vector<16xi32>, vector<16xi32>], vector<16xf32>,
        %mul3A_526 = arith.mulf %gather3A_521, %gather3A_523 : vector<16xf32>
        %mul3A_527 = arith.mulf %mul3A_526, %gather3A_525 : vector<16xf32>
        %add3A_528 = arith.addf %add3A_468, %mul3A_527 : vector<16xf32>
        %add3A_529 = arith.constant 9 : i32
        %add3A_530 = vector.broadcast %add3A_529 : i32 to vector<16xi32>
        %add3A_531 = arith.addi %scan3A_389, %add3A_530 : vector<16xi32>
        %and3A_532 = arith.constant 63 : i32
        %and3A_533 = vector.broadcast %and3A_532 : i32 to vector<16xi32>
        %and3A_534 = arith.andi %add3A_531, %and3A_533 : vector<16xi32>
        %add3A_535 = arith.addi %mul3A_335, %and3A_534 : vector<16xi32>
        %gather3A_536 = tpu.vector_load_idx %arg15[%broadcast_in_dim3A_267, %add3A_535] : memref<128x64xf32, #tpu.memory_space<vmem>>[vector<16xi32>, vector<16xi32>], vector<16xf32>,
        %add3A_537 = arith.addi %add3A_338, %and3A_534 : vector<16xi32>
        %gather3A_538 = tpu.vector_load_idx %arg15[%broadcast_in_dim3A_267, %add3A_537] : memref<128x64xf32, #tpu.memory_space<vmem>>[vector<16xi32>, vector<16xi32>], vector<16xf32>,
        %add3A_539 = arith.addi %mul3A_341, %and3A_534 : vector<16xi32>
        %gather3A_540 = tpu.vector_load_idx %arg11[%broadcast_in_dim3A_267, %add3A_539] : memref<1000x64xf32, #tpu.memory_space<vmem>>[vector<16xi32>, vector<16xi32>], vector<16xf32>,
        %mul3A_541 = arith.mulf %gather3A_536, %gather3A_538 : vector<16xf32>
        %mul3A_542 = arith.mulf %mul3A_541, %gather3A_540 : vector<16xf32>
        %add3A_543 = arith.addf %add3A_483, %mul3A_542 : vector<16xf32>
        %add3A_544 = arith.constant 10 : i32
        %add3A_545 = vector.broadcast %add3A_544 : i32 to vector<16xi32>
        %add3A_546 = arith.addi %scan3A_389, %add3A_545 : vector<16xi32>
        %and3A_547 = arith.constant 63 : i32
        %and3A_548 = vector.broadcast %and3A_547 : i32 to vector<16xi32>
        %and3A_549 = arith.andi %add3A_546, %and3A_548 : vector<16xi32>
        %add3A_550 = arith.addi %mul3A_335, %and3A_549 : vector<16xi32>
        %gather3A_551 = tpu.vector_load_idx %arg15[%broadcast_in_dim3A_267, %add3A_550] : memref<128x64xf32, #tpu.memory_space<vmem>>[vector<16xi32>, vector<16xi32>], vector<16xf32>,
        %add3A_552 = arith.addi %add3A_338, %and3A_549 : vector<16xi32>
        %gather3A_553 = tpu.vector_load_idx %arg15[%broadcast_in_dim3A_267, %add3A_552] : memref<128x64xf32, #tpu.memory_space<vmem>>[vector<16xi32>, vector<16xi32>], vector<16xf32>,
        %add3A_554 = arith.addi %mul3A_341, %and3A_549 : vector<16xi32>
        %gather3A_555 = tpu.vector_load_idx %arg11[%broadcast_in_dim3A_267, %add3A_554] : memref<1000x64xf32, #tpu.memory_space<vmem>>[vector<16xi32>, vector<16xi32>], vector<16xf32>,
        %mul3A_556 = arith.mulf %gather3A_551, %gather3A_553 : vector<16xf32>
        %mul3A_557 = arith.mulf %mul3A_556, %gather3A_555 : vector<16xf32>
        %add3A_558 = arith.addf %add3A_498, %mul3A_557 : vector<16xf32>
        %add3A_559 = arith.constant 11 : i32
        %add3A_560 = vector.broadcast %add3A_559 : i32 to vector<16xi32>
        %add3A_561 = arith.addi %scan3A_389, %add3A_560 : vector<16xi32>
        %and3A_562 = arith.constant 63 : i32
        %and3A_563 = vector.broadcast %and3A_562 : i32 to vector<16xi32>
        %and3A_564 = arith.andi %add3A_561, %and3A_563 : vector<16xi32>
        %add3A_565 = arith.addi %mul3A_335, %and3A_564 : vector<16xi32>
        %gather3A_566 = tpu.vector_load_idx %arg15[%broadcast_in_dim3A_267, %add3A_565] : memref<128x64xf32, #tpu.memory_space<vmem>>[vector<16xi32>, vector<16xi32>], vector<16xf32>,
        %add3A_567 = arith.addi %add3A_338, %and3A_564 : vector<16xi32>
        %gather3A_568 = tpu.vector_load_idx %arg15[%broadcast_in_dim3A_267, %add3A_567] : memref<128x64xf32, #tpu.memory_space<vmem>>[vector<16xi32>, vector<16xi32>], vector<16xf32>,
        %add3A_569 = arith.addi %mul3A_341, %and3A_564 : vector<16xi32>
        %gather3A_570 = tpu.vector_load_idx %arg11[%broadcast_in_dim3A_267, %add3A_569] : memref<1000x64xf32, #tpu.memory_space<vmem>>[vector<16xi32>, vector<16xi32>], vector<16xf32>,
        %mul3A_571 = arith.mulf %gather3A_566, %gather3A_568 : vector<16xf32>
        %mul3A_572 = arith.mulf %mul3A_571, %gather3A_570 : vector<16xf32>
        %add3A_573 = arith.addf %add3A_513, %mul3A_572 : vector<16xf32>
        %add3A_574 = arith.constant 12 : i32
        %add3A_575 = vector.broadcast %add3A_574 : i32 to vector<16xi32>
        %add3A_576 = arith.addi %scan3A_389, %add3A_575 : vector<16xi32>
        %and3A_577 = arith.constant 63 : i32
        %and3A_578 = vector.broadcast %and3A_577 : i32 to vector<16xi32>
        %and3A_579 = arith.andi %add3A_576, %and3A_578 : vector<16xi32>
        %add3A_580 = arith.addi %mul3A_335, %and3A_579 : vector<16xi32>
        %gather3A_581 = tpu.vector_load_idx %arg15[%broadcast_in_dim3A_267, %add3A_580] : memref<128x64xf32, #tpu.memory_space<vmem>>[vector<16xi32>, vector<16xi32>], vector<16xf32>,
        %add3A_582 = arith.addi %add3A_338, %and3A_579 : vector<16xi32>
        %gather3A_583 = tpu.vector_load_idx %arg15[%broadcast_in_dim3A_267, %add3A_582] : memref<128x64xf32, #tpu.memory_space<vmem>>[vector<16xi32>, vector<16xi32>], vector<16xf32>,
        %add3A_584 = arith.addi %mul3A_341, %and3A_579 : vector<16xi32>
        %gather3A_585 = tpu.vector_load_idx %arg11[%broadcast_in_dim3A_267, %add3A_584] : memref<1000x64xf32, #tpu.memory_space<vmem>>[vector<16xi32>, vector<16xi32>], vector<16xf32>,
        %mul3A_586 = arith.mulf %gather3A_581, %gather3A_583 : vector<16xf32>
        %mul3A_587 = arith.mulf %mul3A_586, %gather3A_585 : vector<16xf32>
        %add3A_588 = arith.addf %add3A_528, %mul3A_587 : vector<16xf32>
        %add3A_589 = arith.constant 13 : i32
        %add3A_590 = vector.broadcast %add3A_589 : i32 to vector<16xi32>
        %add3A_591 = arith.addi %scan3A_389, %add3A_590 : vector<16xi32>
        %and3A_592 = arith.constant 63 : i32
        %and3A_593 = vector.broadcast %and3A_592 : i32 to vector<16xi32>
        %and3A_594 = arith.andi %add3A_591, %and3A_593 : vector<16xi32>
        %add3A_595 = arith.addi %mul3A_335, %and3A_594 : vector<16xi32>
        %gather3A_596 = tpu.vector_load_idx %arg15[%broadcast_in_dim3A_267, %add3A_595] : memref<128x64xf32, #tpu.memory_space<vmem>>[vector<16xi32>, vector<16xi32>], vector<16xf32>,
        %add3A_597 = arith.addi %add3A_338, %and3A_594 : vector<16xi32>
        %gather3A_598 = tpu.vector_load_idx %arg15[%broadcast_in_dim3A_267, %add3A_597] : memref<128x64xf32, #tpu.memory_space<vmem>>[vector<16xi32>, vector<16xi32>], vector<16xf32>,
        %add3A_599 = arith.addi %mul3A_341, %and3A_594 : vector<16xi32>
        %gather3A_600 = tpu.vector_load_idx %arg11[%broadcast_in_dim3A_267, %add3A_599] : memref<1000x64xf32, #tpu.memory_space<vmem>>[vector<16xi32>, vector<16xi32>], vector<16xf32>,
        %mul3A_601 = arith.mulf %gather3A_596, %gather3A_598 : vector<16xf32>
        %mul3A_602 = arith.mulf %mul3A_601, %gather3A_600 : vector<16xf32>
        %add3A_603 = arith.addf %add3A_543, %mul3A_602 : vector<16xf32>
        %add3A_604 = arith.constant 14 : i32
        %add3A_605 = vector.broadcast %add3A_604 : i32 to vector<16xi32>
        %add3A_606 = arith.addi %scan3A_389, %add3A_605 : vector<16xi32>
        %and3A_607 = arith.constant 63 : i32
        %and3A_608 = vector.broadcast %and3A_607 : i32 to vector<16xi32>
        %and3A_609 = arith.andi %add3A_606, %and3A_608 : vector<16xi32>
        %add3A_610 = arith.addi %mul3A_335, %and3A_609 : vector<16xi32>
        %gather3A_611 = tpu.vector_load_idx %arg15[%broadcast_in_dim3A_267, %add3A_610] : memref<128x64xf32, #tpu.memory_space<vmem>>[vector<16xi32>, vector<16xi32>], vector<16xf32>,
        %add3A_612 = arith.addi %add3A_338, %and3A_609 : vector<16xi32>
        %gather3A_613 = tpu.vector_load_idx %arg15[%broadcast_in_dim3A_267, %add3A_612] : memref<128x64xf32, #tpu.memory_space<vmem>>[vector<16xi32>, vector<16xi32>], vector<16xf32>,
        %add3A_614 = arith.addi %mul3A_341, %and3A_609 : vector<16xi32>
        %gather3A_615 = tpu.vector_load_idx %arg11[%broadcast_in_dim3A_267, %add3A_614] : memref<1000x64xf32, #tpu.memory_space<vmem>>[vector<16xi32>, vector<16xi32>], vector<16xf32>,
        %mul3A_616 = arith.mulf %gather3A_611, %gather3A_613 : vector<16xf32>
        %mul3A_617 = arith.mulf %mul3A_616, %gather3A_615 : vector<16xf32>
        %add3A_618 = arith.addf %add3A_558, %mul3A_617 : vector<16xf32>
        %add3A_619 = arith.constant 15 : i32
        %add3A_620 = vector.broadcast %add3A_619 : i32 to vector<16xi32>
        %add3A_621 = arith.addi %scan3A_389, %add3A_620 : vector<16xi32>
        %and3A_622 = arith.constant 63 : i32
        %and3A_623 = vector.broadcast %and3A_622 : i32 to vector<16xi32>
        %and3A_624 = arith.andi %add3A_621, %and3A_623 : vector<16xi32>
        %add3A_625 = arith.addi %mul3A_335, %and3A_624 : vector<16xi32>
        %gather3A_626 = tpu.vector_load_idx %arg15[%broadcast_in_dim3A_267, %add3A_625] : memref<128x64xf32, #tpu.memory_space<vmem>>[vector<16xi32>, vector<16xi32>], vector<16xf32>,
        %add3A_627 = arith.addi %add3A_338, %and3A_624 : vector<16xi32>
        %gather3A_628 = tpu.vector_load_idx %arg15[%broadcast_in_dim3A_267, %add3A_627] : memref<128x64xf32, #tpu.memory_space<vmem>>[vector<16xi32>, vector<16xi32>], vector<16xf32>,
        %add3A_629 = arith.addi %mul3A_341, %and3A_624 : vector<16xi32>
        %gather3A_630 = tpu.vector_load_idx %arg11[%broadcast_in_dim3A_267, %add3A_629] : memref<1000x64xf32, #tpu.memory_space<vmem>>[vector<16xi32>, vector<16xi32>], vector<16xf32>,
        %mul3A_631 = arith.mulf %gather3A_626, %gather3A_628 : vector<16xf32>
        %mul3A_632 = arith.mulf %mul3A_631, %gather3A_630 : vector<16xf32>
        %add3A_633 = arith.addf %add3A_573, %mul3A_632 : vector<16xf32>
        %add3A_634 = arith.constant 16 : i32
        %add3A_635 = vector.broadcast %add3A_634 : i32 to vector<16xi32>
        %add3A_636 = arith.addi %scan3A_389, %add3A_635 : vector<16xi32>
        scf.yield %add3A_636, %add3A_588, %add3A_603, %add3A_618, %add3A_633 : vector<16xi32>, vector<16xf32>, vector<16xf32>, vector<16xf32>, vector<16xf32>
      }
      %scan3A_349 = arith.constant 4 : i32
      %add3A_350 = arith.addf %scan3A_348#1, %scan3A_348#2 : vector<16xf32>
      %add3A_351 = arith.addf %scan3A_348#3, %scan3A_348#4 : vector<16xf32>
      %add3A_352 = arith.addf %add3A_350, %add3A_351 : vector<16xf32>
      %swap3A_353 = arith.constant 32 : index
      %swap3A_354 = tpu.vector_load %arg17[%swap3A_353] {strides = array<i32>} : memref<64xf32, #tpu.memory_space<vmem>>, vector<16xf32>,
      tpu.vector_store %arg17[%swap3A_353], %add3A_352 {strides = array<i32>} : memref<64xf32, #tpu.memory_space<vmem>>, vector<16xf32>,
      %add3A_355 = arith.constant 48 : i32
      %add3A_356 = vector.broadcast %add3A_355 : i32 to vector<16xi32>
      %add3A_357 = arith.addi %iota3A, %add3A_356 : vector<16xi32>
      %add3A_358 = arith.constant 48 : i32
      %add3A_359 = arith.addi %mul3A_265, %add3A_358 : i32
      %get3A_360 = arith.index_cast %add3A_359 : i32 to index
      %get3A_361 = tpu.vector_load %arg10[%get3A_360] {strides = array<i32>} : memref<8192xi32, #tpu.memory_space<vmem>>, vector<16xi32>,
      %mul3A_362 = arith.constant 64 : i32
      %mul3A_363 = vector.broadcast %mul3A_362 : i32 to vector<16xi32>
      %mul3A_364 = arith.muli %add3A_357, %mul3A_363 : vector<16xi32>
      %add3A_365 = arith.constant 4096 : i32
      %add3A_366 = vector.broadcast %add3A_365 : i32 to vector<16xi32>
      %add3A_367 = arith.addi %mul3A_364, %add3A_366 : vector<16xi32>
      %mul3A_368 = arith.constant 64 : i32
      %mul3A_369 = vector.broadcast %mul3A_368 : i32 to vector<16xi32>
      %mul3A_370 = arith.muli %get3A_361, %mul3A_369 : vector<16xi32>
      %broadcast_in_dim3A_371 = arith.constant 0.000000e+00 : f32
      %broadcast_in_dim3A_372 = vector.broadcast %broadcast_in_dim3A_371 : f32 to vector<16xf32>
      %scan3A_373 = arith.constant 0 : i32
      %scan3A_374 = arith.constant 4 : i32
      %scan3A_375 = arith.addi %scan3A_373, %scan3A_374 : i32
      %scan3A_376 = arith.constant 1 : i32
      %scan3A_377:5 = scf.for %scan3A_388 = %scan3A_373 to %scan3A_375 step %scan3A_376 iter_args(%scan3A_389 = %iota3A, %scan3A_390 = %broadcast_in_dim3A_372, %scan3A_391 = %broadcast_in_dim3A_372, %scan3A_392 = %broadcast_in_dim3A_372, %scan3A_393 = %broadcast_in_dim3A_372) -> (vector<16xi32>, vector<16xf32>, vector<16xf32>, vector<16xf32>, vector<16xf32>)  : i32 {
        %add3A_394 = arith.constant 0 : i32
        %add3A_395 = vector.broadcast %add3A_394 : i32 to vector<16xi32>
        %add3A_396 = arith.addi %scan3A_389, %add3A_395 : vector<16xi32>
        %and3A_397 = arith.constant 63 : i32
        %and3A_398 = vector.broadcast %and3A_397 : i32 to vector<16xi32>
        %and3A_399 = arith.andi %add3A_396, %and3A_398 : vector<16xi32>
        %add3A_400 = arith.addi %mul3A_364, %and3A_399 : vector<16xi32>
        %gather3A_401 = tpu.vector_load_idx %arg15[%broadcast_in_dim3A_267, %add3A_400] : memref<128x64xf32, #tpu.memory_space<vmem>>[vector<16xi32>, vector<16xi32>], vector<16xf32>,
        %add3A_402 = arith.addi %add3A_367, %and3A_399 : vector<16xi32>
        %gather3A_403 = tpu.vector_load_idx %arg15[%broadcast_in_dim3A_267, %add3A_402] : memref<128x64xf32, #tpu.memory_space<vmem>>[vector<16xi32>, vector<16xi32>], vector<16xf32>,
        %add3A_404 = arith.addi %mul3A_370, %and3A_399 : vector<16xi32>
        %gather3A_405 = tpu.vector_load_idx %arg11[%broadcast_in_dim3A_267, %add3A_404] : memref<1000x64xf32, #tpu.memory_space<vmem>>[vector<16xi32>, vector<16xi32>], vector<16xf32>,
        %mul3A_406 = arith.mulf %gather3A_401, %gather3A_403 : vector<16xf32>
        %mul3A_407 = arith.mulf %mul3A_406, %gather3A_405 : vector<16xf32>
        %add3A_408 = arith.addf %scan3A_390, %mul3A_407 : vector<16xf32>
        %add3A_409 = arith.constant 1 : i32
        %add3A_410 = vector.broadcast %add3A_409 : i32 to vector<16xi32>
        %add3A_411 = arith.addi %scan3A_389, %add3A_410 : vector<16xi32>
        %and3A_412 = arith.constant 63 : i32
        %and3A_413 = vector.broadcast %and3A_412 : i32 to vector<16xi32>
        %and3A_414 = arith.andi %add3A_411, %and3A_413 : vector<16xi32>
        %add3A_415 = arith.addi %mul3A_364, %and3A_414 : vector<16xi32>
        %gather3A_416 = tpu.vector_load_idx %arg15[%broadcast_in_dim3A_267, %add3A_415] : memref<128x64xf32, #tpu.memory_space<vmem>>[vector<16xi32>, vector<16xi32>], vector<16xf32>,
        %add3A_417 = arith.addi %add3A_367, %and3A_414 : vector<16xi32>
        %gather3A_418 = tpu.vector_load_idx %arg15[%broadcast_in_dim3A_267, %add3A_417] : memref<128x64xf32, #tpu.memory_space<vmem>>[vector<16xi32>, vector<16xi32>], vector<16xf32>,
        %add3A_419 = arith.addi %mul3A_370, %and3A_414 : vector<16xi32>
        %gather3A_420 = tpu.vector_load_idx %arg11[%broadcast_in_dim3A_267, %add3A_419] : memref<1000x64xf32, #tpu.memory_space<vmem>>[vector<16xi32>, vector<16xi32>], vector<16xf32>,
        %mul3A_421 = arith.mulf %gather3A_416, %gather3A_418 : vector<16xf32>
        %mul3A_422 = arith.mulf %mul3A_421, %gather3A_420 : vector<16xf32>
        %add3A_423 = arith.addf %scan3A_391, %mul3A_422 : vector<16xf32>
        %add3A_424 = arith.constant 2 : i32
        %add3A_425 = vector.broadcast %add3A_424 : i32 to vector<16xi32>
        %add3A_426 = arith.addi %scan3A_389, %add3A_425 : vector<16xi32>
        %and3A_427 = arith.constant 63 : i32
        %and3A_428 = vector.broadcast %and3A_427 : i32 to vector<16xi32>
        %and3A_429 = arith.andi %add3A_426, %and3A_428 : vector<16xi32>
        %add3A_430 = arith.addi %mul3A_364, %and3A_429 : vector<16xi32>
        %gather3A_431 = tpu.vector_load_idx %arg15[%broadcast_in_dim3A_267, %add3A_430] : memref<128x64xf32, #tpu.memory_space<vmem>>[vector<16xi32>, vector<16xi32>], vector<16xf32>,
        %add3A_432 = arith.addi %add3A_367, %and3A_429 : vector<16xi32>
        %gather3A_433 = tpu.vector_load_idx %arg15[%broadcast_in_dim3A_267, %add3A_432] : memref<128x64xf32, #tpu.memory_space<vmem>>[vector<16xi32>, vector<16xi32>], vector<16xf32>,
        %add3A_434 = arith.addi %mul3A_370, %and3A_429 : vector<16xi32>
        %gather3A_435 = tpu.vector_load_idx %arg11[%broadcast_in_dim3A_267, %add3A_434] : memref<1000x64xf32, #tpu.memory_space<vmem>>[vector<16xi32>, vector<16xi32>], vector<16xf32>,
        %mul3A_436 = arith.mulf %gather3A_431, %gather3A_433 : vector<16xf32>
        %mul3A_437 = arith.mulf %mul3A_436, %gather3A_435 : vector<16xf32>
        %add3A_438 = arith.addf %scan3A_392, %mul3A_437 : vector<16xf32>
        %add3A_439 = arith.constant 3 : i32
        %add3A_440 = vector.broadcast %add3A_439 : i32 to vector<16xi32>
        %add3A_441 = arith.addi %scan3A_389, %add3A_440 : vector<16xi32>
        %and3A_442 = arith.constant 63 : i32
        %and3A_443 = vector.broadcast %and3A_442 : i32 to vector<16xi32>
        %and3A_444 = arith.andi %add3A_441, %and3A_443 : vector<16xi32>
        %add3A_445 = arith.addi %mul3A_364, %and3A_444 : vector<16xi32>
        %gather3A_446 = tpu.vector_load_idx %arg15[%broadcast_in_dim3A_267, %add3A_445] : memref<128x64xf32, #tpu.memory_space<vmem>>[vector<16xi32>, vector<16xi32>], vector<16xf32>,
        %add3A_447 = arith.addi %add3A_367, %and3A_444 : vector<16xi32>
        %gather3A_448 = tpu.vector_load_idx %arg15[%broadcast_in_dim3A_267, %add3A_447] : memref<128x64xf32, #tpu.memory_space<vmem>>[vector<16xi32>, vector<16xi32>], vector<16xf32>,
        %add3A_449 = arith.addi %mul3A_370, %and3A_444 : vector<16xi32>
        %gather3A_450 = tpu.vector_load_idx %arg11[%broadcast_in_dim3A_267, %add3A_449] : memref<1000x64xf32, #tpu.memory_space<vmem>>[vector<16xi32>, vector<16xi32>], vector<16xf32>,
        %mul3A_451 = arith.mulf %gather3A_446, %gather3A_448 : vector<16xf32>
        %mul3A_452 = arith.mulf %mul3A_451, %gather3A_450 : vector<16xf32>
        %add3A_453 = arith.addf %scan3A_393, %mul3A_452 : vector<16xf32>
        %add3A_454 = arith.constant 4 : i32
        %add3A_455 = vector.broadcast %add3A_454 : i32 to vector<16xi32>
        %add3A_456 = arith.addi %scan3A_389, %add3A_455 : vector<16xi32>
        %and3A_457 = arith.constant 63 : i32
        %and3A_458 = vector.broadcast %and3A_457 : i32 to vector<16xi32>
        %and3A_459 = arith.andi %add3A_456, %and3A_458 : vector<16xi32>
        %add3A_460 = arith.addi %mul3A_364, %and3A_459 : vector<16xi32>
        %gather3A_461 = tpu.vector_load_idx %arg15[%broadcast_in_dim3A_267, %add3A_460] : memref<128x64xf32, #tpu.memory_space<vmem>>[vector<16xi32>, vector<16xi32>], vector<16xf32>,
        %add3A_462 = arith.addi %add3A_367, %and3A_459 : vector<16xi32>
        %gather3A_463 = tpu.vector_load_idx %arg15[%broadcast_in_dim3A_267, %add3A_462] : memref<128x64xf32, #tpu.memory_space<vmem>>[vector<16xi32>, vector<16xi32>], vector<16xf32>,
        %add3A_464 = arith.addi %mul3A_370, %and3A_459 : vector<16xi32>
        %gather3A_465 = tpu.vector_load_idx %arg11[%broadcast_in_dim3A_267, %add3A_464] : memref<1000x64xf32, #tpu.memory_space<vmem>>[vector<16xi32>, vector<16xi32>], vector<16xf32>,
        %mul3A_466 = arith.mulf %gather3A_461, %gather3A_463 : vector<16xf32>
        %mul3A_467 = arith.mulf %mul3A_466, %gather3A_465 : vector<16xf32>
        %add3A_468 = arith.addf %add3A_408, %mul3A_467 : vector<16xf32>
        %add3A_469 = arith.constant 5 : i32
        %add3A_470 = vector.broadcast %add3A_469 : i32 to vector<16xi32>
        %add3A_471 = arith.addi %scan3A_389, %add3A_470 : vector<16xi32>
        %and3A_472 = arith.constant 63 : i32
        %and3A_473 = vector.broadcast %and3A_472 : i32 to vector<16xi32>
        %and3A_474 = arith.andi %add3A_471, %and3A_473 : vector<16xi32>
        %add3A_475 = arith.addi %mul3A_364, %and3A_474 : vector<16xi32>
        %gather3A_476 = tpu.vector_load_idx %arg15[%broadcast_in_dim3A_267, %add3A_475] : memref<128x64xf32, #tpu.memory_space<vmem>>[vector<16xi32>, vector<16xi32>], vector<16xf32>,
        %add3A_477 = arith.addi %add3A_367, %and3A_474 : vector<16xi32>
        %gather3A_478 = tpu.vector_load_idx %arg15[%broadcast_in_dim3A_267, %add3A_477] : memref<128x64xf32, #tpu.memory_space<vmem>>[vector<16xi32>, vector<16xi32>], vector<16xf32>,
        %add3A_479 = arith.addi %mul3A_370, %and3A_474 : vector<16xi32>
        %gather3A_480 = tpu.vector_load_idx %arg11[%broadcast_in_dim3A_267, %add3A_479] : memref<1000x64xf32, #tpu.memory_space<vmem>>[vector<16xi32>, vector<16xi32>], vector<16xf32>,
        %mul3A_481 = arith.mulf %gather3A_476, %gather3A_478 : vector<16xf32>
        %mul3A_482 = arith.mulf %mul3A_481, %gather3A_480 : vector<16xf32>
        %add3A_483 = arith.addf %add3A_423, %mul3A_482 : vector<16xf32>
        %add3A_484 = arith.constant 6 : i32
        %add3A_485 = vector.broadcast %add3A_484 : i32 to vector<16xi32>
        %add3A_486 = arith.addi %scan3A_389, %add3A_485 : vector<16xi32>
        %and3A_487 = arith.constant 63 : i32
        %and3A_488 = vector.broadcast %and3A_487 : i32 to vector<16xi32>
        %and3A_489 = arith.andi %add3A_486, %and3A_488 : vector<16xi32>
        %add3A_490 = arith.addi %mul3A_364, %and3A_489 : vector<16xi32>
        %gather3A_491 = tpu.vector_load_idx %arg15[%broadcast_in_dim3A_267, %add3A_490] : memref<128x64xf32, #tpu.memory_space<vmem>>[vector<16xi32>, vector<16xi32>], vector<16xf32>,
        %add3A_492 = arith.addi %add3A_367, %and3A_489 : vector<16xi32>
        %gather3A_493 = tpu.vector_load_idx %arg15[%broadcast_in_dim3A_267, %add3A_492] : memref<128x64xf32, #tpu.memory_space<vmem>>[vector<16xi32>, vector<16xi32>], vector<16xf32>,
        %add3A_494 = arith.addi %mul3A_370, %and3A_489 : vector<16xi32>
        %gather3A_495 = tpu.vector_load_idx %arg11[%broadcast_in_dim3A_267, %add3A_494] : memref<1000x64xf32, #tpu.memory_space<vmem>>[vector<16xi32>, vector<16xi32>], vector<16xf32>,
        %mul3A_496 = arith.mulf %gather3A_491, %gather3A_493 : vector<16xf32>
        %mul3A_497 = arith.mulf %mul3A_496, %gather3A_495 : vector<16xf32>
        %add3A_498 = arith.addf %add3A_438, %mul3A_497 : vector<16xf32>
        %add3A_499 = arith.constant 7 : i32
        %add3A_500 = vector.broadcast %add3A_499 : i32 to vector<16xi32>
        %add3A_501 = arith.addi %scan3A_389, %add3A_500 : vector<16xi32>
        %and3A_502 = arith.constant 63 : i32
        %and3A_503 = vector.broadcast %and3A_502 : i32 to vector<16xi32>
        %and3A_504 = arith.andi %add3A_501, %and3A_503 : vector<16xi32>
        %add3A_505 = arith.addi %mul3A_364, %and3A_504 : vector<16xi32>
        %gather3A_506 = tpu.vector_load_idx %arg15[%broadcast_in_dim3A_267, %add3A_505] : memref<128x64xf32, #tpu.memory_space<vmem>>[vector<16xi32>, vector<16xi32>], vector<16xf32>,
        %add3A_507 = arith.addi %add3A_367, %and3A_504 : vector<16xi32>
        %gather3A_508 = tpu.vector_load_idx %arg15[%broadcast_in_dim3A_267, %add3A_507] : memref<128x64xf32, #tpu.memory_space<vmem>>[vector<16xi32>, vector<16xi32>], vector<16xf32>,
        %add3A_509 = arith.addi %mul3A_370, %and3A_504 : vector<16xi32>
        %gather3A_510 = tpu.vector_load_idx %arg11[%broadcast_in_dim3A_267, %add3A_509] : memref<1000x64xf32, #tpu.memory_space<vmem>>[vector<16xi32>, vector<16xi32>], vector<16xf32>,
        %mul3A_511 = arith.mulf %gather3A_506, %gather3A_508 : vector<16xf32>
        %mul3A_512 = arith.mulf %mul3A_511, %gather3A_510 : vector<16xf32>
        %add3A_513 = arith.addf %add3A_453, %mul3A_512 : vector<16xf32>
        %add3A_514 = arith.constant 8 : i32
        %add3A_515 = vector.broadcast %add3A_514 : i32 to vector<16xi32>
        %add3A_516 = arith.addi %scan3A_389, %add3A_515 : vector<16xi32>
        %and3A_517 = arith.constant 63 : i32
        %and3A_518 = vector.broadcast %and3A_517 : i32 to vector<16xi32>
        %and3A_519 = arith.andi %add3A_516, %and3A_518 : vector<16xi32>
        %add3A_520 = arith.addi %mul3A_364, %and3A_519 : vector<16xi32>
        %gather3A_521 = tpu.vector_load_idx %arg15[%broadcast_in_dim3A_267, %add3A_520] : memref<128x64xf32, #tpu.memory_space<vmem>>[vector<16xi32>, vector<16xi32>], vector<16xf32>,
        %add3A_522 = arith.addi %add3A_367, %and3A_519 : vector<16xi32>
        %gather3A_523 = tpu.vector_load_idx %arg15[%broadcast_in_dim3A_267, %add3A_522] : memref<128x64xf32, #tpu.memory_space<vmem>>[vector<16xi32>, vector<16xi32>], vector<16xf32>,
        %add3A_524 = arith.addi %mul3A_370, %and3A_519 : vector<16xi32>
        %gather3A_525 = tpu.vector_load_idx %arg11[%broadcast_in_dim3A_267, %add3A_524] : memref<1000x64xf32, #tpu.memory_space<vmem>>[vector<16xi32>, vector<16xi32>], vector<16xf32>,
        %mul3A_526 = arith.mulf %gather3A_521, %gather3A_523 : vector<16xf32>
        %mul3A_527 = arith.mulf %mul3A_526, %gather3A_525 : vector<16xf32>
        %add3A_528 = arith.addf %add3A_468, %mul3A_527 : vector<16xf32>
        %add3A_529 = arith.constant 9 : i32
        %add3A_530 = vector.broadcast %add3A_529 : i32 to vector<16xi32>
        %add3A_531 = arith.addi %scan3A_389, %add3A_530 : vector<16xi32>
        %and3A_532 = arith.constant 63 : i32
        %and3A_533 = vector.broadcast %and3A_532 : i32 to vector<16xi32>
        %and3A_534 = arith.andi %add3A_531, %and3A_533 : vector<16xi32>
        %add3A_535 = arith.addi %mul3A_364, %and3A_534 : vector<16xi32>
        %gather3A_536 = tpu.vector_load_idx %arg15[%broadcast_in_dim3A_267, %add3A_535] : memref<128x64xf32, #tpu.memory_space<vmem>>[vector<16xi32>, vector<16xi32>], vector<16xf32>,
        %add3A_537 = arith.addi %add3A_367, %and3A_534 : vector<16xi32>
        %gather3A_538 = tpu.vector_load_idx %arg15[%broadcast_in_dim3A_267, %add3A_537] : memref<128x64xf32, #tpu.memory_space<vmem>>[vector<16xi32>, vector<16xi32>], vector<16xf32>,
        %add3A_539 = arith.addi %mul3A_370, %and3A_534 : vector<16xi32>
        %gather3A_540 = tpu.vector_load_idx %arg11[%broadcast_in_dim3A_267, %add3A_539] : memref<1000x64xf32, #tpu.memory_space<vmem>>[vector<16xi32>, vector<16xi32>], vector<16xf32>,
        %mul3A_541 = arith.mulf %gather3A_536, %gather3A_538 : vector<16xf32>
        %mul3A_542 = arith.mulf %mul3A_541, %gather3A_540 : vector<16xf32>
        %add3A_543 = arith.addf %add3A_483, %mul3A_542 : vector<16xf32>
        %add3A_544 = arith.constant 10 : i32
        %add3A_545 = vector.broadcast %add3A_544 : i32 to vector<16xi32>
        %add3A_546 = arith.addi %scan3A_389, %add3A_545 : vector<16xi32>
        %and3A_547 = arith.constant 63 : i32
        %and3A_548 = vector.broadcast %and3A_547 : i32 to vector<16xi32>
        %and3A_549 = arith.andi %add3A_546, %and3A_548 : vector<16xi32>
        %add3A_550 = arith.addi %mul3A_364, %and3A_549 : vector<16xi32>
        %gather3A_551 = tpu.vector_load_idx %arg15[%broadcast_in_dim3A_267, %add3A_550] : memref<128x64xf32, #tpu.memory_space<vmem>>[vector<16xi32>, vector<16xi32>], vector<16xf32>,
        %add3A_552 = arith.addi %add3A_367, %and3A_549 : vector<16xi32>
        %gather3A_553 = tpu.vector_load_idx %arg15[%broadcast_in_dim3A_267, %add3A_552] : memref<128x64xf32, #tpu.memory_space<vmem>>[vector<16xi32>, vector<16xi32>], vector<16xf32>,
        %add3A_554 = arith.addi %mul3A_370, %and3A_549 : vector<16xi32>
        %gather3A_555 = tpu.vector_load_idx %arg11[%broadcast_in_dim3A_267, %add3A_554] : memref<1000x64xf32, #tpu.memory_space<vmem>>[vector<16xi32>, vector<16xi32>], vector<16xf32>,
        %mul3A_556 = arith.mulf %gather3A_551, %gather3A_553 : vector<16xf32>
        %mul3A_557 = arith.mulf %mul3A_556, %gather3A_555 : vector<16xf32>
        %add3A_558 = arith.addf %add3A_498, %mul3A_557 : vector<16xf32>
        %add3A_559 = arith.constant 11 : i32
        %add3A_560 = vector.broadcast %add3A_559 : i32 to vector<16xi32>
        %add3A_561 = arith.addi %scan3A_389, %add3A_560 : vector<16xi32>
        %and3A_562 = arith.constant 63 : i32
        %and3A_563 = vector.broadcast %and3A_562 : i32 to vector<16xi32>
        %and3A_564 = arith.andi %add3A_561, %and3A_563 : vector<16xi32>
        %add3A_565 = arith.addi %mul3A_364, %and3A_564 : vector<16xi32>
        %gather3A_566 = tpu.vector_load_idx %arg15[%broadcast_in_dim3A_267, %add3A_565] : memref<128x64xf32, #tpu.memory_space<vmem>>[vector<16xi32>, vector<16xi32>], vector<16xf32>,
        %add3A_567 = arith.addi %add3A_367, %and3A_564 : vector<16xi32>
        %gather3A_568 = tpu.vector_load_idx %arg15[%broadcast_in_dim3A_267, %add3A_567] : memref<128x64xf32, #tpu.memory_space<vmem>>[vector<16xi32>, vector<16xi32>], vector<16xf32>,
        %add3A_569 = arith.addi %mul3A_370, %and3A_564 : vector<16xi32>
        %gather3A_570 = tpu.vector_load_idx %arg11[%broadcast_in_dim3A_267, %add3A_569] : memref<1000x64xf32, #tpu.memory_space<vmem>>[vector<16xi32>, vector<16xi32>], vector<16xf32>,
        %mul3A_571 = arith.mulf %gather3A_566, %gather3A_568 : vector<16xf32>
        %mul3A_572 = arith.mulf %mul3A_571, %gather3A_570 : vector<16xf32>
        %add3A_573 = arith.addf %add3A_513, %mul3A_572 : vector<16xf32>
        %add3A_574 = arith.constant 12 : i32
        %add3A_575 = vector.broadcast %add3A_574 : i32 to vector<16xi32>
        %add3A_576 = arith.addi %scan3A_389, %add3A_575 : vector<16xi32>
        %and3A_577 = arith.constant 63 : i32
        %and3A_578 = vector.broadcast %and3A_577 : i32 to vector<16xi32>
        %and3A_579 = arith.andi %add3A_576, %and3A_578 : vector<16xi32>
        %add3A_580 = arith.addi %mul3A_364, %and3A_579 : vector<16xi32>
        %gather3A_581 = tpu.vector_load_idx %arg15[%broadcast_in_dim3A_267, %add3A_580] : memref<128x64xf32, #tpu.memory_space<vmem>>[vector<16xi32>, vector<16xi32>], vector<16xf32>,
        %add3A_582 = arith.addi %add3A_367, %and3A_579 : vector<16xi32>
        %gather3A_583 = tpu.vector_load_idx %arg15[%broadcast_in_dim3A_267, %add3A_582] : memref<128x64xf32, #tpu.memory_space<vmem>>[vector<16xi32>, vector<16xi32>], vector<16xf32>,
        %add3A_584 = arith.addi %mul3A_370, %and3A_579 : vector<16xi32>
        %gather3A_585 = tpu.vector_load_idx %arg11[%broadcast_in_dim3A_267, %add3A_584] : memref<1000x64xf32, #tpu.memory_space<vmem>>[vector<16xi32>, vector<16xi32>], vector<16xf32>,
        %mul3A_586 = arith.mulf %gather3A_581, %gather3A_583 : vector<16xf32>
        %mul3A_587 = arith.mulf %mul3A_586, %gather3A_585 : vector<16xf32>
        %add3A_588 = arith.addf %add3A_528, %mul3A_587 : vector<16xf32>
        %add3A_589 = arith.constant 13 : i32
        %add3A_590 = vector.broadcast %add3A_589 : i32 to vector<16xi32>
        %add3A_591 = arith.addi %scan3A_389, %add3A_590 : vector<16xi32>
        %and3A_592 = arith.constant 63 : i32
        %and3A_593 = vector.broadcast %and3A_592 : i32 to vector<16xi32>
        %and3A_594 = arith.andi %add3A_591, %and3A_593 : vector<16xi32>
        %add3A_595 = arith.addi %mul3A_364, %and3A_594 : vector<16xi32>
        %gather3A_596 = tpu.vector_load_idx %arg15[%broadcast_in_dim3A_267, %add3A_595] : memref<128x64xf32, #tpu.memory_space<vmem>>[vector<16xi32>, vector<16xi32>], vector<16xf32>,
        %add3A_597 = arith.addi %add3A_367, %and3A_594 : vector<16xi32>
        %gather3A_598 = tpu.vector_load_idx %arg15[%broadcast_in_dim3A_267, %add3A_597] : memref<128x64xf32, #tpu.memory_space<vmem>>[vector<16xi32>, vector<16xi32>], vector<16xf32>,
        %add3A_599 = arith.addi %mul3A_370, %and3A_594 : vector<16xi32>
        %gather3A_600 = tpu.vector_load_idx %arg11[%broadcast_in_dim3A_267, %add3A_599] : memref<1000x64xf32, #tpu.memory_space<vmem>>[vector<16xi32>, vector<16xi32>], vector<16xf32>,
        %mul3A_601 = arith.mulf %gather3A_596, %gather3A_598 : vector<16xf32>
        %mul3A_602 = arith.mulf %mul3A_601, %gather3A_600 : vector<16xf32>
        %add3A_603 = arith.addf %add3A_543, %mul3A_602 : vector<16xf32>
        %add3A_604 = arith.constant 14 : i32
        %add3A_605 = vector.broadcast %add3A_604 : i32 to vector<16xi32>
        %add3A_606 = arith.addi %scan3A_389, %add3A_605 : vector<16xi32>
        %and3A_607 = arith.constant 63 : i32
        %and3A_608 = vector.broadcast %and3A_607 : i32 to vector<16xi32>
        %and3A_609 = arith.andi %add3A_606, %and3A_608 : vector<16xi32>
        %add3A_610 = arith.addi %mul3A_364, %and3A_609 : vector<16xi32>
        %gather3A_611 = tpu.vector_load_idx %arg15[%broadcast_in_dim3A_267, %add3A_610] : memref<128x64xf32, #tpu.memory_space<vmem>>[vector<16xi32>, vector<16xi32>], vector<16xf32>,
        %add3A_612 = arith.addi %add3A_367, %and3A_609 : vector<16xi32>
        %gather3A_613 = tpu.vector_load_idx %arg15[%broadcast_in_dim3A_267, %add3A_612] : memref<128x64xf32, #tpu.memory_space<vmem>>[vector<16xi32>, vector<16xi32>], vector<16xf32>,
        %add3A_614 = arith.addi %mul3A_370, %and3A_609 : vector<16xi32>
        %gather3A_615 = tpu.vector_load_idx %arg11[%broadcast_in_dim3A_267, %add3A_614] : memref<1000x64xf32, #tpu.memory_space<vmem>>[vector<16xi32>, vector<16xi32>], vector<16xf32>,
        %mul3A_616 = arith.mulf %gather3A_611, %gather3A_613 : vector<16xf32>
        %mul3A_617 = arith.mulf %mul3A_616, %gather3A_615 : vector<16xf32>
        %add3A_618 = arith.addf %add3A_558, %mul3A_617 : vector<16xf32>
        %add3A_619 = arith.constant 15 : i32
        %add3A_620 = vector.broadcast %add3A_619 : i32 to vector<16xi32>
        %add3A_621 = arith.addi %scan3A_389, %add3A_620 : vector<16xi32>
        %and3A_622 = arith.constant 63 : i32
        %and3A_623 = vector.broadcast %and3A_622 : i32 to vector<16xi32>
        %and3A_624 = arith.andi %add3A_621, %and3A_623 : vector<16xi32>
        %add3A_625 = arith.addi %mul3A_364, %and3A_624 : vector<16xi32>
        %gather3A_626 = tpu.vector_load_idx %arg15[%broadcast_in_dim3A_267, %add3A_625] : memref<128x64xf32, #tpu.memory_space<vmem>>[vector<16xi32>, vector<16xi32>], vector<16xf32>,
        %add3A_627 = arith.addi %add3A_367, %and3A_624 : vector<16xi32>
        %gather3A_628 = tpu.vector_load_idx %arg15[%broadcast_in_dim3A_267, %add3A_627] : memref<128x64xf32, #tpu.memory_space<vmem>>[vector<16xi32>, vector<16xi32>], vector<16xf32>,
        %add3A_629 = arith.addi %mul3A_370, %and3A_624 : vector<16xi32>
        %gather3A_630 = tpu.vector_load_idx %arg11[%broadcast_in_dim3A_267, %add3A_629] : memref<1000x64xf32, #tpu.memory_space<vmem>>[vector<16xi32>, vector<16xi32>], vector<16xf32>,
        %mul3A_631 = arith.mulf %gather3A_626, %gather3A_628 : vector<16xf32>
        %mul3A_632 = arith.mulf %mul3A_631, %gather3A_630 : vector<16xf32>
        %add3A_633 = arith.addf %add3A_573, %mul3A_632 : vector<16xf32>
        %add3A_634 = arith.constant 16 : i32
        %add3A_635 = vector.broadcast %add3A_634 : i32 to vector<16xi32>
        %add3A_636 = arith.addi %scan3A_389, %add3A_635 : vector<16xi32>
        scf.yield %add3A_636, %add3A_588, %add3A_603, %add3A_618, %add3A_633 : vector<16xi32>, vector<16xf32>, vector<16xf32>, vector<16xf32>, vector<16xf32>
      }
      %scan3A_378 = arith.constant 4 : i32
      %add3A_379 = arith.addf %scan3A_377#1, %scan3A_377#2 : vector<16xf32>
      %add3A_380 = arith.addf %scan3A_377#3, %scan3A_377#4 : vector<16xf32>
      %add3A_381 = arith.addf %add3A_379, %add3A_380 : vector<16xf32>
      %swap3A_382 = arith.constant 48 : index
      %swap3A_383 = tpu.vector_load %arg17[%swap3A_382] {strides = array<i32>} : memref<64xf32, #tpu.memory_space<vmem>>, vector<16xf32>,
      tpu.vector_store %arg17[%swap3A_382], %add3A_381 {strides = array<i32>} : memref<64xf32, #tpu.memory_space<vmem>>, vector<16xf32>,
      %add3A_384 = arith.addi %mul3A_2, %mul3A_265 : i32
      %dma_start3A_385 = tpu.memref_slice %arg7[%add3A_384] : memref<262144xf32, #tpu.memory_space<hbm>> -> memref<64xf32, #tpu.memory_space<hbm>>
      %dma_start3A_386 = tpu.memref_slice %arg7[%add3A_384] : memref<262144xf32, #tpu.memory_space<hbm>> -> memref<64xf32, #tpu.memory_space<hbm>>
      tpu.enqueue_dma source(%arg17 : memref<64xf32, #tpu.memory_space<vmem>>) target(%dma_start3A_386 : memref<64xf32, #tpu.memory_space<hbm>>) target_semaphore(%arg21 : memref<!tpu.dma_semaphore, #tpu.memory_space<semaphore_mem>>)
      %scan3A_387 = arith.constant 0 : i32
      scf.yield %scan3A_387 : i32
    }
    %scan3A_96 = arith.constant 64 : i32
    %dma_wait3A = arith.constant 0 : i32
    %dma_wait3A_97 = tpu.memref_slice %arg7[%dma_wait3A] : memref<262144xf32, #tpu.memory_space<hbm>> -> memref<64xf32, #tpu.memory_space<hbm>>
    %dma_wait3A_98 = arith.constant 0 : i32
    %dma_wait3A_99 = tpu.memref_slice %arg7[%dma_wait3A_98] : memref<262144xf32, #tpu.memory_space<hbm>> -> memref<64xf32, #tpu.memory_space<hbm>>
    tpu.wait_dma2 semaphore(%arg20 : memref<!tpu.dma_semaphore, #tpu.memory_space<semaphore_mem>>) src(%arg16 : memref<64xf32, #tpu.memory_space<vmem>>) dst(%dma_wait3A_99 : memref<64xf32, #tpu.memory_space<hbm>>)
    %dma_wait3A_100 = arith.constant 0 : i32
    %dma_wait3A_101 = tpu.memref_slice %arg7[%dma_wait3A_100] : memref<262144xf32, #tpu.memory_space<hbm>> -> memref<64xf32, #tpu.memory_space<hbm>>
    %dma_wait3A_102 = arith.constant 0 : i32
    %dma_wait3A_103 = tpu.memref_slice %arg7[%dma_wait3A_102] : memref<262144xf32, #tpu.memory_space<hbm>> -> memref<64xf32, #tpu.memory_space<hbm>>
    tpu.wait_dma2 semaphore(%arg21 : memref<!tpu.dma_semaphore, #tpu.memory_space<semaphore_mem>>) src(%arg17 : memref<64xf32, #tpu.memory_space<vmem>>) dst(%dma_wait3A_103 : memref<64xf32, #tpu.memory_space<hbm>>)
    return
  }
}

</mosaic_0001>

<sc_bundles>
// kernel: kernel.3.cloned.1.call-start
scs
__scs_entry_jumppad:
0x0: {  	(pc) =	sbr.rel $0x88, $3  }
0x1: {  	(tag) =	ssettag $0x0;
	lr =	simm.s32 $0x1  }
0x2: {  	[smem:$0x3F9C] =	sst lr;
	_ =	strace $0xD0000000  }
0x3: {  	_ = 	snop  }
0x4: {  	_ = 	snop  }
0x5: {  	_ = 	snop  }
0x6: {  	_ = 	snop  }
0x7: {  	_ = 	snop  }
__scs_overlays_trampoline_lowered:
0x8: {  	[smem:$0x3FAB] =	sst s0  }
0x9: {  	[smem:$0x3FAC] =	sst s1  }
0xa: {  	[smem:$0x3FAD] =	sst s2  }
0xb: {  	[smem:$0x3FAE] =	sst s3  }
0xc: {  	[smem:$0x3FAF] =	sst s4  }
0xd: {  	[smem:$0x3FB0] =	sst s5  }
0xe: {  	[smem:$0x3FB1] =	sst s6  }
0xf: {  	[smem:$0x3FB2] =	sst s7  }
0x10: {  	[smem:$0x3FB3] =	sst s8  }
0x11: {  	[smem:$0x3FB4] =	sst s9;
	s0 =	simm.s32 @!p0 $0x0  }
0x12: {  	s1 =	sld [smem:$0x3F9A];
	s0 =	simm.s32 @p0 $0x1  }
0x13: {  	[smem:$0x3FB5] =	sst s0;
	s0 =	simm.s32 @!p1 $0x0  }
0x14: {  	s2 =	sld [smem:$0x3F99];
	s0 =	simm.s32 @p1 $0x1  }
0x15: {  	[smem:$0x3FB6] =	sst s0;
	s0 =	simm.s32 @!p2 $0x0  }
0x16: {  	s3 =	sld [smem:$0x3FDB];
	s0 =	simm.s32 @p2 $0x1  }
0x17: {  	s4 =	simm.s32 $0x1BF5;
	[smem:$0x3FB8] =	sst s0  }
0x18: {  	s0 =	sld [smem:$0x3F9B];
	_ =	swait.ge [sflag:s4], $0x0  }
0x19: {  	s7 =	sld [smem:$0x3F9C]  }
0x1a: {  	s8 =	sadd.s32 $0xFFFFE003, lr  }
0x1b: {  	s9 =	sadd.s32 $0xFFFFFEF7, lr;
	s5 =	simm.s32 $0xFFFFFFFF;
	p2 =	slt.u32 s8, $0xFFFFF086  }
0x1c: {  	p1 =	slt.u32 s9, $0xF7A;
	s5 =	simm.s32 @!p2 $0x0  }
0x1d: {  	s5 =	simm.s32 @p1 $0x1;
	p0 =	seq.s32 s7, s2  }
0x1e: {  	s7 =	smul.u32 @!p0 $0xF7A, s2;
	p2 =	seq.s32 @!p0 s5, $0x0  }
0x1f: {  	s9 =	smul.u32 $0xF7A, s1;
	s8 =	simm.s32 @!p0 $0x1BF5;
	p2 =	por !p2, p0  }
0x20: {  	[sflag:s8] =	ssyncset.s32 @!p0 $0xFFFFF086;
	s6 =	sadd.s32 @!p0 s3, s7;
	s7 =	simm.s32 @!p0 $0x108  }
0x21: {  	s3 =	sadd.s32 s3, s9;
	s6 =	sadd.s32 @!p0 $0x88, s6;
	s7 =	simm.s32 @p2 $0x1082  }
0x22: {  	[simem:s7], [sflag:s8] =	dma.local @!p0 [hbm:s6], $0xF7A  }
0x23: {  	s9 =	sor.u32 $0xD0000000, s2;
	s6 =	simm.s32 $0x108;
	_ =	swait.ge @!p0 [sflag:s8], $0x0  }
0x24: {  	s3 =	sadd.s32 $0x88, s3;
	s6 =	simm.s32 @!p1 $0x1082;
	[sflag:s4] =	ssyncset.s32 $0xFFFFF086  }
0x25: {  	[simem:s6], [sflag:s4] =	dma.local [hbm:s3], $0xF7A  }
0x26: {  	[smem:$0x3F9C] =	sst s1;
	(tag) =	ssettag s2;
	_ =	strace s9  }
0x27: {  	s1 =	sld [smem:$0x3FAC]  }
0x28: {  	s2 =	sld [smem:$0x3FAD]  }
0x29: {  	s4 =	sld [smem:$0x3FAF]  }
0x2a: {  	p0 =	seq.s32 s5, $0x0;
	s5 =	sld [smem:$0x3FB0]  }
0x2b: {  	s6 =	sld [smem:$0x3FB1]  }
0x2c: {  	s7 =	sld [smem:$0x3FB2]  }
0x2d: {  	s3 =	simm.s32 $0x108;
	s8 =	sld [smem:$0x3FB3]  }
0x2e: {  	s3 =	simm.s32 @!p0 $0x1082;
	s9 =	sld [smem:$0x3FB4]  }
0x2f: {  	lr =	sadd.s32 s0, s3;
	s0 =	sld [smem:$0x3FAB]  }
0x30: {  	s3 =	sld [smem:$0x3FAE]  }
0x31: {  	[smem:$0x3FB7] =	sst s10  }
0x32: {  	s10 =	sld [smem:$0x3FB5];
	_ =	sdelay $0x3  }
0x33: {  	p0 =	seq.s32 s10, $0x1;
	s10 =	sld [smem:$0x3FB7];
	_ =	sdelay $0x3  }
0x34: {  	[smem:$0x3FB7] =	sst s10  }
0x35: {  	s10 =	sld [smem:$0x3FB6];
	_ =	sdelay $0x3  }
0x36: {  	p1 =	seq.s32 s10, $0x1;
	s10 =	sld [smem:$0x3FB7];
	_ =	sdelay $0x3  }
0x37: {  	[smem:$0x3FB7] =	sst s10  }
0x38: {  	s10 =	sld [smem:$0x3FB8]  }
0x39: {  	_ = 	snop;
	(pc) =	sbr.ind lr, $3  }
0x3a: {  	_ = 	snop  }
0x3b: {  	_ = 	snop  }
0x3c: {  	p2 =	seq.s32 s10, $0x1;
	s10 =	sld [smem:$0x3FB7]  }
0x3d: {  	_ =	shalt  }
0x3e: {  	_ =	shalt  }
0x3f: {  	_ =	shalt  }
0x40: {  	_ =	shalt  }
0x41: {  	_ =	shalt  }
0x42: {  	_ =	shalt  }
0x43: {  	_ =	shalt  }
0x44: {  	_ =	shalt  }
0x45: {  	_ =	shalt  }
0x46: {  	_ =	shalt  }
0x47: {  	_ =	shalt  }
0x48: {  	_ =	shalt  }
0x49: {  	_ =	shalt  }
0x4a: {  	_ =	shalt  }
0x4b: {  	_ =	shalt  }
0x4c: {  	_ =	shalt  }
0x4d: {  	_ =	shalt  }
0x4e: {  	_ =	shalt  }
0x4f: {  	_ =	shalt  }
0x50: {  	_ =	shalt  }
0x51: {  	_ =	shalt  }
0x52: {  	_ =	shalt  }
0x53: {  	_ =	shalt  }
0x54: {  	_ =	shalt  }
0x55: {  	_ =	shalt  }
0x56: {  	_ =	shalt  }
0x57: {  	_ =	shalt  }
0x58: {  	_ =	shalt  }
0x59: {  	_ =	shalt  }
0x5a: {  	_ =	shalt  }
0x5b: {  	_ =	shalt  }
0x5c: {  	_ =	shalt  }
0x5d: {  	_ =	shalt  }
0x5e: {  	_ =	shalt  }
0x5f: {  	_ =	shalt  }
0x60: {  	_ =	shalt  }
0x61: {  	_ =	shalt  }
0x62: {  	_ =	shalt  }
0x63: {  	_ =	shalt  }
0x64: {  	_ =	shalt  }
0x65: {  	_ =	shalt  }
0x66: {  	_ =	shalt  }
0x67: {  	_ =	shalt  }
0x68: {  	_ =	shalt  }
0x69: {  	_ =	shalt  }
0x6a: {  	_ =	shalt  }
0x6b: {  	_ =	shalt  }
0x6c: {  	_ =	shalt  }
0x6d: {  	_ =	shalt  }
0x6e: {  	_ =	shalt  }
0x6f: {  	_ =	shalt  }
0x70: {  	_ =	shalt  }
0x71: {  	_ =	shalt  }
0x72: {  	_ =	shalt  }
0x73: {  	_ =	shalt  }
0x74: {  	_ =	shalt  }
0x75: {  	_ =	shalt  }
0x76: {  	_ =	shalt  }
0x77: {  	_ =	shalt  }
0x78: {  	_ =	shalt  }
0x79: {  	_ =	shalt  }
0x7a: {  	_ =	shalt  }
0x7b: {  	_ =	shalt  }
0x7c: {  	_ =	shalt  }
0x7d: {  	_ =	shalt  }
0x7e: {  	_ =	shalt  }
0x7f: {  	_ =	shalt  }
0x80: {  	_ =	shalt  }
0x81: {  	_ =	shalt  }
0x82: {  	_ =	shalt  }
0x83: {  	_ =	shalt  }
0x84: {  	_ =	shalt  }
0x85: {  	_ =	shalt  }
0x86: {  	_ =	shalt  }
0x87: {  	_ =	shalt  }
.Lfunc_end0:
.L_simem_size_0:
called_computation.1_lowered:
.L_overlay_start_0:
0x88: {  	s2 =	sld [smem:$0x3FD9]  }
0x89: {  	s3 =	sld [smem:$0x3FFE];
	_ =	sdelay $0x1  }
0x8a: {  	s1 =	srdreg.scid  }
0x8b: {  	s0 =	sand.u32 $0x1, s1  }
0x8c: {  	s17 =	sshll.u32 s0, $0xA;
	s2 =	sadd.s32 s3, s2  }
0x8d: {  	s2 =	sadd.s32 s2, s17  }
0x8e: {  	[smem:$0x3FC3] =	sst s2  }
0x8f: {  	_ = 	snop  }
0x90: {  	s2 =	sld [smem:$0x3FD0];
	(tm) =	ssettm $0x1  }
0x91: {  	s18 =	sld [smem:$0x3FFB];
	_ =	sdelay $0x3  }
0x92: {  	_ =	strace s18  }
0x93: {  	s3 =	sld [smem:$0x3FFC];
	_ =	sdelay $0x3  }
0x94: {  	_ =	strace s3  }
0x95: {  	s3 =	sld [smem:$0x3FFD];
	_ =	sdelay $0x3  }
0x96: {  	_ =	strace s3  }
0x97: {  	_ =	strace $0x8FFFFFFF  }
0x98: {  	s19 =	sld [smem:$0x3FDB];
	_ =	sdelay $0x1  }
0x99: {  	s4 =	simm.s32 $_scs_section_size  }
0x9a: {  	s5 =	simm.s32 $_size__tile_overlayer_lowered;
	s6 =	simm.s32 $_tile_overlayer_lowered  }
0x9b: {  	s22 =	simm.s32 $0x1BFF;
	s21 =	sshll.u32 s6, $0x1;
	s3 =	sadd.s32 s4, s19  }
0x9c: {  	s7 =	simm.s32 $0x0;
	s20 =	sshll.u32 s5, $0x1;
	s5 =	sadd.s32 s21, s3  }
0x9d: {  	[timem:s7], [sflag:s22] =	dma.local [hbm:s5], s20  }
0x9e: {  	_ =	swait.ge [sflag:s22], s20  }
0x9f: {  	s4 =	ssub.s32 $0x0, s20;
	[sflag:s22] =	ssyncset.done $0x0  }
0xa0: {  	[sflag:s22] =	ssyncadd.s32 s4;
	_ =	sdelay $0x1  }
0xa1: {  	s23 =	simm.s32 $0x1B8B  }
0xa2: {  	_ =	swait.ge [sflag:s23], $0x1  }
0xa3: {  	[sflag:s23] =	ssyncset.done $0x0  }
0xa4: {  	s25 =	simm.s32 $0x1B8E;
	s24 =	sld [smem:$0x3FFE];
	[sflag:s23] =	ssyncadd.s32 $0xFFFFFFFF  }
0xa5: {  	s26 =	simm.s32 $execute0_lowered;
	[smem:$0x3FD2] =	sst s25  }
0xa6: {  	s5 =	sshll.u32 s26, $0x1;
	_ =	strace $0x80000049;
	[dreg:$0x1] =	wrdreg $0xFFFFFFFF  }
0xa7: {  	s28 =	simm.s32 $_size_execute0_lowered;
	s3 =	sadd.s32 s3, s5;
	[dreg:$0x0] =	wrdreg $0x0  }
0xa8: {  	s5 =	sshll.u32 s28, $0x1;
	[dreg:$0x2] =	wrdreg s3  }
0xa9: {  	[dreg:$0x3] =	wrdreg s5  }
0xaa: {  	[dreg:$0x4] =	wrdreg $0xC0  }
0xab: {  	_ =	task [dreg:s7], $0x5FFFF  }
0xac: {  	[dreg:$0x1] =	wrdreg $0xFFFFFFFF  }
0xad: {  	[dreg:$0x0] =	wrdreg $0x60  }
0xae: {  	[dreg:$0x2] =	wrdreg s24  }
0xaf: {  	[dreg:$0x3] =	wrdreg s2  }
0xb0: {  	[dreg:$0x4] =	wrdreg $0x9  }
0xb1: {  	_ =	task.clear_ibuf [dreg:s7], $0x5FFFF;
	_ =	strace $0x90000049  }
0xb2: {  	s29 =	simm.s32 $0x9;
	_ =	strace $0x8000004B  }
0xb3: {  	_ =	swait.ge [sflag:s29], $0x1  }
0xb4: {  	[sflag:s29] =	ssyncadd.s32 $0xFFFFFFFF  }
0xb5: {  	_ =	strace $0x9000004B  }
0xb6: {  	_ =	sfence  }
0xb7: {  	s30 =	sld [smem:$0x0];
	_ =	sdelay $0x2  }
0xb8: {  	s31 =	sshll.u32 s1, $0xD;
	s1 =	sshrl.u32 s1, $0x2  }
0xb9: {  	s3 =	sand.u32 $0x4000, s31;
	s1 =	sadd.s32 s1, s30  }
0xba: {  	s0 =	sor.u32 s3, s0;
	s1 =	sshll.u32 s1, $0x11  }
0xbb: {  	s0 =	sor.u32 s1, s0  }
0xbc: {  	s0 =	sadd.s32 $0x8F2B, s0  }
0xbd: {  	[sflag:s0] =	ssyncadd.remote.s32 $0x1  }
0xbe: {  	_ =	sfence.sel $0xFFFF  }
0xbf: {  	[dreg:$0x0] =	wrdreg $0xFFFFFFFF;
	(pc) =	sbr.abs _section_cstart, $3  }
0xc0: {  	[dreg:$0x1] =	wrdreg $0xFFFFFFFF  }
0xc1: {  	_ =	task.clear_ibuf [dreg:s7], $0x2FFFF;
	_ =	strace $0x9FFFFFFF  }
0xc2: {  	(tm) =	ssettm $0x7FFFFFFF  }
0xc3: {  	_ =	shalt  }
tec
execute0_lowered:
.L_overlay_start_1:
0x0: {  	(tag) =	ssettag $0x1  }
0x1: {  	s6 =	rddreg [dreg:$0x0]  }
0x2: {  	s7 =	rddreg [dreg:$0x1]  }
0x3: {  	s0 =	rddreg [dreg:$0x2];
	s3 =	srdreg.scid  }
0x4: {  	s2 =	simm.s32 $0x0;
	s1 =	stileid.u32;
	s12 =	simm.s32 $0x2000  }
0x5: {  	s13 =	simm.s32 $0x4000;
	s14 =	simm.s32 $0x6000;
	s15 =	simm.s32 $0x80  }
0x6: {  	s16 =	simm.s32 $0x15A00;
	s17 =	simm.s32 $0x15B00;
	s18 =	simm.s32 $0x15A80  }
0x7: {  	s19 =	simm.s32 $0x17B00;
	s20 =	simm.s32 $0x1;
	s21 =	simm.s32 $0x19B00  }
0x8: {  	s22 =	simm.s32 $0x2;
	s23 =	simm.s32 $0x4;
	s24 =	simm.s32 $0x19B40  }
0x9: {  	s25 =	simm.s32 $0x3;
	s26 =	simm.s32 $0x0;
	s8 =	sand.u32 $0x1, s3  }
0xa: {  	[smem:$0x7FF] =	sst s2;
	s4 =	sshll.u32 s1, $0xE;
	s5 =	sshll.u32 s8, $0xD  }
0xb: {  	v0 =	vlaneseq.u32;
	s3 =	sadd.s32 $0xF55400, s6;
	s8 =	ssub.s32 $0x2, s8;
	s4 =	sor.u32 s5, s4  }
0xc: {  	v0 =	vmul.u32 $0x40, v0;
	_ =	strace $0x8000004A;
	s11 =	sshrl.u32 s8, $0x1;
	s9 =	sshrl.u32 s4, $0x3  }
0xd: {  	s5 =	sadd.s32 $0xF53400, s6;
	s11 =	ssub.s32 s8, s11;
	s10 =	sadd.s32 s9, s6  }
0xe: {  	v1 =	vor.u32 $0x1000, v0;
	[tilespmem:$0x1FFE0] =	vst v0;
	s6 =	sadd.s32 $0x1000, s6;
	s7 =	sadd.s32 s7, s9;
	s8 =	sadd.s32 $0xF4B400, s10  }
0xf: {  	[tilespmem:$0x1FFF0] =	vst v1;
	s9 =	sadd.s32 $0xF43400, s10;
	s10 =	smax.u32 s11, $0x1;
	s11 =	simm.s32 $0x5  }
.LBB2_1:
0x10: {  	[tilespmem:s2], [sflag:$0x5] =	stream.linear.gather [hbm4b:s7+s2], $0x2000, $0x38;
	[tilespmem:$0x19B80] =	vst v63  }
0x11: {  	_ =	swait.ge [sflag:s11], $0x2000  }
0x12: {  	[sflag:s11] =	ssyncset.done $0x0  }
0x13: {  	[sflag:s11] =	ssyncadd.s32 $0xFFFFE000  }
0x14: {  	[tilespmem:s12], [sflag:$0x5] =	stream.linear.gather [hbm4b:s8+s2], $0x2000, $0x38;
	[tilespmem:$0x19B80] =	vst v63  }
0x15: {  	_ =	swait.ge [sflag:s11], $0x2000  }
0x16: {  	[sflag:s11] =	ssyncset.done $0x0  }
0x17: {  	[sflag:s11] =	ssyncadd.s32 $0xFFFFE000  }
0x18: {  	[tilespmem:s13], [sflag:$0x5] =	stream.linear.gather [hbm4b:s9+s2], $0x2000, $0x38;
	[tilespmem:$0x19B80] =	vst v63  }
0x19: {  	_ =	swait.ge [sflag:s11], $0x2000  }
0x1a: {  	[sflag:s11] =	ssyncset.done $0x0  }
0x1b: {  	[sflag:s11] =	ssyncadd.s32 $0xFFFFE000  }
0x1c: {  	[tilespmem:s14], [sflag:$0x5] =	stream.linear.gather [hbm4b:s5+s2], $0xFA00, $0x38;
	[tilespmem:$0x19B80] =	vst v63  }
0x1d: {  	_ =	swait.ge [sflag:s11], $0xFA00  }
0x1e: {  	[sflag:s11] =	ssyncset.done $0x0  }
0x1f: {  	[sflag:s11] =	ssyncadd.s32 $0xFFFF0600  }
0x20: {  	v2 =	vld.msk [tilespmem:s2+$0x0], $0xffff  }
0x21: {  	v3 =	vld [tilespmem:$0x0]  }
0x22: {  	v4 =	vld [tilespmem:$0x10]  }
0x23: {  	v5 =	vld [tilespmem:$0x20]  }
0x24: {  	v6 =	vld [tilespmem:$0x30];
	_ =	sdelay $0x3  }
0x25: {  	vm0 =	veq.s32 v3, v2;
	vm1 =	veq.s32 v4, v2  }
0x26: {  	vm14 =	veq.s32 v5, v2;
	vm15 =	veq.s32 v6, v2;
	v2 =	vld [tilespmem:$0x4000];
	vm0 =	vmand vm0, vm1  }
0x27: {  	v7 =	vld [tilespmem:$0x2000];
	vm0 =	vmand vm0, vm14  }
0x28: {  	vm0 =	vmand vm0, vm15  }
0x29: {  	v9 =	vld [tilespmem:$0x2010];
	v8 =	vmpcnt.ones.xlane vm0;
	_ =	sdelay $0x1  }
0x2a: {  	v58 =	vld [tilespmem:$0x4010];
	v60 =	vadd.s32 $0x1F4, v2;
	vm0 =	veq.s32 v8, $0x10  }
0x2b: {  	v11 =	vld [tilespmem:$0x2020];
	v10 =	vsel vm0, v3, v7;
	v3 =	vsel vm0, v7, v3;
	v2 =	vsel vm0, v2, v60  }
0x2c: {  	v3 =	vshll.u32 v3, $0x1;
	[tilespmem:$0x4000] =	vst v2  }
0x2d: {  	v61 =	vld [tilespmem:$0x4020];
	v59 =	vshll.u32 v10, $0x1;
	[tilespmem:$0x15A40] =	vst v3;
	v3 =	vsel vm0, v4, v9  }
0x2e: {  	v62 =	vld [tilespmem:$0x2030];
	v2 =	vsel vm0, v9, v4;
	[tilespmem:$0x15A00] =	vst v59;
	v3 =	vshll.u32 v3, $0x1  }
0x2f: {  	v2 =	vshll.u32 v2, $0x1;
	[tilespmem:$0x15A10] =	vst v3;
	v3 =	vadd.s32 $0x1F4, v58  }
0x30: {  	v63 =	vld [tilespmem:$0x4030];
	[tilespmem:$0x15A50] =	vst v2;
	v2 =	vsel vm0, v58, v3;
	v3 =	vsel vm0, v5, v11  }
0x31: {  	[tilespmem:$0x4010] =	vst v2;
	v2 =	vsel vm0, v11, v5;
	v3 =	vshll.u32 v3, $0x1  }
0x32: {  	[tilespmem:$0x15A20] =	vst v3;
	v2 =	vshll.u32 v2, $0x1;
	v3 =	vadd.s32 $0x1F4, v61  }
0x33: {  	[tilespmem:$0x15A60] =	vst v2;
	v2 =	vsel vm0, v61, v3;
	v3 =	vsel vm0, v6, v62  }
0x34: {  	[tilespmem:$0x4020] =	vst v2;
	v2 =	vsel vm0, v62, v6;
	v3 =	vshll.u32 v3, $0x1  }
0x35: {  	[tilespmem:$0x15A30] =	vst v3;
	v2 =	vshll.u32 v2, $0x1;
	v3 =	vadd.s32 $0x1F4, v63  }
0x36: {  	[tilespmem:$0x15A70] =	vst v2;
	v2 =	vsel vm0, v63, v3  }
0x37: {  	s28 =	simm.s32 $0x0;
	[tilespmem:$0x4030] =	vst v2  }
0x38: {  	[tilespmem:s17], [sflag:$0x1] =	stream.indirect.gather [hbm4b:s3+s15], $0x40, s16, s15, $0xb8;
	[tilespmem:$0x19B80] =	vst v63  }
.LBB2_2:
0x39: {  	s30 =	sshll.u32 s28, $0x7  }
0x3a: {  	s29 =	sor.u32 $0x40, s30  }
0x3b: {  	v2 =	vmov s29  }
0x3c: {  	v2 =	vshrl.u32 v2, $0x3  }
0x3d: {  	v2 =	vshll.u32 v2, $0x3  }
0x3e: {  	v2 =	vbroadcast v2, $0x0;
	_ =	sdelay $0x3  }
0x3f: {  	v3 =	vld [tilespmem:s30+$0x40]  }
0x40: {  	v4 =	vld [tilespmem:s30+$0x50]  }
0x41: {  	v2 =	vld.idx.msk [tilespmem:v2+s2+$0x0], $0xffff  }
0x42: {  	v5 =	vld [tilespmem:s30+$0x60]  }
0x43: {  	v6 =	vld [tilespmem:s30+$0x70];
	_ =	sdelay $0x2  }
0x44: {  	vm0 =	veq.s32 v3, v2;
	vm1 =	veq.s32 v4, v2  }
0x45: {  	vm14 =	veq.s32 v5, v2;
	vm0 =	vmand vm0, vm1  }
0x46: {  	v7 =	vld [tilespmem:s30+$0x2040];
	vm15 =	veq.s32 v6, v2;
	vm0 =	vmand vm0, vm14  }
0x47: {  	v8 =	vld [tilespmem:s30+$0x4040];
	vm0 =	vmand vm0, vm15  }
0x48: {  	v9 =	vld [tilespmem:s30+$0x4050];
	v10 =	vmpcnt.ones.xlane vm0  }
0x49: {  	v2 =	vld [tilespmem:s30+$0x2050]  }
0x4a: {  	v11 =	vld [tilespmem:s30+$0x2060];
	vm0 =	veq.s32 v10, $0x10  }
0x4b: {  	v12 =	vld [tilespmem:s30+$0x4060];
	v13 =	vsel vm0, v3, v7  }
0x4c: {  	v14 =	vld [tilespmem:s30+$0x4070];
	v3 =	vsel vm0, v7, v3;
	v7 =	vshll.u32 v13, $0x1  }
0x4d: {  	v10 =	vld [tilespmem:s30+$0x2070];
	v3 =	vshll.u32 v3, $0x1;
	[tilespmem:$0x15A80] =	vst v7;
	v7 =	vadd.s32 $0x1F4, v8  }
0x4e: {  	[tilespmem:$0x15AC0] =	vst v3;
	v3 =	vsel vm0, v8, v7;
	v7 =	vsel vm0, v4, v2  }
0x4f: {  	v2 =	vsel vm0, v2, v4;
	[tilespmem:s30+$0x4040] =	vst v3;
	v3 =	vshll.u32 v7, $0x1  }
0x50: {  	v4 =	vlaneseq.u32;
	v2 =	vshll.u32 v2, $0x1;
	[tilespmem:$0x15A90] =	vst v3;
	v3 =	vadd.s32 $0x1F4, v9  }
0x51: {  	v7 =	vadd.s32 $0xC, v4;
	[tilespmem:$0x15AD0] =	vst v2;
	v2 =	vsel vm0, v9, v3;
	v3 =	vsel vm0, v5, v11  }
0x52: {  	v8 =	vadd.s32 $0xD, v4;
	[tilespmem:s30+$0x4050] =	vst v2;
	v2 =	vsel vm0, v11, v5;
	v3 =	vshll.u32 v3, $0x1  }
0x53: {  	v13 =	vadd.s32 $0xB, v4;
	[tilespmem:$0x15AA0] =	vst v3;
	v2 =	vshll.u32 v2, $0x1;
	v3 =	vadd.s32 $0x1F4, v12  }
0x54: {  	v15 =	vadd.s32 $0x5, v4;
	[tilespmem:$0x15AE0] =	vst v2;
	v2 =	vsel vm0, v12, v3;
	v3 =	vsel vm0, v6, v10  }
0x55: {  	v17 =	vadd.s32 $0x6, v4;
	[tilespmem:s30+$0x4060] =	vst v2;
	v2 =	vsel vm0, v10, v6;
	v3 =	vshll.u32 v3, $0x1  }
0x56: {  	v18 =	vand.u32 $0x3F, v4;
	[tilespmem:$0x15AB0] =	vst v3;
	v2 =	vshll.u32 v2, $0x1;
	v3 =	vadd.s32 $0x1F4, v14  }
0x57: {  	v19 =	vadd.s32 $0x1, v4;
	v21 =	vadd.s32 $0x7, v4;
	[tilespmem:$0x15AF0] =	vst v2;
	v2 =	vsel vm0, v14, v3  }
0x58: {  	v26 =	vadd.s32 $0x3, v4;
	v27 =	vand.u32 $0x7, v7;
	v28 =	vand.u32 $0x7, v8;
	[tilespmem:s30+$0x4070] =	vst v2  }
0x59: {  	v39 =	vand.u32 $0x7, v13;
	v30 =	vand.u32 $0x3F, v7;
	v32 =	vand.u32 $0x3F, v8;
	[tilespmem:s19], [sflag:$0x2] =	stream.indirect.gather [hbm4b:s3+s15], $0x40, s18, s15, $0xb8;
	[tilespmem:$0x19B80] =	vst v63  }
0x5a: {  	v41 =	vand.u32 $0x7, v15;
	v44 =	vand.u32 $0x7, v17;
	v45 =	vand.u32 $0x7, v21;
	_ =	swait.ge [sflag:s20], $0x2000  }
0x5b: {  	p0 =	seq.s32 s28, $0x0;
	v50 =	vand.u32 $0x7, v19;
	v25 =	vand.u32 $0x7, v26;
	v23 =	vand.u32 $0x3F, v15;
	[sflag:s20] =	ssyncset.done $0x0  }
0x5c: {  	s31 =	simm.s32 @!p0 $0x3;
	v20 =	vand.u32 $0x3F, v17;
	v15 =	vand.u32 $0x3F, v21;
	v24 =	vand.u32 $0x3F, v19;
	[sflag:s20] =	ssyncadd.s32 $0xFFFFE000  }
0x5d: {  	v21 =	vand.u32 $0x3F, v26;
	v9 =	vadd.s32 $0xE, v4;
	v19 =	vor.u32 v0, v30;
	_ =	swait.ge @!p0 [sflag:s31], $0x40  }
0x5e: {  	v5 =	vadd.s32 $0x8, v4;
	v11 =	vadd.s32 $0x9, v4;
	v29 =	vand.u32 $0x7, v9;
	[sflag:s31] =	ssyncset.done @!p0 $0x0  }
0x5f: {  	v8 =	vand.u32 $0x3F, v9;
	v9 =	vand.u32 $0x3F, v13;
	v13 =	vor.u32 v1, v18;
	[sflag:s31] =	ssyncadd.s32 @!p0 $0xFFFFFFC0  }
0x60: {  	v34 =	vand.u32 $0x7, v11;
	v35 =	vand.u32 $0x3F, v5;
	v37 =	vand.u32 $0x3F, v11;
	v2 =	vld [tilespmem:s30+$0x4000]  }
0x61: {  	v11 =	vor.u32 v0, v18;
	v13 =	vand.u32 $0x13F8, v13;
	v12 =	vadd.s32 $0xA, v4  }
0x62: {  	v11 =	vand.u32 $0x3F8, v11;
	v58 =	vor.u32 v0, v35;
	v35 =	vor.u32 v1, v35  }
0x63: {  	v60 =	vor.u32 v0, v37;
	v10 =	vadd.s32 $0xF, v4;
	v6 =	vand.u32 $0x7, v4  }
0x64: {  	v36 =	vand.u32 $0x7, v12;
	v35 =	vand.u32 $0x13F8, v35;
	v26 =	vor.u32 v6, v11  }
0x65: {  	v31 =	vand.u32 $0x7, v10;
	v47 =	vor.u32 v6, v35;
	v2 =	vshll.u32 v2, $0x6  }
0x66: {  	v7 =	vand.u32 $0x3F, v10;
	v10 =	vand.u32 $0x3F, v12;
	v33 =	vor.u32 v2, v18  }
0x67: {  	v14 =	vadd.s32 $0x4, v4;
	v62 =	vor.u32 v0, v10;
	v12 =	vor.u32 v2, v30  }
0x68: {  	v38 =	vand.u32 $0x3F, v14;
	v17 =	vor.u32 v2, v37;
	v37 =	vor.u32 v1, v37  }
0x69: {  	v26 =	vld.idx.msk [tilespmem:v26+s17+$0x0], $0xffff;
	v18 =	vor.u32 v2, v38;
	v61 =	vand.u32 $0x13F8, v37;
	v37 =	vand.u32 $0x3F8, v62  }
0x6a: {  	v40 =	vand.u32 $0x7, v14;
	v14 =	vor.u32 v2, v32;
	v49 =	vor.u32 v36, v37;
	v37 =	vld.idx.msk [tilespmem:v47+s17+$0x0], $0xffff  }
0x6b: {  	v19 =	vand.u32 $0x3F8, v19;
	v55 =	vor.u32 v6, v13;
	v30 =	vor.u32 v1, v30;
	v11 =	vld.idx.msk [tilespmem:v33+s14+$0x0], $0xffff  }
0x6c: {  	v42 =	vor.u32 v27, v19;
	v19 =	vand.u32 $0x13F8, v30;
	v13 =	vld.idx.msk [tilespmem:v12+s14+$0x0], $0xffff;
	v12 =	vor.u32 v0, v32  }
0x6d: {  	v32 =	vor.u32 v1, v32;
	v30 =	vand.u32 $0x3F8, v12;
	v12 =	vld.idx.msk [tilespmem:v17+s14+$0x0], $0xffff;
	v17 =	vor.u32 v27, v19  }
0x6e: {  	v27 =	vand.u32 $0x13F8, v32;
	v19 =	vld.idx.msk [tilespmem:v18+s14+$0x0], $0xffff;
	v18 =	vor.u32 v0, v8;
	v30 =	vor.u32 v28, v30  }
0x6f: {  	v14 =	vld.idx.msk [tilespmem:v14+s14+$0x0], $0xffff;
	v32 =	vor.u32 v28, v27;
	v27 =	vor.u32 v1, v8;
	v18 =	vand.u32 $0x3F8, v18  }
0x70: {  	v43 =	vor.u32 v0, v7;
	v28 =	vand.u32 $0x13F8, v27;
	v27 =	vld.idx.msk [tilespmem:v55+s17+$0x0], $0xffff;
	v18 =	vor.u32 v29, v18  }
0x71: {  	v56 =	vor.u32 v29, v28;
	v29 =	vand.u32 $0x3F8, v43;
	v28 =	vld.idx.msk [tilespmem:v42+s17+$0x0], $0xffff  }
0x72: {  	v22 =	vadd.s32 $0x2, v4;
	v57 =	vor.u32 v1, v7;
	v46 =	vor.u32 v31, v29;
	v29 =	vld.idx.msk [tilespmem:v17+s17+$0x0], $0xffff  }
0x73: {  	v16 =	vand.u32 $0x7, v22;
	v22 =	vand.u32 $0x3F, v22;
	v17 =	vand.u32 $0x13F8, v57;
	v30 =	vld.idx.msk [tilespmem:v30+s17+$0x0], $0xffff  }
0x74: {  	v59 =	vand.u32 $0x3F8, v58;
	v58 =	vor.u32 v0, v38;
	v17 =	vor.u32 v31, v17;
	v31 =	vld.idx.msk [tilespmem:v32+s17+$0x0], $0xffff  }
0x75: {  	v42 =	vor.u32 v6, v59;
	v43 =	vand.u32 $0x3F8, v60;
	v59 =	vor.u32 v1, v38;
	v32 =	vld.idx.msk [tilespmem:v18+s17+$0x0], $0xffff  }
0x76: {  	v63 =	vor.u32 v34, v61;
	v61 =	vand.u32 $0x13F8, v59;
	v18 =	vor.u32 v34, v43;
	v33 =	vld.idx.msk [tilespmem:v56+s17+$0x0], $0xffff  }
0x77: {  	v54 =	vor.u32 v1, v10;
	v47 =	vor.u32 v40, v61;
	v34 =	vld.idx.msk [tilespmem:v46+s17+$0x0], $0xffff;
	v46 =	vand.u32 $0x3F8, v58  }
0x78: {  	v48 =	vor.u32 v0, v9;
	v55 =	vand.u32 $0x13F8, v54;
	v51 =	vor.u32 v40, v46;
	v40 =	vld.idx.msk [tilespmem:v49+s17+$0x0], $0xffff  }
0x79: {  	v57 =	vor.u32 v1, v9;
	v56 =	vand.u32 $0x3F8, v48;
	v35 =	vld.idx.msk [tilespmem:v17+s17+$0x0], $0xffff;
	v17 =	vor.u32 v36, v55  }
0x7a: {  	v52 =	vor.u32 v1, v24;
	v48 =	vor.u32 v39, v56;
	v36 =	vld.idx.msk [tilespmem:v42+s17+$0x0], $0xffff;
	v42 =	vand.u32 $0x13F8, v57  }
0x7b: {  	v3 =	vimm.f32 $0.0e+00;
	v60 =	vor.u32 v0, v23;
	v38 =	vld.idx.msk [tilespmem:v18+s17+$0x0], $0xffff;
	v18 =	vor.u32 v39, v42  }
0x7c: {  	v62 =	vor.u32 v1, v23;
	v47 =	vld.idx.msk [tilespmem:v47+s17+$0x0], $0xffff;
	v55 =	vor.u32 v0, v20;
	v42 =	vand.u32 $0x3F8, v60  }
0x7d: {  	v54 =	vor.u32 v0, v22;
	v39 =	vld.idx.msk [tilespmem:v63+s17+$0x0], $0xffff;
	v46 =	vand.u32 $0x3F8, v55;
	v63 =	vor.u32 v41, v42  }
0x7e: {  	v43 =	vand.u32 $0x13F8, v62;
	v56 =	vor.u32 v1, v20;
	v53 =	vor.u32 v44, v46;
	v42 =	vld.idx.msk [tilespmem:v17+s17+$0x0], $0xffff  }
0x7f: {  	v57 =	vor.u32 v0, v15;
	v17 =	vor.u32 v41, v43;
	v43 =	vld.idx.msk [tilespmem:v48+s17+$0x0], $0xffff;
	v41 =	vand.u32 $0x13F8, v56  }
0x80: {  	v59 =	vor.u32 v1, v15;
	v58 =	vand.u32 $0x3F8, v57;
	v46 =	vld.idx.msk [tilespmem:v18+s17+$0x0], $0xffff;
	v18 =	vor.u32 v44, v41  }
0x81: {  	v60 =	vor.u32 v0, v24;
	v48 =	vld.idx.msk [tilespmem:v51+s17+$0x0], $0xffff;
	v41 =	vor.u32 v45, v58;
	v44 =	vand.u32 $0x13F8, v59  }
0x82: {  	v62 =	vor.u32 v1, v22;
	v51 =	vand.u32 $0x3F8, v60;
	v49 =	vld.idx.msk [tilespmem:v63+s17+$0x0], $0xffff;
	v58 =	vor.u32 v45, v44  }
0x83: {  	v61 =	vand.u32 $0x13F8, v52;
	v55 =	vor.u32 v50, v51;
	v44 =	vld.idx.msk [tilespmem:v53+s17+$0x0], $0xffff;
	v63 =	vand.u32 $0x13F8, v62  }
0x84: {  	v52 =	vor.u32 v50, v61;
	v56 =	vor.u32 v16, v63;
	v45 =	vld.idx.msk [tilespmem:v17+s17+$0x0], $0xffff;
	v17 =	vand.u32 $0x3F8, v54  }
0x85: {  	v53 =	vor.u32 v16, v17;
	v17 =	vor.u32 v0, v21;
	v50 =	vld.idx.msk [tilespmem:v18+s17+$0x0], $0xffff;
	v18 =	vor.u32 v1, v21  }
0x86: {  	v41 =	vld.idx.msk [tilespmem:v41+s17+$0x0], $0xffff;
	v16 =	vimm.f32 $0.0e+00;
	v17 =	vand.u32 $0x3F8, v17;
	v57 =	vand.u32 $0x13F8, v18  }
0x87: {  	s31 =	simm.s32 $0x3;
	v51 =	vld.idx.msk [tilespmem:v58+s17+$0x0], $0xffff;
	v18 =	vimm.f32 $0.0e+00;
	v54 =	vor.u32 v25, v17;
	v17 =	vimm.f32 $0.0e+00  }
.LBB2_3:
0x88: {  	p1 =	sne.s32 s31, $0x1;
	v55 =	vld.idx.msk [tilespmem:v55+s17+$0x0], $0xffff;
	v25 =	vor.u32 v25, v57;
	v5 =	vand.u32 $0x38, v5;
	v4 =	vadd.s32 $0x10, v4  }
0x89: {  	v23 =	vor.u32 v2, v23;
	v57 =	vadd.s32 $0xC, v4;
	v52 =	vld.idx.msk [tilespmem:v52+s17+$0x0], $0xffff;
	v5 =	vor.u32 v5, v2  }
0x8a: {  	v58 =	vadd.s32 $0xD, v4;
	v59 =	vadd.s32 $0xE, v4;
	v53 =	vld.idx.msk [tilespmem:v53+s17+$0x0], $0xffff;
	v6 =	vor.u32 v6, v5  }
0x8b: {  	v24 =	vor.u32 v2, v24;
	v60 =	vadd.s32 $0xF, v4;
	v5 =	vadd.s32 $0x8, v4;
	v56 =	vld.idx.msk [tilespmem:v56+s17+$0x0], $0xffff  }
0x8c: {  	v26 =	vmul.f32 v27, v26;
	v22 =	vor.u32 v2, v22;
	v28 =	vmul.f32 v29, v28;
	v27 =	vld.idx.msk [tilespmem:v54+s17+$0x0], $0xffff  }
0x8d: {  	v21 =	vor.u32 v2, v21;
	v29 =	vmul.f32 v31, v30;
	v30 =	vmul.f32 v33, v32;
	v25 =	vld.idx.msk [tilespmem:v25+s17+$0x0], $0xffff  }
0x8e: {  	v20 =	vor.u32 v2, v20;
	v31 =	vmul.f32 v37, v36;
	v32 =	vmul.f32 v35, v34;
	v23 =	vld.idx.msk [tilespmem:v23+s14+$0x0], $0xffff  }
0x8f: {  	v15 =	vor.u32 v2, v15;
	v33 =	vmul.f32 v39, v38;
	v34 =	vmul.f32 v42, v40;
	v6 =	vld.idx.msk [tilespmem:v6+s14+$0x0], $0xffff  }
0x90: {  	v35 =	vmul.f32 v47, v48;
	v10 =	vor.u32 v2, v10;
	v36 =	vmul.f32 v46, v43;
	v24 =	vld.idx.msk [tilespmem:v24+s14+$0x0], $0xffff  }
0x91: {  	v37 =	vmul.f32 v45, v49;
	v9 =	vor.u32 v2, v9;
	v38 =	vmul.f32 v50, v44;
	v22 =	vld.idx.msk [tilespmem:v22+s14+$0x0], $0xffff  }
0x92: {  	v8 =	vor.u32 v2, v8;
	v40 =	vmul.f32 v51, v41;
	v39 =	vmul.f32 v52, v55;
	v21 =	vld.idx.msk [tilespmem:v21+s14+$0x0], $0xffff  }
0x93: {  	v7 =	vor.u32 v2, v7;
	v41 =	vmul.f32 v56, v53;
	v25 =	vmul.f32 v25, v27;
	v20 =	vld.idx.msk [tilespmem:v20+s14+$0x0], $0xffff  }
0x94: {  	v11 =	vmul.f32 v11, v26;
	v13 =	vmul.f32 v13, v28;
	v27 =	vadd.s32 $0x9, v4;
	v15 =	vld.idx.msk [tilespmem:v15+s14+$0x0], $0xffff  }
0x95: {  	v26 =	vadd.s32 $0xA, v4;
	v14 =	vmul.f32 v14, v29;
	v28 =	vmul.f32 v6, v31;
	v10 =	vld.idx.msk [tilespmem:v10+s14+$0x0], $0xffff  }
0x96: {  	v29 =	vadd.s32 $0xB, v4;
	v19 =	vmul.f32 v19, v35;
	v12 =	vmul.f32 v12, v33;
	v9 =	vld.idx.msk [tilespmem:v9+s14+$0x0], $0xffff  }
0x97: {  	v23 =	vmul.f32 v23, v37;
	v6 =	vand.u32 $0x7, v4;
	v24 =	vmul.f32 v24, v39;
	v8 =	vld.idx.msk [tilespmem:v8+s14+$0x0], $0xffff  }
0x98: {  	v31 =	vadd.s32 $0x4, v4;
	v22 =	vmul.f32 v22, v41;
	v21 =	vmul.f32 v21, v25;
	v7 =	vld.idx.msk [tilespmem:v7+s14+$0x0], $0xffff  }
0x99: {  	v3 =	vadd.f32 v11, v3;
	v11 =	vadd.f32 v24, v18;
	v18 =	vmul.f32 v20, v38  }
0x9a: {  	v16 =	vadd.f32 v22, v16;
	v17 =	vadd.f32 v21, v17;
	v15 =	vmul.f32 v15, v40  }
0x9b: {  	v3 =	vadd.f32 v19, v3;
	v11 =	vadd.f32 v23, v11;
	v10 =	vmul.f32 v10, v34  }
0x9c: {  	v16 =	vadd.f32 v18, v16;
	v15 =	vadd.f32 v15, v17;
	v9 =	vmul.f32 v9, v36  }
0x9d: {  	v3 =	vadd.f32 v28, v3;
	v11 =	vadd.f32 v12, v11;
	v8 =	vmul.f32 v8, v30  }
0x9e: {  	v10 =	vadd.f32 v10, v16;
	v9 =	vadd.f32 v9, v15;
	v7 =	vmul.f32 v7, v32  }
0x9f: {  	v3 =	vadd.f32 v13, v3;
	v12 =	vadd.s32 $0x5, v4;
	v18 =	vadd.f32 v14, v11  }
0xa0: {  	v11 =	vadd.s32 $0x6, v4;
	v16 =	vadd.f32 v8, v10;
	v17 =	vadd.f32 v7, v9  }
0xa1: {  	v13 =	vand.u32 $0x3F, v4;
	v14 =	vadd.s32 $0x1, v4;
	v15 =	vadd.s32 $0x7, v4  }
0xa2: {  	v19 =	vadd.s32 $0x2, v4;
	v28 =	vand.u32 $0x7, v57;
	v21 =	vadd.s32 $0x3, v4  }
0xa3: {  	v33 =	vand.u32 $0x7, v60;
	v30 =	vand.u32 $0x7, v58;
	v32 =	vand.u32 $0x7, v59  }
0xa4: {  	v37 =	vand.u32 $0x7, v26;
	v39 =	vand.u32 $0x7, v29;
	v34 =	vand.u32 $0x7, v27  }
0xa5: {  	v35 =	vand.u32 $0x3F, v57;
	v36 =	vand.u32 $0x3F, v58;
	v8 =	vand.u32 $0x3F, v59  }
0xa6: {  	v38 =	vor.u32 v2, v13;
	v40 =	vand.u32 $0x7, v31;
	v7 =	vand.u32 $0x3F, v60  }
0xa7: {  	v43 =	vand.u32 $0x7, v12;
	v47 =	vand.u32 $0x7, v11;
	v45 =	vand.u32 $0x7, v15  }
0xa8: {  	v42 =	vand.u32 $0x3F, v5;
	v46 =	vand.u32 $0x3F, v27;
	v10 =	vand.u32 $0x3F, v26  }
0xa9: {  	v41 =	vand.u32 $0x7, v19;
	v44 =	vand.u32 $0x7, v14;
	v9 =	vand.u32 $0x3F, v29  }
0xaa: {  	v48 =	vand.u32 $0x3F, v31;
	v25 =	vand.u32 $0x7, v21;
	v23 =	vand.u32 $0x3F, v12  }
0xab: {  	v12 =	vor.u32 v2, v35;
	v20 =	vand.u32 $0x3F, v11;
	v15 =	vand.u32 $0x3F, v15  }
0xac: {  	v11 =	vor.u32 v0, v13;
	v13 =	vor.u32 v1, v13;
	v26 =	vor.u32 v2, v36  }
0xad: {  	v22 =	vand.u32 $0x3F, v19;
	v19 =	vor.u32 v2, v46;
	v24 =	vand.u32 $0x3F, v14  }
0xae: {  	v21 =	vand.u32 $0x3F, v21;
	v27 =	vor.u32 v2, v48;
	v11 =	vand.u32 $0x3F8, v11  }
0xaf: {  	v14 =	vor.u32 v0, v35;
	v13 =	vand.u32 $0x13F8, v13;
	v29 =	vor.u32 v6, v11;
	v11 =	vld.idx.msk [tilespmem:v38+s14+$0x0], $0xffff  }
0xb0: {  	v35 =	vor.u32 v1, v35;
	v14 =	vand.u32 $0x3F8, v14;
	v31 =	vor.u32 v6, v13;
	v13 =	vld.idx.msk [tilespmem:v12+s14+$0x0], $0xffff  }
0xb1: {  	v49 =	vor.u32 v0, v36;
	v35 =	vand.u32 $0x13F8, v35;
	v38 =	vor.u32 v28, v14;
	v14 =	vld.idx.msk [tilespmem:v26+s14+$0x0], $0xffff  }
0xb2: {  	v35 =	vor.u32 v28, v35;
	v28 =	vor.u32 v1, v36;
	v26 =	vand.u32 $0x3F8, v49;
	v12 =	vld.idx.msk [tilespmem:v19+s14+$0x0], $0xffff  }
0xb3: {  	v36 =	vor.u32 v30, v26;
	v19 =	vld.idx.msk [tilespmem:v27+s14+$0x0], $0xffff;
	v27 =	vand.u32 $0x13F8, v28;
	v28 =	vor.u32 v0, v8  }
0xb4: {  	v26 =	vld.idx.msk [tilespmem:v29+s17+$0x0], $0xffff;
	v49 =	vor.u32 v30, v27;
	v28 =	vand.u32 $0x3F8, v28;
	v29 =	vor.u32 v1, v8  }
0xb5: {  	v30 =	vor.u32 v0, v7;
	v27 =	vld.idx.msk [tilespmem:v31+s17+$0x0], $0xffff;
	v50 =	vor.u32 v32, v28;
	v29 =	vand.u32 $0x13F8, v29  }
0xb6: {  	v30 =	vand.u32 $0x3F8, v30;
	v31 =	vor.u32 v1, v7;
	v28 =	vld.idx.msk [tilespmem:v38+s17+$0x0], $0xffff;
	v38 =	vor.u32 v32, v29  }
0xb7: {  	v32 =	vor.u32 v0, v42;
	v31 =	vand.u32 $0x13F8, v31;
	v29 =	vld.idx.msk [tilespmem:v35+s17+$0x0], $0xffff;
	v35 =	vor.u32 v33, v30  }
0xb8: {  	v42 =	vor.u32 v1, v42;
	v32 =	vand.u32 $0x3F8, v32;
	v30 =	vld.idx.msk [tilespmem:v36+s17+$0x0], $0xffff;
	v36 =	vor.u32 v33, v31  }
0xb9: {  	v51 =	vor.u32 v6, v32;
	v32 =	vand.u32 $0x13F8, v42;
	v33 =	vor.u32 v0, v46;
	v31 =	vld.idx.msk [tilespmem:v49+s17+$0x0], $0xffff  }
0xba: {  	v46 =	vor.u32 v1, v46;
	v42 =	vor.u32 v6, v32;
	v33 =	vand.u32 $0x3F8, v33;
	v32 =	vld.idx.msk [tilespmem:v50+s17+$0x0], $0xffff  }
0xbb: {  	v46 =	vand.u32 $0x13F8, v46;
	v49 =	vor.u32 v34, v33;
	v50 =	vor.u32 v0, v10;
	v33 =	vld.idx.msk [tilespmem:v38+s17+$0x0], $0xffff  }
0xbc: {  	v46 =	vor.u32 v34, v46;
	v38 =	vand.u32 $0x3F8, v50;
	v50 =	vor.u32 v1, v10;
	v34 =	vld.idx.msk [tilespmem:v35+s17+$0x0], $0xffff  }
0xbd: {  	v52 =	vor.u32 v37, v38;
	v38 =	vand.u32 $0x13F8, v50;
	v50 =	vor.u32 v0, v9;
	v35 =	vld.idx.msk [tilespmem:v36+s17+$0x0], $0xffff  }
0xbe: {  	v36 =	vld.idx.msk [tilespmem:v51+s17+$0x0], $0xffff;
	v51 =	vor.u32 v37, v38;
	v38 =	vand.u32 $0x3F8, v50;
	v50 =	vor.u32 v1, v9  }
0xbf: {  	v53 =	vor.u32 v0, v48;
	v37 =	vld.idx.msk [tilespmem:v42+s17+$0x0], $0xffff;
	v54 =	vor.u32 v39, v38;
	v42 =	vand.u32 $0x13F8, v50  }
0xc0: {  	v48 =	vor.u32 v1, v48;
	v50 =	vand.u32 $0x3F8, v53;
	v38 =	vld.idx.msk [tilespmem:v49+s17+$0x0], $0xffff;
	v49 =	vor.u32 v39, v42  }
0xc1: {  	v50 =	vor.u32 v40, v50;
	v42 =	vand.u32 $0x13F8, v48;
	v48 =	vor.u32 v0, v23;
	v39 =	vld.idx.msk [tilespmem:v46+s17+$0x0], $0xffff  }
0xc2: {  	v53 =	vor.u32 v40, v42;
	v42 =	vand.u32 $0x3F8, v48;
	v46 =	vor.u32 v1, v23;
	v40 =	vld.idx.msk [tilespmem:v52+s17+$0x0], $0xffff  }
0xc3: {  	v48 =	vor.u32 v0, v20;
	v52 =	vor.u32 v43, v42;
	v46 =	vand.u32 $0x13F8, v46;
	v42 =	vld.idx.msk [tilespmem:v51+s17+$0x0], $0xffff  }
0xc4: {  	v51 =	vor.u32 v43, v46;
	v46 =	vand.u32 $0x3F8, v48;
	v48 =	vor.u32 v1, v20;
	v43 =	vld.idx.msk [tilespmem:v54+s17+$0x0], $0xffff  }
0xc5: {  	v56 =	vor.u32 v0, v15;
	v54 =	vor.u32 v47, v46;
	v55 =	vand.u32 $0x13F8, v48;
	v46 =	vld.idx.msk [tilespmem:v49+s17+$0x0], $0xffff  }
0xc6: {  	v49 =	vand.u32 $0x3F8, v56;
	v48 =	vld.idx.msk [tilespmem:v50+s17+$0x0], $0xffff;
	v50 =	vor.u32 v47, v55;
	v55 =	vor.u32 v1, v15  }
0xc7: {  	v56 =	vor.u32 v0, v24;
	v57 =	vor.u32 v45, v49;
	v47 =	vld.idx.msk [tilespmem:v53+s17+$0x0], $0xffff;
	v53 =	vand.u32 $0x13F8, v55  }
0xc8: {  	v55 =	vand.u32 $0x3F8, v56;
	v56 =	vor.u32 v1, v24;
	v49 =	vld.idx.msk [tilespmem:v52+s17+$0x0], $0xffff;
	v58 =	vor.u32 v45, v53  }
.Ltmp0:
0xc9: {  	v55 =	vor.u32 v44, v55;
	v52 =	vand.u32 $0x13F8, v56;
	v53 =	vor.u32 v0, v22;
	v45 =	vld.idx.msk [tilespmem:v51+s17+$0x0], $0xffff;
	(pc) =	sbr.rel @p1 .LBB2_3-.Ltmp0, $4  }
0xca: {  	v56 =	vor.u32 v1, v22;
	v52 =	vor.u32 v44, v52;
	v51 =	vand.u32 $0x3F8, v53;
	v44 =	vld.idx.msk [tilespmem:v54+s17+$0x0], $0xffff  }
0xcb: {  	v53 =	vor.u32 v41, v51;
	v51 =	vand.u32 $0x13F8, v56;
	v54 =	vor.u32 v0, v21;
	v50 =	vld.idx.msk [tilespmem:v50+s17+$0x0], $0xffff  }
0xcc: {  	v59 =	vor.u32 v1, v21;
	v56 =	vor.u32 v41, v51;
	v51 =	vand.u32 $0x3F8, v54;
	v41 =	vld.idx.msk [tilespmem:v57+s17+$0x0], $0xffff  }
0xcd: {  	s31 =	sadd.s32 $0xFFFFFFFF, s31;
	v54 =	vor.u32 v25, v51;
	v57 =	vand.u32 $0x13F8, v59;
	v51 =	vld.idx.msk [tilespmem:v58+s17+$0x0], $0xffff  }
0xce: {  	_ =	sdelay $0x3  }
0xcf: {  	v4 =	vld.idx.msk [tilespmem:v55+s17+$0x0], $0xffff;
	v25 =	vor.u32 v25, v57  }
0xd0: {  	v52 =	vld.idx.msk [tilespmem:v52+s17+$0x0], $0xffff;
	v23 =	vor.u32 v2, v23  }
0xd1: {  	v5 =	vand.u32 $0x38, v5;
	v53 =	vld.idx.msk [tilespmem:v53+s17+$0x0], $0xffff;
	v26 =	vmul.f32 v27, v26;
	v22 =	vor.u32 v2, v22  }
0xd2: {  	v27 =	vmul.f32 v29, v28;
	v28 =	vld.idx.msk [tilespmem:v54+s17+$0x0], $0xffff;
	v21 =	vor.u32 v2, v21;
	v5 =	vor.u32 v5, v2  }
0xd3: {  	v5 =	vor.u32 v6, v5;
	v6 =	vor.u32 v2, v24;
	v24 =	vld.idx.msk [tilespmem:v56+s17+$0x0], $0xffff  }
0xd4: {  	v29 =	vmul.f32 v31, v30;
	v30 =	vmul.f32 v33, v32;
	v20 =	vor.u32 v2, v20;
	v25 =	vld.idx.msk [tilespmem:v25+s17+$0x0], $0xffff  }
0xd5: {  	v31 =	vmul.f32 v37, v36;
	v62 =	vmul.f32 v35, v34;
	v15 =	vor.u32 v2, v15;
	v23 =	vld.idx.msk [tilespmem:v23+s14+$0x0], $0xffff  }
0xd6: {  	v63 =	vmul.f32 v39, v38;
	v42 =	vmul.f32 v42, v40;
	v9 =	vor.u32 v2, v9;
	v22 =	vld.idx.msk [tilespmem:v22+s14+$0x0], $0xffff  }
0xd7: {  	v48 =	vmul.f32 v47, v48;
	v54 =	vmul.f32 v46, v43;
	v10 =	vor.u32 v2, v10;
	v21 =	vld.idx.msk [tilespmem:v21+s14+$0x0], $0xffff  }
0xd8: {  	v55 =	vmul.f32 v45, v49;
	v8 =	vor.u32 v2, v8;
	v56 =	vmul.f32 v50, v44;
	v6 =	vld.idx.msk [tilespmem:v6+s14+$0x0], $0xffff  }
0xd9: {  	v2 =	vor.u32 v2, v7;
	v7 =	vmul.f32 v11, v26;
	v11 =	vmul.f32 v13, v27;
	v20 =	vld.idx.msk [tilespmem:v20+s14+$0x0], $0xffff  }
0xda: {  	v14 =	vmul.f32 v14, v29;
	v12 =	vmul.f32 v12, v63;
	v13 =	vld.idx.msk [tilespmem:v15+s14+$0x0], $0xffff  }
0xdb: {  	v4 =	vmul.f32 v52, v4;
	v15 =	vmul.f32 v19, v48;
	v9 =	vld.idx.msk [tilespmem:v9+s14+$0x0], $0xffff  }
0xdc: {  	v3 =	vadd.f32 v7, v3;
	v5 =	vld.idx.msk [tilespmem:v5+s14+$0x0], $0xffff;
	v24 =	vmul.f32 v24, v53;
	v25 =	vmul.f32 v25, v28  }
0xdd: {  	v57 =	vmul.f32 v51, v41;
	v10 =	vld.idx.msk [tilespmem:v10+s14+$0x0], $0xffff;
	v4 =	vmul.f32 v6, v4  }
0xde: {  	v2 =	vld.idx.msk [tilespmem:v2+s14+$0x0], $0xffff;
	v3 =	vadd.f32 v15, v3;
	v19 =	vmul.f32 v22, v24;
	v21 =	vmul.f32 v21, v25  }
0xdf: {  	v8 =	vld.idx.msk [tilespmem:v8+s14+$0x0], $0xffff;
	v7 =	vmul.f32 v20, v56;
	v6 =	vmul.f32 v23, v55;
	v4 =	vadd.f32 v4, v18  }
0xe0: {  	v13 =	vmul.f32 v13, v57;
	v16 =	vadd.f32 v19, v16;
	v17 =	vadd.f32 v21, v17  }
0xe1: {  	v9 =	vmul.f32 v9, v54;
	v5 =	vmul.f32 v5, v31;
	v4 =	vadd.f32 v6, v4  }
0xe2: {  	v7 =	vadd.f32 v7, v16;
	v6 =	vmul.f32 v10, v42;
	v10 =	vadd.f32 v13, v17  }
0xe3: {  	v2 =	vmul.f32 v2, v62;
	v3 =	vadd.f32 v5, v3;
	v4 =	vadd.f32 v12, v4  }
0xe4: {  	v5 =	vmul.f32 v8, v30;
	v6 =	vadd.f32 v6, v7;
	v7 =	vadd.f32 v9, v10  }
0xe5: {  	v3 =	vadd.f32 v11, v3;
	v4 =	vadd.f32 v14, v4  }
0xe6: {  	v5 =	vadd.f32 v5, v6;
	v2 =	vadd.f32 v2, v7;
	v6 =	vlaneseq.u32  }
0xe7: {  	v8 =	vadd.s32 $0xC, v6;
	v9 =	vadd.s32 $0xD, v6;
	v11 =	vadd.s32 $0xE, v6  }
0xe8: {  	v12 =	vadd.s32 $0xF, v6;
	v7 =	vadd.s32 $0x8, v6;
	v13 =	vadd.s32 $0x9, v6  }
0xe9: {  	v14 =	vadd.s32 $0xA, v6;
	v15 =	vadd.s32 $0xB, v6;
	v10 =	vand.u32 $0x7, v6  }
0xea: {  	v16 =	vadd.s32 $0x4, v6;
	v18 =	vadd.s32 $0x5, v6;
	v19 =	vadd.s32 $0x6, v6  }
0xeb: {  	v21 =	vand.u32 $0x3F, v6;
	v23 =	vadd.s32 $0x1, v6;
	v20 =	vadd.s32 $0x7, v6  }
0xec: {  	v24 =	vadd.s32 $0x2, v6;
	v3 =	vadd.f32 v4, v3;
	v2 =	vadd.f32 v2, v5  }
0xed: {  	v28 =	vadd.s32 $0x3, v6;
	v29 =	vand.u32 $0x7, v8;
	v30 =	vand.u32 $0x7, v9  }
0xee: {  	v31 =	vand.u32 $0x7, v11;
	v58 =	vand.u32 $0x7, v12;
	v2 =	vadd.f32 v2, v3  }
0xef: {  	v36 =	vand.u32 $0x7, v13;
	v38 =	vand.u32 $0x7, v14;
	v41 =	vand.u32 $0x7, v15  }
0xf0: {  	v62 =	vand.u32 $0x3F, v8;
	v63 =	vand.u32 $0x3F, v9;
	v9 =	vand.u32 $0x3F, v11;
	[tilespmem:$0x19B00] =	vst v2  }
0xf1: {  	v42 =	vand.u32 $0x7, v16;
	v8 =	vand.u32 $0x3F, v12;
	v44 =	vand.u32 $0x7, v18;
	v2 =	vld [tilespmem:s30+$0x4010]  }
0xf2: {  	v47 =	vand.u32 $0x7, v19;
	v52 =	vand.u32 $0x7, v20;
	v49 =	vand.u32 $0x3F, v7  }
0xf3: {  	v50 =	vand.u32 $0x3F, v13;
	v12 =	vand.u32 $0x3F, v14;
	v53 =	vand.u32 $0x7, v23  }
0xf4: {  	v17 =	vand.u32 $0x7, v24;
	v11 =	vand.u32 $0x3F, v15;
	v26 =	vand.u32 $0x7, v28  }
0xf5: {  	v40 =	vand.u32 $0x3F, v16;
	v25 =	vand.u32 $0x3F, v18;
	v22 =	vand.u32 $0x3F, v19  }
0xf6: {  	v20 =	vand.u32 $0x3F, v20;
	v27 =	vand.u32 $0x3F, v23;
	v4 =	vshll.u32 v2, $0x6  }
0xf7: {  	v24 =	vand.u32 $0x3F, v24;
	v3 =	vor.u32 $0x1400, v0;
	v48 =	vor.u32 v4, v21  }
0xf8: {  	v23 =	vand.u32 $0x3F, v28;
	v15 =	vor.u32 v3, v21;
	v14 =	vor.u32 v4, v62  }
0xf9: {  	v32 =	vor.u32 v3, v62;
	v2 =	vor.u32 $0x400, v0;
	v16 =	vor.u32 v4, v63  }
0xfa: {  	v34 =	vor.u32 v3, v63;
	v13 =	vor.u32 v2, v21;
	v18 =	vor.u32 v4, v50  }
0xfb: {  	v37 =	vor.u32 v3, v49;
	v19 =	vor.u32 v4, v40;
	v13 =	vand.u32 $0x7F8, v13  }
0xfc: {  	v15 =	vand.u32 $0x17F8, v15;
	v21 =	vor.u32 v2, v62;
	v28 =	vor.u32 v10, v13;
	v13 =	vld.idx.msk [tilespmem:v48+s14+$0x0], $0xffff  }
0xfd: {  	v37 =	vand.u32 $0x17F8, v37;
	v59 =	vor.u32 v10, v15;
	v21 =	vand.u32 $0x7F8, v21;
	v15 =	vld.idx.msk [tilespmem:v14+s14+$0x0], $0xffff  }
0xfe: {  	v60 =	vor.u32 v29, v21;
	v21 =	vand.u32 $0x17F8, v32;
	v14 =	vor.u32 v2, v63;
	v16 =	vld.idx.msk [tilespmem:v16+s14+$0x0], $0xffff  }
0xff: {  	v62 =	vor.u32 v2, v8;
	v61 =	vand.u32 $0x7F8, v14;
	v14 =	vld.idx.msk [tilespmem:v18+s14+$0x0], $0xffff;
	v18 =	vor.u32 v29, v21  }
0x100: {  	v29 =	vand.u32 $0x17F8, v34;
	v21 =	vld.idx.msk [tilespmem:v19+s14+$0x0], $0xffff;
	v19 =	vor.u32 v2, v9;
	v32 =	vor.u32 v30, v61  }
0x101: {  	v34 =	vor.u32 v30, v29;
	v29 =	vor.u32 v3, v9;
	v28 =	vld.idx.msk [tilespmem:v28+s17+$0x0], $0xffff;
	v19 =	vand.u32 $0x7F8, v19  }
0x102: {  	v55 =	vor.u32 v2, v49;
	v30 =	vand.u32 $0x17F8, v29;
	v29 =	vld.idx.msk [tilespmem:v59+s17+$0x0], $0xffff;
	v19 =	vor.u32 v31, v19  }
0x103: {  	v59 =	vor.u32 v10, v37;
	v63 =	vor.u32 v31, v30;
	v31 =	vand.u32 $0x7F8, v62;
	v30 =	vld.idx.msk [tilespmem:v60+s17+$0x0], $0xffff  }
0x104: {  	v54 =	vor.u32 v3, v8;
	v57 =	vand.u32 $0x7F8, v55;
	v56 =	vor.u32 v58, v31;
	v31 =	vld.idx.msk [tilespmem:v18+s17+$0x0], $0xffff  }
0x105: {  	v39 =	vor.u32 v3, v50;
	v43 =	vor.u32 v10, v57;
	v18 =	vand.u32 $0x17F8, v54;
	v32 =	vld.idx.msk [tilespmem:v32+s17+$0x0], $0xffff  }
0x106: {  	v61 =	vor.u32 v2, v12;
	v18 =	vor.u32 v58, v18;
	v58 =	vor.u32 v2, v50;
	v33 =	vld.idx.msk [tilespmem:v34+s17+$0x0], $0xffff  }
0x107: {  	v60 =	vand.u32 $0x17F8, v39;
	v39 =	vand.u32 $0x7F8, v61;
	v45 =	vand.u32 $0x7F8, v58;
	v34 =	vld.idx.msk [tilespmem:v19+s17+$0x0], $0xffff  }
0x108: {  	v57 =	vor.u32 v3, v11;
	v55 =	vor.u32 v38, v39;
	v39 =	vld.idx.msk [tilespmem:v59+s17+$0x0], $0xffff;
	v19 =	vor.u32 v36, v45  }
0x109: {  	v62 =	vor.u32 v3, v12;
	v58 =	vor.u32 v2, v40;
	v35 =	vld.idx.msk [tilespmem:v63+s17+$0x0], $0xffff;
	v45 =	vor.u32 v36, v60  }
0x10a: {  	v54 =	vor.u32 v2, v11;
	v59 =	vor.u32 v3, v40;
	v46 =	vand.u32 $0x7F8, v58;
	v36 =	vld.idx.msk [tilespmem:v56+s17+$0x0], $0xffff  }
0x10b: {  	v63 =	vand.u32 $0x17F8, v62;
	v60 =	vor.u32 v2, v25;
	v51 =	vor.u32 v42, v46;
	v37 =	vld.idx.msk [tilespmem:v18+s17+$0x0], $0xffff  }
0x10c: {  	v61 =	vand.u32 $0x17F8, v59;
	v56 =	vand.u32 $0x7F8, v54;
	v18 =	vor.u32 v38, v63;
	v38 =	vld.idx.msk [tilespmem:v43+s17+$0x0], $0xffff  }
0x10d: {  	v58 =	vor.u32 v2, v22;
	v49 =	vor.u32 v41, v56;
	v43 =	vand.u32 $0x17F8, v57;
	v40 =	vld.idx.msk [tilespmem:v19+s17+$0x0], $0xffff  }
0x10e: {  	v59 =	vor.u32 v3, v22;
	v42 =	vor.u32 v42, v61;
	v19 =	vor.u32 v41, v43;
	v41 =	vld.idx.msk [tilespmem:v45+s17+$0x0], $0xffff  }
0x10f: {  	v62 =	vand.u32 $0x7F8, v60;
	v48 =	vand.u32 $0x7F8, v58;
	v63 =	vor.u32 v3, v25;
	v43 =	vld.idx.msk [tilespmem:v55+s17+$0x0], $0xffff  }
0x110: {  	v60 =	vor.u32 v2, v20;
	v54 =	vor.u32 v44, v62;
	v57 =	vand.u32 $0x17F8, v63;
	v50 =	vld.idx.msk [tilespmem:v51+s17+$0x0], $0xffff  }
0x111: {  	v56 =	vor.u32 v47, v48;
	v62 =	vor.u32 v3, v20;
	v45 =	vld.idx.msk [tilespmem:v18+s17+$0x0], $0xffff;
	v18 =	vor.u32 v44, v57  }
0x112: {  	v61 =	vand.u32 $0x7F8, v60;
	v63 =	vor.u32 v2, v27;
	v55 =	vand.u32 $0x17F8, v62;
	v46 =	vld.idx.msk [tilespmem:v49+s17+$0x0], $0xffff  }
0x113: {  	v58 =	vand.u32 $0x7F8, v63;
	v49 =	vld.idx.msk [tilespmem:v42+s17+$0x0], $0xffff;
	v44 =	vand.u32 $0x17F8, v59;
	v57 =	vor.u32 v52, v61  }
0x114: {  	v62 =	vor.u32 v2, v24;
	v63 =	vor.u32 v3, v24;
	v48 =	vld.idx.msk [tilespmem:v19+s17+$0x0], $0xffff;
	v19 =	vor.u32 v47, v44  }
0x115: {  	v60 =	vor.u32 v52, v55;
	v51 =	vld.idx.msk [tilespmem:v54+s17+$0x0], $0xffff;
	v54 =	vor.u32 v53, v58;
	v59 =	vor.u32 v3, v27  }
0x116: {  	v42 =	vand.u32 $0x17F8, v63;
	v61 =	vand.u32 $0x17F8, v59;
	v47 =	vld.idx.msk [tilespmem:v18+s17+$0x0], $0xffff;
	v18 =	vand.u32 $0x7F8, v62  }
0x117: {  	v55 =	vor.u32 v53, v61;
	v44 =	vld.idx.msk [tilespmem:v56+s17+$0x0], $0xffff;
	v56 =	vor.u32 v17, v18;
	v18 =	vor.u32 v2, v23  }
0x118: {  	v5 =	vimm.f32 $0.0e+00;
	v58 =	vor.u32 v17, v42;
	v42 =	vld.idx.msk [tilespmem:v57+s17+$0x0], $0xffff;
	v18 =	vand.u32 $0x7F8, v18  }
0x119: {  	v17 =	vimm.f32 $0.0e+00;
	v52 =	vld.idx.msk [tilespmem:v19+s17+$0x0], $0xffff;
	v19 =	vor.u32 v3, v23;
	v57 =	vor.u32 v26, v18  }
0x11a: {  	s31 =	simm.s32 $0x3;
	v53 =	vld.idx.msk [tilespmem:v60+s17+$0x0], $0xffff;
	v59 =	vand.u32 $0x17F8, v19;
	v19 =	vimm.f32 $0.0e+00;
	v18 =	vimm.f32 $0.0e+00  }
.LBB2_5:
0x11b: {  	p1 =	sne.s32 s31, $0x1;
	v54 =	vld.idx.msk [tilespmem:v54+s17+$0x0], $0xffff;
	v26 =	vor.u32 v26, v59;
	v7 =	vand.u32 $0x38, v7  }
0x11c: {  	v25 =	vor.u32 v4, v25;
	v6 =	vadd.s32 $0x10, v6;
	v55 =	vld.idx.msk [tilespmem:v55+s17+$0x0], $0xffff;
	v7 =	vor.u32 v7, v4  }
0x11d: {  	v56 =	vld.idx.msk [tilespmem:v56+s17+$0x0], $0xffff;
	v7 =	vor.u32 v10, v7  }
0x11e: {  	v59 =	vadd.s32 $0xC, v6;
	v60 =	vadd.s32 $0xD, v6;
	v10 =	vor.u32 v4, v27;
	v27 =	vld.idx.msk [tilespmem:v58+s17+$0x0], $0xffff  }
0x11f: {  	v28 =	vmul.f32 v29, v28;
	v24 =	vor.u32 v4, v24;
	v30 =	vmul.f32 v31, v30;
	v29 =	vld.idx.msk [tilespmem:v57+s17+$0x0], $0xffff  }
0x120: {  	v23 =	vor.u32 v4, v23;
	v31 =	vmul.f32 v33, v32;
	v32 =	vmul.f32 v35, v34;
	v26 =	vld.idx.msk [tilespmem:v26+s17+$0x0], $0xffff  }
0x121: {  	v22 =	vor.u32 v4, v22;
	v33 =	vmul.f32 v39, v38;
	v34 =	vmul.f32 v37, v36;
	v25 =	vld.idx.msk [tilespmem:v25+s14+$0x0], $0xffff  }
0x122: {  	v20 =	vor.u32 v4, v20;
	v35 =	vmul.f32 v41, v40;
	v36 =	vmul.f32 v45, v43;
	v7 =	vld.idx.msk [tilespmem:v7+s14+$0x0], $0xffff  }
0x123: {  	v37 =	vmul.f32 v49, v50;
	v12 =	vor.u32 v4, v12;
	v38 =	vmul.f32 v48, v46;
	v10 =	vld.idx.msk [tilespmem:v10+s14+$0x0], $0xffff  }
0x124: {  	v39 =	vmul.f32 v47, v51;
	v11 =	vor.u32 v4, v11;
	v40 =	vmul.f32 v52, v44;
	v24 =	vld.idx.msk [tilespmem:v24+s14+$0x0], $0xffff  }
0x125: {  	v9 =	vor.u32 v4, v9;
	v42 =	vmul.f32 v53, v42;
	v41 =	vmul.f32 v55, v54;
	v23 =	vld.idx.msk [tilespmem:v23+s14+$0x0], $0xffff  }
0x126: {  	v8 =	vor.u32 v4, v8;
	v27 =	vmul.f32 v27, v56;
	v26 =	vmul.f32 v26, v29;
	v22 =	vld.idx.msk [tilespmem:v22+s14+$0x0], $0xffff  }
0x127: {  	v13 =	vmul.f32 v13, v28;
	v15 =	vmul.f32 v15, v30;
	v29 =	vadd.s32 $0xE, v6;
	v20 =	vld.idx.msk [tilespmem:v20+s14+$0x0], $0xffff  }
0x128: {  	v28 =	vadd.s32 $0xF, v6;
	v16 =	vmul.f32 v16, v31;
	v30 =	vmul.f32 v7, v33;
	v12 =	vld.idx.msk [tilespmem:v12+s14+$0x0], $0xffff  }
0x129: {  	v21 =	vmul.f32 v21, v37;
	v14 =	vmul.f32 v14, v35;
	v7 =	vadd.s32 $0x8, v6;
	v11 =	vld.idx.msk [tilespmem:v11+s14+$0x0], $0xffff  }
0x12a: {  	v31 =	vadd.s32 $0x9, v6;
	v25 =	vmul.f32 v25, v39;
	v10 =	vmul.f32 v10, v41;
	v9 =	vld.idx.msk [tilespmem:v9+s14+$0x0], $0xffff  }
0x12b: {  	v33 =	vadd.s32 $0xA, v6;
	v24 =	vmul.f32 v24, v27;
	v23 =	vmul.f32 v23, v26;
	v8 =	vld.idx.msk [tilespmem:v8+s14+$0x0], $0xffff  }
0x12c: {  	v5 =	vadd.f32 v13, v5;
	v10 =	vadd.f32 v10, v19;
	v13 =	vmul.f32 v22, v40  }
0x12d: {  	v17 =	vadd.f32 v24, v17;
	v18 =	vadd.f32 v23, v18;
	v19 =	vmul.f32 v20, v42  }
0x12e: {  	v5 =	vadd.f32 v21, v5;
	v10 =	vadd.f32 v25, v10;
	v12 =	vmul.f32 v12, v36  }
0x12f: {  	v13 =	vadd.f32 v13, v17;
	v17 =	vadd.f32 v19, v18;
	v11 =	vmul.f32 v11, v38  }
0x130: {  	v5 =	vadd.f32 v30, v5;
	v10 =	vadd.f32 v14, v10;
	v9 =	vmul.f32 v9, v32  }
0x131: {  	v12 =	vadd.f32 v12, v13;
	v11 =	vadd.f32 v11, v17;
	v8 =	vmul.f32 v8, v34  }
0x132: {  	v5 =	vadd.f32 v15, v5;
	v13 =	vadd.s32 $0xB, v6;
	v19 =	vadd.f32 v16, v10  }
0x133: {  	v10 =	vand.u32 $0x7, v6;
	v17 =	vadd.f32 v9, v12;
	v18 =	vadd.f32 v8, v11  }
0x134: {  	v15 =	vadd.s32 $0x5, v6;
	v14 =	vadd.s32 $0x4, v6;
	v16 =	vadd.s32 $0x6, v6  }
0x135: {  	v21 =	vand.u32 $0x3F, v6;
	v23 =	vadd.s32 $0x1, v6;
	v20 =	vadd.s32 $0x7, v6  }
0x136: {  	v30 =	vadd.s32 $0x3, v6;
	v24 =	vadd.s32 $0x2, v6;
	v32 =	vand.u32 $0x7, v59  }
0x137: {  	v35 =	vand.u32 $0x7, v29;
	v36 =	vand.u32 $0x7, v28;
	v34 =	vand.u32 $0x7, v60  }
0x138: {  	v37 =	vand.u32 $0x7, v31;
	v39 =	vand.u32 $0x7, v33;
	v41 =	vand.u32 $0x7, v13  }
0x139: {  	v40 =	vand.u32 $0x3F, v60;
	v38 =	vand.u32 $0x3F, v59;
	v9 =	vand.u32 $0x3F, v29  }
0x13a: {  	v43 =	vand.u32 $0x7, v14;
	v29 =	vor.u32 v4, v21;
	v8 =	vand.u32 $0x3F, v28  }
0x13b: {  	v46 =	vand.u32 $0x7, v15;
	v47 =	vand.u32 $0x7, v20;
	v49 =	vand.u32 $0x7, v16  }
0x13c: {  	v48 =	vand.u32 $0x3F, v31;
	v45 =	vand.u32 $0x3F, v7;
	v12 =	vand.u32 $0x3F, v33  }
0x13d: {  	v42 =	vand.u32 $0x7, v24;
	v44 =	vand.u32 $0x7, v23;
	v11 =	vand.u32 $0x3F, v13  }
0x13e: {  	v26 =	vand.u32 $0x7, v30;
	v25 =	vand.u32 $0x3F, v15;
	v50 =	vand.u32 $0x3F, v14  }
0x13f: {  	v20 =	vand.u32 $0x3F, v20;
	v14 =	vor.u32 v4, v38;
	v22 =	vand.u32 $0x3F, v16  }
0x140: {  	v15 =	vor.u32 v3, v21;
	v16 =	vor.u32 v4, v40;
	v13 =	vor.u32 v2, v21  }
0x141: {  	v24 =	vand.u32 $0x3F, v24;
	v27 =	vand.u32 $0x3F, v23;
	v21 =	vor.u32 v4, v48  }
0x142: {  	v23 =	vand.u32 $0x3F, v30;
	v28 =	vor.u32 v4, v50;
	v13 =	vand.u32 $0x7F8, v13  }
0x143: {  	v15 =	vand.u32 $0x17F8, v15;
	v30 =	vor.u32 v10, v13;
	v13 =	vld.idx.msk [tilespmem:v29+s14+$0x0], $0xffff;
	v29 =	vor.u32 v2, v38  }
0x144: {  	v31 =	vor.u32 v10, v15;
	v33 =	vor.u32 v3, v38;
	v29 =	vand.u32 $0x7F8, v29;
	v15 =	vld.idx.msk [tilespmem:v14+s14+$0x0], $0xffff  }
0x145: {  	v38 =	vor.u32 v32, v29;
	v29 =	vand.u32 $0x17F8, v33;
	v33 =	vor.u32 v2, v40;
	v16 =	vld.idx.msk [tilespmem:v16+s14+$0x0], $0xffff  }
0x146: {  	v14 =	vld.idx.msk [tilespmem:v21+s14+$0x0], $0xffff;
	v32 =	vor.u32 v32, v29;
	v29 =	vand.u32 $0x7F8, v33;
	v33 =	vor.u32 v3, v40  }
0x147: {  	v21 =	vld.idx.msk [tilespmem:v28+s14+$0x0], $0xffff;
	v40 =	vor.u32 v34, v29;
	v29 =	vand.u32 $0x17F8, v33;
	v33 =	vor.u32 v2, v9  }
0x148: {  	v28 =	vld.idx.msk [tilespmem:v30+s17+$0x0], $0xffff;
	v34 =	vor.u32 v34, v29;
	v30 =	vand.u32 $0x7F8, v33;
	v33 =	vor.u32 v3, v9  }
0x149: {  	v29 =	vld.idx.msk [tilespmem:v31+s17+$0x0], $0xffff;
	v51 =	vor.u32 v35, v30;
	v31 =	vand.u32 $0x17F8, v33;
	v33 =	vor.u32 v2, v8  }
0x14a: {  	v30 =	vld.idx.msk [tilespmem:v38+s17+$0x0], $0xffff;
	v35 =	vor.u32 v35, v31;
	v33 =	vand.u32 $0x7F8, v33;
	v38 =	vor.u32 v3, v8  }
0x14b: {  	v52 =	vor.u32 v2, v45;
	v31 =	vld.idx.msk [tilespmem:v32+s17+$0x0], $0xffff;
	v53 =	vor.u32 v36, v33;
	v33 =	vand.u32 $0x17F8, v38  }
0x14c: {  	v45 =	vor.u32 v3, v45;
	v38 =	vand.u32 $0x7F8, v52;
	v32 =	vld.idx.msk [tilespmem:v40+s17+$0x0], $0xffff;
	v40 =	vor.u32 v36, v33  }
0x14d: {  	v38 =	vor.u32 v10, v38;
	v36 =	vand.u32 $0x17F8, v45;
	v45 =	vor.u32 v2, v48;
	v33 =	vld.idx.msk [tilespmem:v34+s17+$0x0], $0xffff  }
0x14e: {  	v52 =	vor.u32 v10, v36;
	v36 =	vand.u32 $0x7F8, v45;
	v45 =	vor.u32 v3, v48;
	v34 =	vld.idx.msk [tilespmem:v51+s17+$0x0], $0xffff  }
0x14f: {  	v48 =	vor.u32 v37, v36;
	v36 =	vand.u32 $0x17F8, v45;
	v45 =	vor.u32 v2, v12;
	v35 =	vld.idx.msk [tilespmem:v35+s17+$0x0], $0xffff  }
0x150: {  	v51 =	vor.u32 v37, v36;
	v37 =	vand.u32 $0x7F8, v45;
	v45 =	vor.u32 v3, v12;
	v36 =	vld.idx.msk [tilespmem:v53+s17+$0x0], $0xffff  }
0x151: {  	v54 =	vor.u32 v2, v11;
	v53 =	vor.u32 v39, v37;
	v45 =	vand.u32 $0x17F8, v45;
	v37 =	vld.idx.msk [tilespmem:v40+s17+$0x0], $0xffff  }
0x152: {  	v45 =	vor.u32 v39, v45;
	v40 =	vand.u32 $0x7F8, v54;
	v54 =	vor.u32 v3, v11;
	v38 =	vld.idx.msk [tilespmem:v38+s17+$0x0], $0xffff  }
0x153: {  	v55 =	vor.u32 v2, v50;
	v54 =	vand.u32 $0x17F8, v54;
	v39 =	vld.idx.msk [tilespmem:v52+s17+$0x0], $0xffff;
	v52 =	vor.u32 v41, v40  }
0x154: {  	v55 =	vand.u32 $0x7F8, v55;
	v50 =	vor.u32 v3, v50;
	v40 =	vld.idx.msk [tilespmem:v48+s17+$0x0], $0xffff;
	v48 =	vor.u32 v41, v54  }
0x155: {  	v50 =	vand.u32 $0x17F8, v50;
	v54 =	vor.u32 v43, v55;
	v55 =	vor.u32 v2, v25;
	v41 =	vld.idx.msk [tilespmem:v51+s17+$0x0], $0xffff  }
0x156: {  	v51 =	vor.u32 v43, v50;
	v50 =	vand.u32 $0x7F8, v55;
	v55 =	vor.u32 v3, v25;
	v43 =	vld.idx.msk [tilespmem:v53+s17+$0x0], $0xffff  }
0x157: {  	v53 =	vor.u32 v46, v50;
	v50 =	vand.u32 $0x17F8, v55;
	v55 =	vor.u32 v2, v22;
	v45 =	vld.idx.msk [tilespmem:v45+s17+$0x0], $0xffff  }
0x158: {  	v56 =	vor.u32 v46, v50;
	v50 =	vand.u32 $0x7F8, v55;
	v55 =	vor.u32 v3, v22;
	v46 =	vld.idx.msk [tilespmem:v52+s17+$0x0], $0xffff  }
0x159: {  	v57 =	vor.u32 v2, v20;
	v52 =	vor.u32 v49, v50;
	v55 =	vand.u32 $0x17F8, v55;
	v48 =	vld.idx.msk [tilespmem:v48+s17+$0x0], $0xffff  }
0x15a: {  	v58 =	vor.u32 v49, v55;
	v55 =	vor.u32 v3, v20;
	v50 =	vld.idx.msk [tilespmem:v54+s17+$0x0], $0xffff;
	v54 =	vand.u32 $0x7F8, v57  }
0x15b: {  	v57 =	vor.u32 v2, v27;
	v49 =	vld.idx.msk [tilespmem:v51+s17+$0x0], $0xffff;
	v59 =	vor.u32 v47, v54;
	v54 =	vand.u32 $0x17F8, v55  }
0x15c: {  	v55 =	vand.u32 $0x7F8, v57;
	v57 =	vor.u32 v3, v27;
	v51 =	vld.idx.msk [tilespmem:v53+s17+$0x0], $0xffff;
	v53 =	vor.u32 v47, v54  }
.Ltmp1:
0x15d: {  	v54 =	vor.u32 v44, v55;
	v55 =	vand.u32 $0x17F8, v57;
	v57 =	vor.u32 v2, v24;
	v47 =	vld.idx.msk [tilespmem:v56+s17+$0x0], $0xffff;
	(pc) =	sbr.rel @p1 .LBB2_5-.Ltmp1, $4  }
0x15e: {  	v55 =	vor.u32 v44, v55;
	v56 =	vand.u32 $0x7F8, v57;
	v57 =	vor.u32 v3, v24;
	v44 =	vld.idx.msk [tilespmem:v52+s17+$0x0], $0xffff  }
0x15f: {  	v60 =	vor.u32 v2, v23;
	v56 =	vor.u32 v42, v56;
	v57 =	vand.u32 $0x17F8, v57;
	v52 =	vld.idx.msk [tilespmem:v58+s17+$0x0], $0xffff  }
0x160: {  	v58 =	vor.u32 v42, v57;
	v57 =	vand.u32 $0x7F8, v60;
	v60 =	vor.u32 v3, v23;
	v42 =	vld.idx.msk [tilespmem:v59+s17+$0x0], $0xffff  }
0x161: {  	s31 =	sadd.s32 $0xFFFFFFFF, s31;
	v57 =	vor.u32 v26, v57;
	v59 =	vand.u32 $0x17F8, v60;
	v53 =	vld.idx.msk [tilespmem:v53+s17+$0x0], $0xffff  }
0x162: {  	_ =	sdelay $0x3  }
0x163: {  	v6 =	vld.idx.msk [tilespmem:v54+s17+$0x0], $0xffff;
	v26 =	vor.u32 v26, v59  }
0x164: {  	v60 =	vld.idx.msk [tilespmem:v55+s17+$0x0], $0xffff;
	v25 =	vor.u32 v4, v25  }
0x165: {  	v7 =	vand.u32 $0x38, v7;
	v55 =	vld.idx.msk [tilespmem:v56+s17+$0x0], $0xffff;
	v28 =	vmul.f32 v29, v28;
	v24 =	vor.u32 v4, v24  }
0x166: {  	v29 =	vmul.f32 v31, v30;
	v30 =	vld.idx.msk [tilespmem:v57+s17+$0x0], $0xffff;
	v23 =	vor.u32 v4, v23;
	v7 =	vor.u32 v7, v4  }
0x167: {  	v7 =	vor.u32 v10, v7;
	v10 =	vor.u32 v4, v27;
	v27 =	vld.idx.msk [tilespmem:v58+s17+$0x0], $0xffff  }
0x168: {  	v31 =	vmul.f32 v33, v32;
	v32 =	vmul.f32 v35, v34;
	v22 =	vor.u32 v4, v22;
	v26 =	vld.idx.msk [tilespmem:v26+s17+$0x0], $0xffff  }
0x169: {  	v61 =	vmul.f32 v39, v38;
	v62 =	vmul.f32 v37, v36;
	v20 =	vor.u32 v4, v20;
	v25 =	vld.idx.msk [tilespmem:v25+s14+$0x0], $0xffff  }
0x16a: {  	v63 =	vmul.f32 v41, v40;
	v45 =	vmul.f32 v45, v43;
	v11 =	vor.u32 v4, v11;
	v24 =	vld.idx.msk [tilespmem:v24+s14+$0x0], $0xffff  }
0x16b: {  	v56 =	vmul.f32 v49, v50;
	v57 =	vmul.f32 v48, v46;
	v12 =	vor.u32 v4, v12;
	v23 =	vld.idx.msk [tilespmem:v23+s14+$0x0], $0xffff  }
0x16c: {  	v9 =	vor.u32 v4, v9;
	v58 =	vmul.f32 v47, v51;
	v59 =	vmul.f32 v52, v44;
	v10 =	vld.idx.msk [tilespmem:v10+s14+$0x0], $0xffff  }
0x16d: {  	v4 =	vor.u32 v4, v8;
	v8 =	vmul.f32 v13, v28;
	v13 =	vmul.f32 v15, v29;
	v22 =	vld.idx.msk [tilespmem:v22+s14+$0x0], $0xffff  }
0x16e: {  	v16 =	vmul.f32 v16, v31;
	v14 =	vmul.f32 v14, v63;
	v15 =	vld.idx.msk [tilespmem:v20+s14+$0x0], $0xffff  }
0x16f: {  	v6 =	vmul.f32 v60, v6;
	v20 =	vmul.f32 v21, v56;
	v11 =	vld.idx.msk [tilespmem:v11+s14+$0x0], $0xffff  }
0x170: {  	v5 =	vadd.f32 v8, v5;
	v7 =	vld.idx.msk [tilespmem:v7+s14+$0x0], $0xffff;
	v27 =	vmul.f32 v27, v55;
	v26 =	vmul.f32 v26, v30  }
0x171: {  	v60 =	vmul.f32 v53, v42;
	v12 =	vld.idx.msk [tilespmem:v12+s14+$0x0], $0xffff;
	v6 =	vmul.f32 v10, v6  }
0x172: {  	v4 =	vld.idx.msk [tilespmem:v4+s14+$0x0], $0xffff;
	v5 =	vadd.f32 v20, v5;
	v21 =	vmul.f32 v24, v27;
	v23 =	vmul.f32 v23, v26  }
0x173: {  	v9 =	vld.idx.msk [tilespmem:v9+s14+$0x0], $0xffff;
	v8 =	vmul.f32 v22, v59;
	v10 =	vmul.f32 v25, v58;
	v6 =	vadd.f32 v6, v19  }
0x174: {  	v15 =	vmul.f32 v15, v60;
	v17 =	vadd.f32 v21, v17;
	v18 =	vadd.f32 v23, v18  }
0x175: {  	v11 =	vmul.f32 v11, v57;
	v7 =	vmul.f32 v7, v61;
	v6 =	vadd.f32 v10, v6  }
0x176: {  	v8 =	vadd.f32 v8, v17;
	v10 =	vmul.f32 v12, v45;
	v12 =	vadd.f32 v15, v18  }
0x177: {  	v4 =	vmul.f32 v4, v62;
	v5 =	vadd.f32 v7, v5;
	v6 =	vadd.f32 v14, v6  }
0x178: {  	v7 =	vmul.f32 v9, v32;
	v8 =	vadd.f32 v10, v8;
	v9 =	vadd.f32 v11, v12  }
0x179: {  	v5 =	vadd.f32 v13, v5;
	v6 =	vadd.f32 v16, v6  }
0x17a: {  	v7 =	vadd.f32 v7, v8;
	v4 =	vadd.f32 v4, v9;
	v8 =	vlaneseq.u32  }
0x17b: {  	v10 =	vadd.s32 $0xC, v8;
	v11 =	vadd.s32 $0xD, v8;
	v13 =	vadd.s32 $0xE, v8  }
0x17c: {  	v14 =	vadd.s32 $0xF, v8;
	v9 =	vadd.s32 $0x8, v8;
	v15 =	vadd.s32 $0x9, v8  }
0x17d: {  	v16 =	vadd.s32 $0xA, v8;
	v17 =	vadd.s32 $0xB, v8;
	v12 =	vand.u32 $0x7, v8  }
0x17e: {  	v18 =	vadd.s32 $0x4, v8;
	v20 =	vadd.s32 $0x5, v8;
	v21 =	vadd.s32 $0x6, v8  }
0x17f: {  	v23 =	vand.u32 $0x3F, v8;
	v25 =	vadd.s32 $0x1, v8;
	v22 =	vadd.s32 $0x7, v8  }
0x180: {  	v26 =	vadd.s32 $0x2, v8;
	v5 =	vadd.f32 v6, v5;
	v4 =	vadd.f32 v4, v7  }
0x181: {  	v30 =	vadd.s32 $0x3, v8;
	v31 =	vand.u32 $0x7, v10;
	v61 =	vand.u32 $0x7, v11  }
0x182: {  	v33 =	vand.u32 $0x7, v13;
	v35 =	vand.u32 $0x7, v14;
	v4 =	vadd.f32 v4, v5  }
0x183: {  	v38 =	vand.u32 $0x7, v15;
	v40 =	vand.u32 $0x7, v16;
	v43 =	vand.u32 $0x7, v17  }
0x184: {  	v62 =	vand.u32 $0x3F, v10;
	v63 =	vand.u32 $0x3F, v11;
	v11 =	vand.u32 $0x3F, v13;
	[tilespmem:$0x19B10] =	vst v4  }
0x185: {  	v44 =	vand.u32 $0x7, v18;
	v10 =	vand.u32 $0x3F, v14;
	v46 =	vand.u32 $0x7, v20;
	v4 =	vld [tilespmem:s30+$0x4020]  }
0x186: {  	v49 =	vand.u32 $0x7, v21;
	v39 =	vand.u32 $0x3F, v9;
	v41 =	vand.u32 $0x3F, v15  }
0x187: {  	v14 =	vand.u32 $0x3F, v16;
	v55 =	vand.u32 $0x7, v25;
	v13 =	vand.u32 $0x3F, v17  }
0x188: {  	v28 =	vand.u32 $0x7, v30;
	v42 =	vand.u32 $0x3F, v18;
	v27 =	vand.u32 $0x3F, v20  }
0x189: {  	v24 =	vand.u32 $0x3F, v21;
	v29 =	vand.u32 $0x3F, v25;
	v5 =	vor.u32 $0x1800, v0  }
0x18a: {  	v25 =	vand.u32 $0x3F, v30;
	v17 =	vor.u32 v5, v23;
	v6 =	vshll.u32 v4, $0x6  }
0x18b: {  	v34 =	vor.u32 v5, v62;
	v36 =	vor.u32 v5, v63;
	v57 =	vor.u32 v6, v23  }
0x18c: {  	v52 =	vor.u32 v5, v10;
	v17 =	vand.u32 $0x1BF8, v17;
	v16 =	vor.u32 v6, v62  }
0x18d: {  	v58 =	vor.u32 v12, v17;
	v4 =	vor.u32 $0x800, v0;
	v18 =	vor.u32 v6, v63  }
0x18e: {  	v15 =	vor.u32 v4, v23;
	v20 =	vor.u32 v6, v41;
	v21 =	vor.u32 v6, v42  }
0x18f: {  	v23 =	vor.u32 v4, v62;
	v62 =	vor.u32 v4, v10;
	v15 =	vand.u32 $0xBF8, v15  }
0x190: {  	v53 =	vor.u32 v4, v39;
	v23 =	vand.u32 $0xBF8, v23;
	v30 =	vor.u32 v12, v15;
	v15 =	vld.idx.msk [tilespmem:v57+s14+$0x0], $0xffff  }
0x191: {  	v39 =	vor.u32 v5, v39;
	v51 =	vand.u32 $0xBF8, v62;
	v59 =	vor.u32 v31, v23;
	v17 =	vld.idx.msk [tilespmem:v16+s14+$0x0], $0xffff  }
0x192: {  	v39 =	vand.u32 $0x1BF8, v39;
	v23 =	vand.u32 $0x1BF8, v34;
	v16 =	vor.u32 v4, v63;
	v18 =	vld.idx.msk [tilespmem:v18+s14+$0x0], $0xffff  }
0x193: {  	v56 =	vor.u32 v35, v51;
	v60 =	vand.u32 $0xBF8, v16;
	v16 =	vld.idx.msk [tilespmem:v20+s14+$0x0], $0xffff;
	v20 =	vor.u32 v31, v23  }
0x194: {  	v50 =	vor.u32 v12, v39;
	v31 =	vand.u32 $0x1BF8, v36;
	v23 =	vld.idx.msk [tilespmem:v21+s14+$0x0], $0xffff;
	v21 =	vor.u32 v4, v11  }
0x195: {  	v34 =	vor.u32 v61, v60;
	v36 =	vor.u32 v61, v31;
	v31 =	vor.u32 v5, v11;
	v30 =	vld.idx.msk [tilespmem:v30+s17+$0x0], $0xffff  }
0x196: {  	v21 =	vand.u32 $0xBF8, v21;
	v32 =	vld.idx.msk [tilespmem:v59+s17+$0x0], $0xffff;
	v60 =	vor.u32 v4, v14;
	v61 =	vand.u32 $0x1BF8, v31  }
0x197: {  	v31 =	vld.idx.msk [tilespmem:v58+s17+$0x0], $0xffff;
	v21 =	vor.u32 v33, v21;
	v58 =	vor.u32 v4, v41;
	v41 =	vor.u32 v5, v41  }
0x198: {  	v63 =	vor.u32 v33, v61;
	v59 =	vand.u32 $0x1BF8, v41;
	v41 =	vand.u32 $0xBF8, v60;
	v33 =	vld.idx.msk [tilespmem:v20+s17+$0x0], $0xffff  }
0x199: {  	v7 =	vimm.f32 $0.0e+00;
	v20 =	vand.u32 $0x1BF8, v52;
	v52 =	vor.u32 v40, v41;
	v41 =	vld.idx.msk [tilespmem:v50+s17+$0x0], $0xffff  }
0x19a: {  	v54 =	vand.u32 $0x7, v22;
	v57 =	vand.u32 $0xBF8, v53;
	v34 =	vld.idx.msk [tilespmem:v34+s17+$0x0], $0xffff;
	v20 =	vor.u32 v35, v20  }
0x19b: {  	v19 =	vand.u32 $0x7, v26;
	v45 =	vor.u32 v12, v57;
	v47 =	vand.u32 $0xBF8, v58;
	v35 =	vld.idx.msk [tilespmem:v36+s17+$0x0], $0xffff  }
0x19c: {  	v22 =	vand.u32 $0x3F, v22;
	v26 =	vand.u32 $0x3F, v26;
	v36 =	vld.idx.msk [tilespmem:v21+s17+$0x0], $0xffff;
	v21 =	vor.u32 v38, v47  }
0x19d: {  	v57 =	vor.u32 v5, v13;
	v58 =	vor.u32 v4, v42;
	v47 =	vor.u32 v38, v59;
	v38 =	vld.idx.msk [tilespmem:v56+s17+$0x0], $0xffff  }
0x19e: {  	v61 =	vor.u32 v5, v14;
	v48 =	vand.u32 $0xBF8, v58;
	v37 =	vld.idx.msk [tilespmem:v63+s17+$0x0], $0xffff;
	v63 =	vor.u32 v4, v13  }
0x19f: {  	v62 =	vand.u32 $0x1BF8, v61;
	v53 =	vor.u32 v44, v48;
	v56 =	vand.u32 $0xBF8, v63;
	v39 =	vld.idx.msk [tilespmem:v20+s17+$0x0], $0xffff  }
0x1a0: {  	v59 =	vor.u32 v5, v42;
	v51 =	vor.u32 v43, v56;
	v20 =	vor.u32 v40, v62;
	v40 =	vld.idx.msk [tilespmem:v45+s17+$0x0], $0xffff  }
0x1a1: {  	v60 =	vor.u32 v4, v27;
	v61 =	vand.u32 $0x1BF8, v59;
	v45 =	vand.u32 $0x1BF8, v57;
	v42 =	vld.idx.msk [tilespmem:v21+s17+$0x0], $0xffff  }
0x1a2: {  	v44 =	vor.u32 v44, v61;
	v61 =	vor.u32 v4, v24;
	v21 =	vor.u32 v43, v45;
	v43 =	vld.idx.msk [tilespmem:v47+s17+$0x0], $0xffff  }
0x1a3: {  	v63 =	vor.u32 v5, v27;
	v50 =	vand.u32 $0xBF8, v61;
	v62 =	vand.u32 $0xBF8, v60;
	v45 =	vld.idx.msk [tilespmem:v52+s17+$0x0], $0xffff  }
0x1a4: {  	v61 =	vor.u32 v5, v22;
	v60 =	vand.u32 $0x1BF8, v63;
	v56 =	vor.u32 v46, v62;
	v52 =	vld.idx.msk [tilespmem:v53+s17+$0x0], $0xffff  }
0x1a5: {  	v63 =	vor.u32 v4, v22;
	v58 =	vor.u32 v49, v50;
	v62 =	vor.u32 v5, v24;
	v48 =	vld.idx.msk [tilespmem:v51+s17+$0x0], $0xffff  }
0x1a6: {  	v57 =	vor.u32 v5, v29;
	v47 =	vld.idx.msk [tilespmem:v20+s17+$0x0], $0xffff;
	v20 =	vor.u32 v46, v60;
	v46 =	vand.u32 $0x1BF8, v62  }
0x1a7: {  	v60 =	vand.u32 $0xBF8, v63;
	v62 =	vor.u32 v4, v29;
	v50 =	vld.idx.msk [tilespmem:v21+s17+$0x0], $0xffff;
	v21 =	vor.u32 v49, v46  }
0x1a8: {  	v51 =	vld.idx.msk [tilespmem:v44+s17+$0x0], $0xffff;
	v63 =	vand.u32 $0x1BF8, v61;
	v61 =	vor.u32 v4, v26;
	v59 =	vor.u32 v54, v60  }
0x1a9: {  	v46 =	vand.u32 $0xBF8, v62;
	v53 =	vld.idx.msk [tilespmem:v56+s17+$0x0], $0xffff;
	v62 =	vor.u32 v54, v63;
	v63 =	vor.u32 v5, v26  }
0x1aa: {  	v60 =	vand.u32 $0x1BF8, v57;
	v56 =	vor.u32 v55, v46;
	v46 =	vld.idx.msk [tilespmem:v58+s17+$0x0], $0xffff;
	v44 =	vand.u32 $0x1BF8, v63  }
0x1ab: {  	v57 =	vor.u32 v55, v60;
	v60 =	vor.u32 v19, v44;
	v49 =	vld.idx.msk [tilespmem:v20+s17+$0x0], $0xffff;
	v20 =	vand.u32 $0xBF8, v61  }
0x1ac: {  	v58 =	vor.u32 v19, v20;
	v20 =	vor.u32 v4, v25;
	v54 =	vld.idx.msk [tilespmem:v21+s17+$0x0], $0xffff;
	v21 =	vor.u32 v5, v25  }
0x1ad: {  	v44 =	vld.idx.msk [tilespmem:v59+s17+$0x0], $0xffff;
	v19 =	vimm.f32 $0.0e+00;
	v20 =	vand.u32 $0xBF8, v20;
	v61 =	vand.u32 $0x1BF8, v21  }
0x1ae: {  	s31 =	simm.s32 $0x3;
	v55 =	vld.idx.msk [tilespmem:v62+s17+$0x0], $0xffff;
	v21 =	vimm.f32 $0.0e+00;
	v59 =	vor.u32 v28, v20;
	v20 =	vimm.f32 $0.0e+00  }
.LBB2_7:
0x1af: {  	p1 =	sne.s32 s31, $0x1;
	v56 =	vld.idx.msk [tilespmem:v56+s17+$0x0], $0xffff;
	v28 =	vor.u32 v28, v61;
	v9 =	vand.u32 $0x38, v9  }
0x1b0: {  	v27 =	vor.u32 v6, v27;
	v8 =	vadd.s32 $0x10, v8;
	v57 =	vld.idx.msk [tilespmem:v57+s17+$0x0], $0xffff;
	v9 =	vor.u32 v9, v6  }
0x1b1: {  	v58 =	vld.idx.msk [tilespmem:v58+s17+$0x0], $0xffff;
	v9 =	vor.u32 v12, v9  }
0x1b2: {  	v61 =	vadd.s32 $0xC, v8;
	v62 =	vadd.s32 $0xD, v8;
	v12 =	vor.u32 v6, v29;
	v29 =	vld.idx.msk [tilespmem:v60+s17+$0x0], $0xffff  }
0x1b3: {  	v30 =	vmul.f32 v31, v30;
	v26 =	vor.u32 v6, v26;
	v32 =	vmul.f32 v33, v32;
	v31 =	vld.idx.msk [tilespmem:v59+s17+$0x0], $0xffff  }
0x1b4: {  	v25 =	vor.u32 v6, v25;
	v33 =	vmul.f32 v35, v34;
	v34 =	vmul.f32 v37, v36;
	v28 =	vld.idx.msk [tilespmem:v28+s17+$0x0], $0xffff  }
0x1b5: {  	v24 =	vor.u32 v6, v24;
	v35 =	vmul.f32 v41, v40;
	v36 =	vmul.f32 v39, v38;
	v27 =	vld.idx.msk [tilespmem:v27+s14+$0x0], $0xffff  }
0x1b6: {  	v22 =	vor.u32 v6, v22;
	v37 =	vmul.f32 v43, v42;
	v38 =	vmul.f32 v47, v45;
	v9 =	vld.idx.msk [tilespmem:v9+s14+$0x0], $0xffff  }
0x1b7: {  	v39 =	vmul.f32 v51, v52;
	v14 =	vor.u32 v6, v14;
	v40 =	vmul.f32 v50, v48;
	v12 =	vld.idx.msk [tilespmem:v12+s14+$0x0], $0xffff  }
0x1b8: {  	v41 =	vmul.f32 v49, v53;
	v13 =	vor.u32 v6, v13;
	v42 =	vmul.f32 v54, v46;
	v26 =	vld.idx.msk [tilespmem:v26+s14+$0x0], $0xffff  }
0x1b9: {  	v11 =	vor.u32 v6, v11;
	v44 =	vmul.f32 v55, v44;
	v43 =	vmul.f32 v57, v56;
	v25 =	vld.idx.msk [tilespmem:v25+s14+$0x0], $0xffff  }
0x1ba: {  	v10 =	vor.u32 v6, v10;
	v29 =	vmul.f32 v29, v58;
	v28 =	vmul.f32 v28, v31;
	v24 =	vld.idx.msk [tilespmem:v24+s14+$0x0], $0xffff  }
0x1bb: {  	v15 =	vmul.f32 v15, v30;
	v17 =	vmul.f32 v17, v32;
	v31 =	vadd.s32 $0xE, v8;
	v22 =	vld.idx.msk [tilespmem:v22+s14+$0x0], $0xffff  }
0x1bc: {  	v30 =	vadd.s32 $0xF, v8;
	v18 =	vmul.f32 v18, v33;
	v32 =	vmul.f32 v9, v35;
	v14 =	vld.idx.msk [tilespmem:v14+s14+$0x0], $0xffff  }
0x1bd: {  	v23 =	vmul.f32 v23, v39;
	v16 =	vmul.f32 v16, v37;
	v9 =	vadd.s32 $0x8, v8;
	v13 =	vld.idx.msk [tilespmem:v13+s14+$0x0], $0xffff  }
0x1be: {  	v33 =	vadd.s32 $0x9, v8;
	v27 =	vmul.f32 v27, v41;
	v12 =	vmul.f32 v12, v43;
	v11 =	vld.idx.msk [tilespmem:v11+s14+$0x0], $0xffff  }
0x1bf: {  	v35 =	vadd.s32 $0xA, v8;
	v26 =	vmul.f32 v26, v29;
	v25 =	vmul.f32 v25, v28;
	v10 =	vld.idx.msk [tilespmem:v10+s14+$0x0], $0xffff  }
0x1c0: {  	v7 =	vadd.f32 v15, v7;
	v12 =	vadd.f32 v12, v21;
	v15 =	vmul.f32 v24, v42  }
0x1c1: {  	v19 =	vadd.f32 v26, v19;
	v20 =	vadd.f32 v25, v20;
	v21 =	vmul.f32 v22, v44  }
0x1c2: {  	v7 =	vadd.f32 v23, v7;
	v12 =	vadd.f32 v27, v12;
	v14 =	vmul.f32 v14, v38  }
0x1c3: {  	v15 =	vadd.f32 v15, v19;
	v19 =	vadd.f32 v21, v20;
	v13 =	vmul.f32 v13, v40  }
0x1c4: {  	v7 =	vadd.f32 v32, v7;
	v12 =	vadd.f32 v16, v12;
	v11 =	vmul.f32 v11, v34  }
0x1c5: {  	v14 =	vadd.f32 v14, v15;
	v13 =	vadd.f32 v13, v19;
	v10 =	vmul.f32 v10, v36  }
0x1c6: {  	v7 =	vadd.f32 v17, v7;
	v15 =	vadd.s32 $0xB, v8;
	v21 =	vadd.f32 v18, v12  }
0x1c7: {  	v12 =	vand.u32 $0x7, v8;
	v19 =	vadd.f32 v11, v14;
	v20 =	vadd.f32 v10, v13  }
0x1c8: {  	v17 =	vadd.s32 $0x5, v8;
	v16 =	vadd.s32 $0x4, v8;
	v18 =	vadd.s32 $0x6, v8  }
0x1c9: {  	v23 =	vand.u32 $0x3F, v8;
	v25 =	vadd.s32 $0x1, v8;
	v22 =	vadd.s32 $0x7, v8  }
0x1ca: {  	v32 =	vadd.s32 $0x3, v8;
	v26 =	vadd.s32 $0x2, v8;
	v34 =	vand.u32 $0x7, v61  }
0x1cb: {  	v37 =	vand.u32 $0x7, v31;
	v38 =	vand.u32 $0x7, v30;
	v36 =	vand.u32 $0x7, v62  }
0x1cc: {  	v39 =	vand.u32 $0x7, v33;
	v41 =	vand.u32 $0x7, v35;
	v43 =	vand.u32 $0x7, v15  }
0x1cd: {  	v42 =	vand.u32 $0x3F, v62;
	v40 =	vand.u32 $0x3F, v61;
	v11 =	vand.u32 $0x3F, v31  }
0x1ce: {  	v45 =	vand.u32 $0x7, v16;
	v31 =	vor.u32 v6, v23;
	v10 =	vand.u32 $0x3F, v30  }
0x1cf: {  	v48 =	vand.u32 $0x7, v17;
	v49 =	vand.u32 $0x7, v22;
	v51 =	vand.u32 $0x7, v18  }
0x1d0: {  	v50 =	vand.u32 $0x3F, v33;
	v47 =	vand.u32 $0x3F, v9;
	v14 =	vand.u32 $0x3F, v35  }
0x1d1: {  	v44 =	vand.u32 $0x7, v26;
	v46 =	vand.u32 $0x7, v25;
	v13 =	vand.u32 $0x3F, v15  }
0x1d2: {  	v28 =	vand.u32 $0x7, v32;
	v27 =	vand.u32 $0x3F, v17;
	v52 =	vand.u32 $0x3F, v16  }
0x1d3: {  	v22 =	vand.u32 $0x3F, v22;
	v16 =	vor.u32 v6, v40;
	v24 =	vand.u32 $0x3F, v18  }
0x1d4: {  	v17 =	vor.u32 v5, v23;
	v18 =	vor.u32 v6, v42;
	v15 =	vor.u32 v4, v23  }
0x1d5: {  	v26 =	vand.u32 $0x3F, v26;
	v29 =	vand.u32 $0x3F, v25;
	v23 =	vor.u32 v6, v50  }
0x1d6: {  	v25 =	vand.u32 $0x3F, v32;
	v30 =	vor.u32 v6, v52;
	v15 =	vand.u32 $0xBF8, v15  }
0x1d7: {  	v17 =	vand.u32 $0x1BF8, v17;
	v32 =	vor.u32 v12, v15;
	v15 =	vld.idx.msk [tilespmem:v31+s14+$0x0], $0xffff;
	v31 =	vor.u32 v4, v40  }
0x1d8: {  	v33 =	vor.u32 v12, v17;
	v35 =	vor.u32 v5, v40;
	v31 =	vand.u32 $0xBF8, v31;
	v17 =	vld.idx.msk [tilespmem:v16+s14+$0x0], $0xffff  }
0x1d9: {  	v40 =	vor.u32 v34, v31;
	v31 =	vand.u32 $0x1BF8, v35;
	v35 =	vor.u32 v4, v42;
	v18 =	vld.idx.msk [tilespmem:v18+s14+$0x0], $0xffff  }
0x1da: {  	v16 =	vld.idx.msk [tilespmem:v23+s14+$0x0], $0xffff;
	v34 =	vor.u32 v34, v31;
	v31 =	vand.u32 $0xBF8, v35;
	v35 =	vor.u32 v5, v42  }
0x1db: {  	v23 =	vld.idx.msk [tilespmem:v30+s14+$0x0], $0xffff;
	v42 =	vor.u32 v36, v31;
	v31 =	vand.u32 $0x1BF8, v35;
	v35 =	vor.u32 v4, v11  }
0x1dc: {  	v30 =	vld.idx.msk [tilespmem:v32+s17+$0x0], $0xffff;
	v36 =	vor.u32 v36, v31;
	v32 =	vand.u32 $0xBF8, v35;
	v35 =	vor.u32 v5, v11  }
0x1dd: {  	v31 =	vld.idx.msk [tilespmem:v33+s17+$0x0], $0xffff;
	v53 =	vor.u32 v37, v32;
	v33 =	vand.u32 $0x1BF8, v35;
	v35 =	vor.u32 v4, v10  }
0x1de: {  	v32 =	vld.idx.msk [tilespmem:v40+s17+$0x0], $0xffff;
	v37 =	vor.u32 v37, v33;
	v35 =	vand.u32 $0xBF8, v35;
	v40 =	vor.u32 v5, v10  }
0x1df: {  	v54 =	vor.u32 v4, v47;
	v33 =	vld.idx.msk [tilespmem:v34+s17+$0x0], $0xffff;
	v55 =	vor.u32 v38, v35;
	v35 =	vand.u32 $0x1BF8, v40  }
0x1e0: {  	v47 =	vor.u32 v5, v47;
	v40 =	vand.u32 $0xBF8, v54;
	v34 =	vld.idx.msk [tilespmem:v42+s17+$0x0], $0xffff;
	v42 =	vor.u32 v38, v35  }
0x1e1: {  	v40 =	vor.u32 v12, v40;
	v38 =	vand.u32 $0x1BF8, v47;
	v47 =	vor.u32 v4, v50;
	v35 =	vld.idx.msk [tilespmem:v36+s17+$0x0], $0xffff  }
0x1e2: {  	v54 =	vor.u32 v12, v38;
	v38 =	vand.u32 $0xBF8, v47;
	v47 =	vor.u32 v5, v50;
	v36 =	vld.idx.msk [tilespmem:v53+s17+$0x0], $0xffff  }
0x1e3: {  	v50 =	vor.u32 v39, v38;
	v38 =	vand.u32 $0x1BF8, v47;
	v47 =	vor.u32 v4, v14;
	v37 =	vld.idx.msk [tilespmem:v37+s17+$0x0], $0xffff  }
0x1e4: {  	v53 =	vor.u32 v39, v38;
	v39 =	vand.u32 $0xBF8, v47;
	v47 =	vor.u32 v5, v14;
	v38 =	vld.idx.msk [tilespmem:v55+s17+$0x0], $0xffff  }
0x1e5: {  	v56 =	vor.u32 v4, v13;
	v55 =	vor.u32 v41, v39;
	v47 =	vand.u32 $0x1BF8, v47;
	v39 =	vld.idx.msk [tilespmem:v42+s17+$0x0], $0xffff  }
0x1e6: {  	v47 =	vor.u32 v41, v47;
	v42 =	vand.u32 $0xBF8, v56;
	v56 =	vor.u32 v5, v13;
	v40 =	vld.idx.msk [tilespmem:v40+s17+$0x0], $0xffff  }
0x1e7: {  	v57 =	vor.u32 v4, v52;
	v56 =	vand.u32 $0x1BF8, v56;
	v41 =	vld.idx.msk [tilespmem:v54+s17+$0x0], $0xffff;
	v54 =	vor.u32 v43, v42  }
0x1e8: {  	v57 =	vand.u32 $0xBF8, v57;
	v52 =	vor.u32 v5, v52;
	v42 =	vld.idx.msk [tilespmem:v50+s17+$0x0], $0xffff;
	v50 =	vor.u32 v43, v56  }
0x1e9: {  	v52 =	vand.u32 $0x1BF8, v52;
	v56 =	vor.u32 v45, v57;
	v57 =	vor.u32 v4, v27;
	v43 =	vld.idx.msk [tilespmem:v53+s17+$0x0], $0xffff  }
0x1ea: {  	v53 =	vor.u32 v45, v52;
	v52 =	vand.u32 $0xBF8, v57;
	v57 =	vor.u32 v5, v27;
	v45 =	vld.idx.msk [tilespmem:v55+s17+$0x0], $0xffff  }
0x1eb: {  	v55 =	vor.u32 v48, v52;
	v52 =	vand.u32 $0x1BF8, v57;
	v57 =	vor.u32 v4, v24;
	v47 =	vld.idx.msk [tilespmem:v47+s17+$0x0], $0xffff  }
0x1ec: {  	v58 =	vor.u32 v48, v52;
	v52 =	vand.u32 $0xBF8, v57;
	v57 =	vor.u32 v5, v24;
	v48 =	vld.idx.msk [tilespmem:v54+s17+$0x0], $0xffff  }
0x1ed: {  	v59 =	vor.u32 v4, v22;
	v54 =	vor.u32 v51, v52;
	v57 =	vand.u32 $0x1BF8, v57;
	v50 =	vld.idx.msk [tilespmem:v50+s17+$0x0], $0xffff  }
0x1ee: {  	v60 =	vor.u32 v51, v57;
	v57 =	vor.u32 v5, v22;
	v52 =	vld.idx.msk [tilespmem:v56+s17+$0x0], $0xffff;
	v56 =	vand.u32 $0xBF8, v59  }
0x1ef: {  	v59 =	vor.u32 v4, v29;
	v51 =	vld.idx.msk [tilespmem:v53+s17+$0x0], $0xffff;
	v61 =	vor.u32 v49, v56;
	v56 =	vand.u32 $0x1BF8, v57  }
0x1f0: {  	v57 =	vand.u32 $0xBF8, v59;
	v59 =	vor.u32 v5, v29;
	v53 =	vld.idx.msk [tilespmem:v55+s17+$0x0], $0xffff;
	v55 =	vor.u32 v49, v56  }
.Ltmp2:
0x1f1: {  	v56 =	vor.u32 v46, v57;
	v57 =	vand.u32 $0x1BF8, v59;
	v59 =	vor.u32 v4, v26;
	v49 =	vld.idx.msk [tilespmem:v58+s17+$0x0], $0xffff;
	(pc) =	sbr.rel @p1 .LBB2_7-.Ltmp2, $4  }
0x1f2: {  	v57 =	vor.u32 v46, v57;
	v58 =	vand.u32 $0xBF8, v59;
	v59 =	vor.u32 v5, v26;
	v46 =	vld.idx.msk [tilespmem:v54+s17+$0x0], $0xffff  }
0x1f3: {  	v62 =	vor.u32 v4, v25;
	v58 =	vor.u32 v44, v58;
	v59 =	vand.u32 $0x1BF8, v59;
	v54 =	vld.idx.msk [tilespmem:v60+s17+$0x0], $0xffff  }
0x1f4: {  	v60 =	vor.u32 v44, v59;
	v59 =	vand.u32 $0xBF8, v62;
	v62 =	vor.u32 v5, v25;
	v44 =	vld.idx.msk [tilespmem:v61+s17+$0x0], $0xffff  }
0x1f5: {  	s31 =	sadd.s32 $0xFFFFFFFF, s31;
	v59 =	vor.u32 v28, v59;
	v61 =	vand.u32 $0x1BF8, v62;
	v55 =	vld.idx.msk [tilespmem:v55+s17+$0x0], $0xffff  }
0x1f6: {  	_ =	sdelay $0x3  }
0x1f7: {  	v8 =	vld.idx.msk [tilespmem:v56+s17+$0x0], $0xffff;
	v28 =	vor.u32 v28, v61  }
0x1f8: {  	v56 =	vld.idx.msk [tilespmem:v57+s17+$0x0], $0xffff;
	v27 =	vor.u32 v6, v27  }
0x1f9: {  	v9 =	vand.u32 $0x38, v9;
	v57 =	vld.idx.msk [tilespmem:v58+s17+$0x0], $0xffff;
	v30 =	vmul.f32 v31, v30;
	v26 =	vor.u32 v6, v26  }
0x1fa: {  	v31 =	vmul.f32 v33, v32;
	v32 =	vld.idx.msk [tilespmem:v59+s17+$0x0], $0xffff;
	v25 =	vor.u32 v6, v25;
	v9 =	vor.u32 v9, v6  }
0x1fb: {  	v9 =	vor.u32 v12, v9;
	v12 =	vor.u32 v6, v29;
	v29 =	vld.idx.msk [tilespmem:v60+s17+$0x0], $0xffff  }
0x1fc: {  	v33 =	vmul.f32 v35, v34;
	v61 =	vmul.f32 v41, v40;
	v24 =	vor.u32 v6, v24;
	v28 =	vld.idx.msk [tilespmem:v28+s17+$0x0], $0xffff  }
0x1fd: {  	v62 =	vmul.f32 v39, v38;
	v63 =	vmul.f32 v43, v42;
	v22 =	vor.u32 v6, v22;
	v27 =	vld.idx.msk [tilespmem:v27+s14+$0x0], $0xffff  }
0x1fe: {  	v47 =	vmul.f32 v47, v45;
	v51 =	vmul.f32 v51, v52;
	v13 =	vor.u32 v6, v13;
	v26 =	vld.idx.msk [tilespmem:v26+s14+$0x0], $0xffff  }
0x1ff: {  	v52 =	vmul.f32 v50, v48;
	v14 =	vor.u32 v6, v14;
	v53 =	vmul.f32 v49, v53;
	v25 =	vld.idx.msk [tilespmem:v25+s14+$0x0], $0xffff  }
0x200: {  	v11 =	vor.u32 v6, v11;
	v60 =	vmul.f32 v37, v36;
	v58 =	vmul.f32 v54, v46;
	v12 =	vld.idx.msk [tilespmem:v12+s14+$0x0], $0xffff  }
0x201: {  	v6 =	vor.u32 v6, v10;
	v10 =	vmul.f32 v15, v30;
	v15 =	vmul.f32 v17, v31;
	v24 =	vld.idx.msk [tilespmem:v24+s14+$0x0], $0xffff  }
0x202: {  	v18 =	vmul.f32 v18, v33;
	v16 =	vmul.f32 v16, v63;
	v17 =	vld.idx.msk [tilespmem:v22+s14+$0x0], $0xffff  }
0x203: {  	v8 =	vmul.f32 v56, v8;
	v22 =	vmul.f32 v23, v51;
	v13 =	vld.idx.msk [tilespmem:v13+s14+$0x0], $0xffff  }
0x204: {  	v7 =	vadd.f32 v10, v7;
	v9 =	vld.idx.msk [tilespmem:v9+s14+$0x0], $0xffff;
	v29 =	vmul.f32 v29, v57;
	v28 =	vmul.f32 v28, v32  }
0x205: {  	v59 =	vmul.f32 v55, v44;
	v14 =	vld.idx.msk [tilespmem:v14+s14+$0x0], $0xffff;
	v8 =	vmul.f32 v12, v8  }
0x206: {  	v6 =	vld.idx.msk [tilespmem:v6+s14+$0x0], $0xffff;
	v7 =	vadd.f32 v22, v7;
	v23 =	vmul.f32 v26, v29;
	v25 =	vmul.f32 v25, v28  }
0x207: {  	v11 =	vld.idx.msk [tilespmem:v11+s14+$0x0], $0xffff;
	v10 =	vmul.f32 v24, v58;
	v12 =	vmul.f32 v27, v53;
	v8 =	vadd.f32 v8, v21  }
0x208: {  	v17 =	vmul.f32 v17, v59;
	v19 =	vadd.f32 v23, v19;
	v20 =	vadd.f32 v25, v20  }
0x209: {  	v13 =	vmul.f32 v13, v52;
	v9 =	vmul.f32 v9, v61;
	v8 =	vadd.f32 v12, v8  }
0x20a: {  	v10 =	vadd.f32 v10, v19;
	v12 =	vmul.f32 v14, v47;
	v14 =	vadd.f32 v17, v20  }
0x20b: {  	v6 =	vmul.f32 v6, v62;
	v7 =	vadd.f32 v9, v7;
	v8 =	vadd.f32 v16, v8  }
0x20c: {  	v9 =	vmul.f32 v11, v60;
	v10 =	vadd.f32 v12, v10;
	v11 =	vadd.f32 v13, v14  }
0x20d: {  	v7 =	vadd.f32 v15, v7;
	v8 =	vadd.f32 v18, v8  }
0x20e: {  	v9 =	vadd.f32 v9, v10;
	v6 =	vadd.f32 v6, v11;
	v10 =	vlaneseq.u32  }
0x20f: {  	v12 =	vadd.s32 $0xC, v10;
	v13 =	vadd.s32 $0xD, v10;
	v15 =	vadd.s32 $0xE, v10  }
0x210: {  	v16 =	vadd.s32 $0xF, v10;
	v11 =	vadd.s32 $0x8, v10;
	v17 =	vadd.s32 $0x9, v10  }
0x211: {  	v18 =	vadd.s32 $0xA, v10;
	v19 =	vadd.s32 $0xB, v10;
	v14 =	vand.u32 $0x7, v10  }
0x212: {  	v20 =	vadd.s32 $0x4, v10;
	v22 =	vadd.s32 $0x5, v10;
	v23 =	vadd.s32 $0x6, v10  }
0x213: {  	v25 =	vand.u32 $0x3F, v10;
	v27 =	vadd.s32 $0x1, v10;
	v24 =	vadd.s32 $0x7, v10  }
0x214: {  	v28 =	vadd.s32 $0x2, v10;
	v7 =	vadd.f32 v8, v7;
	v6 =	vadd.f32 v6, v9  }
0x215: {  	v32 =	vadd.s32 $0x3, v10;
	v33 =	vand.u32 $0x7, v12;
	v34 =	vand.u32 $0x7, v13  }
0x216: {  	v35 =	vand.u32 $0x7, v15;
	v37 =	vand.u32 $0x7, v16;
	v6 =	vadd.f32 v6, v7  }
0x217: {  	v40 =	vand.u32 $0x7, v17;
	v42 =	vand.u32 $0x7, v18;
	v45 =	vand.u32 $0x7, v19  }
0x218: {  	v36 =	vand.u32 $0x3F, v12;
	v38 =	vand.u32 $0x3F, v13;
	v13 =	vand.u32 $0x3F, v15;
	[tilespmem:$0x19B20] =	vst v6  }
0x219: {  	v46 =	vand.u32 $0x7, v20;
	v12 =	vand.u32 $0x3F, v16;
	v48 =	vand.u32 $0x7, v22;
	v6 =	vld [tilespmem:s30+$0x4030]  }
0x21a: {  	v51 =	vand.u32 $0x7, v23;
	v56 =	vand.u32 $0x7, v24;
	v41 =	vand.u32 $0x3F, v11  }
0x21b: {  	v43 =	vand.u32 $0x3F, v17;
	v16 =	vand.u32 $0x3F, v18;
	v57 =	vand.u32 $0x7, v27  }
0x21c: {  	v62 =	vand.u32 $0x7, v28;
	v15 =	vand.u32 $0x3F, v19;
	v30 =	vand.u32 $0x7, v32  }
0x21d: {  	v44 =	vand.u32 $0x3F, v20;
	v29 =	vand.u32 $0x3F, v22;
	v26 =	vand.u32 $0x3F, v23  }
0x21e: {  	v24 =	vand.u32 $0x3F, v24;
	v31 =	vand.u32 $0x3F, v27;
	v8 =	vshll.u32 v6, $0x6  }
0x21f: {  	v27 =	vand.u32 $0x3F, v32;
	v7 =	vor.u32 $0x1C00, v0;
	v39 =	vor.u32 v8, v25  }
0x220: {  	v19 =	vor.u32 v7, v25;
	v53 =	vor.u32 v7, v13;
	v18 =	vor.u32 v8, v36  }
0x221: {  	v19 =	vand.u32 $0x1FF8, v19;
	v6 =	vor.u32 $0xC00, v0;
	v20 =	vor.u32 v8, v38  }
0x222: {  	v54 =	vand.u32 $0x1FF8, v53;
	v17 =	vor.u32 v6, v25;
	v22 =	vor.u32 v8, v43  }
0x223: {  	v61 =	vor.u32 v14, v19;
	v23 =	vor.u32 v8, v44;
	v17 =	vand.u32 $0xFF8, v17  }
0x224: {  	v58 =	vor.u32 v35, v54;
	v25 =	vor.u32 v6, v36;
	v60 =	vor.u32 v14, v17;
	v17 =	vld.idx.msk [tilespmem:v39+s14+$0x0], $0xffff  }
0x225: {  	v36 =	vor.u32 v7, v36;
	v55 =	vor.u32 v6, v12;
	v25 =	vand.u32 $0xFF8, v25;
	v19 =	vld.idx.msk [tilespmem:v18+s14+$0x0], $0xffff  }
0x226: {  	v59 =	vand.u32 $0xFF8, v55;
	v63 =	vor.u32 v33, v25;
	v18 =	vor.u32 v6, v38;
	v20 =	vld.idx.msk [tilespmem:v20+s14+$0x0], $0xffff  }
0x227: {  	v25 =	vand.u32 $0x1FF8, v36;
	v38 =	vor.u32 v7, v38;
	v50 =	vand.u32 $0xFF8, v18;
	v18 =	vld.idx.msk [tilespmem:v22+s14+$0x0], $0xffff  }
0x228: {  	v22 =	vor.u32 v33, v25;
	v52 =	vand.u32 $0x1FF8, v38;
	v25 =	vld.idx.msk [tilespmem:v23+s14+$0x0], $0xffff;
	v23 =	vor.u32 v6, v13  }
0x229: {  	v33 =	vld.idx.msk [tilespmem:v61+s17+$0x0], $0xffff;
	v61 =	vor.u32 v6, v41;
	v41 =	vor.u32 v7, v41;
	v36 =	vor.u32 v34, v50  }
0x22a: {  	v38 =	vor.u32 v34, v52;
	v32 =	vld.idx.msk [tilespmem:v60+s17+$0x0], $0xffff;
	v23 =	vand.u32 $0xFF8, v23;
	v60 =	vor.u32 v7, v12  }
0x22b: {  	v34 =	vld.idx.msk [tilespmem:v63+s17+$0x0], $0xffff;
	v63 =	vor.u32 v37, v59;
	v49 =	vand.u32 $0xFF8, v61;
	v23 =	vor.u32 v35, v23  }
0x22c: {  	v39 =	vld.idx.msk [tilespmem:v58+s17+$0x0], $0xffff;
	v52 =	vor.u32 v6, v43;
	v41 =	vand.u32 $0x1FF8, v41;
	v47 =	vor.u32 v14, v49  }
0x22d: {  	v49 =	vand.u32 $0xFF8, v52;
	v52 =	vor.u32 v14, v41;
	v35 =	vld.idx.msk [tilespmem:v22+s17+$0x0], $0xffff;
	v22 =	vand.u32 $0x1FF8, v60  }
0x22e: {  	v28 =	vand.u32 $0x3F, v28;
	v55 =	vor.u32 v7, v16;
	v36 =	vld.idx.msk [tilespmem:v36+s17+$0x0], $0xffff;
	v22 =	vor.u32 v37, v22  }
0x22f: {  	v54 =	vor.u32 v6, v16;
	v58 =	vand.u32 $0x1FF8, v55;
	v43 =	vor.u32 v7, v43;
	v37 =	vld.idx.msk [tilespmem:v38+s17+$0x0], $0xffff  }
0x230: {  	v59 =	vor.u32 v6, v15;
	v53 =	vand.u32 $0x1FF8, v43;
	v38 =	vld.idx.msk [tilespmem:v23+s17+$0x0], $0xffff;
	v23 =	vor.u32 v40, v49  }
0x231: {  	v61 =	vor.u32 v7, v15;
	v43 =	vand.u32 $0xFF8, v54;
	v49 =	vor.u32 v40, v53;
	v40 =	vld.idx.msk [tilespmem:v63+s17+$0x0], $0xffff  }
0x232: {  	v54 =	vor.u32 v42, v43;
	v60 =	vand.u32 $0xFF8, v59;
	v63 =	vor.u32 v6, v44;
	v43 =	vld.idx.msk [tilespmem:v52+s17+$0x0], $0xffff  }
0x233: {  	v59 =	vor.u32 v6, v29;
	v53 =	vor.u32 v45, v60;
	v50 =	vand.u32 $0xFF8, v63;
	v41 =	vld.idx.msk [tilespmem:v22+s17+$0x0], $0xffff  }
0x234: {  	v63 =	vor.u32 v7, v29;
	v22 =	vor.u32 v42, v58;
	v42 =	vld.idx.msk [tilespmem:v47+s17+$0x0], $0xffff;
	v47 =	vand.u32 $0x1FF8, v61  }
0x235: {  	v55 =	vor.u32 v46, v50;
	v58 =	vor.u32 v7, v44;
	v44 =	vld.idx.msk [tilespmem:v23+s17+$0x0], $0xffff;
	v23 =	vor.u32 v45, v47  }
0x236: {  	v61 =	vand.u32 $0xFF8, v59;
	v59 =	vor.u32 v6, v24;
	v60 =	vand.u32 $0x1FF8, v58;
	v45 =	vld.idx.msk [tilespmem:v49+s17+$0x0], $0xffff  }
0x237: {  	v47 =	vld.idx.msk [tilespmem:v54+s17+$0x0], $0xffff;
	v58 =	vor.u32 v48, v61;
	v61 =	vor.u32 v6, v26;
	v46 =	vor.u32 v46, v60  }
0x238: {  	v50 =	vld.idx.msk [tilespmem:v53+s17+$0x0], $0xffff;
	v60 =	vand.u32 $0x1FF8, v63;
	v63 =	vor.u32 v7, v26;
	v52 =	vand.u32 $0xFF8, v61  }
0x239: {  	v49 =	vld.idx.msk [tilespmem:v22+s17+$0x0], $0xffff;
	v22 =	vor.u32 v48, v60;
	v48 =	vand.u32 $0x1FF8, v63;
	v60 =	vor.u32 v51, v52  }
0x23a: {  	v63 =	vand.u32 $0xFF8, v59;
	v59 =	vor.u32 v6, v31;
	v52 =	vld.idx.msk [tilespmem:v23+s17+$0x0], $0xffff;
	v23 =	vor.u32 v51, v48  }
0x23b: {  	v54 =	vld.idx.msk [tilespmem:v55+s17+$0x0], $0xffff;
	v51 =	vor.u32 v7, v24;
	v48 =	vand.u32 $0xFF8, v59;
	v59 =	vor.u32 v7, v31  }
0x23c: {  	v61 =	vor.u32 v56, v63;
	v53 =	vld.idx.msk [tilespmem:v46+s17+$0x0], $0xffff;
	v63 =	vand.u32 $0x1FF8, v51;
	v46 =	vand.u32 $0x1FF8, v59  }
0x23d: {  	v55 =	vld.idx.msk [tilespmem:v58+s17+$0x0], $0xffff;
	v58 =	vor.u32 v57, v48;
	v21 =	vor.u32 v56, v63;
	v63 =	vor.u32 v6, v28  }
0x23e: {  	v59 =	vor.u32 v57, v46;
	v57 =	vor.u32 v7, v28;
	v51 =	vld.idx.msk [tilespmem:v22+s17+$0x0], $0xffff;
	v22 =	vand.u32 $0xFF8, v63  }
0x23f: {  	v9 =	vimm.f32 $0.0e+00;
	v46 =	vand.u32 $0x1FF8, v57;
	v48 =	vld.idx.msk [tilespmem:v60+s17+$0x0], $0xffff;
	v60 =	vor.u32 v62, v22  }
0x240: {  	v22 =	vor.u32 v6, v27;
	v56 =	vld.idx.msk [tilespmem:v23+s17+$0x0], $0xffff;
	v23 =	vor.u32 v7, v27;
	v62 =	vor.u32 v62, v46  }
0x241: {  	v46 =	vld.idx.msk [tilespmem:v61+s17+$0x0], $0xffff;
	v22 =	vand.u32 $0xFF8, v22;
	v63 =	vand.u32 $0x1FF8, v23;
	v23 =	vimm.f32 $0.0e+00  }
0x242: {  	s31 =	simm.s32 $0x3;
	v61 =	vor.u32 v30, v22;
	v57 =	vld.idx.msk [tilespmem:v21+s17+$0x0], $0xffff;
	v21 =	vimm.f32 $0.0e+00;
	v22 =	vimm.f32 $0.0e+00  }
.LBB2_9:
0x243: {  	p1 =	sne.s32 s31, $0x1;
	v58 =	vld.idx.msk [tilespmem:v58+s17+$0x0], $0xffff;
	v30 =	vor.u32 v30, v63;
	v11 =	vand.u32 $0x38, v11  }
0x244: {  	v29 =	vor.u32 v8, v29;
	v10 =	vadd.s32 $0x10, v10;
	v59 =	vld.idx.msk [tilespmem:v59+s17+$0x0], $0xffff;
	v11 =	vor.u32 v11, v8  }
0x245: {  	v60 =	vld.idx.msk [tilespmem:v60+s17+$0x0], $0xffff;
	v11 =	vor.u32 v14, v11  }
0x246: {  	v63 =	vadd.s32 $0xC, v10;
	v0 =	vadd.s32 $0xD, v10;
	v14 =	vor.u32 v8, v31;
	v31 =	vld.idx.msk [tilespmem:v62+s17+$0x0], $0xffff  }
0x247: {  	v32 =	vmul.f32 v33, v32;
	v28 =	vor.u32 v8, v28;
	v34 =	vmul.f32 v35, v34;
	v33 =	vld.idx.msk [tilespmem:v61+s17+$0x0], $0xffff  }
0x248: {  	v27 =	vor.u32 v8, v27;
	v35 =	vmul.f32 v37, v36;
	v36 =	vmul.f32 v39, v38;
	v30 =	vld.idx.msk [tilespmem:v30+s17+$0x0], $0xffff  }
0x249: {  	v26 =	vor.u32 v8, v26;
	v37 =	vmul.f32 v43, v42;
	v38 =	vmul.f32 v41, v40;
	v29 =	vld.idx.msk [tilespmem:v29+s14+$0x0], $0xffff  }
0x24a: {  	v24 =	vor.u32 v8, v24;
	v39 =	vmul.f32 v45, v44;
	v40 =	vmul.f32 v49, v47;
	v11 =	vld.idx.msk [tilespmem:v11+s14+$0x0], $0xffff  }
0x24b: {  	v41 =	vmul.f32 v53, v54;
	v16 =	vor.u32 v8, v16;
	v42 =	vmul.f32 v52, v50;
	v14 =	vld.idx.msk [tilespmem:v14+s14+$0x0], $0xffff  }
0x24c: {  	v43 =	vmul.f32 v51, v55;
	v15 =	vor.u32 v8, v15;
	v44 =	vmul.f32 v56, v48;
	v28 =	vld.idx.msk [tilespmem:v28+s14+$0x0], $0xffff  }
0x24d: {  	v13 =	vor.u32 v8, v13;
	v46 =	vmul.f32 v57, v46;
	v45 =	vmul.f32 v59, v58;
	v27 =	vld.idx.msk [tilespmem:v27+s14+$0x0], $0xffff  }
0x24e: {  	v12 =	vor.u32 v8, v12;
	v31 =	vmul.f32 v31, v60;
	v30 =	vmul.f32 v30, v33;
	v26 =	vld.idx.msk [tilespmem:v26+s14+$0x0], $0xffff  }
0x24f: {  	v17 =	vmul.f32 v17, v32;
	v19 =	vmul.f32 v19, v34;
	v33 =	vadd.s32 $0xE, v10;
	v24 =	vld.idx.msk [tilespmem:v24+s14+$0x0], $0xffff  }
0x250: {  	v32 =	vadd.s32 $0xF, v10;
	v20 =	vmul.f32 v20, v35;
	v34 =	vmul.f32 v11, v37;
	v16 =	vld.idx.msk [tilespmem:v16+s14+$0x0], $0xffff  }
0x251: {  	v25 =	vmul.f32 v25, v41;
	v18 =	vmul.f32 v18, v39;
	v11 =	vadd.s32 $0x8, v10;
	v15 =	vld.idx.msk [tilespmem:v15+s14+$0x0], $0xffff  }
0x252: {  	v35 =	vadd.s32 $0x9, v10;
	v29 =	vmul.f32 v29, v43;
	v14 =	vmul.f32 v14, v45;
	v13 =	vld.idx.msk [tilespmem:v13+s14+$0x0], $0xffff  }
0x253: {  	v37 =	vadd.s32 $0xA, v10;
	v28 =	vmul.f32 v28, v31;
	v27 =	vmul.f32 v27, v30;
	v12 =	vld.idx.msk [tilespmem:v12+s14+$0x0], $0xffff  }
0x254: {  	v9 =	vadd.f32 v17, v9;
	v14 =	vadd.f32 v14, v23;
	v17 =	vmul.f32 v26, v44  }
0x255: {  	v21 =	vadd.f32 v28, v21;
	v22 =	vadd.f32 v27, v22;
	v23 =	vmul.f32 v24, v46  }
0x256: {  	v9 =	vadd.f32 v25, v9;
	v14 =	vadd.f32 v29, v14;
	v16 =	vmul.f32 v16, v40  }
0x257: {  	v17 =	vadd.f32 v17, v21;
	v21 =	vadd.f32 v23, v22;
	v15 =	vmul.f32 v15, v42  }
0x258: {  	v9 =	vadd.f32 v34, v9;
	v14 =	vadd.f32 v18, v14;
	v13 =	vmul.f32 v13, v36  }
0x259: {  	v16 =	vadd.f32 v16, v17;
	v15 =	vadd.f32 v15, v21;
	v12 =	vmul.f32 v12, v38  }
0x25a: {  	v9 =	vadd.f32 v19, v9;
	v17 =	vadd.s32 $0xB, v10;
	v23 =	vadd.f32 v20, v14  }
0x25b: {  	v14 =	vand.u32 $0x7, v10;
	v21 =	vadd.f32 v13, v16;
	v22 =	vadd.f32 v12, v15  }
0x25c: {  	v19 =	vadd.s32 $0x5, v10;
	v18 =	vadd.s32 $0x4, v10;
	v20 =	vadd.s32 $0x6, v10  }
0x25d: {  	v25 =	vand.u32 $0x3F, v10;
	v27 =	vadd.s32 $0x1, v10;
	v24 =	vadd.s32 $0x7, v10  }
0x25e: {  	v34 =	vadd.s32 $0x3, v10;
	v28 =	vadd.s32 $0x2, v10;
	v36 =	vand.u32 $0x7, v63  }
0x25f: {  	v39 =	vand.u32 $0x7, v33;
	v40 =	vand.u32 $0x7, v32;
	v38 =	vand.u32 $0x7, v0  }
0x260: {  	v41 =	vand.u32 $0x7, v35;
	v43 =	vand.u32 $0x7, v37;
	v45 =	vand.u32 $0x7, v17  }
0x261: {  	v42 =	vand.u32 $0x3F, v63;
	v0 =	vand.u32 $0x3F, v0;
	v13 =	vand.u32 $0x3F, v33  }
0x262: {  	v47 =	vand.u32 $0x7, v18;
	v33 =	vor.u32 v8, v25;
	v12 =	vand.u32 $0x3F, v32  }
0x263: {  	v50 =	vand.u32 $0x7, v19;
	v51 =	vand.u32 $0x7, v24;
	v53 =	vand.u32 $0x7, v20  }
0x264: {  	v49 =	vand.u32 $0x3F, v35;
	v44 =	vand.u32 $0x3F, v11;
	v16 =	vand.u32 $0x3F, v37  }
0x265: {  	v46 =	vand.u32 $0x7, v28;
	v48 =	vand.u32 $0x7, v27;
	v15 =	vand.u32 $0x3F, v17  }
0x266: {  	v30 =	vand.u32 $0x7, v34;
	v29 =	vand.u32 $0x3F, v19;
	v52 =	vand.u32 $0x3F, v18  }
0x267: {  	v24 =	vand.u32 $0x3F, v24;
	v18 =	vor.u32 v8, v42;
	v26 =	vand.u32 $0x3F, v20  }
0x268: {  	v19 =	vor.u32 v7, v25;
	v20 =	vor.u32 v8, v0;
	v17 =	vor.u32 v6, v25  }
0x269: {  	v28 =	vand.u32 $0x3F, v28;
	v31 =	vand.u32 $0x3F, v27;
	v25 =	vor.u32 v8, v49  }
0x26a: {  	v27 =	vand.u32 $0x3F, v34;
	v32 =	vor.u32 v8, v52;
	v17 =	vand.u32 $0xFF8, v17  }
0x26b: {  	v19 =	vand.u32 $0x1FF8, v19;
	v34 =	vor.u32 v14, v17;
	v17 =	vld.idx.msk [tilespmem:v33+s14+$0x0], $0xffff;
	v33 =	vor.u32 v6, v42  }
0x26c: {  	v35 =	vor.u32 v14, v19;
	v37 =	vor.u32 v7, v42;
	v33 =	vand.u32 $0xFF8, v33;
	v19 =	vld.idx.msk [tilespmem:v18+s14+$0x0], $0xffff  }
0x26d: {  	v42 =	vor.u32 v36, v33;
	v33 =	vand.u32 $0x1FF8, v37;
	v37 =	vor.u32 v6, v0;
	v20 =	vld.idx.msk [tilespmem:v20+s14+$0x0], $0xffff  }
0x26e: {  	v0 =	vor.u32 v7, v0;
	v18 =	vld.idx.msk [tilespmem:v25+s14+$0x0], $0xffff;
	v36 =	vor.u32 v36, v33;
	v33 =	vand.u32 $0xFF8, v37  }
0x26f: {  	v0 =	vand.u32 $0x1FF8, v0;
	v25 =	vld.idx.msk [tilespmem:v32+s14+$0x0], $0xffff;
	v37 =	vor.u32 v38, v33;
	v33 =	vor.u32 v6, v13  }
0x270: {  	v0 =	vor.u32 v38, v0;
	v38 =	vor.u32 v7, v13;
	v32 =	vld.idx.msk [tilespmem:v34+s17+$0x0], $0xffff;
	v34 =	vand.u32 $0xFF8, v33  }
0x271: {  	v33 =	vld.idx.msk [tilespmem:v35+s17+$0x0], $0xffff;
	v54 =	vor.u32 v39, v34;
	v35 =	vand.u32 $0x1FF8, v38;
	v38 =	vor.u32 v6, v12  }
0x272: {  	v34 =	vld.idx.msk [tilespmem:v42+s17+$0x0], $0xffff;
	v39 =	vor.u32 v39, v35;
	v38 =	vand.u32 $0xFF8, v38;
	v42 =	vor.u32 v7, v12  }
0x273: {  	v55 =	vor.u32 v6, v44;
	v35 =	vld.idx.msk [tilespmem:v36+s17+$0x0], $0xffff;
	v56 =	vor.u32 v40, v38;
	v38 =	vand.u32 $0x1FF8, v42  }
0x274: {  	v44 =	vor.u32 v7, v44;
	v42 =	vand.u32 $0xFF8, v55;
	v36 =	vld.idx.msk [tilespmem:v37+s17+$0x0], $0xffff;
	v55 =	vor.u32 v40, v38  }
0x275: {  	v42 =	vor.u32 v14, v42;
	v38 =	vand.u32 $0x1FF8, v44;
	v40 =	vor.u32 v6, v49;
	v37 =	vld.idx.msk [tilespmem:v0+s17+$0x0], $0xffff  }
0x276: {  	v44 =	vor.u32 v7, v49;
	v0 =	vor.u32 v14, v38;
	v40 =	vand.u32 $0xFF8, v40;
	v38 =	vld.idx.msk [tilespmem:v54+s17+$0x0], $0xffff  }
0x277: {  	v49 =	vor.u32 v41, v40;
	v40 =	vand.u32 $0x1FF8, v44;
	v44 =	vor.u32 v6, v16;
	v39 =	vld.idx.msk [tilespmem:v39+s17+$0x0], $0xffff  }
0x278: {  	v54 =	vor.u32 v41, v40;
	v41 =	vand.u32 $0xFF8, v44;
	v44 =	vor.u32 v7, v16;
	v40 =	vld.idx.msk [tilespmem:v56+s17+$0x0], $0xffff  }
0x279: {  	v57 =	vor.u32 v6, v15;
	v56 =	vor.u32 v43, v41;
	v44 =	vand.u32 $0x1FF8, v44;
	v41 =	vld.idx.msk [tilespmem:v55+s17+$0x0], $0xffff  }
0x27a: {  	v55 =	vor.u32 v43, v44;
	v44 =	vand.u32 $0xFF8, v57;
	v57 =	vor.u32 v7, v15;
	v42 =	vld.idx.msk [tilespmem:v42+s17+$0x0], $0xffff  }
0x27b: {  	v58 =	vor.u32 v6, v52;
	v57 =	vand.u32 $0x1FF8, v57;
	v43 =	vld.idx.msk [tilespmem:v0+s17+$0x0], $0xffff;
	v0 =	vor.u32 v45, v44  }
0x27c: {  	v58 =	vand.u32 $0xFF8, v58;
	v52 =	vor.u32 v7, v52;
	v57 =	vor.u32 v45, v57;
	v44 =	vld.idx.msk [tilespmem:v49+s17+$0x0], $0xffff  }
0x27d: {  	v58 =	vor.u32 v47, v58;
	v49 =	vand.u32 $0x1FF8, v52;
	v52 =	vor.u32 v6, v29;
	v45 =	vld.idx.msk [tilespmem:v54+s17+$0x0], $0xffff  }
0x27e: {  	v59 =	vor.u32 v47, v49;
	v49 =	vand.u32 $0xFF8, v52;
	v52 =	vor.u32 v7, v29;
	v47 =	vld.idx.msk [tilespmem:v56+s17+$0x0], $0xffff  }
0x27f: {  	v54 =	vor.u32 v6, v26;
	v56 =	vor.u32 v50, v49;
	v52 =	vand.u32 $0x1FF8, v52;
	v49 =	vld.idx.msk [tilespmem:v55+s17+$0x0], $0xffff  }
0x280: {  	v60 =	vor.u32 v50, v52;
	v52 =	vand.u32 $0xFF8, v54;
	v54 =	vor.u32 v7, v26;
	v50 =	vld.idx.msk [tilespmem:v0+s17+$0x0], $0xffff  }
0x281: {  	v61 =	vor.u32 v6, v24;
	v0 =	vor.u32 v53, v52;
	v55 =	vand.u32 $0x1FF8, v54;
	v52 =	vld.idx.msk [tilespmem:v57+s17+$0x0], $0xffff  }
0x282: {  	v57 =	vor.u32 v53, v55;
	v55 =	vand.u32 $0xFF8, v61;
	v54 =	vld.idx.msk [tilespmem:v58+s17+$0x0], $0xffff;
	v58 =	vor.u32 v7, v24  }
0x283: {  	v61 =	vor.u32 v6, v31;
	v63 =	vor.u32 v51, v55;
	v53 =	vld.idx.msk [tilespmem:v59+s17+$0x0], $0xffff;
	v58 =	vand.u32 $0x1FF8, v58  }
0x284: {  	v59 =	vand.u32 $0xFF8, v61;
	v61 =	vor.u32 v7, v31;
	v55 =	vld.idx.msk [tilespmem:v56+s17+$0x0], $0xffff;
	v1 =	vor.u32 v51, v58  }
.Ltmp3:
0x285: {  	v58 =	vor.u32 v48, v59;
	v56 =	vand.u32 $0x1FF8, v61;
	v61 =	vor.u32 v6, v28;
	v51 =	vld.idx.msk [tilespmem:v60+s17+$0x0], $0xffff;
	(pc) =	sbr.rel @p1 .LBB2_9-.Ltmp3, $4  }
0x286: {  	v59 =	vor.u32 v48, v56;
	v56 =	vand.u32 $0xFF8, v61;
	v61 =	vor.u32 v7, v28;
	v48 =	vld.idx.msk [tilespmem:v0+s17+$0x0], $0xffff  }
0x287: {  	v60 =	vor.u32 v46, v56;
	v0 =	vand.u32 $0x1FF8, v61;
	v61 =	vor.u32 v6, v27;
	v56 =	vld.idx.msk [tilespmem:v57+s17+$0x0], $0xffff  }
0x288: {  	v62 =	vor.u32 v46, v0;
	v0 =	vand.u32 $0xFF8, v61;
	v57 =	vor.u32 v7, v27;
	v46 =	vld.idx.msk [tilespmem:v63+s17+$0x0], $0xffff  }
0x289: {  	s31 =	sadd.s32 $0xFFFFFFFF, s31;
	v61 =	vor.u32 v30, v0;
	v63 =	vand.u32 $0x1FF8, v57;
	v57 =	vld.idx.msk [tilespmem:v1+s17+$0x0], $0xffff  }
0x28a: {  	_ =	sdelay $0x3  }
0x28b: {  	v0 =	vld.idx.msk [tilespmem:v58+s17+$0x0], $0xffff;
	v1 =	vor.u32 v30, v63  }
0x28c: {  	v10 =	vand.u32 $0x38, v11;
	v11 =	vld.idx.msk [tilespmem:v59+s17+$0x0], $0xffff;
	v29 =	vor.u32 v8, v29  }
0x28d: {  	v30 =	vld.idx.msk [tilespmem:v60+s17+$0x0], $0xffff;
	v32 =	vmul.f32 v33, v32;
	v28 =	vor.u32 v8, v28  }
0x28e: {  	v58 =	vmul.f32 v35, v34;
	v59 =	vld.idx.msk [tilespmem:v61+s17+$0x0], $0xffff;
	v27 =	vor.u32 v8, v27;
	v10 =	vor.u32 v10, v8  }
0x28f: {  	v26 =	vor.u32 v8, v26;
	v10 =	vor.u32 v14, v10;
	v14 =	vor.u32 v8, v31;
	v31 =	vld.idx.msk [tilespmem:v62+s17+$0x0], $0xffff  }
0x290: {  	v60 =	vmul.f32 v37, v36;
	v36 =	vmul.f32 v39, v38;
	v1 =	vld.idx.msk [tilespmem:v1+s17+$0x0], $0xffff  }
0x291: {  	v61 =	vmul.f32 v43, v42;
	v38 =	vmul.f32 v41, v40;
	v24 =	vor.u32 v8, v24;
	v29 =	vld.idx.msk [tilespmem:v29+s14+$0x0], $0xffff  }
0x292: {  	v63 =	vmul.f32 v49, v47;
	v49 =	vmul.f32 v53, v54;
	v16 =	vor.u32 v8, v16;
	v28 =	vld.idx.msk [tilespmem:v28+s14+$0x0], $0xffff  }
0x293: {  	v50 =	vmul.f32 v52, v50;
	v51 =	vmul.f32 v51, v55;
	v27 =	vld.idx.msk [tilespmem:v27+s14+$0x0], $0xffff  }
0x294: {  	v15 =	vor.u32 v8, v15;
	v62 =	vmul.f32 v45, v44;
	v52 =	vmul.f32 v56, v48;
	v26 =	vld.idx.msk [tilespmem:v26+s14+$0x0], $0xffff  }
0x295: {  	v13 =	vor.u32 v8, v13;
	v54 =	vmul.f32 v17, v32;
	v55 =	vmul.f32 v19, v58;
	v14 =	vld.idx.msk [tilespmem:v14+s14+$0x0], $0xffff  }
0x296: {  	v8 =	vor.u32 v8, v12;
	v20 =	vmul.f32 v20, v60;
	v53 =	vmul.f32 v57, v46;
	v56 =	vld.idx.msk [tilespmem:v24+s14+$0x0], $0xffff  }
0x297: {  	v57 =	vmul.f32 v25, v49;
	v16 =	vld.idx.msk [tilespmem:v16+s14+$0x0], $0xffff;
	v30 =	vmul.f32 v31, v30  }
0x298: {  	v9 =	vadd.f32 v54, v9;
	v0 =	vmul.f32 v11, v0;
	v10 =	vld.idx.msk [tilespmem:v10+s14+$0x0], $0xffff;
	v1 =	vmul.f32 v1, v59  }
0x299: {  	v18 =	vmul.f32 v18, v62;
	v15 =	vld.idx.msk [tilespmem:v15+s14+$0x0], $0xffff;
	v59 =	vmul.f32 v28, v30  }
0x29a: {  	v13 =	vld.idx.msk [tilespmem:v13+s14+$0x0], $0xffff;
	v9 =	vadd.f32 v57, v9;
	v0 =	vmul.f32 v14, v0;
	v1 =	vmul.f32 v27, v1  }
0x29b: {  	v8 =	vld.idx.msk [tilespmem:v8+s14+$0x0], $0xffff;
	v58 =	vmul.f32 v29, v51;
	v60 =	vmul.f32 v26, v52;
	v21 =	vadd.f32 v59, v21  }
0x29c: {  	v11 =	vmul.f32 v56, v53;
	v0 =	vadd.f32 v0, v23;
	v1 =	vadd.f32 v1, v22  }
0x29d: {  	v10 =	vmul.f32 v10, v61;
	v61 =	vmul.f32 v16, v63;
	v12 =	vadd.f32 v60, v21  }
0x29e: {  	v62 =	vmul.f32 v15, v50;
	v0 =	vadd.f32 v58, v0;
	v1 =	vadd.f32 v11, v1  }
0x29f: {  	v63 =	vmul.f32 v13, v36;
	v9 =	vadd.f32 v10, v9;
	v12 =	vadd.f32 v61, v12  }
0x2a0: {  	v8 =	vmul.f32 v8, v38;
	v0 =	vadd.f32 v18, v0;
	v1 =	vadd.f32 v62, v1  }
0x2a1: {  	v9 =	vadd.f32 v55, v9;
	v10 =	vadd.f32 v63, v12  }
0x2a2: {  	v0 =	vadd.f32 v20, v0;
	v1 =	vadd.f32 v8, v1;
	_ =	sdelay $0x1  }
0x2a3: {  	p1 =	sne.s32 s28, $0x3F;
	v0 =	vadd.f32 v0, v9;
	v1 =	vadd.f32 v1, v10  }
.Ltmp4:
0x2a4: {  	_ = 	snop;
	(pc) =	sbr.rel @p1 .LBB2_12-.Ltmp4, $4  }
0x2a5: {  	s31 =	sor.u32 s4, s30;
	[tilespmem:$0x1FFC0] =	vst v2;
	v0 =	vadd.f32 v1, v0  }
0x2a6: {  	[tilespmem:$0x1FFD0] =	vst v3;
	s31 =	sshrl.u32 s31, $0x3  }
0x2a7: {  	s31 =	sadd.s32 s6, s31;
	[tilespmem:$0x19B30] =	vst v0  }
0x2a8: {  	[hbm4b:s31+s2] =	stream.linear.scatter [tilespmem:s21], [sflag:$0x3], $0x40, $0x38;
	[tilespmem:$0x19B80] =	vst v63  }
.Ltmp5:
0x2a9: {  	(pc) =	sbr.rel .LBB2_13-.Ltmp5, $4  }
0x2aa: {  	_ = 	snop  }
0x2ab: {  	_ =	swait.ge [sflag:s22], $0x2000  }
0x2ac: {  	[sflag:s22] =	ssyncset.done $0x0  }
0x2ad: {  	[sflag:s22] =	ssyncadd.s32 $0xFFFFE000  }
.LBB2_12:
0x2ae: {  	s31 =	sadd.s32 $0x80, s30  }
0x2af: {  	v0 =	vmov s31  }
0x2b0: {  	v0 =	vshrl.u32 v0, $0x3  }
0x2b1: {  	v0 =	vshll.u32 v0, $0x3  }
0x2b2: {  	v0 =	vbroadcast v0, $0x0;
	_ =	sdelay $0x3  }
0x2b3: {  	v1 =	vld [tilespmem:s30+$0x80]  }
0x2b4: {  	v8 =	vld [tilespmem:s30+$0x90]  }
0x2b5: {  	v0 =	vld.idx.msk [tilespmem:v0+s2+$0x0], $0xffff  }
0x2b6: {  	v9 =	vld [tilespmem:s30+$0xA0]  }
0x2b7: {  	v10 =	vld [tilespmem:s30+$0xB0];
	_ =	sdelay $0x2  }
0x2b8: {  	vm0 =	veq.s32 v1, v0;
	vm1 =	veq.s32 v8, v0  }
0x2b9: {  	vm14 =	veq.s32 v9, v0;
	vm0 =	vmand vm0, vm1  }
0x2ba: {  	v11 =	vld [tilespmem:s30+$0x2080];
	vm15 =	veq.s32 v10, v0;
	vm0 =	vmand vm0, vm14  }
0x2bb: {  	v12 =	vld [tilespmem:s30+$0x4080];
	vm0 =	vmand vm0, vm15  }
0x2bc: {  	v47 =	vld [tilespmem:s30+$0x2090];
	v14 =	vmpcnt.ones.xlane vm0  }
0x2bd: {  	v13 =	vld [tilespmem:s30+$0x4090]  }
0x2be: {  	v15 =	vld [tilespmem:s30+$0x20A0];
	vm0 =	veq.s32 v14, $0x10  }
0x2bf: {  	v16 =	vld [tilespmem:s30+$0x40A0];
	v17 =	vsel vm0, v1, v11  }
0x2c0: {  	v48 =	vld [tilespmem:s30+$0x20B0];
	v1 =	vsel vm0, v11, v1;
	v49 =	vshll.u32 v17, $0x1  }
0x2c1: {  	v18 =	vld [tilespmem:s30+$0x40B0];
	v50 =	vadd.s32 $0x1F4, v12;
	v1 =	vshll.u32 v1, $0x1;
	[tilespmem:$0x15A00] =	vst v49  }
0x2c2: {  	v51 =	vsel vm0, v12, v50;
	v52 =	vsel vm0, v8, v47;
	[tilespmem:$0x15A40] =	vst v1  }
0x2c3: {  	v0 =	vsel vm0, v47, v8;
	v53 =	vshll.u32 v52, $0x1;
	[tilespmem:s30+$0x4080] =	vst v51  }
0x2c4: {  	v54 =	vadd.s32 $0x1F4, v13;
	v0 =	vshll.u32 v0, $0x1;
	[tilespmem:$0x15A10] =	vst v53  }
0x2c5: {  	v55 =	vsel vm0, v13, v54;
	v56 =	vsel vm0, v9, v15;
	[tilespmem:$0x15A50] =	vst v0  }
0x2c6: {  	v57 =	vsel vm0, v15, v9;
	v1 =	vshll.u32 v56, $0x1;
	[tilespmem:s30+$0x4090] =	vst v55  }
0x2c7: {  	v58 =	vadd.s32 $0x1F4, v16;
	v0 =	vshll.u32 v57, $0x1;
	[tilespmem:$0x15A20] =	vst v1  }
0x2c8: {  	v59 =	vsel vm0, v16, v58;
	v60 =	vsel vm0, v10, v48;
	[tilespmem:$0x15A60] =	vst v0  }
0x2c9: {  	v61 =	vsel vm0, v48, v10;
	v1 =	vshll.u32 v60, $0x1;
	[tilespmem:s30+$0x40A0] =	vst v59  }
0x2ca: {  	v62 =	vadd.s32 $0x1F4, v18;
	v0 =	vshll.u32 v61, $0x1;
	[tilespmem:$0x15A30] =	vst v1  }
0x2cb: {  	v63 =	vsel vm0, v18, v62;
	[tilespmem:$0x15A70] =	vst v0  }
.Ltmp6:
0x2cc: {  	[tilespmem:s30+$0x40B0] =	vst v63;
	(pc) =	sbr.rel @p0 .LBB2_14-.Ltmp6, $4  }
0x2cd: {  	[tilespmem:s17], [sflag:$0x1] =	stream.indirect.gather [hbm4b:s3+s15], $0x40, s16, s15, $0xb8;
	[tilespmem:$0x19B80] =	vst v63  }
0x2ce: {  	_ =	swait.ge [sflag:s22], $0x2000  }
0x2cf: {  	[sflag:s22] =	ssyncset.done $0x0  }
0x2d0: {  	[sflag:s22] =	ssyncadd.s32 $0xFFFFE000  }
.LBB2_13:
0x2d1: {  	_ =	swait.ge [sflag:s23], $0x40  }
0x2d2: {  	[sflag:s23] =	ssyncset.done $0x0  }
0x2d3: {  	[sflag:s23] =	ssyncadd.s32 $0xFFFFFFC0  }
.LBB2_14:
0x2d4: {  	v10 =	vlaneseq.u32  }
0x2d5: {  	v1 =	vadd.s32 $0xD, v10  }
0x2d6: {  	v13 =	vadd.s32 $0xE, v10;
	v11 =	vadd.s32 $0x8, v10;
	v15 =	vadd.s32 $0xF, v10  }
0x2d7: {  	v16 =	vadd.s32 $0x9, v10;
	v17 =	vadd.s32 $0xA, v10;
	v18 =	vadd.s32 $0xB, v10  }
0x2d8: {  	v12 =	vand.u32 $0x7, v10;
	v19 =	vadd.s32 $0x4, v10;
	v20 =	vadd.s32 $0x5, v10  }
0x2d9: {  	v21 =	vadd.s32 $0x6, v10;
	v23 =	vand.u32 $0x3F, v10;
	v24 =	vadd.s32 $0x1, v10  }
0x2da: {  	v25 =	vadd.s32 $0x7, v10;
	v27 =	vadd.s32 $0x2, v10;
	v32 =	vadd.s32 $0x3, v10  }
0x2db: {  	v34 =	vand.u32 $0x7, v1;
	v35 =	vand.u32 $0x7, v13;
	v37 =	vand.u32 $0x7, v15  }
0x2dc: {  	v40 =	vand.u32 $0x7, v16;
	v42 =	vand.u32 $0x7, v17;
	v45 =	vand.u32 $0x7, v18  }
0x2dd: {  	v1 =	vand.u32 $0x3F, v1;
	v14 =	vand.u32 $0x3F, v13;
	v46 =	vand.u32 $0x7, v19  }
0x2de: {  	v0 =	vld [tilespmem:s29+$0x4000];
	v13 =	vand.u32 $0x3F, v15;
	v47 =	vand.u32 $0x7, v20;
	v50 =	vand.u32 $0x7, v21  }
0x2df: {  	v51 =	vand.u32 $0x7, v25;
	v38 =	vand.u32 $0x3F, v11;
	v39 =	vand.u32 $0x3F, v16  }
0x2e0: {  	v16 =	vand.u32 $0x3F, v17;
	v56 =	vand.u32 $0x7, v24;
	v22 =	vand.u32 $0x7, v27  }
0x2e1: {  	v2 =	vld [tilespmem:$0x1FFE0];
	v15 =	vand.u32 $0x3F, v18;
	v31 =	vand.u32 $0x7, v32;
	v44 =	vand.u32 $0x3F, v19  }
0x2e2: {  	v3 =	vld [tilespmem:$0x1FFF0];
	v29 =	vand.u32 $0x3F, v20;
	v26 =	vand.u32 $0x3F, v21;
	v21 =	vand.u32 $0x3F, v25  }
0x2e3: {  	v30 =	vand.u32 $0x3F, v24;
	v8 =	vshll.u32 v0, $0x6;
	v0 =	vimm.f32 $0.0e+00  }
0x2e4: {  	v28 =	vand.u32 $0x3F, v27;
	[tilespmem:$0x1FFB0] =	vst v0;
	v0 =	vadd.s32 $0xC, v10;
	v36 =	vor.u32 v8, v23  }
0x2e5: {  	v20 =	vor.u32 v8, v1;
	v33 =	vand.u32 $0x7, v0;
	v0 =	vand.u32 $0x3F, v0  }
0x2e6: {  	v27 =	vand.u32 $0x3F, v32;
	v17 =	vor.u32 v2, v23;
	v18 =	vor.u32 v8, v0  }
0x2e7: {  	v19 =	vor.u32 v3, v23;
	v49 =	vor.u32 v3, v14;
	v23 =	vor.u32 v8, v39  }
0x2e8: {  	v43 =	vor.u32 v2, v13;
	v17 =	vand.u32 $0x3F8, v17;
	v24 =	vor.u32 v8, v44  }
0x2e9: {  	v19 =	vand.u32 $0x13F8, v19;
	v63 =	vor.u32 v12, v17;
	v25 =	vor.u32 v2, v0;
	v17 =	vld.idx.msk [tilespmem:v36+s14+$0x0], $0xffff  }
0x2ea: {  	v48 =	vor.u32 v12, v19;
	v0 =	vor.u32 v3, v0;
	v25 =	vand.u32 $0x3F8, v25;
	v20 =	vld.idx.msk [tilespmem:v20+s14+$0x0], $0xffff  }
0x2eb: {  	v0 =	vand.u32 $0x13F8, v0;
	v41 =	vor.u32 v33, v25;
	v19 =	vld.idx.msk [tilespmem:v18+s14+$0x0], $0xffff;
	v18 =	vor.u32 v2, v1  }
0x2ec: {  	v0 =	vor.u32 v33, v0;
	v1 =	vor.u32 v3, v1;
	v25 =	vand.u32 $0x3F8, v18;
	v18 =	vld.idx.msk [tilespmem:v23+s14+$0x0], $0xffff  }
0x2ed: {  	v1 =	vand.u32 $0x13F8, v1;
	v23 =	vor.u32 v34, v25;
	v25 =	vld.idx.msk [tilespmem:v24+s14+$0x0], $0xffff;
	v24 =	vor.u32 v2, v14  }
0x2ee: {  	v54 =	vor.u32 v3, v13;
	v32 =	vld.idx.msk [tilespmem:v63+s19+$0x0], $0xffff;
	v1 =	vor.u32 v34, v1;
	v24 =	vand.u32 $0x3F8, v24  }
0x2ef: {  	v55 =	vor.u32 v2, v38;
	v52 =	vand.u32 $0x13F8, v49;
	v33 =	vld.idx.msk [tilespmem:v48+s19+$0x0], $0xffff;
	v24 =	vor.u32 v35, v24  }
0x2f0: {  	v38 =	vor.u32 v3, v38;
	v53 =	vand.u32 $0x3F8, v43;
	v48 =	vor.u32 v35, v52;
	v34 =	vld.idx.msk [tilespmem:v41+s19+$0x0], $0xffff  }
0x2f1: {  	v57 =	vor.u32 v2, v39;
	v43 =	vor.u32 v37, v53;
	v35 =	vld.idx.msk [tilespmem:v0+s19+$0x0], $0xffff;
	v0 =	vand.u32 $0x13F8, v54  }
0x2f2: {  	v58 =	vor.u32 v2, v16;
	v41 =	vand.u32 $0x3F8, v55;
	v0 =	vor.u32 v37, v0;
	v36 =	vld.idx.msk [tilespmem:v23+s19+$0x0], $0xffff  }
0x2f3: {  	v59 =	vor.u32 v3, v16;
	v38 =	vand.u32 $0x13F8, v38;
	v23 =	vor.u32 v12, v41;
	v37 =	vld.idx.msk [tilespmem:v1+s19+$0x0], $0xffff  }
0x2f4: {  	v39 =	vor.u32 v3, v39;
	v49 =	vor.u32 v12, v38;
	v1 =	vand.u32 $0x3F8, v57;
	v38 =	vld.idx.msk [tilespmem:v24+s19+$0x0], $0xffff  }
0x2f5: {  	v61 =	vor.u32 v2, v15;
	v1 =	vor.u32 v40, v1;
	v24 =	vand.u32 $0x13F8, v39;
	v39 =	vld.idx.msk [tilespmem:v48+s19+$0x0], $0xffff  }
0x2f6: {  	v60 =	vand.u32 $0x13F8, v59;
	v41 =	vand.u32 $0x3F8, v58;
	v24 =	vor.u32 v40, v24;
	v40 =	vld.idx.msk [tilespmem:v43+s19+$0x0], $0xffff  }
0x2f7: {  	v62 =	vand.u32 $0x3F8, v61;
	v59 =	vor.u32 v2, v26;
	v52 =	vor.u32 v42, v41;
	v41 =	vld.idx.msk [tilespmem:v0+s19+$0x0], $0xffff  }
0x2f8: {  	v61 =	vor.u32 v2, v21;
	v0 =	vor.u32 v42, v60;
	v42 =	vld.idx.msk [tilespmem:v23+s19+$0x0], $0xffff;
	v23 =	vor.u32 v3, v15  }
0x2f9: {  	v53 =	vor.u32 v45, v62;
	v63 =	vor.u32 v2, v44;
	v43 =	vld.idx.msk [tilespmem:v49+s19+$0x0], $0xffff;
	v23 =	vand.u32 $0x13F8, v23  }
0x2fa: {  	v54 =	vor.u32 v3, v44;
	v48 =	vand.u32 $0x3F8, v63;
	v44 =	vld.idx.msk [tilespmem:v1+s19+$0x0], $0xffff;
	v1 =	vor.u32 v45, v23  }
0x2fb: {  	v55 =	vor.u32 v2, v29;
	v49 =	vand.u32 $0x13F8, v54;
	v23 =	vor.u32 v46, v48;
	v45 =	vld.idx.msk [tilespmem:v24+s19+$0x0], $0xffff  }
0x2fc: {  	v57 =	vor.u32 v3, v29;
	v24 =	vand.u32 $0x3F8, v55;
	v55 =	vor.u32 v46, v49;
	v46 =	vld.idx.msk [tilespmem:v52+s19+$0x0], $0xffff  }
0x2fd: {  	v62 =	vand.u32 $0x3F8, v61;
	v58 =	vand.u32 $0x13F8, v57;
	v48 =	vld.idx.msk [tilespmem:v0+s19+$0x0], $0xffff;
	v24 =	vor.u32 v47, v24  }
0x2fe: {  	v60 =	vor.u32 v3, v26;
	v0 =	vor.u32 v47, v58;
	v52 =	vand.u32 $0x3F8, v59;
	v49 =	vld.idx.msk [tilespmem:v53+s19+$0x0], $0xffff  }
0x2ff: {  	v63 =	vor.u32 v2, v30;
	v47 =	vand.u32 $0x13F8, v60;
	v57 =	vor.u32 v50, v52;
	v52 =	vld.idx.msk [tilespmem:v1+s19+$0x0], $0xffff  }
0x300: {  	v58 =	vor.u32 v3, v30;
	v1 =	vor.u32 v50, v47;
	v54 =	vld.idx.msk [tilespmem:v23+s19+$0x0], $0xffff;
	v23 =	vor.u32 v3, v21  }
0x301: {  	v59 =	vor.u32 v2, v28;
	v47 =	vor.u32 v51, v62;
	v53 =	vld.idx.msk [tilespmem:v55+s19+$0x0], $0xffff;
	v23 =	vand.u32 $0x13F8, v23  }
0x302: {  	v50 =	vand.u32 $0x3F8, v63;
	v55 =	vld.idx.msk [tilespmem:v24+s19+$0x0], $0xffff;
	v23 =	vor.u32 v51, v23;
	v24 =	vand.u32 $0x13F8, v58  }
0x303: {  	v61 =	vor.u32 v56, v50;
	v51 =	vld.idx.msk [tilespmem:v0+s19+$0x0], $0xffff;
	v0 =	vand.u32 $0x3F8, v59;
	v58 =	vor.u32 v56, v24  }
0x304: {  	v50 =	vld.idx.msk [tilespmem:v57+s19+$0x0], $0xffff;
	v24 =	vor.u32 v3, v28;
	v59 =	vor.u32 v22, v0;
	v0 =	vor.u32 v2, v27  }
0x305: {  	v24 =	vand.u32 $0x13F8, v24;
	v0 =	vand.u32 $0x3F8, v0;
	v56 =	vld.idx.msk [tilespmem:v1+s19+$0x0], $0xffff;
	v1 =	vor.u32 v3, v27  }
0x306: {  	v62 =	vor.u32 v22, v24;
	v47 =	vld.idx.msk [tilespmem:v47+s19+$0x0], $0xffff;
	v60 =	vor.u32 v31, v0;
	v24 =	vimm.f32 $0.0e+00  }
0x307: {  	s30 =	simm.s32 $0x3;
	v22 =	vimm.f32 $0.0e+00;
	v63 =	vand.u32 $0x13F8, v1;
	v57 =	vld.idx.msk [tilespmem:v23+s19+$0x0], $0xffff;
	v23 =	vimm.f32 $0.0e+00  }
.LBB2_15:
0x308: {  	v1 =	vor.u32 v31, v63  }
0x309: {  	v0 =	vld.idx.msk [tilespmem:v61+s19+$0x0], $0xffff;
	v11 =	vand.u32 $0x38, v11;
	v10 =	vadd.s32 $0x10, v10;
	v29 =	vor.u32 v8, v29  }
0x30a: {  	v58 =	vld.idx.msk [tilespmem:v58+s19+$0x0], $0xffff;
	v30 =	vor.u32 v8, v30;
	v32 =	vmul.f32 v33, v32;
	v28 =	vor.u32 v8, v28  }
0x30b: {  	v59 =	vld.idx.msk [tilespmem:v59+s19+$0x0], $0xffff;
	v34 =	vmul.f32 v35, v34;
	v27 =	vor.u32 v8, v27;
	v35 =	vmul.f32 v37, v36  }
0x30c: {  	v62 =	vld.idx.msk [tilespmem:v62+s19+$0x0], $0xffff;
	v36 =	vmul.f32 v39, v38;
	v26 =	vor.u32 v8, v26;
	v37 =	vmul.f32 v43, v42  }
0x30d: {  	v33 =	vld.idx.msk [tilespmem:v60+s19+$0x0], $0xffff;
	v38 =	vmul.f32 v41, v40;
	v21 =	vor.u32 v8, v21;
	v39 =	vmul.f32 v45, v44  }
0x30e: {  	v60 =	vmul.f32 v48, v46;
	v48 =	vmul.f32 v53, v54;
	v16 =	vor.u32 v8, v16;
	v1 =	vld.idx.msk [tilespmem:v1+s19+$0x0], $0xffff  }
0x30f: {  	v49 =	vmul.f32 v52, v49;
	v15 =	vor.u32 v8, v15;
	v14 =	vor.u32 v8, v14;
	v29 =	vld.idx.msk [tilespmem:v29+s14+$0x0], $0xffff  }
0x310: {  	v13 =	vor.u32 v8, v13;
	v31 =	vadd.s32 $0xC, v10;
	v11 =	vor.u32 v11, v8;
	v30 =	vld.idx.msk [tilespmem:v30+s14+$0x0], $0xffff  }
0x311: {  	v61 =	vadd.s32 $0xD, v10;
	v63 =	vadd.s32 $0xE, v10;
	v9 =	vadd.s32 $0xF, v10;
	v28 =	vld.idx.msk [tilespmem:v28+s14+$0x0], $0xffff  }
0x312: {  	v12 =	vor.u32 v12, v11;
	v52 =	vmul.f32 v51, v55;
	v17 =	vmul.f32 v17, v32;
	v21 =	vld.idx.msk [tilespmem:v21+s14+$0x0], $0xffff  }
0x313: {  	v11 =	vadd.s32 $0x8, v10;
	v19 =	vmul.f32 v19, v34;
	v20 =	vmul.f32 v20, v35;
	v16 =	vld.idx.msk [tilespmem:v16+s14+$0x0], $0xffff  }
0x314: {  	v18 =	vmul.f32 v18, v39;
	v53 =	vmul.f32 v56, v50;
	v56 =	vadd.s32 $0xA, v10;
	v15 =	vld.idx.msk [tilespmem:v15+s14+$0x0], $0xffff  }
0x315: {  	v54 =	vmul.f32 v57, v47;
	v25 =	vmul.f32 v25, v48;
	v43 =	vand.u32 $0x7, v56;
	v14 =	vld.idx.msk [tilespmem:v14+s14+$0x0], $0xffff  }
0x316: {  	v0 =	vmul.f32 v58, v0;
	v55 =	vmul.f32 v62, v59;
	v58 =	vadd.s32 $0xB, v10;
	v13 =	vld.idx.msk [tilespmem:v13+s14+$0x0], $0xffff  }
0x317: {  	v59 =	vand.u32 $0x7, v31;
	v62 =	vand.u32 $0x3F, v61;
	v1 =	vmul.f32 v1, v33  }
0x318: {  	v27 =	vld.idx.msk [tilespmem:v27+s14+$0x0], $0xffff;
	v45 =	vand.u32 $0x7, v58;
	v0 =	vmul.f32 v30, v0;
	v29 =	vmul.f32 v29, v52  }
0x319: {  	v26 =	vld.idx.msk [tilespmem:v26+s14+$0x0], $0xffff;
	v33 =	vadd.s32 $0x9, v10;
	v28 =	vmul.f32 v28, v55;
	v21 =	vmul.f32 v21, v54  }
0x31a: {  	v12 =	vld.idx.msk [tilespmem:v12+s14+$0x0], $0xffff;
	v30 =	vadd.s32 $0x4, v10;
	v16 =	vmul.f32 v16, v60;
	v15 =	vmul.f32 v15, v49  }
0x31b: {  	v14 =	vmul.f32 v14, v36;
	v13 =	vmul.f32 v13, v38;
	v36 =	vand.u32 $0x7, v61  }
0x31c: {  	v38 =	vand.u32 $0x7, v9;
	v60 =	vand.u32 $0x3F, v31;
	v40 =	vand.u32 $0x7, v33  }
0x31d: {  	v46 =	vand.u32 $0x7, v30;
	v44 =	vand.u32 $0x3F, v33;
	v1 =	vmul.f32 v27, v1  }
0x31e: {  	v27 =	vld [tilespmem:$0x1FFB0];
	v0 =	vadd.f32 v0, v24;
	v24 =	vmul.f32 v26, v53;
	v22 =	vadd.f32 v28, v22  }
0x31f: {  	v48 =	vand.u32 $0x3F, v30;
	v57 =	vmul.f32 v12, v37;
	v1 =	vadd.f32 v1, v23  }
0x320: {  	v12 =	vand.u32 $0x7, v10;
	v0 =	vadd.f32 v29, v0;
	v22 =	vadd.f32 v24, v22  }
0x321: {  	v37 =	vand.u32 $0x7, v63;
	v33 =	vor.u32 v8, v44;
	v1 =	vadd.f32 v21, v1  }
0x322: {  	v0 =	vadd.f32 v18, v0;
	v16 =	vadd.f32 v16, v22;
	v18 =	vadd.s32 $0x5, v10  }
0x323: {  	v17 =	vadd.f32 v17, v27;
	v49 =	vand.u32 $0x7, v18;
	v29 =	vand.u32 $0x3F, v18  }
0x324: {  	v1 =	vadd.f32 v15, v1;
	v24 =	vadd.f32 v20, v0;
	v0 =	vadd.s32 $0x6, v10  }
0x325: {  	v22 =	vadd.f32 v14, v16;
	v20 =	vadd.s32 $0x2, v10;
	v14 =	vand.u32 $0x3F, v63  }
0x326: {  	v16 =	vand.u32 $0x3F, v56;
	v56 =	vor.u32 v8, v62;
	v17 =	vadd.f32 v25, v17  }
0x327: {  	v25 =	vadd.s32 $0x3, v10;
	v53 =	vand.u32 $0x7, v0;
	v47 =	vand.u32 $0x7, v20  }
0x328: {  	v26 =	vand.u32 $0x3F, v0;
	v0 =	vor.u32 v8, v60;
	v28 =	vand.u32 $0x3F, v20  }
0x329: {  	v20 =	vor.u32 v3, v60;
	v55 =	vor.u32 v3, v14;
	v23 =	vadd.f32 v13, v1  }
0x32a: {  	v1 =	vand.u32 $0x3F, v10;
	v13 =	vand.u32 $0x3F, v9;
	v9 =	vand.u32 $0x3F, v11  }
0x32b: {  	v31 =	vand.u32 $0x7, v25;
	v27 =	vand.u32 $0x3F, v25;
	v17 =	vadd.f32 v57, v17  }
0x32c: {  	v63 =	vor.u32 v8, v1;
	v18 =	vor.u32 v2, v1;
	v1 =	vor.u32 v3, v1  }
0x32d: {  	v25 =	vor.u32 v8, v48;
	v39 =	vand.u32 $0x13F8, v20;
	v1 =	vand.u32 $0x13F8, v1  }
0x32e: {  	v15 =	vadd.f32 v19, v17;
	v17 =	vadd.s32 $0x1, v10;
	v19 =	vadd.s32 $0x7, v10  }
0x32f: {  	v1 =	vor.u32 v12, v1;
	v51 =	vand.u32 $0x7, v19;
	v50 =	vand.u32 $0x7, v17  }
0x330: {  	v20 =	vld.idx.msk [tilespmem:v56+s14+$0x0], $0xffff;
	v30 =	vand.u32 $0x3F, v17;
	v17 =	vand.u32 $0x3F8, v18;
	v18 =	vor.u32 v2, v60  }
0x331: {  	v21 =	vand.u32 $0x3F, v19;
	v19 =	vld.idx.msk [tilespmem:v0+s14+$0x0], $0xffff;
	v57 =	vor.u32 v12, v17;
	v18 =	vand.u32 $0x3F8, v18  }
0x332: {  	[tilespmem:$0x1FFB0] =	vst v15;
	v15 =	vand.u32 $0x3F, v58;
	v58 =	vor.u32 v2, v62;
	v25 =	vld.idx.msk [tilespmem:v25+s14+$0x0], $0xffff;
	v0 =	vor.u32 v59, v18  }
0x333: {  	v39 =	vor.u32 v59, v39;
	v60 =	vor.u32 v3, v62;
	v17 =	vld.idx.msk [tilespmem:v63+s14+$0x0], $0xffff;
	v59 =	vand.u32 $0x3F8, v58  }
0x334: {  	v62 =	vor.u32 v2, v14;
	v18 =	vld.idx.msk [tilespmem:v33+s14+$0x0], $0xffff;
	v33 =	vand.u32 $0x13F8, v60;
	v61 =	vor.u32 v36, v59  }
0x335: {  	v35 =	vand.u32 $0x13F8, v55;
	v34 =	vand.u32 $0x3F8, v62;
	v63 =	vor.u32 v36, v33;
	v33 =	vld.idx.msk [tilespmem:v1+s19+$0x0], $0xffff  }
0x336: {  	v55 =	vor.u32 v3, v44;
	v56 =	vor.u32 v2, v13;
	v1 =	vor.u32 v37, v34;
	v32 =	vld.idx.msk [tilespmem:v57+s19+$0x0], $0xffff  }
0x337: {  	v58 =	vor.u32 v2, v9;
	v36 =	vand.u32 $0x3F8, v56;
	v34 =	vld.idx.msk [tilespmem:v0+s19+$0x0], $0xffff;
	v0 =	vor.u32 v37, v35  }
0x338: {  	v60 =	vand.u32 $0x3F8, v58;
	v59 =	vor.u32 v38, v36;
	v57 =	vor.u32 v3, v13;
	v35 =	vld.idx.msk [tilespmem:v39+s19+$0x0], $0xffff  }
0x339: {  	v9 =	vor.u32 v3, v9;
	v52 =	vor.u32 v12, v60;
	v37 =	vand.u32 $0x13F8, v57;
	v36 =	vld.idx.msk [tilespmem:v61+s19+$0x0], $0xffff  }
0x33a: {  	v62 =	vor.u32 v2, v44;
	v9 =	vand.u32 $0x13F8, v9;
	v61 =	vor.u32 v38, v37;
	v37 =	vld.idx.msk [tilespmem:v63+s19+$0x0], $0xffff  }
0x33b: {  	v42 =	vand.u32 $0x13F8, v55;
	v9 =	vor.u32 v12, v9;
	v63 =	vand.u32 $0x3F8, v62;
	v38 =	vld.idx.msk [tilespmem:v1+s19+$0x0], $0xffff  }
0x33c: {  	v56 =	vor.u32 v2, v16;
	v58 =	vor.u32 v3, v16;
	v1 =	vor.u32 v40, v63;
	v39 =	vld.idx.msk [tilespmem:v0+s19+$0x0], $0xffff  }
0x33d: {  	v44 =	vand.u32 $0x13F8, v58;
	v57 =	vand.u32 $0x3F8, v56;
	v0 =	vor.u32 v40, v42;
	v40 =	vld.idx.msk [tilespmem:v59+s19+$0x0], $0xffff  }
0x33e: {  	v54 =	vor.u32 v43, v57;
	v62 =	vor.u32 v2, v48;
	v59 =	vor.u32 v2, v15;
	v42 =	vld.idx.msk [tilespmem:v52+s19+$0x0], $0xffff  }
0x33f: {  	v52 =	vor.u32 v43, v44;
	v41 =	vld.idx.msk [tilespmem:v61+s19+$0x0], $0xffff;
	v60 =	vand.u32 $0x3F8, v59;
	v61 =	vor.u32 v3, v15  }
0x340: {  	v48 =	vor.u32 v3, v48;
	v43 =	vld.idx.msk [tilespmem:v9+s19+$0x0], $0xffff;
	v9 =	vor.u32 v45, v60;
	v55 =	vand.u32 $0x13F8, v61  }
0x341: {  	v56 =	vand.u32 $0x3F8, v62;
	v63 =	vor.u32 v2, v29;
	v44 =	vld.idx.msk [tilespmem:v1+s19+$0x0], $0xffff;
	v1 =	vor.u32 v45, v55  }
0x342: {  	v48 =	vand.u32 $0x13F8, v48;
	v60 =	vand.u32 $0x3F8, v63;
	v55 =	vor.u32 v46, v56;
	v45 =	vld.idx.msk [tilespmem:v0+s19+$0x0], $0xffff  }
0x343: {  	v61 =	vor.u32 v3, v29;
	v57 =	vor.u32 v49, v60;
	v0 =	vor.u32 v46, v48;
	v46 =	vld.idx.msk [tilespmem:v54+s19+$0x0], $0xffff  }
0x344: {  	v63 =	vor.u32 v2, v26;
	v62 =	vand.u32 $0x13F8, v61;
	v48 =	vld.idx.msk [tilespmem:v52+s19+$0x0], $0xffff  }
0x345: {  	v59 =	vand.u32 $0x3F8, v63;
	v60 =	vor.u32 v3, v26;
	v58 =	vor.u32 v49, v62;
	v49 =	vld.idx.msk [tilespmem:v9+s19+$0x0], $0xffff  }
0x346: {  	v61 =	vand.u32 $0x13F8, v60;
	v60 =	vor.u32 v3, v21;
	v9 =	vor.u32 v53, v59;
	v52 =	vld.idx.msk [tilespmem:v1+s19+$0x0], $0xffff  }
0x347: {  	v62 =	vor.u32 v2, v21;
	v56 =	vand.u32 $0x13F8, v60;
	v54 =	vld.idx.msk [tilespmem:v55+s19+$0x0], $0xffff;
	v1 =	vor.u32 v53, v61  }
0x348: {  	v63 =	vand.u32 $0x3F8, v62;
	v60 =	vor.u32 v3, v30;
	v55 =	vld.idx.msk [tilespmem:v57+s19+$0x0], $0xffff;
	v57 =	vor.u32 v51, v56  }
0x349: {  	p0 =	sne.s32 s30, $0x1;
	v62 =	vand.u32 $0x13F8, v60;
	v61 =	vor.u32 v2, v30;
	v53 =	vld.idx.msk [tilespmem:v0+s19+$0x0], $0xffff;
	v0 =	vor.u32 v51, v63  }
.Ltmp7:
0x34a: {  	v60 =	vor.u32 v3, v28;
	v59 =	vand.u32 $0x3F8, v61;
	v63 =	vor.u32 v2, v28;
	v51 =	vld.idx.msk [tilespmem:v58+s19+$0x0], $0xffff;
	(pc) =	sbr.rel @p0 .LBB2_15-.Ltmp7, $4  }
0x34b: {  	v61 =	vor.u32 v50, v59;
	v58 =	vor.u32 v50, v62;
	v56 =	vand.u32 $0x3F8, v63;
	v50 =	vld.idx.msk [tilespmem:v9+s19+$0x0], $0xffff  }
0x34c: {  	v59 =	vor.u32 v47, v56;
	v9 =	vand.u32 $0x13F8, v60;
	v60 =	vor.u32 v2, v27;
	v56 =	vld.idx.msk [tilespmem:v1+s19+$0x0], $0xffff  }
0x34d: {  	v62 =	vor.u32 v47, v9;
	v1 =	vand.u32 $0x3F8, v60;
	v9 =	vor.u32 v3, v27;
	v57 =	vld.idx.msk [tilespmem:v57+s19+$0x0], $0xffff  }
0x34e: {  	s30 =	sadd.s32 $0xFFFFFFFF, s30;
	v60 =	vor.u32 v31, v1;
	v63 =	vand.u32 $0x13F8, v9;
	v47 =	vld.idx.msk [tilespmem:v0+s19+$0x0], $0xffff  }
0x34f: {  	_ =	sdelay $0x3  }
0x350: {  	v0 =	vld.idx.msk [tilespmem:v61+s19+$0x0], $0xffff  }
0x351: {  	v1 =	vor.u32 v31, v63;
	v10 =	vld.idx.msk [tilespmem:v58+s19+$0x0], $0xffff  }
0x352: {  	v9 =	vand.u32 $0x38, v11;
	v11 =	vor.u32 v8, v29;
	v29 =	vld.idx.msk [tilespmem:v59+s19+$0x0], $0xffff  }
0x353: {  	v31 =	vmul.f32 v33, v32;
	v28 =	vor.u32 v8, v28;
	v33 =	vld.idx.msk [tilespmem:v60+s19+$0x0], $0xffff  }
0x354: {  	v27 =	vor.u32 v8, v27;
	v2 =	vld [tilespmem:$0x1FFB0];
	v9 =	vor.u32 v9, v8  }
0x355: {  	v26 =	vor.u32 v8, v26;
	v9 =	vor.u32 v12, v9;
	v12 =	vor.u32 v8, v30;
	v30 =	vld.idx.msk [tilespmem:v62+s19+$0x0], $0xffff  }
0x356: {  	v32 =	vmul.f32 v35, v34;
	v1 =	vld.idx.msk [tilespmem:v1+s19+$0x0], $0xffff  }
0x357: {  	v34 =	vmul.f32 v37, v36;
	v35 =	vmul.f32 v39, v38;
	v21 =	vor.u32 v8, v21;
	v11 =	vld.idx.msk [tilespmem:v11+s14+$0x0], $0xffff  }
0x358: {  	v63 =	vmul.f32 v41, v40;
	v45 =	vmul.f32 v45, v44;
	v16 =	vor.u32 v8, v16;
	v28 =	vld.idx.msk [tilespmem:v28+s14+$0x0], $0xffff  }
0x359: {  	v48 =	vmul.f32 v48, v46;
	v58 =	vmul.f32 v53, v54;
	v15 =	vor.u32 v8, v15;
	v27 =	vld.idx.msk [tilespmem:v27+s14+$0x0], $0xffff  }
0x35a: {  	v59 =	vmul.f32 v52, v49;
	v60 =	vmul.f32 v51, v55;
	v26 =	vld.idx.msk [tilespmem:v26+s14+$0x0], $0xffff  }
0x35b: {  	v14 =	vor.u32 v8, v14;
	v62 =	vmul.f32 v43, v42;
	v8 =	vor.u32 v8, v13;
	v12 =	vld.idx.msk [tilespmem:v12+s14+$0x0], $0xffff  }
0x35c: {  	v13 =	vmul.f32 v17, v31;
	v17 =	vmul.f32 v19, v32;
	v19 =	vld.idx.msk [tilespmem:v21+s14+$0x0], $0xffff  }
0x35d: {  	v61 =	vmul.f32 v56, v50;
	v18 =	vmul.f32 v18, v45;
	v16 =	vld.idx.msk [tilespmem:v16+s14+$0x0], $0xffff  }
0x35e: {  	v0 =	vmul.f32 v10, v0;
	v10 =	vmul.f32 v57, v47;
	v15 =	vld.idx.msk [tilespmem:v15+s14+$0x0], $0xffff  }
0x35f: {  	v9 =	vld.idx.msk [tilespmem:v9+s14+$0x0], $0xffff;
	v29 =	vmul.f32 v30, v29;
	v1 =	vmul.f32 v1, v33  }
0x360: {  	v21 =	vmul.f32 v25, v58;
	v8 =	vld.idx.msk [tilespmem:v8+s14+$0x0], $0xffff;
	v0 =	vmul.f32 v12, v0  }
0x361: {  	v12 =	vld.idx.msk [tilespmem:v14+s14+$0x0], $0xffff;
	v14 =	vmul.f32 v28, v29;
	v1 =	vmul.f32 v27, v1  }
0x362: {  	v11 =	vmul.f32 v11, v60;
	v10 =	vmul.f32 v19, v10;
	v0 =	vadd.f32 v0, v24  }
0x363: {  	v24 =	vmul.f32 v26, v61;
	v14 =	vadd.f32 v14, v22;
	v1 =	vadd.f32 v1, v23  }
0x364: {  	v13 =	vadd.f32 v13, v2;
	v0 =	vadd.f32 v11, v0;
	v11 =	vmul.f32 v16, v48  }
0x365: {  	v14 =	vadd.f32 v24, v14;
	v1 =	vadd.f32 v10, v1;
	v10 =	vmul.f32 v15, v59  }
0x366: {  	v13 =	vadd.f32 v21, v13;
	v9 =	vmul.f32 v9, v62;
	v8 =	vmul.f32 v8, v63  }
0x367: {  	v12 =	vmul.f32 v12, v35;
	v11 =	vadd.f32 v11, v14;
	v1 =	vadd.f32 v10, v1  }
0x368: {  	v20 =	vmul.f32 v20, v34;
	v9 =	vadd.f32 v9, v13;
	v0 =	vadd.f32 v18, v0  }
0x369: {  	v10 =	vadd.f32 v12, v11;
	v1 =	vadd.f32 v8, v1  }
0x36a: {  	v9 =	vadd.f32 v17, v9;
	v0 =	vadd.f32 v20, v0  }
0x36b: {  	v1 =	vadd.f32 v1, v10;
	v10 =	vlaneseq.u32  }
0x36c: {  	v0 =	vadd.f32 v0, v9;
	v13 =	vadd.s32 $0xE, v10;
	v11 =	vadd.s32 $0x8, v10  }
0x36d: {  	v15 =	vadd.s32 $0xF, v10;
	v16 =	vadd.s32 $0x9, v10;
	v17 =	vadd.s32 $0xA, v10  }
0x36e: {  	v18 =	vadd.s32 $0xB, v10;
	v12 =	vand.u32 $0x7, v10;
	v19 =	vadd.s32 $0x4, v10  }
0x36f: {  	v20 =	vadd.s32 $0x5, v10;
	v21 =	vadd.s32 $0x6, v10;
	v23 =	vand.u32 $0x3F, v10  }
0x370: {  	v24 =	vadd.s32 $0x1, v10;
	v25 =	vadd.s32 $0x7, v10;
	v27 =	vadd.s32 $0x2, v10  }
0x371: {  	v62 =	vadd.s32 $0x3, v10;
	v0 =	vadd.f32 v1, v0;
	v1 =	vadd.s32 $0xD, v10  }
0x372: {  	v35 =	vand.u32 $0x7, v13;
	v37 =	vand.u32 $0x7, v15;
	v40 =	vand.u32 $0x7, v16  }
0x373: {  	v3 =	vld [tilespmem:$0x1FFD0];
	v42 =	vand.u32 $0x7, v17;
	v45 =	vand.u32 $0x7, v18;
	v14 =	vand.u32 $0x3F, v13  }
0x374: {  	v2 =	vld [tilespmem:$0x1FFC0];
	v46 =	vand.u32 $0x7, v19;
	v13 =	vand.u32 $0x3F, v15;
	v47 =	vand.u32 $0x7, v20;
	[tilespmem:$0x19B40] =	vst v0  }
0x375: {  	v50 =	vand.u32 $0x7, v21;
	v51 =	vand.u32 $0x7, v25;
	v38 =	vand.u32 $0x3F, v11;
	v0 =	vld [tilespmem:s29+$0x4010]  }
0x376: {  	v60 =	vand.u32 $0x3F, v16;
	v16 =	vand.u32 $0x3F, v17;
	v56 =	vand.u32 $0x7, v24  }
0x377: {  	v22 =	vand.u32 $0x7, v27;
	v15 =	vand.u32 $0x3F, v18;
	v31 =	vand.u32 $0x7, v62  }
0x378: {  	v44 =	vand.u32 $0x3F, v19;
	v29 =	vand.u32 $0x3F, v20;
	v26 =	vand.u32 $0x3F, v21  }
0x379: {  	v21 =	vand.u32 $0x3F, v25;
	v17 =	vor.u32 v2, v23;
	v19 =	vor.u32 v3, v23  }
0x37a: {  	v30 =	vand.u32 $0x3F, v24;
	v8 =	vshll.u32 v0, $0x6;
	v0 =	vimm.f32 $0.0e+00  }
0x37b: {  	v28 =	vand.u32 $0x3F, v27;
	v27 =	vand.u32 $0x3F, v62;
	[tilespmem:$0x1FFA0] =	vst v0;
	v0 =	vadd.s32 $0xC, v10  }
0x37c: {  	v63 =	vor.u32 v8, v23;
	v33 =	vand.u32 $0x7, v0;
	v0 =	vand.u32 $0x3F, v0  }
0x37d: {  	v34 =	vand.u32 $0x7, v1;
	v1 =	vand.u32 $0x3F, v1;
	v18 =	vor.u32 v8, v0  }
0x37e: {  	v17 =	vand.u32 $0x7F8, v17;
	v19 =	vand.u32 $0x17F8, v19;
	v23 =	vor.u32 v8, v60  }
0x37f: {  	v49 =	vor.u32 v3, v14;
	v53 =	vor.u32 v2, v13;
	v24 =	vor.u32 v8, v44  }
0x380: {  	v61 =	vor.u32 v12, v17;
	v62 =	vor.u32 v12, v19;
	v25 =	vor.u32 v2, v0  }
0x381: {  	v20 =	vor.u32 v8, v1;
	v0 =	vor.u32 v3, v0;
	v25 =	vand.u32 $0x7F8, v25;
	v17 =	vld.idx.msk [tilespmem:v63+s14+$0x0], $0xffff  }
0x382: {  	v0 =	vand.u32 $0x17F8, v0;
	v63 =	vor.u32 v33, v25;
	v19 =	vld.idx.msk [tilespmem:v18+s14+$0x0], $0xffff;
	v18 =	vor.u32 v2, v1  }
0x383: {  	v0 =	vor.u32 v33, v0;
	v1 =	vor.u32 v3, v1;
	v25 =	vand.u32 $0x7F8, v18;
	v18 =	vld.idx.msk [tilespmem:v23+s14+$0x0], $0xffff  }
0x384: {  	v1 =	vand.u32 $0x17F8, v1;
	v23 =	vor.u32 v34, v25;
	v25 =	vld.idx.msk [tilespmem:v24+s14+$0x0], $0xffff;
	v24 =	vor.u32 v2, v14  }
0x385: {  	v57 =	vor.u32 v3, v13;
	v32 =	vld.idx.msk [tilespmem:v61+s19+$0x0], $0xffff;
	v1 =	vor.u32 v34, v1;
	v24 =	vand.u32 $0x7F8, v24  }
0x386: {  	v58 =	vor.u32 v2, v38;
	v52 =	vand.u32 $0x17F8, v49;
	v33 =	vld.idx.msk [tilespmem:v62+s19+$0x0], $0xffff;
	v24 =	vor.u32 v35, v24  }
0x387: {  	v38 =	vor.u32 v3, v38;
	v55 =	vand.u32 $0x7F8, v53;
	v54 =	vor.u32 v35, v52;
	v34 =	vld.idx.msk [tilespmem:v63+s19+$0x0], $0xffff  }
0x388: {  	v59 =	vor.u32 v2, v60;
	v43 =	vor.u32 v37, v55;
	v35 =	vld.idx.msk [tilespmem:v0+s19+$0x0], $0xffff;
	v0 =	vand.u32 $0x17F8, v57  }
0x389: {  	v39 =	vor.u32 v3, v60;
	v38 =	vand.u32 $0x17F8, v38;
	v0 =	vor.u32 v37, v0;
	v36 =	vld.idx.msk [tilespmem:v23+s19+$0x0], $0xffff  }
0x38a: {  	v41 =	vand.u32 $0x7F8, v58;
	v49 =	vor.u32 v12, v38;
	v63 =	vor.u32 v2, v15;
	v37 =	vld.idx.msk [tilespmem:v1+s19+$0x0], $0xffff  }
0x38b: {  	v60 =	vor.u32 v2, v16;
	v58 =	vand.u32 $0x7F8, v63;
	v23 =	vor.u32 v12, v41;
	v38 =	vld.idx.msk [tilespmem:v24+s19+$0x0], $0xffff  }
0x38c: {  	v53 =	vor.u32 v45, v58;
	v1 =	vand.u32 $0x7F8, v59;
	v24 =	vand.u32 $0x17F8, v39;
	v39 =	vld.idx.msk [tilespmem:v54+s19+$0x0], $0xffff  }
0x38d: {  	v41 =	vand.u32 $0x7F8, v60;
	v1 =	vor.u32 v40, v1;
	v24 =	vor.u32 v40, v24;
	v40 =	vld.idx.msk [tilespmem:v43+s19+$0x0], $0xffff  }
0x38e: {  	v61 =	vor.u32 v3, v16;
	v57 =	vor.u32 v42, v41;
	v41 =	vld.idx.msk [tilespmem:v0+s19+$0x0], $0xffff  }
0x38f: {  	v62 =	vand.u32 $0x17F8, v61;
	v60 =	vor.u32 v3, v44;
	v43 =	vld.idx.msk [tilespmem:v49+s19+$0x0], $0xffff  }
0x390: {  	v0 =	vor.u32 v42, v62;
	v49 =	vand.u32 $0x17F8, v60;
	v42 =	vld.idx.msk [tilespmem:v23+s19+$0x0], $0xffff;
	v23 =	vor.u32 v3, v15  }
0x391: {  	v59 =	vor.u32 v2, v44;
	v63 =	vor.u32 v46, v49;
	v49 =	vld.idx.msk [tilespmem:v53+s19+$0x0], $0xffff;
	v23 =	vand.u32 $0x17F8, v23  }
0x392: {  	v48 =	vand.u32 $0x7F8, v59;
	v44 =	vld.idx.msk [tilespmem:v1+s19+$0x0], $0xffff;
	v1 =	vor.u32 v45, v23  }
0x393: {  	v61 =	vor.u32 v2, v29;
	v58 =	vor.u32 v2, v26;
	v23 =	vor.u32 v46, v48;
	v46 =	vld.idx.msk [tilespmem:v57+s19+$0x0], $0xffff  }
0x394: {  	v52 =	vand.u32 $0x7F8, v58;
	v62 =	vor.u32 v3, v29;
	v45 =	vld.idx.msk [tilespmem:v24+s19+$0x0], $0xffff;
	v24 =	vand.u32 $0x7F8, v61  }
0x395: {  	v59 =	vor.u32 v3, v26;
	v57 =	vand.u32 $0x17F8, v62;
	v48 =	vld.idx.msk [tilespmem:v0+s19+$0x0], $0xffff;
	v24 =	vor.u32 v47, v24  }
0x396: {  	v60 =	vor.u32 v2, v21;
	v62 =	vor.u32 v2, v30;
	v0 =	vor.u32 v47, v57;
	v53 =	vld.idx.msk [tilespmem:v63+s19+$0x0], $0xffff  }
0x397: {  	v57 =	vor.u32 v50, v52;
	v61 =	vand.u32 $0x7F8, v60;
	v47 =	vand.u32 $0x17F8, v59;
	v52 =	vld.idx.msk [tilespmem:v1+s19+$0x0], $0xffff  }
0x398: {  	v63 =	vor.u32 v3, v30;
	v1 =	vor.u32 v50, v47;
	v54 =	vld.idx.msk [tilespmem:v23+s19+$0x0], $0xffff;
	v23 =	vor.u32 v3, v21  }
0x399: {  	v20 =	vld.idx.msk [tilespmem:v20+s14+$0x0], $0xffff;
	v59 =	vor.u32 v2, v28;
	v47 =	vor.u32 v51, v61;
	v23 =	vand.u32 $0x17F8, v23  }
0x39a: {  	v50 =	vand.u32 $0x7F8, v62;
	v55 =	vld.idx.msk [tilespmem:v24+s19+$0x0], $0xffff;
	v23 =	vor.u32 v51, v23;
	v24 =	vand.u32 $0x17F8, v63  }
0x39b: {  	v61 =	vor.u32 v56, v50;
	v51 =	vld.idx.msk [tilespmem:v0+s19+$0x0], $0xffff;
	v0 =	vand.u32 $0x7F8, v59;
	v58 =	vor.u32 v56, v24  }
0x39c: {  	v50 =	vld.idx.msk [tilespmem:v57+s19+$0x0], $0xffff;
	v24 =	vor.u32 v3, v28;
	v59 =	vor.u32 v22, v0;
	v0 =	vor.u32 v2, v27  }
0x39d: {  	v24 =	vand.u32 $0x17F8, v24;
	v0 =	vand.u32 $0x7F8, v0;
	v56 =	vld.idx.msk [tilespmem:v1+s19+$0x0], $0xffff;
	v1 =	vor.u32 v3, v27  }
0x39e: {  	v62 =	vor.u32 v22, v24;
	v47 =	vld.idx.msk [tilespmem:v47+s19+$0x0], $0xffff;
	v60 =	vor.u32 v31, v0;
	v24 =	vimm.f32 $0.0e+00  }
0x39f: {  	s30 =	simm.s32 $0x3;
	v22 =	vimm.f32 $0.0e+00;
	v63 =	vand.u32 $0x17F8, v1;
	v57 =	vld.idx.msk [tilespmem:v23+s19+$0x0], $0xffff;
	v23 =	vimm.f32 $0.0e+00  }
.LBB2_17:
0x3a0: {  	v1 =	vor.u32 v31, v63  }
0x3a1: {  	v0 =	vld.idx.msk [tilespmem:v61+s19+$0x0], $0xffff;
	v11 =	vand.u32 $0x38, v11;
	v10 =	vadd.s32 $0x10, v10;
	v29 =	vor.u32 v8, v29  }
0x3a2: {  	v58 =	vld.idx.msk [tilespmem:v58+s19+$0x0], $0xffff;
	v30 =	vor.u32 v8, v30;
	v32 =	vmul.f32 v33, v32;
	v28 =	vor.u32 v8, v28  }
0x3a3: {  	v59 =	vld.idx.msk [tilespmem:v59+s19+$0x0], $0xffff;
	v34 =	vmul.f32 v35, v34;
	v27 =	vor.u32 v8, v27;
	v35 =	vmul.f32 v37, v36  }
0x3a4: {  	v62 =	vld.idx.msk [tilespmem:v62+s19+$0x0], $0xffff;
	v36 =	vmul.f32 v39, v38;
	v26 =	vor.u32 v8, v26;
	v37 =	vmul.f32 v43, v42  }
0x3a5: {  	v33 =	vld.idx.msk [tilespmem:v60+s19+$0x0], $0xffff;
	v38 =	vmul.f32 v41, v40;
	v21 =	vor.u32 v8, v21;
	v39 =	vmul.f32 v45, v44  }
0x3a6: {  	v60 =	vmul.f32 v48, v46;
	v48 =	vmul.f32 v53, v54;
	v16 =	vor.u32 v8, v16;
	v1 =	vld.idx.msk [tilespmem:v1+s19+$0x0], $0xffff  }
0x3a7: {  	v49 =	vmul.f32 v52, v49;
	v15 =	vor.u32 v8, v15;
	v14 =	vor.u32 v8, v14;
	v29 =	vld.idx.msk [tilespmem:v29+s14+$0x0], $0xffff  }
0x3a8: {  	v13 =	vor.u32 v8, v13;
	v31 =	vadd.s32 $0xC, v10;
	v11 =	vor.u32 v11, v8;
	v30 =	vld.idx.msk [tilespmem:v30+s14+$0x0], $0xffff  }
0x3a9: {  	v61 =	vadd.s32 $0xD, v10;
	v63 =	vadd.s32 $0xE, v10;
	v9 =	vadd.s32 $0xF, v10;
	v28 =	vld.idx.msk [tilespmem:v28+s14+$0x0], $0xffff  }
0x3aa: {  	v12 =	vor.u32 v12, v11;
	v52 =	vmul.f32 v51, v55;
	v17 =	vmul.f32 v17, v32;
	v21 =	vld.idx.msk [tilespmem:v21+s14+$0x0], $0xffff  }
0x3ab: {  	v11 =	vadd.s32 $0x8, v10;
	v19 =	vmul.f32 v19, v34;
	v20 =	vmul.f32 v20, v35;
	v16 =	vld.idx.msk [tilespmem:v16+s14+$0x0], $0xffff  }
0x3ac: {  	v18 =	vmul.f32 v18, v39;
	v53 =	vmul.f32 v56, v50;
	v56 =	vadd.s32 $0xA, v10;
	v15 =	vld.idx.msk [tilespmem:v15+s14+$0x0], $0xffff  }
0x3ad: {  	v54 =	vmul.f32 v57, v47;
	v25 =	vmul.f32 v25, v48;
	v43 =	vand.u32 $0x7, v56;
	v14 =	vld.idx.msk [tilespmem:v14+s14+$0x0], $0xffff  }
0x3ae: {  	v0 =	vmul.f32 v58, v0;
	v55 =	vmul.f32 v62, v59;
	v58 =	vadd.s32 $0xB, v10;
	v13 =	vld.idx.msk [tilespmem:v13+s14+$0x0], $0xffff  }
0x3af: {  	v59 =	vand.u32 $0x7, v31;
	v62 =	vand.u32 $0x3F, v61;
	v1 =	vmul.f32 v1, v33  }
0x3b0: {  	v27 =	vld.idx.msk [tilespmem:v27+s14+$0x0], $0xffff;
	v45 =	vand.u32 $0x7, v58;
	v0 =	vmul.f32 v30, v0;
	v29 =	vmul.f32 v29, v52  }
0x3b1: {  	v26 =	vld.idx.msk [tilespmem:v26+s14+$0x0], $0xffff;
	v33 =	vadd.s32 $0x9, v10;
	v28 =	vmul.f32 v28, v55;
	v21 =	vmul.f32 v21, v54  }
0x3b2: {  	v12 =	vld.idx.msk [tilespmem:v12+s14+$0x0], $0xffff;
	v30 =	vadd.s32 $0x4, v10;
	v16 =	vmul.f32 v16, v60;
	v15 =	vmul.f32 v15, v49  }
0x3b3: {  	v14 =	vmul.f32 v14, v36;
	v13 =	vmul.f32 v13, v38;
	v36 =	vand.u32 $0x7, v61  }
0x3b4: {  	v38 =	vand.u32 $0x7, v9;
	v60 =	vand.u32 $0x3F, v31;
	v40 =	vand.u32 $0x7, v33  }
0x3b5: {  	v46 =	vand.u32 $0x7, v30;
	v44 =	vand.u32 $0x3F, v33;
	v1 =	vmul.f32 v27, v1  }
0x3b6: {  	v27 =	vld [tilespmem:$0x1FFA0];
	v0 =	vadd.f32 v0, v24;
	v24 =	vmul.f32 v26, v53;
	v22 =	vadd.f32 v28, v22  }
0x3b7: {  	v48 =	vand.u32 $0x3F, v30;
	v57 =	vmul.f32 v12, v37;
	v1 =	vadd.f32 v1, v23  }
0x3b8: {  	v12 =	vand.u32 $0x7, v10;
	v0 =	vadd.f32 v29, v0;
	v22 =	vadd.f32 v24, v22  }
0x3b9: {  	v37 =	vand.u32 $0x7, v63;
	v33 =	vor.u32 v8, v44;
	v1 =	vadd.f32 v21, v1  }
0x3ba: {  	v0 =	vadd.f32 v18, v0;
	v16 =	vadd.f32 v16, v22;
	v18 =	vadd.s32 $0x5, v10  }
0x3bb: {  	v17 =	vadd.f32 v17, v27;
	v49 =	vand.u32 $0x7, v18;
	v29 =	vand.u32 $0x3F, v18  }
0x3bc: {  	v1 =	vadd.f32 v15, v1;
	v24 =	vadd.f32 v20, v0;
	v0 =	vadd.s32 $0x6, v10  }
0x3bd: {  	v22 =	vadd.f32 v14, v16;
	v20 =	vadd.s32 $0x2, v10;
	v14 =	vand.u32 $0x3F, v63  }
0x3be: {  	v16 =	vand.u32 $0x3F, v56;
	v56 =	vor.u32 v8, v62;
	v17 =	vadd.f32 v25, v17  }
0x3bf: {  	v25 =	vadd.s32 $0x3, v10;
	v53 =	vand.u32 $0x7, v0;
	v47 =	vand.u32 $0x7, v20  }
0x3c0: {  	v26 =	vand.u32 $0x3F, v0;
	v0 =	vor.u32 v8, v60;
	v28 =	vand.u32 $0x3F, v20  }
0x3c1: {  	v20 =	vor.u32 v3, v60;
	v55 =	vor.u32 v3, v14;
	v23 =	vadd.f32 v13, v1  }
0x3c2: {  	v1 =	vand.u32 $0x3F, v10;
	v13 =	vand.u32 $0x3F, v9;
	v9 =	vand.u32 $0x3F, v11  }
0x3c3: {  	v31 =	vand.u32 $0x7, v25;
	v27 =	vand.u32 $0x3F, v25;
	v17 =	vadd.f32 v57, v17  }
0x3c4: {  	v63 =	vor.u32 v8, v1;
	v18 =	vor.u32 v2, v1;
	v1 =	vor.u32 v3, v1  }
0x3c5: {  	v25 =	vor.u32 v8, v48;
	v39 =	vand.u32 $0x17F8, v20;
	v1 =	vand.u32 $0x17F8, v1  }
0x3c6: {  	v15 =	vadd.f32 v19, v17;
	v17 =	vadd.s32 $0x1, v10;
	v19 =	vadd.s32 $0x7, v10  }
0x3c7: {  	v1 =	vor.u32 v12, v1;
	v51 =	vand.u32 $0x7, v19;
	v50 =	vand.u32 $0x7, v17  }
0x3c8: {  	v20 =	vld.idx.msk [tilespmem:v56+s14+$0x0], $0xffff;
	v30 =	vand.u32 $0x3F, v17;
	v17 =	vand.u32 $0x7F8, v18;
	v18 =	vor.u32 v2, v60  }
0x3c9: {  	v21 =	vand.u32 $0x3F, v19;
	v19 =	vld.idx.msk [tilespmem:v0+s14+$0x0], $0xffff;
	v57 =	vor.u32 v12, v17;
	v18 =	vand.u32 $0x7F8, v18  }
0x3ca: {  	[tilespmem:$0x1FFA0] =	vst v15;
	v15 =	vand.u32 $0x3F, v58;
	v58 =	vor.u32 v2, v62;
	v25 =	vld.idx.msk [tilespmem:v25+s14+$0x0], $0xffff;
	v0 =	vor.u32 v59, v18  }
0x3cb: {  	v39 =	vor.u32 v59, v39;
	v60 =	vor.u32 v3, v62;
	v17 =	vld.idx.msk [tilespmem:v63+s14+$0x0], $0xffff;
	v59 =	vand.u32 $0x7F8, v58  }
0x3cc: {  	v62 =	vor.u32 v2, v14;
	v18 =	vld.idx.msk [tilespmem:v33+s14+$0x0], $0xffff;
	v33 =	vand.u32 $0x17F8, v60;
	v61 =	vor.u32 v36, v59  }
0x3cd: {  	v35 =	vand.u32 $0x17F8, v55;
	v34 =	vand.u32 $0x7F8, v62;
	v63 =	vor.u32 v36, v33;
	v33 =	vld.idx.msk [tilespmem:v1+s19+$0x0], $0xffff  }
0x3ce: {  	v55 =	vor.u32 v3, v44;
	v56 =	vor.u32 v2, v13;
	v1 =	vor.u32 v37, v34;
	v32 =	vld.idx.msk [tilespmem:v57+s19+$0x0], $0xffff  }
0x3cf: {  	v58 =	vor.u32 v2, v9;
	v36 =	vand.u32 $0x7F8, v56;
	v34 =	vld.idx.msk [tilespmem:v0+s19+$0x0], $0xffff;
	v0 =	vor.u32 v37, v35  }
0x3d0: {  	v60 =	vand.u32 $0x7F8, v58;
	v59 =	vor.u32 v38, v36;
	v57 =	vor.u32 v3, v13;
	v35 =	vld.idx.msk [tilespmem:v39+s19+$0x0], $0xffff  }
0x3d1: {  	v9 =	vor.u32 v3, v9;
	v52 =	vor.u32 v12, v60;
	v37 =	vand.u32 $0x17F8, v57;
	v36 =	vld.idx.msk [tilespmem:v61+s19+$0x0], $0xffff  }
0x3d2: {  	v62 =	vor.u32 v2, v44;
	v9 =	vand.u32 $0x17F8, v9;
	v61 =	vor.u32 v38, v37;
	v37 =	vld.idx.msk [tilespmem:v63+s19+$0x0], $0xffff  }
0x3d3: {  	v42 =	vand.u32 $0x17F8, v55;
	v9 =	vor.u32 v12, v9;
	v63 =	vand.u32 $0x7F8, v62;
	v38 =	vld.idx.msk [tilespmem:v1+s19+$0x0], $0xffff  }
0x3d4: {  	v56 =	vor.u32 v2, v16;
	v58 =	vor.u32 v3, v16;
	v1 =	vor.u32 v40, v63;
	v39 =	vld.idx.msk [tilespmem:v0+s19+$0x0], $0xffff  }
0x3d5: {  	v44 =	vand.u32 $0x17F8, v58;
	v57 =	vand.u32 $0x7F8, v56;
	v0 =	vor.u32 v40, v42;
	v40 =	vld.idx.msk [tilespmem:v59+s19+$0x0], $0xffff  }
0x3d6: {  	v54 =	vor.u32 v43, v57;
	v62 =	vor.u32 v2, v48;
	v59 =	vor.u32 v2, v15;
	v42 =	vld.idx.msk [tilespmem:v52+s19+$0x0], $0xffff  }
0x3d7: {  	v52 =	vor.u32 v43, v44;
	v41 =	vld.idx.msk [tilespmem:v61+s19+$0x0], $0xffff;
	v60 =	vand.u32 $0x7F8, v59;
	v61 =	vor.u32 v3, v15  }
0x3d8: {  	v48 =	vor.u32 v3, v48;
	v43 =	vld.idx.msk [tilespmem:v9+s19+$0x0], $0xffff;
	v9 =	vor.u32 v45, v60;
	v55 =	vand.u32 $0x17F8, v61  }
0x3d9: {  	v56 =	vand.u32 $0x7F8, v62;
	v63 =	vor.u32 v2, v29;
	v44 =	vld.idx.msk [tilespmem:v1+s19+$0x0], $0xffff;
	v1 =	vor.u32 v45, v55  }
0x3da: {  	v48 =	vand.u32 $0x17F8, v48;
	v60 =	vand.u32 $0x7F8, v63;
	v55 =	vor.u32 v46, v56;
	v45 =	vld.idx.msk [tilespmem:v0+s19+$0x0], $0xffff  }
0x3db: {  	v61 =	vor.u32 v3, v29;
	v57 =	vor.u32 v49, v60;
	v0 =	vor.u32 v46, v48;
	v46 =	vld.idx.msk [tilespmem:v54+s19+$0x0], $0xffff  }
0x3dc: {  	v63 =	vor.u32 v2, v26;
	v62 =	vand.u32 $0x17F8, v61;
	v48 =	vld.idx.msk [tilespmem:v52+s19+$0x0], $0xffff  }
0x3dd: {  	v59 =	vand.u32 $0x7F8, v63;
	v60 =	vor.u32 v3, v26;
	v58 =	vor.u32 v49, v62;
	v49 =	vld.idx.msk [tilespmem:v9+s19+$0x0], $0xffff  }
0x3de: {  	v61 =	vand.u32 $0x17F8, v60;
	v60 =	vor.u32 v3, v21;
	v9 =	vor.u32 v53, v59;
	v52 =	vld.idx.msk [tilespmem:v1+s19+$0x0], $0xffff  }
0x3df: {  	v62 =	vor.u32 v2, v21;
	v56 =	vand.u32 $0x17F8, v60;
	v54 =	vld.idx.msk [tilespmem:v55+s19+$0x0], $0xffff;
	v1 =	vor.u32 v53, v61  }
0x3e0: {  	v63 =	vand.u32 $0x7F8, v62;
	v60 =	vor.u32 v3, v30;
	v55 =	vld.idx.msk [tilespmem:v57+s19+$0x0], $0xffff;
	v57 =	vor.u32 v51, v56  }
0x3e1: {  	p0 =	sne.s32 s30, $0x1;
	v62 =	vand.u32 $0x17F8, v60;
	v61 =	vor.u32 v2, v30;
	v53 =	vld.idx.msk [tilespmem:v0+s19+$0x0], $0xffff;
	v0 =	vor.u32 v51, v63  }
.Ltmp8:
0x3e2: {  	v60 =	vor.u32 v3, v28;
	v59 =	vand.u32 $0x7F8, v61;
	v63 =	vor.u32 v2, v28;
	v51 =	vld.idx.msk [tilespmem:v58+s19+$0x0], $0xffff;
	(pc) =	sbr.rel @p0 .LBB2_17-.Ltmp8, $4  }
0x3e3: {  	v61 =	vor.u32 v50, v59;
	v58 =	vor.u32 v50, v62;
	v56 =	vand.u32 $0x7F8, v63;
	v50 =	vld.idx.msk [tilespmem:v9+s19+$0x0], $0xffff  }
0x3e4: {  	v59 =	vor.u32 v47, v56;
	v9 =	vand.u32 $0x17F8, v60;
	v60 =	vor.u32 v2, v27;
	v56 =	vld.idx.msk [tilespmem:v1+s19+$0x0], $0xffff  }
0x3e5: {  	v62 =	vor.u32 v47, v9;
	v1 =	vand.u32 $0x7F8, v60;
	v9 =	vor.u32 v3, v27;
	v57 =	vld.idx.msk [tilespmem:v57+s19+$0x0], $0xffff  }
0x3e6: {  	s30 =	sadd.s32 $0xFFFFFFFF, s30;
	v60 =	vor.u32 v31, v1;
	v63 =	vand.u32 $0x17F8, v9;
	v47 =	vld.idx.msk [tilespmem:v0+s19+$0x0], $0xffff  }
0x3e7: {  	_ =	sdelay $0x3  }
0x3e8: {  	v0 =	vld.idx.msk [tilespmem:v61+s19+$0x0], $0xffff;
	v1 =	vor.u32 v31, v63  }
0x3e9: {  	v3 =	vld.idx.msk [tilespmem:v58+s19+$0x0], $0xffff;
	v9 =	vor.u32 v8, v29  }
0x3ea: {  	v2 =	vand.u32 $0x38, v11;
	v10 =	vld.idx.msk [tilespmem:v59+s19+$0x0], $0xffff;
	v11 =	vor.u32 v8, v30  }
0x3eb: {  	v28 =	vor.u32 v8, v28;
	v31 =	vld.idx.msk [tilespmem:v60+s19+$0x0], $0xffff;
	v2 =	vor.u32 v2, v8  }
0x3ec: {  	v29 =	vmul.f32 v33, v32;
	v27 =	vor.u32 v8, v27;
	v2 =	vor.u32 v12, v2;
	v12 =	vld.idx.msk [tilespmem:v62+s19+$0x0], $0xffff  }
0x3ed: {  	v30 =	vmul.f32 v35, v34;
	v60 =	vmul.f32 v37, v36;
	v21 =	vor.u32 v8, v21;
	v1 =	vld.idx.msk [tilespmem:v1+s19+$0x0], $0xffff  }
0x3ee: {  	v61 =	vmul.f32 v39, v38;
	v63 =	vmul.f32 v41, v40;
	v9 =	vld.idx.msk [tilespmem:v9+s14+$0x0], $0xffff  }
0x3ef: {  	v26 =	vor.u32 v8, v26;
	v45 =	vmul.f32 v45, v44;
	v48 =	vmul.f32 v48, v46;
	v11 =	vld.idx.msk [tilespmem:v11+s14+$0x0], $0xffff  }
0x3f0: {  	v53 =	vmul.f32 v53, v54;
	v54 =	vmul.f32 v52, v49;
	v14 =	vor.u32 v8, v14;
	v28 =	vld.idx.msk [tilespmem:v28+s14+$0x0], $0xffff  }
0x3f1: {  	v16 =	vor.u32 v8, v16;
	v58 =	vmul.f32 v51, v55;
	v15 =	vor.u32 v8, v15;
	v27 =	vld.idx.msk [tilespmem:v27+s14+$0x0], $0xffff  }
0x3f2: {  	v8 =	vor.u32 v8, v13;
	v13 =	vmul.f32 v17, v29;
	v17 =	vmul.f32 v19, v30;
	v19 =	vld.idx.msk [tilespmem:v21+s14+$0x0], $0xffff  }
0x3f3: {  	v62 =	vmul.f32 v43, v42;
	v0 =	vmul.f32 v3, v0;
	v2 =	vld.idx.msk [tilespmem:v2+s14+$0x0], $0xffff  }
0x3f4: {  	v59 =	vmul.f32 v56, v50;
	v10 =	vmul.f32 v12, v10;
	v12 =	vld.idx.msk [tilespmem:v26+s14+$0x0], $0xffff  }
0x3f5: {  	v20 =	vmul.f32 v20, v60;
	v0 =	vmul.f32 v11, v0;
	v11 =	vld.idx.msk [tilespmem:v14+s14+$0x0], $0xffff  }
0x3f6: {  	v18 =	vmul.f32 v18, v45;
	v3 =	vmul.f32 v57, v47;
	v14 =	vld [tilespmem:$0x1FFA0]  }
0x3f7: {  	v16 =	vld.idx.msk [tilespmem:v16+s14+$0x0], $0xffff;
	v21 =	vmul.f32 v25, v53;
	v1 =	vmul.f32 v1, v31  }
0x3f8: {  	v15 =	vld.idx.msk [tilespmem:v15+s14+$0x0], $0xffff;
	v9 =	vmul.f32 v9, v58;
	v10 =	vmul.f32 v28, v10  }
0x3f9: {  	v3 =	vmul.f32 v19, v3;
	v1 =	vmul.f32 v27, v1  }
0x3fa: {  	v8 =	vld.idx.msk [tilespmem:v8+s14+$0x0], $0xffff;
	v0 =	vadd.f32 v0, v24;
	v12 =	vmul.f32 v12, v59;
	v10 =	vadd.f32 v10, v22  }
0x3fb: {  	v2 =	vmul.f32 v2, v62;
	v1 =	vadd.f32 v1, v23;
	v13 =	vadd.f32 v13, v14  }
0x3fc: {  	v0 =	vadd.f32 v9, v0;
	v9 =	vmul.f32 v16, v48;
	v10 =	vadd.f32 v12, v10  }
0x3fd: {  	v1 =	vadd.f32 v3, v1;
	v3 =	vmul.f32 v15, v54;
	v13 =	vadd.f32 v21, v13  }
0x3fe: {  	v11 =	vmul.f32 v11, v61;
	v0 =	vadd.f32 v18, v0;
	v9 =	vadd.f32 v9, v10  }
0x3ff: {  	v1 =	vadd.f32 v3, v1;
	v3 =	vmul.f32 v8, v63;
	v2 =	vadd.f32 v2, v13  }
0x400: {  	v0 =	vadd.f32 v20, v0;
	v8 =	vadd.f32 v11, v9  }
0x401: {  	v1 =	vadd.f32 v3, v1;
	v2 =	vadd.f32 v17, v2;
	_ =	sdelay $0x1  }
0x402: {  	v1 =	vadd.f32 v1, v8;
	v8 =	vlaneseq.u32;
	v0 =	vadd.f32 v0, v2  }
0x403: {  	v11 =	vadd.s32 $0xE, v8;
	v9 =	vadd.s32 $0x8, v8;
	v13 =	vadd.s32 $0xF, v8  }
0x404: {  	v14 =	vadd.s32 $0x9, v8;
	v15 =	vadd.s32 $0xA, v8;
	v16 =	vadd.s32 $0xB, v8  }
0x405: {  	v10 =	vand.u32 $0x7, v8;
	v17 =	vadd.s32 $0x4, v8;
	v18 =	vadd.s32 $0x5, v8  }
0x406: {  	v19 =	vadd.s32 $0x6, v8;
	v21 =	vand.u32 $0x3F, v8;
	v22 =	vadd.s32 $0x1, v8  }
0x407: {  	v23 =	vadd.s32 $0x7, v8;
	v25 =	vadd.s32 $0x2, v8;
	v30 =	vadd.s32 $0x3, v8  }
0x408: {  	v61 =	vand.u32 $0x7, v11;
	v62 =	vand.u32 $0x7, v13;
	v38 =	vand.u32 $0x7, v14  }
0x409: {  	v40 =	vand.u32 $0x7, v15;
	v43 =	vand.u32 $0x7, v16;
	v12 =	vand.u32 $0x3F, v11  }
0x40a: {  	v44 =	vand.u32 $0x7, v17;
	v11 =	vand.u32 $0x3F, v13;
	v0 =	vadd.f32 v1, v0  }
0x40b: {  	v45 =	vand.u32 $0x7, v18;
	v48 =	vand.u32 $0x7, v19;
	v49 =	vand.u32 $0x7, v23  }
0x40c: {  	v51 =	vand.u32 $0x3F, v14;
	v14 =	vand.u32 $0x3F, v15;
	v54 =	vand.u32 $0x7, v22;
	[tilespmem:$0x19B50] =	vst v0  }
0x40d: {  	v20 =	vand.u32 $0x7, v25;
	v13 =	vand.u32 $0x3F, v16;
	v29 =	vand.u32 $0x7, v30;
	v0 =	vld [tilespmem:s29+$0x4020]  }
0x40e: {  	v42 =	vand.u32 $0x3F, v17;
	v24 =	vand.u32 $0x3F, v19;
	v19 =	vand.u32 $0x3F, v23  }
0x40f: {  	v15 =	vor.u32 v4, v21;
	v17 =	vor.u32 v5, v21;
	v28 =	vand.u32 $0x3F, v22  }
0x410: {  	v26 =	vand.u32 $0x3F, v25;
	v25 =	vand.u32 $0x3F, v30;
	v1 =	vadd.s32 $0xD, v8  }
0x411: {  	v15 =	vand.u32 $0xBF8, v15;
	v17 =	vand.u32 $0x1BF8, v17;
	v60 =	vand.u32 $0x7, v1  }
0x412: {  	v30 =	vor.u32 v10, v15;
	v2 =	vshll.u32 v0, $0x6;
	v0 =	vadd.s32 $0xC, v8  }
0x413: {  	v53 =	vor.u32 v10, v17;
	v31 =	vand.u32 $0x7, v0;
	v0 =	vand.u32 $0x3F, v0  }
0x414: {  	v1 =	vand.u32 $0x3F, v1;
	v63 =	vor.u32 v2, v21;
	v16 =	vor.u32 v2, v0  }
0x415: {  	v21 =	vor.u32 v2, v51;
	v23 =	vor.u32 v4, v0;
	v0 =	vor.u32 v5, v0  }
0x416: {  	v22 =	vor.u32 v2, v42;
	v23 =	vand.u32 $0xBF8, v23;
	v0 =	vand.u32 $0x1BF8, v0  }
0x417: {  	v30 =	vld.idx.msk [tilespmem:v30+s19+$0x0], $0xffff;
	v55 =	vor.u32 v31, v23;
	v0 =	vor.u32 v31, v0;
	v31 =	vor.u32 v5, v12  }
0x418: {  	v27 =	vand.u32 $0x3F, v18;
	v18 =	vor.u32 v2, v1;
	v56 =	vand.u32 $0x1BF8, v31;
	v31 =	vld.idx.msk [tilespmem:v53+s19+$0x0], $0xffff  }
0x419: {  	v50 =	vand.u32 $0x3F, v9;
	v17 =	vld.idx.msk [tilespmem:v16+s14+$0x0], $0xffff;
	v16 =	vor.u32 v4, v1  }
0x41a: {  	v57 =	vor.u32 v4, v11;
	v1 =	vor.u32 v5, v1;
	v23 =	vand.u32 $0xBF8, v16;
	v16 =	vld.idx.msk [tilespmem:v21+s14+$0x0], $0xffff  }
0x41b: {  	v1 =	vand.u32 $0x1BF8, v1;
	v21 =	vor.u32 v60, v23;
	v23 =	vld.idx.msk [tilespmem:v22+s14+$0x0], $0xffff;
	v22 =	vor.u32 v4, v12  }
0x41c: {  	v36 =	vor.u32 v5, v50;
	v15 =	vld.idx.msk [tilespmem:v63+s14+$0x0], $0xffff;
	v1 =	vor.u32 v60, v1;
	v22 =	vand.u32 $0xBF8, v22  }
0x41d: {  	v37 =	vor.u32 v5, v51;
	v18 =	vld.idx.msk [tilespmem:v18+s14+$0x0], $0xffff;
	v60 =	vor.u32 v5, v11;
	v22 =	vor.u32 v61, v22  }
0x41e: {  	v59 =	vand.u32 $0xBF8, v57;
	v58 =	vor.u32 v61, v56;
	v33 =	vld.idx.msk [tilespmem:v0+s19+$0x0], $0xffff;
	v0 =	vand.u32 $0x1BF8, v60  }
0x41f: {  	v36 =	vand.u32 $0x1BF8, v36;
	v32 =	vld.idx.msk [tilespmem:v55+s19+$0x0], $0xffff;
	v61 =	vor.u32 v4, v50;
	v0 =	vor.u32 v62, v0  }
0x420: {  	v41 =	vor.u32 v62, v59;
	v63 =	vor.u32 v10, v36;
	v39 =	vand.u32 $0xBF8, v61;
	v34 =	vld.idx.msk [tilespmem:v21+s19+$0x0], $0xffff  }
0x421: {  	v55 =	vor.u32 v4, v13;
	v62 =	vor.u32 v4, v51;
	v21 =	vor.u32 v10, v39;
	v35 =	vld.idx.msk [tilespmem:v1+s19+$0x0], $0xffff  }
0x422: {  	v57 =	vand.u32 $0xBF8, v55;
	v51 =	vor.u32 v4, v14;
	v1 =	vand.u32 $0xBF8, v62;
	v36 =	vld.idx.msk [tilespmem:v22+s19+$0x0], $0xffff  }
0x423: {  	v39 =	vand.u32 $0xBF8, v51;
	v1 =	vor.u32 v38, v1;
	v22 =	vand.u32 $0x1BF8, v37;
	v37 =	vld.idx.msk [tilespmem:v58+s19+$0x0], $0xffff  }
0x424: {  	v52 =	vor.u32 v5, v14;
	v59 =	vor.u32 v43, v57;
	v56 =	vor.u32 v40, v39;
	v39 =	vld.idx.msk [tilespmem:v0+s19+$0x0], $0xffff  }
0x425: {  	v3 =	vimm.f32 $0.0e+00;
	v53 =	vand.u32 $0x1BF8, v52;
	v22 =	vor.u32 v38, v22;
	v38 =	vld.idx.msk [tilespmem:v41+s19+$0x0], $0xffff  }
0x426: {  	v60 =	vor.u32 v5, v42;
	v0 =	vor.u32 v40, v53;
	v40 =	vld.idx.msk [tilespmem:v21+s19+$0x0], $0xffff;
	v21 =	vor.u32 v5, v13  }
0x427: {  	v47 =	vand.u32 $0x1BF8, v60;
	v58 =	vor.u32 v4, v42;
	v41 =	vld.idx.msk [tilespmem:v63+s19+$0x0], $0xffff;
	v21 =	vand.u32 $0x1BF8, v21  }
0x428: {  	v57 =	vor.u32 v4, v24;
	v46 =	vand.u32 $0xBF8, v58;
	v42 =	vld.idx.msk [tilespmem:v1+s19+$0x0], $0xffff;
	v1 =	vor.u32 v43, v21  }
0x429: {  	v61 =	vor.u32 v4, v27;
	v63 =	vor.u32 v44, v47;
	v47 =	vld.idx.msk [tilespmem:v59+s19+$0x0], $0xffff;
	v21 =	vor.u32 v44, v46  }
0x42a: {  	v50 =	vand.u32 $0xBF8, v57;
	v62 =	vor.u32 v5, v27;
	v43 =	vld.idx.msk [tilespmem:v22+s19+$0x0], $0xffff;
	v22 =	vand.u32 $0xBF8, v61  }
0x42b: {  	v55 =	vor.u32 v48, v50;
	v44 =	vld.idx.msk [tilespmem:v56+s19+$0x0], $0xffff;
	v56 =	vand.u32 $0x1BF8, v62;
	v22 =	vor.u32 v45, v22  }
0x42c: {  	v58 =	vor.u32 v5, v24;
	v59 =	vor.u32 v4, v19;
	v46 =	vld.idx.msk [tilespmem:v0+s19+$0x0], $0xffff;
	v0 =	vor.u32 v45, v56  }
0x42d: {  	v60 =	vand.u32 $0xBF8, v59;
	v62 =	vor.u32 v5, v28;
	v45 =	vand.u32 $0x1BF8, v58;
	v50 =	vld.idx.msk [tilespmem:v1+s19+$0x0], $0xffff  }
0x42e: {  	v61 =	vor.u32 v4, v28;
	v1 =	vor.u32 v48, v45;
	v52 =	vld.idx.msk [tilespmem:v21+s19+$0x0], $0xffff;
	v21 =	vor.u32 v5, v19  }
0x42f: {  	v51 =	vld.idx.msk [tilespmem:v63+s19+$0x0], $0xffff;
	v63 =	vor.u32 v4, v26;
	v45 =	vor.u32 v49, v60;
	v21 =	vand.u32 $0x1BF8, v21  }
0x430: {  	v48 =	vand.u32 $0xBF8, v61;
	v53 =	vld.idx.msk [tilespmem:v22+s19+$0x0], $0xffff;
	v21 =	vor.u32 v49, v21;
	v22 =	vand.u32 $0x1BF8, v62  }
0x431: {  	v59 =	vor.u32 v54, v48;
	v49 =	vld.idx.msk [tilespmem:v0+s19+$0x0], $0xffff;
	v0 =	vand.u32 $0xBF8, v63;
	v56 =	vor.u32 v54, v22  }
0x432: {  	v48 =	vld.idx.msk [tilespmem:v55+s19+$0x0], $0xffff;
	v22 =	vor.u32 v5, v26;
	v57 =	vor.u32 v20, v0;
	v0 =	vor.u32 v4, v25  }
0x433: {  	v22 =	vand.u32 $0x1BF8, v22;
	v0 =	vand.u32 $0xBF8, v0;
	v54 =	vld.idx.msk [tilespmem:v1+s19+$0x0], $0xffff;
	v1 =	vor.u32 v5, v25  }
0x434: {  	v60 =	vor.u32 v20, v22;
	v45 =	vld.idx.msk [tilespmem:v45+s19+$0x0], $0xffff;
	v58 =	vor.u32 v29, v0;
	v22 =	vimm.f32 $0.0e+00  }
0x435: {  	s30 =	simm.s32 $0x3;
	v20 =	vimm.f32 $0.0e+00;
	v61 =	vand.u32 $0x1BF8, v1;
	v55 =	vld.idx.msk [tilespmem:v21+s19+$0x0], $0xffff;
	v21 =	vimm.f32 $0.0e+00  }
.LBB2_19:
0x436: {  	p0 =	sne.s32 s30, $0x1;
	v0 =	vld.idx.msk [tilespmem:v59+s19+$0x0], $0xffff;
	v1 =	vor.u32 v29, v61;
	v9 =	vand.u32 $0x38, v9;
	v8 =	vadd.s32 $0x10, v8  }
0x437: {  	v27 =	vor.u32 v2, v27;
	v29 =	vadd.s32 $0xC, v8;
	v56 =	vld.idx.msk [tilespmem:v56+s19+$0x0], $0xffff;
	v9 =	vor.u32 v9, v2  }
0x438: {  	v59 =	vadd.s32 $0xD, v8;
	v61 =	vadd.s32 $0xE, v8;
	v57 =	vld.idx.msk [tilespmem:v57+s19+$0x0], $0xffff;
	v10 =	vor.u32 v10, v9  }
0x439: {  	v28 =	vor.u32 v2, v28;
	v62 =	vadd.s32 $0xF, v8;
	v9 =	vadd.s32 $0x8, v8;
	v60 =	vld.idx.msk [tilespmem:v60+s19+$0x0], $0xffff  }
0x43a: {  	v30 =	vmul.f32 v31, v30;
	v26 =	vor.u32 v2, v26;
	v32 =	vmul.f32 v33, v32;
	v31 =	vld.idx.msk [tilespmem:v58+s19+$0x0], $0xffff  }
0x43b: {  	v25 =	vor.u32 v2, v25;
	v33 =	vmul.f32 v35, v34;
	v34 =	vmul.f32 v37, v36;
	v1 =	vld.idx.msk [tilespmem:v1+s19+$0x0], $0xffff  }
0x43c: {  	v24 =	vor.u32 v2, v24;
	v35 =	vmul.f32 v41, v40;
	v36 =	vmul.f32 v39, v38;
	v27 =	vld.idx.msk [tilespmem:v27+s14+$0x0], $0xffff  }
0x43d: {  	v19 =	vor.u32 v2, v19;
	v37 =	vmul.f32 v43, v42;
	v38 =	vmul.f32 v46, v44;
	v10 =	vld.idx.msk [tilespmem:v10+s14+$0x0], $0xffff  }
0x43e: {  	v39 =	vmul.f32 v51, v52;
	v14 =	vor.u32 v2, v14;
	v40 =	vmul.f32 v50, v47;
	v28 =	vld.idx.msk [tilespmem:v28+s14+$0x0], $0xffff  }
0x43f: {  	v41 =	vmul.f32 v49, v53;
	v13 =	vor.u32 v2, v13;
	v42 =	vmul.f32 v54, v48;
	v26 =	vld.idx.msk [tilespmem:v26+s14+$0x0], $0xffff  }
0x440: {  	v12 =	vor.u32 v2, v12;
	v43 =	vmul.f32 v55, v45;
	v0 =	vmul.f32 v56, v0;
	v25 =	vld.idx.msk [tilespmem:v25+s14+$0x0], $0xffff  }
0x441: {  	v11 =	vor.u32 v2, v11;
	v44 =	vmul.f32 v60, v57;
	v1 =	vmul.f32 v1, v31;
	v24 =	vld.idx.msk [tilespmem:v24+s14+$0x0], $0xffff  }
0x442: {  	v15 =	vmul.f32 v15, v30;
	v17 =	vmul.f32 v17, v32;
	v31 =	vadd.s32 $0x9, v8;
	v19 =	vld.idx.msk [tilespmem:v19+s14+$0x0], $0xffff  }
0x443: {  	v30 =	vadd.s32 $0xA, v8;
	v18 =	vmul.f32 v18, v33;
	v32 =	vmul.f32 v10, v35;
	v14 =	vld.idx.msk [tilespmem:v14+s14+$0x0], $0xffff  }
0x444: {  	v33 =	vadd.s32 $0xB, v8;
	v23 =	vmul.f32 v23, v39;
	v16 =	vmul.f32 v16, v37;
	v13 =	vld.idx.msk [tilespmem:v13+s14+$0x0], $0xffff  }
0x445: {  	v27 =	vmul.f32 v27, v41;
	v10 =	vand.u32 $0x7, v8;
	v0 =	vmul.f32 v28, v0;
	v12 =	vld.idx.msk [tilespmem:v12+s14+$0x0], $0xffff  }
0x446: {  	v28 =	vadd.s32 $0x4, v8;
	v26 =	vmul.f32 v26, v44;
	v1 =	vmul.f32 v25, v1;
	v11 =	vld.idx.msk [tilespmem:v11+s14+$0x0], $0xffff  }
0x447: {  	v3 =	vadd.f32 v15, v3;
	v0 =	vadd.f32 v0, v22;
	v15 =	vmul.f32 v24, v42  }
0x448: {  	v20 =	vadd.f32 v26, v20;
	v1 =	vadd.f32 v1, v21;
	v19 =	vmul.f32 v19, v43  }
0x449: {  	v3 =	vadd.f32 v23, v3;
	v0 =	vadd.f32 v27, v0;
	v14 =	vmul.f32 v14, v38  }
0x44a: {  	v15 =	vadd.f32 v15, v20;
	v1 =	vadd.f32 v19, v1;
	v13 =	vmul.f32 v13, v40  }
0x44b: {  	v3 =	vadd.f32 v32, v3;
	v0 =	vadd.f32 v16, v0;
	v12 =	vmul.f32 v12, v34  }
0x44c: {  	v14 =	vadd.f32 v14, v15;
	v1 =	vadd.f32 v13, v1;
	v11 =	vmul.f32 v11, v36  }
0x44d: {  	v3 =	vadd.f32 v17, v3;
	v15 =	vadd.s32 $0x5, v8;
	v22 =	vadd.f32 v18, v0  }
0x44e: {  	v0 =	vadd.s32 $0x6, v8;
	v20 =	vadd.f32 v12, v14;
	v21 =	vadd.f32 v11, v1  }
0x44f: {  	v17 =	vadd.s32 $0x7, v8;
	v16 =	vadd.s32 $0x1, v8;
	v1 =	vand.u32 $0x3F, v8  }
0x450: {  	v23 =	vadd.s32 $0x3, v8;
	v32 =	vand.u32 $0x7, v29;
	v18 =	vadd.s32 $0x2, v8  }
0x451: {  	v35 =	vand.u32 $0x7, v61;
	v34 =	vand.u32 $0x7, v59;
	v36 =	vand.u32 $0x7, v62  }
0x452: {  	v41 =	vand.u32 $0x7, v30;
	v43 =	vand.u32 $0x7, v33;
	v38 =	vand.u32 $0x7, v31  }
0x453: {  	v37 =	vand.u32 $0x3F, v29;
	v39 =	vand.u32 $0x3F, v59;
	v12 =	vand.u32 $0x3F, v61  }
0x454: {  	v44 =	vand.u32 $0x7, v28;
	v11 =	vand.u32 $0x3F, v62;
	v40 =	vor.u32 v2, v1  }
0x455: {  	v49 =	vand.u32 $0x7, v17;
	v47 =	vand.u32 $0x7, v15;
	v51 =	vand.u32 $0x7, v0  }
0x456: {  	v46 =	vand.u32 $0x3F, v31;
	v42 =	vand.u32 $0x3F, v9;
	v14 =	vand.u32 $0x3F, v30  }
0x457: {  	v48 =	vand.u32 $0x7, v16;
	v13 =	vand.u32 $0x3F, v33;
	v45 =	vand.u32 $0x7, v18  }
0x458: {  	v29 =	vand.u32 $0x7, v23;
	v50 =	vand.u32 $0x3F, v28;
	v27 =	vand.u32 $0x3F, v15  }
0x459: {  	v19 =	vand.u32 $0x3F, v17;
	v24 =	vand.u32 $0x3F, v0;
	v0 =	vor.u32 v2, v37  }
0x45a: {  	v30 =	vor.u32 v2, v39;
	v15 =	vor.u32 v4, v1;
	v1 =	vor.u32 v5, v1  }
0x45b: {  	v28 =	vand.u32 $0x3F, v16;
	v16 =	vor.u32 v2, v46;
	v26 =	vand.u32 $0x3F, v18  }
0x45c: {  	v25 =	vand.u32 $0x3F, v23;
	v23 =	vor.u32 v2, v50;
	v15 =	vand.u32 $0xBF8, v15  }
0x45d: {  	v17 =	vor.u32 v4, v37;
	v1 =	vand.u32 $0x1BF8, v1;
	v31 =	vor.u32 v10, v15;
	v15 =	vld.idx.msk [tilespmem:v40+s14+$0x0], $0xffff  }
0x45e: {  	v33 =	vor.u32 v5, v37;
	v18 =	vand.u32 $0xBF8, v17;
	v1 =	vor.u32 v10, v1;
	v17 =	vld.idx.msk [tilespmem:v0+s14+$0x0], $0xffff  }
0x45f: {  	v33 =	vand.u32 $0x1BF8, v33;
	v37 =	vor.u32 v4, v39;
	v0 =	vor.u32 v32, v18;
	v18 =	vld.idx.msk [tilespmem:v30+s14+$0x0], $0xffff  }
0x460: {  	v33 =	vor.u32 v32, v33;
	v32 =	vor.u32 v5, v39;
	v30 =	vand.u32 $0xBF8, v37;
	v16 =	vld.idx.msk [tilespmem:v16+s14+$0x0], $0xffff  }
0x461: {  	v39 =	vor.u32 v4, v12;
	v32 =	vand.u32 $0x1BF8, v32;
	v37 =	vor.u32 v34, v30;
	v23 =	vld.idx.msk [tilespmem:v23+s14+$0x0], $0xffff  }
0x462: {  	v40 =	vor.u32 v34, v32;
	v32 =	vand.u32 $0xBF8, v39;
	v34 =	vor.u32 v5, v12;
	v30 =	vld.idx.msk [tilespmem:v31+s19+$0x0], $0xffff  }
0x463: {  	v39 =	vor.u32 v4, v11;
	v34 =	vand.u32 $0x1BF8, v34;
	v31 =	vld.idx.msk [tilespmem:v1+s19+$0x0], $0xffff;
	v1 =	vor.u32 v35, v32  }
0x464: {  	v32 =	vld.idx.msk [tilespmem:v0+s19+$0x0], $0xffff;
	v0 =	vor.u32 v35, v34;
	v34 =	vand.u32 $0xBF8, v39;
	v35 =	vor.u32 v5, v11  }
0x465: {  	v39 =	vor.u32 v4, v42;
	v33 =	vld.idx.msk [tilespmem:v33+s19+$0x0], $0xffff;
	v52 =	vor.u32 v36, v34;
	v35 =	vand.u32 $0x1BF8, v35  }
0x466: {  	v42 =	vor.u32 v5, v42;
	v39 =	vand.u32 $0xBF8, v39;
	v34 =	vld.idx.msk [tilespmem:v37+s19+$0x0], $0xffff;
	v53 =	vor.u32 v36, v35  }
0x467: {  	v54 =	vor.u32 v10, v39;
	v36 =	vand.u32 $0x1BF8, v42;
	v37 =	vor.u32 v4, v46;
	v35 =	vld.idx.msk [tilespmem:v40+s19+$0x0], $0xffff  }
0x468: {  	v39 =	vor.u32 v5, v46;
	v42 =	vor.u32 v10, v36;
	v37 =	vand.u32 $0xBF8, v37;
	v36 =	vld.idx.msk [tilespmem:v1+s19+$0x0], $0xffff  }
0x469: {  	v39 =	vand.u32 $0x1BF8, v39;
	v40 =	vor.u32 v4, v14;
	v1 =	vor.u32 v38, v37;
	v37 =	vld.idx.msk [tilespmem:v0+s19+$0x0], $0xffff  }
0x46a: {  	v0 =	vor.u32 v38, v39;
	v39 =	vand.u32 $0xBF8, v40;
	v40 =	vor.u32 v5, v14;
	v38 =	vld.idx.msk [tilespmem:v52+s19+$0x0], $0xffff  }
0x46b: {  	v55 =	vor.u32 v4, v13;
	v46 =	vor.u32 v41, v39;
	v52 =	vand.u32 $0x1BF8, v40;
	v39 =	vld.idx.msk [tilespmem:v53+s19+$0x0], $0xffff  }
0x46c: {  	v52 =	vor.u32 v41, v52;
	v53 =	vand.u32 $0xBF8, v55;
	v40 =	vld.idx.msk [tilespmem:v54+s19+$0x0], $0xffff;
	v54 =	vor.u32 v5, v13  }
0x46d: {  	v55 =	vor.u32 v4, v50;
	v53 =	vor.u32 v43, v53;
	v41 =	vld.idx.msk [tilespmem:v42+s19+$0x0], $0xffff;
	v54 =	vand.u32 $0x1BF8, v54  }
0x46e: {  	v50 =	vor.u32 v5, v50;
	v55 =	vand.u32 $0xBF8, v55;
	v42 =	vld.idx.msk [tilespmem:v1+s19+$0x0], $0xffff;
	v1 =	vor.u32 v43, v54  }
0x46f: {  	v50 =	vand.u32 $0x1BF8, v50;
	v54 =	vor.u32 v44, v55;
	v55 =	vor.u32 v4, v27;
	v43 =	vld.idx.msk [tilespmem:v0+s19+$0x0], $0xffff  }
0x470: {  	v0 =	vor.u32 v44, v50;
	v50 =	vand.u32 $0xBF8, v55;
	v55 =	vor.u32 v5, v27;
	v44 =	vld.idx.msk [tilespmem:v46+s19+$0x0], $0xffff  }
0x471: {  	v56 =	vor.u32 v47, v50;
	v50 =	vand.u32 $0x1BF8, v55;
	v55 =	vor.u32 v4, v24;
	v46 =	vld.idx.msk [tilespmem:v52+s19+$0x0], $0xffff  }
0x472: {  	v57 =	vor.u32 v47, v50;
	v50 =	vand.u32 $0xBF8, v55;
	v52 =	vor.u32 v5, v24;
	v47 =	vld.idx.msk [tilespmem:v53+s19+$0x0], $0xffff  }
0x473: {  	v58 =	vor.u32 v4, v19;
	v55 =	vor.u32 v51, v50;
	v53 =	vand.u32 $0x1BF8, v52;
	v50 =	vld.idx.msk [tilespmem:v1+s19+$0x0], $0xffff  }
0x474: {  	v1 =	vor.u32 v51, v53;
	v53 =	vand.u32 $0xBF8, v58;
	v52 =	vld.idx.msk [tilespmem:v54+s19+$0x0], $0xffff;
	v54 =	vor.u32 v5, v19  }
0x475: {  	v58 =	vor.u32 v4, v28;
	v51 =	vld.idx.msk [tilespmem:v0+s19+$0x0], $0xffff;
	v0 =	vor.u32 v49, v53;
	v54 =	vand.u32 $0x1BF8, v54  }
0x476: {  	v60 =	vor.u32 v5, v28;
	v58 =	vand.u32 $0xBF8, v58;
	v53 =	vld.idx.msk [tilespmem:v56+s19+$0x0], $0xffff;
	v62 =	vor.u32 v49, v54  }
.Ltmp9:
0x477: {  	v59 =	vor.u32 v48, v58;
	v58 =	vor.u32 v4, v26;
	v54 =	vand.u32 $0x1BF8, v60;
	v49 =	vld.idx.msk [tilespmem:v57+s19+$0x0], $0xffff;
	(pc) =	sbr.rel @p0 .LBB2_19-.Ltmp9, $4  }
0x478: {  	v56 =	vor.u32 v48, v54;
	v54 =	vand.u32 $0xBF8, v58;
	v58 =	vor.u32 v5, v26;
	v48 =	vld.idx.msk [tilespmem:v55+s19+$0x0], $0xffff  }
0x479: {  	v57 =	vor.u32 v45, v54;
	v55 =	vand.u32 $0x1BF8, v58;
	v58 =	vor.u32 v4, v25;
	v54 =	vld.idx.msk [tilespmem:v1+s19+$0x0], $0xffff  }
0x47a: {  	v60 =	vor.u32 v45, v55;
	v1 =	vand.u32 $0xBF8, v58;
	v55 =	vor.u32 v5, v25;
	v45 =	vld.idx.msk [tilespmem:v0+s19+$0x0], $0xffff  }
0x47b: {  	s30 =	sadd.s32 $0xFFFFFFFF, s30;
	v58 =	vor.u32 v29, v1;
	v61 =	vand.u32 $0x1BF8, v55;
	v55 =	vld.idx.msk [tilespmem:v62+s19+$0x0], $0xffff  }
0x47c: {  	_ =	sdelay $0x3  }
0x47d: {  	v0 =	vld.idx.msk [tilespmem:v59+s19+$0x0], $0xffff;
	v1 =	vor.u32 v29, v61  }
0x47e: {  	v5 =	vld.idx.msk [tilespmem:v56+s19+$0x0], $0xffff;
	v8 =	vor.u32 v2, v27  }
0x47f: {  	v4 =	vand.u32 $0x38, v9;
	v9 =	vld.idx.msk [tilespmem:v57+s19+$0x0], $0xffff;
	v26 =	vor.u32 v2, v26  }
0x480: {  	v27 =	vld.idx.msk [tilespmem:v60+s19+$0x0], $0xffff;
	v25 =	vor.u32 v2, v25;
	v4 =	vor.u32 v4, v2  }
0x481: {  	v4 =	vor.u32 v10, v4;
	v10 =	vor.u32 v2, v28;
	v28 =	vmul.f32 v31, v30;
	v30 =	vld.idx.msk [tilespmem:v58+s19+$0x0], $0xffff  }
0x482: {  	v29 =	vmul.f32 v33, v32;
	v32 =	vmul.f32 v37, v36;
	v24 =	vor.u32 v2, v24;
	v1 =	vld.idx.msk [tilespmem:v1+s19+$0x0], $0xffff  }
0x483: {  	v63 =	vmul.f32 v41, v40;
	v56 =	vmul.f32 v39, v38;
	v19 =	vor.u32 v2, v19;
	v8 =	vld.idx.msk [tilespmem:v8+s14+$0x0], $0xffff  }
0x484: {  	v57 =	vmul.f32 v43, v42;
	v59 =	vmul.f32 v51, v52;
	v14 =	vor.u32 v2, v14;
	v26 =	vld.idx.msk [tilespmem:v26+s14+$0x0], $0xffff  }
0x485: {  	v60 =	vmul.f32 v50, v47;
	v61 =	vmul.f32 v49, v53;
	v13 =	vor.u32 v2, v13;
	v25 =	vld.idx.msk [tilespmem:v25+s14+$0x0], $0xffff  }
0x486: {  	v12 =	vor.u32 v2, v12;
	v31 =	vmul.f32 v35, v34;
	v58 =	vmul.f32 v46, v44;
	v10 =	vld.idx.msk [tilespmem:v10+s14+$0x0], $0xffff  }
0x487: {  	v62 =	vmul.f32 v54, v48;
	v2 =	vor.u32 v2, v11;
	v11 =	vmul.f32 v15, v28;
	v24 =	vld.idx.msk [tilespmem:v24+s14+$0x0], $0xffff  }
0x488: {  	v15 =	vmul.f32 v17, v29;
	v0 =	vmul.f32 v5, v0;
	v17 =	vld.idx.msk [tilespmem:v19+s14+$0x0], $0xffff  }
0x489: {  	v5 =	vmul.f32 v55, v45;
	v9 =	vmul.f32 v27, v9;
	v14 =	vld.idx.msk [tilespmem:v14+s14+$0x0], $0xffff  }
0x48a: {  	v19 =	vmul.f32 v23, v59;
	v4 =	vld.idx.msk [tilespmem:v4+s14+$0x0], $0xffff;
	v1 =	vmul.f32 v1, v30  }
0x48b: {  	v13 =	vld.idx.msk [tilespmem:v13+s14+$0x0], $0xffff;
	v9 =	vmul.f32 v26, v9;
	v0 =	vmul.f32 v10, v0  }
0x48c: {  	v3 =	vadd.f32 v11, v3;
	v2 =	vld.idx.msk [tilespmem:v2+s14+$0x0], $0xffff;
	v8 =	vmul.f32 v8, v61;
	v1 =	vmul.f32 v25, v1  }
0x48d: {  	v11 =	vmul.f32 v24, v62;
	v10 =	vld.idx.msk [tilespmem:v12+s14+$0x0], $0xffff;
	v9 =	vadd.f32 v9, v20;
	v0 =	vadd.f32 v0, v22  }
0x48e: {  	v3 =	vadd.f32 v19, v3;
	v5 =	vmul.f32 v17, v5;
	v1 =	vadd.f32 v1, v21  }
0x48f: {  	v4 =	vmul.f32 v4, v63;
	v9 =	vadd.f32 v11, v9;
	v0 =	vadd.f32 v8, v0  }
0x490: {  	v8 =	vmul.f32 v14, v58;
	v1 =	vadd.f32 v5, v1;
	v5 =	vmul.f32 v13, v60  }
0x491: {  	v16 =	vmul.f32 v16, v57;
	v2 =	vmul.f32 v2, v56;
	v3 =	vadd.f32 v4, v3  }
0x492: {  	v4 =	vmul.f32 v10, v32;
	v8 =	vadd.f32 v8, v9;
	v1 =	vadd.f32 v5, v1  }
0x493: {  	v18 =	vmul.f32 v18, v31;
	v0 =	vadd.f32 v16, v0  }
0x494: {  	v4 =	vadd.f32 v4, v8;
	v1 =	vadd.f32 v2, v1  }
0x495: {  	v3 =	vadd.f32 v15, v3;
	v0 =	vadd.f32 v18, v0  }
0x496: {  	v1 =	vadd.f32 v1, v4;
	v4 =	vlaneseq.u32  }
0x497: {  	v0 =	vadd.f32 v0, v3;
	v3 =	vimm.f32 $0.0e+00;
	v9 =	vadd.s32 $0xE, v4  }
0x498: {  	v5 =	vadd.s32 $0x8, v4;
	v11 =	vadd.s32 $0xF, v4;
	v12 =	vadd.s32 $0x9, v4  }
0x499: {  	v13 =	vadd.s32 $0xA, v4;
	v14 =	vadd.s32 $0xB, v4;
	v8 =	vand.u32 $0x7, v4  }
0x49a: {  	v15 =	vadd.s32 $0x4, v4;
	v16 =	vadd.s32 $0x5, v4;
	v17 =	vadd.s32 $0x6, v4  }
0x49b: {  	v19 =	vand.u32 $0x3F, v4;
	v20 =	vadd.s32 $0x1, v4;
	v21 =	vadd.s32 $0x7, v4  }
0x49c: {  	v23 =	vadd.s32 $0x2, v4;
	v28 =	vadd.s32 $0x3, v4;
	v0 =	vadd.f32 v1, v0  }
0x49d: {  	v1 =	vadd.s32 $0xD, v4;
	v31 =	vand.u32 $0x7, v9;
	v63 =	vand.u32 $0x7, v11  }
0x49e: {  	v36 =	vand.u32 $0x7, v12;
	v38 =	vand.u32 $0x7, v13;
	v41 =	vand.u32 $0x7, v14  }
0x49f: {  	v10 =	vand.u32 $0x3F, v9;
	v42 =	vand.u32 $0x7, v15;
	v9 =	vand.u32 $0x3F, v11  }
0x4a0: {  	v43 =	vand.u32 $0x7, v16;
	v46 =	vand.u32 $0x7, v17;
	v47 =	vand.u32 $0x7, v21;
	[tilespmem:$0x19B60] =	vst v0  }
0x4a1: {  	v49 =	vand.u32 $0x3F, v5;
	v50 =	vand.u32 $0x3F, v12;
	v12 =	vand.u32 $0x3F, v13;
	v0 =	vld [tilespmem:s29+$0x4030]  }
0x4a2: {  	v52 =	vand.u32 $0x7, v20;
	v18 =	vand.u32 $0x7, v23;
	v11 =	vand.u32 $0x3F, v14  }
0x4a3: {  	v27 =	vand.u32 $0x7, v28;
	v40 =	vand.u32 $0x3F, v15;
	v25 =	vand.u32 $0x3F, v16  }
0x4a4: {  	v22 =	vand.u32 $0x3F, v17;
	v17 =	vand.u32 $0x3F, v21;
	v13 =	vor.u32 v6, v19  }
0x4a5: {  	v24 =	vand.u32 $0x3F, v23;
	v23 =	vand.u32 $0x3F, v28;
	v13 =	vand.u32 $0xFF8, v13  }
0x4a6: {  	v28 =	vor.u32 v8, v13;
	v2 =	vshll.u32 v0, $0x6;
	v0 =	vadd.s32 $0xC, v4  }
0x4a7: {  	v29 =	vand.u32 $0x7, v0;
	v0 =	vand.u32 $0x3F, v0;
	v48 =	vor.u32 v2, v19  }
0x4a8: {  	v15 =	vor.u32 v7, v19;
	v26 =	vand.u32 $0x3F, v20;
	v14 =	vor.u32 v2, v0  }
0x4a9: {  	v30 =	vand.u32 $0x7, v1;
	v1 =	vand.u32 $0x3F, v1;
	v19 =	vor.u32 v2, v50  }
0x4aa: {  	v15 =	vand.u32 $0x1FF8, v15;
	v58 =	vor.u32 v6, v9;
	v20 =	vor.u32 v2, v40  }
0x4ab: {  	v60 =	vor.u32 v7, v9;
	v28 =	vld.idx.msk [tilespmem:v28+s19+$0x0], $0xffff;
	v16 =	vor.u32 v2, v1;
	v21 =	vor.u32 v6, v0  }
0x4ac: {  	v56 =	vor.u32 v8, v15;
	v0 =	vor.u32 v7, v0;
	v21 =	vand.u32 $0xFF8, v21;
	v13 =	vld.idx.msk [tilespmem:v48+s14+$0x0], $0xffff  }
0x4ad: {  	v0 =	vand.u32 $0x1FF8, v0;
	v57 =	vor.u32 v29, v21;
	v15 =	vld.idx.msk [tilespmem:v14+s14+$0x0], $0xffff;
	v14 =	vor.u32 v6, v1  }
0x4ae: {  	v0 =	vor.u32 v29, v0;
	v1 =	vor.u32 v7, v1;
	v21 =	vand.u32 $0xFF8, v14;
	v14 =	vld.idx.msk [tilespmem:v19+s14+$0x0], $0xffff  }
0x4af: {  	v1 =	vand.u32 $0x1FF8, v1;
	v19 =	vor.u32 v30, v21;
	v21 =	vld.idx.msk [tilespmem:v20+s14+$0x0], $0xffff;
	v20 =	vor.u32 v6, v10  }
0x4b0: {  	v29 =	vor.u32 v7, v10;
	v16 =	vld.idx.msk [tilespmem:v16+s14+$0x0], $0xffff;
	v1 =	vor.u32 v30, v1;
	v20 =	vand.u32 $0xFF8, v20  }
0x4b1: {  	v61 =	vor.u32 v6, v49;
	v30 =	vand.u32 $0x1FF8, v29;
	v29 =	vld.idx.msk [tilespmem:v56+s19+$0x0], $0xffff;
	v20 =	vor.u32 v31, v20  }
0x4b2: {  	v34 =	vor.u32 v7, v49;
	v59 =	vor.u32 v31, v30;
	v30 =	vld.idx.msk [tilespmem:v57+s19+$0x0], $0xffff;
	v31 =	vand.u32 $0xFF8, v58  }
0x4b3: {  	v62 =	vor.u32 v6, v50;
	v39 =	vor.u32 v63, v31;
	v31 =	vld.idx.msk [tilespmem:v0+s19+$0x0], $0xffff;
	v0 =	vand.u32 $0x1FF8, v60  }
0x4b4: {  	v35 =	vor.u32 v7, v50;
	v37 =	vand.u32 $0xFF8, v61;
	v0 =	vor.u32 v63, v0;
	v32 =	vld.idx.msk [tilespmem:v19+s19+$0x0], $0xffff  }
0x4b5: {  	v51 =	vor.u32 v6, v12;
	v34 =	vand.u32 $0x1FF8, v34;
	v19 =	vor.u32 v8, v37;
	v33 =	vld.idx.msk [tilespmem:v1+s19+$0x0], $0xffff  }
0x4b6: {  	v53 =	vor.u32 v7, v12;
	v63 =	vor.u32 v8, v34;
	v1 =	vand.u32 $0xFF8, v62;
	v34 =	vld.idx.msk [tilespmem:v20+s19+$0x0], $0xffff  }
0x4b7: {  	v37 =	vand.u32 $0xFF8, v51;
	v1 =	vor.u32 v36, v1;
	v20 =	vand.u32 $0x1FF8, v35;
	v35 =	vld.idx.msk [tilespmem:v59+s19+$0x0], $0xffff  }
0x4b8: {  	v55 =	vor.u32 v6, v11;
	v56 =	vor.u32 v38, v37;
	v20 =	vor.u32 v36, v20;
	v36 =	vld.idx.msk [tilespmem:v39+s19+$0x0], $0xffff  }
0x4b9: {  	v54 =	vand.u32 $0x1FF8, v53;
	v61 =	vor.u32 v6, v25;
	v57 =	vand.u32 $0xFF8, v55;
	v37 =	vld.idx.msk [tilespmem:v0+s19+$0x0], $0xffff  }
0x4ba: {  	v59 =	vor.u32 v41, v57;
	v0 =	vor.u32 v38, v54;
	v38 =	vld.idx.msk [tilespmem:v19+s19+$0x0], $0xffff;
	v19 =	vor.u32 v7, v11  }
0x4bb: {  	v58 =	vor.u32 v6, v40;
	v60 =	vor.u32 v7, v40;
	v39 =	vld.idx.msk [tilespmem:v63+s19+$0x0], $0xffff;
	v19 =	vand.u32 $0x1FF8, v19  }
0x4bc: {  	v44 =	vand.u32 $0xFF8, v58;
	v45 =	vand.u32 $0x1FF8, v60;
	v40 =	vld.idx.msk [tilespmem:v1+s19+$0x0], $0xffff;
	v1 =	vor.u32 v41, v19  }
0x4bd: {  	v58 =	vor.u32 v7, v22;
	v63 =	vor.u32 v42, v45;
	v19 =	vor.u32 v42, v44;
	v42 =	vld.idx.msk [tilespmem:v56+s19+$0x0], $0xffff  }
0x4be: {  	v62 =	vor.u32 v7, v25;
	v57 =	vor.u32 v6, v22;
	v41 =	vld.idx.msk [tilespmem:v20+s19+$0x0], $0xffff;
	v20 =	vand.u32 $0xFF8, v61  }
0x4bf: {  	v48 =	vand.u32 $0xFF8, v57;
	v56 =	vand.u32 $0x1FF8, v62;
	v45 =	vld.idx.msk [tilespmem:v59+s19+$0x0], $0xffff;
	v20 =	vor.u32 v43, v20  }
0x4c0: {  	v53 =	vor.u32 v46, v48;
	v59 =	vor.u32 v6, v17;
	v44 =	vld.idx.msk [tilespmem:v0+s19+$0x0], $0xffff;
	v0 =	vor.u32 v43, v56  }
0x4c1: {  	v62 =	vor.u32 v7, v26;
	v60 =	vand.u32 $0xFF8, v59;
	v43 =	vand.u32 $0x1FF8, v58;
	v48 =	vld.idx.msk [tilespmem:v1+s19+$0x0], $0xffff  }
0x4c2: {  	v61 =	vor.u32 v6, v26;
	v1 =	vor.u32 v46, v43;
	v50 =	vld.idx.msk [tilespmem:v19+s19+$0x0], $0xffff;
	v19 =	vor.u32 v7, v17  }
0x4c3: {  	v49 =	vld.idx.msk [tilespmem:v63+s19+$0x0], $0xffff;
	v63 =	vor.u32 v6, v24;
	v43 =	vor.u32 v47, v60;
	v19 =	vand.u32 $0x1FF8, v19  }
0x4c4: {  	v46 =	vand.u32 $0xFF8, v61;
	v51 =	vld.idx.msk [tilespmem:v20+s19+$0x0], $0xffff;
	v19 =	vor.u32 v47, v19;
	v20 =	vand.u32 $0x1FF8, v62  }
0x4c5: {  	v57 =	vor.u32 v52, v46;
	v47 =	vld.idx.msk [tilespmem:v0+s19+$0x0], $0xffff;
	v0 =	vand.u32 $0xFF8, v63;
	v54 =	vor.u32 v52, v20  }
0x4c6: {  	v46 =	vld.idx.msk [tilespmem:v53+s19+$0x0], $0xffff;
	v20 =	vor.u32 v7, v24;
	v55 =	vor.u32 v18, v0;
	v0 =	vor.u32 v6, v23  }
0x4c7: {  	v20 =	vand.u32 $0x1FF8, v20;
	v0 =	vand.u32 $0xFF8, v0;
	v52 =	vld.idx.msk [tilespmem:v1+s19+$0x0], $0xffff;
	v1 =	vor.u32 v7, v23  }
0x4c8: {  	v58 =	vor.u32 v18, v20;
	v43 =	vld.idx.msk [tilespmem:v43+s19+$0x0], $0xffff;
	v56 =	vor.u32 v27, v0;
	v20 =	vimm.f32 $0.0e+00  }
0x4c9: {  	s30 =	simm.s32 $0x3;
	v18 =	vimm.f32 $0.0e+00;
	v59 =	vand.u32 $0x1FF8, v1;
	v53 =	vld.idx.msk [tilespmem:v19+s19+$0x0], $0xffff;
	v19 =	vimm.f32 $0.0e+00  }
.LBB2_21:
0x4ca: {  	p0 =	sne.s32 s30, $0x1;
	v0 =	vld.idx.msk [tilespmem:v57+s19+$0x0], $0xffff;
	v1 =	vor.u32 v27, v59;
	v5 =	vand.u32 $0x38, v5;
	v4 =	vadd.s32 $0x10, v4  }
0x4cb: {  	v25 =	vor.u32 v2, v25;
	v27 =	vadd.s32 $0xC, v4;
	v54 =	vld.idx.msk [tilespmem:v54+s19+$0x0], $0xffff;
	v5 =	vor.u32 v5, v2  }
0x4cc: {  	v57 =	vadd.s32 $0xD, v4;
	v59 =	vadd.s32 $0xE, v4;
	v55 =	vld.idx.msk [tilespmem:v55+s19+$0x0], $0xffff;
	v8 =	vor.u32 v8, v5  }
0x4cd: {  	v26 =	vor.u32 v2, v26;
	v60 =	vadd.s32 $0xF, v4;
	v5 =	vadd.s32 $0x8, v4;
	v58 =	vld.idx.msk [tilespmem:v58+s19+$0x0], $0xffff  }
0x4ce: {  	v28 =	vmul.f32 v29, v28;
	v24 =	vor.u32 v2, v24;
	v30 =	vmul.f32 v31, v30;
	v29 =	vld.idx.msk [tilespmem:v56+s19+$0x0], $0xffff  }
0x4cf: {  	v23 =	vor.u32 v2, v23;
	v31 =	vmul.f32 v33, v32;
	v32 =	vmul.f32 v35, v34;
	v1 =	vld.idx.msk [tilespmem:v1+s19+$0x0], $0xffff  }
0x4d0: {  	v22 =	vor.u32 v2, v22;
	v33 =	vmul.f32 v39, v38;
	v34 =	vmul.f32 v37, v36;
	v25 =	vld.idx.msk [tilespmem:v25+s14+$0x0], $0xffff  }
0x4d1: {  	v17 =	vor.u32 v2, v17;
	v35 =	vmul.f32 v41, v40;
	v36 =	vmul.f32 v44, v42;
	v8 =	vld.idx.msk [tilespmem:v8+s14+$0x0], $0xffff  }
0x4d2: {  	v37 =	vmul.f32 v49, v50;
	v12 =	vor.u32 v2, v12;
	v38 =	vmul.f32 v48, v45;
	v26 =	vld.idx.msk [tilespmem:v26+s14+$0x0], $0xffff  }
0x4d3: {  	v39 =	vmul.f32 v47, v51;
	v11 =	vor.u32 v2, v11;
	v40 =	vmul.f32 v52, v46;
	v24 =	vld.idx.msk [tilespmem:v24+s14+$0x0], $0xffff  }
0x4d4: {  	v10 =	vor.u32 v2, v10;
	v41 =	vmul.f32 v53, v43;
	v0 =	vmul.f32 v54, v0;
	v23 =	vld.idx.msk [tilespmem:v23+s14+$0x0], $0xffff  }
0x4d5: {  	v9 =	vor.u32 v2, v9;
	v42 =	vmul.f32 v58, v55;
	v1 =	vmul.f32 v1, v29;
	v22 =	vld.idx.msk [tilespmem:v22+s14+$0x0], $0xffff  }
0x4d6: {  	v13 =	vmul.f32 v13, v28;
	v15 =	vmul.f32 v15, v30;
	v29 =	vadd.s32 $0x9, v4;
	v17 =	vld.idx.msk [tilespmem:v17+s14+$0x0], $0xffff  }
0x4d7: {  	v28 =	vadd.s32 $0xA, v4;
	v16 =	vmul.f32 v16, v31;
	v30 =	vmul.f32 v8, v33;
	v12 =	vld.idx.msk [tilespmem:v12+s14+$0x0], $0xffff  }
0x4d8: {  	v31 =	vadd.s32 $0xB, v4;
	v21 =	vmul.f32 v21, v37;
	v14 =	vmul.f32 v14, v35;
	v11 =	vld.idx.msk [tilespmem:v11+s14+$0x0], $0xffff  }
0x4d9: {  	v25 =	vmul.f32 v25, v39;
	v8 =	vand.u32 $0x7, v4;
	v0 =	vmul.f32 v26, v0;
	v10 =	vld.idx.msk [tilespmem:v10+s14+$0x0], $0xffff  }
0x4da: {  	v26 =	vadd.s32 $0x4, v4;
	v24 =	vmul.f32 v24, v42;
	v1 =	vmul.f32 v23, v1;
	v9 =	vld.idx.msk [tilespmem:v9+s14+$0x0], $0xffff  }
0x4db: {  	v3 =	vadd.f32 v13, v3;
	v0 =	vadd.f32 v0, v20;
	v13 =	vmul.f32 v22, v40  }
0x4dc: {  	v18 =	vadd.f32 v24, v18;
	v1 =	vadd.f32 v1, v19;
	v17 =	vmul.f32 v17, v41  }
0x4dd: {  	v3 =	vadd.f32 v21, v3;
	v0 =	vadd.f32 v25, v0;
	v12 =	vmul.f32 v12, v36  }
0x4de: {  	v13 =	vadd.f32 v13, v18;
	v1 =	vadd.f32 v17, v1;
	v11 =	vmul.f32 v11, v38  }
0x4df: {  	v3 =	vadd.f32 v30, v3;
	v0 =	vadd.f32 v14, v0;
	v10 =	vmul.f32 v10, v32  }
0x4e0: {  	v12 =	vadd.f32 v12, v13;
	v1 =	vadd.f32 v11, v1;
	v9 =	vmul.f32 v9, v34  }
0x4e1: {  	v3 =	vadd.f32 v15, v3;
	v13 =	vadd.s32 $0x5, v4;
	v20 =	vadd.f32 v16, v0  }
0x4e2: {  	v0 =	vadd.s32 $0x6, v4;
	v18 =	vadd.f32 v10, v12;
	v19 =	vadd.f32 v9, v1  }
0x4e3: {  	v15 =	vadd.s32 $0x7, v4;
	v14 =	vadd.s32 $0x1, v4;
	v1 =	vand.u32 $0x3F, v4  }
0x4e4: {  	v21 =	vadd.s32 $0x3, v4;
	v30 =	vand.u32 $0x7, v27;
	v16 =	vadd.s32 $0x2, v4  }
0x4e5: {  	v33 =	vand.u32 $0x7, v59;
	v32 =	vand.u32 $0x7, v57;
	v34 =	vand.u32 $0x7, v60  }
0x4e6: {  	v39 =	vand.u32 $0x7, v28;
	v41 =	vand.u32 $0x7, v31;
	v36 =	vand.u32 $0x7, v29  }
0x4e7: {  	v35 =	vand.u32 $0x3F, v27;
	v37 =	vand.u32 $0x3F, v57;
	v10 =	vand.u32 $0x3F, v59  }
0x4e8: {  	v42 =	vand.u32 $0x7, v26;
	v9 =	vand.u32 $0x3F, v60;
	v38 =	vor.u32 v2, v1  }
0x4e9: {  	v47 =	vand.u32 $0x7, v15;
	v45 =	vand.u32 $0x7, v13;
	v49 =	vand.u32 $0x7, v0  }
0x4ea: {  	v44 =	vand.u32 $0x3F, v29;
	v40 =	vand.u32 $0x3F, v5;
	v12 =	vand.u32 $0x3F, v28  }
0x4eb: {  	v46 =	vand.u32 $0x7, v14;
	v11 =	vand.u32 $0x3F, v31;
	v43 =	vand.u32 $0x7, v16  }
0x4ec: {  	v27 =	vand.u32 $0x7, v21;
	v48 =	vand.u32 $0x3F, v26;
	v25 =	vand.u32 $0x3F, v13  }
0x4ed: {  	v17 =	vand.u32 $0x3F, v15;
	v22 =	vand.u32 $0x3F, v0;
	v0 =	vor.u32 v2, v35  }
0x4ee: {  	v28 =	vor.u32 v2, v37;
	v13 =	vor.u32 v6, v1;
	v1 =	vor.u32 v7, v1  }
0x4ef: {  	v26 =	vand.u32 $0x3F, v14;
	v14 =	vor.u32 v2, v44;
	v24 =	vand.u32 $0x3F, v16  }
0x4f0: {  	v23 =	vand.u32 $0x3F, v21;
	v21 =	vor.u32 v2, v48;
	v13 =	vand.u32 $0xFF8, v13  }
0x4f1: {  	v15 =	vor.u32 v6, v35;
	v1 =	vand.u32 $0x1FF8, v1;
	v29 =	vor.u32 v8, v13;
	v13 =	vld.idx.msk [tilespmem:v38+s14+$0x0], $0xffff  }
0x4f2: {  	v31 =	vor.u32 v7, v35;
	v16 =	vand.u32 $0xFF8, v15;
	v1 =	vor.u32 v8, v1;
	v15 =	vld.idx.msk [tilespmem:v0+s14+$0x0], $0xffff  }
0x4f3: {  	v31 =	vand.u32 $0x1FF8, v31;
	v35 =	vor.u32 v6, v37;
	v0 =	vor.u32 v30, v16;
	v16 =	vld.idx.msk [tilespmem:v28+s14+$0x0], $0xffff  }
0x4f4: {  	v31 =	vor.u32 v30, v31;
	v30 =	vor.u32 v7, v37;
	v28 =	vand.u32 $0xFF8, v35;
	v14 =	vld.idx.msk [tilespmem:v14+s14+$0x0], $0xffff  }
0x4f5: {  	v37 =	vor.u32 v6, v10;
	v30 =	vand.u32 $0x1FF8, v30;
	v35 =	vor.u32 v32, v28;
	v21 =	vld.idx.msk [tilespmem:v21+s14+$0x0], $0xffff  }
0x4f6: {  	v38 =	vor.u32 v32, v30;
	v30 =	vand.u32 $0xFF8, v37;
	v32 =	vor.u32 v7, v10;
	v28 =	vld.idx.msk [tilespmem:v29+s19+$0x0], $0xffff  }
0x4f7: {  	v37 =	vor.u32 v6, v9;
	v32 =	vand.u32 $0x1FF8, v32;
	v29 =	vld.idx.msk [tilespmem:v1+s19+$0x0], $0xffff;
	v1 =	vor.u32 v33, v30  }
0x4f8: {  	v30 =	vld.idx.msk [tilespmem:v0+s19+$0x0], $0xffff;
	v0 =	vor.u32 v33, v32;
	v32 =	vand.u32 $0xFF8, v37;
	v33 =	vor.u32 v7, v9  }
0x4f9: {  	v37 =	vor.u32 v6, v40;
	v31 =	vld.idx.msk [tilespmem:v31+s19+$0x0], $0xffff;
	v50 =	vor.u32 v34, v32;
	v33 =	vand.u32 $0x1FF8, v33  }
0x4fa: {  	v40 =	vor.u32 v7, v40;
	v37 =	vand.u32 $0xFF8, v37;
	v32 =	vld.idx.msk [tilespmem:v35+s19+$0x0], $0xffff;
	v51 =	vor.u32 v34, v33  }
0x4fb: {  	v52 =	vor.u32 v8, v37;
	v34 =	vand.u32 $0x1FF8, v40;
	v35 =	vor.u32 v6, v44;
	v33 =	vld.idx.msk [tilespmem:v38+s19+$0x0], $0xffff  }
0x4fc: {  	v37 =	vor.u32 v7, v44;
	v40 =	vor.u32 v8, v34;
	v35 =	vand.u32 $0xFF8, v35;
	v34 =	vld.idx.msk [tilespmem:v1+s19+$0x0], $0xffff  }
0x4fd: {  	v37 =	vand.u32 $0x1FF8, v37;
	v38 =	vor.u32 v6, v12;
	v1 =	vor.u32 v36, v35;
	v35 =	vld.idx.msk [tilespmem:v0+s19+$0x0], $0xffff  }
0x4fe: {  	v0 =	vor.u32 v36, v37;
	v37 =	vand.u32 $0xFF8, v38;
	v38 =	vor.u32 v7, v12;
	v36 =	vld.idx.msk [tilespmem:v50+s19+$0x0], $0xffff  }
0x4ff: {  	v53 =	vor.u32 v6, v11;
	v44 =	vor.u32 v39, v37;
	v50 =	vand.u32 $0x1FF8, v38;
	v37 =	vld.idx.msk [tilespmem:v51+s19+$0x0], $0xffff  }
0x500: {  	v50 =	vor.u32 v39, v50;
	v51 =	vand.u32 $0xFF8, v53;
	v38 =	vld.idx.msk [tilespmem:v52+s19+$0x0], $0xffff;
	v52 =	vor.u32 v7, v11  }
0x501: {  	v53 =	vor.u32 v6, v48;
	v51 =	vor.u32 v41, v51;
	v39 =	vld.idx.msk [tilespmem:v40+s19+$0x0], $0xffff;
	v52 =	vand.u32 $0x1FF8, v52  }
0x502: {  	v48 =	vor.u32 v7, v48;
	v53 =	vand.u32 $0xFF8, v53;
	v40 =	vld.idx.msk [tilespmem:v1+s19+$0x0], $0xffff;
	v1 =	vor.u32 v41, v52  }
0x503: {  	v48 =	vand.u32 $0x1FF8, v48;
	v52 =	vor.u32 v42, v53;
	v53 =	vor.u32 v6, v25;
	v41 =	vld.idx.msk [tilespmem:v0+s19+$0x0], $0xffff  }
0x504: {  	v0 =	vor.u32 v42, v48;
	v48 =	vand.u32 $0xFF8, v53;
	v53 =	vor.u32 v7, v25;
	v42 =	vld.idx.msk [tilespmem:v44+s19+$0x0], $0xffff  }
0x505: {  	v54 =	vor.u32 v45, v48;
	v48 =	vand.u32 $0x1FF8, v53;
	v53 =	vor.u32 v6, v22;
	v44 =	vld.idx.msk [tilespmem:v50+s19+$0x0], $0xffff  }
0x506: {  	v55 =	vor.u32 v45, v48;
	v48 =	vand.u32 $0xFF8, v53;
	v50 =	vor.u32 v7, v22;
	v45 =	vld.idx.msk [tilespmem:v51+s19+$0x0], $0xffff  }
0x507: {  	v56 =	vor.u32 v6, v17;
	v53 =	vor.u32 v49, v48;
	v51 =	vand.u32 $0x1FF8, v50;
	v48 =	vld.idx.msk [tilespmem:v1+s19+$0x0], $0xffff  }
0x508: {  	v1 =	vor.u32 v49, v51;
	v51 =	vand.u32 $0xFF8, v56;
	v50 =	vld.idx.msk [tilespmem:v52+s19+$0x0], $0xffff;
	v52 =	vor.u32 v7, v17  }
0x509: {  	v56 =	vor.u32 v6, v26;
	v49 =	vld.idx.msk [tilespmem:v0+s19+$0x0], $0xffff;
	v0 =	vor.u32 v47, v51;
	v52 =	vand.u32 $0x1FF8, v52  }
0x50a: {  	v58 =	vor.u32 v7, v26;
	v56 =	vand.u32 $0xFF8, v56;
	v51 =	vld.idx.msk [tilespmem:v54+s19+$0x0], $0xffff;
	v60 =	vor.u32 v47, v52  }
.Ltmp10:
0x50b: {  	v57 =	vor.u32 v46, v56;
	v56 =	vor.u32 v6, v24;
	v52 =	vand.u32 $0x1FF8, v58;
	v47 =	vld.idx.msk [tilespmem:v55+s19+$0x0], $0xffff;
	(pc) =	sbr.rel @p0 .LBB2_21-.Ltmp10, $4  }
0x50c: {  	v54 =	vor.u32 v46, v52;
	v52 =	vand.u32 $0xFF8, v56;
	v56 =	vor.u32 v7, v24;
	v46 =	vld.idx.msk [tilespmem:v53+s19+$0x0], $0xffff  }
0x50d: {  	v55 =	vor.u32 v43, v52;
	v53 =	vand.u32 $0x1FF8, v56;
	v56 =	vor.u32 v6, v23;
	v52 =	vld.idx.msk [tilespmem:v1+s19+$0x0], $0xffff  }
0x50e: {  	v58 =	vor.u32 v43, v53;
	v1 =	vand.u32 $0xFF8, v56;
	v53 =	vor.u32 v7, v23;
	v43 =	vld.idx.msk [tilespmem:v0+s19+$0x0], $0xffff  }
0x50f: {  	s30 =	sadd.s32 $0xFFFFFFFF, s30;
	v56 =	vor.u32 v27, v1;
	v59 =	vand.u32 $0x1FF8, v53;
	v53 =	vld.idx.msk [tilespmem:v60+s19+$0x0], $0xffff  }
0x510: {  	_ =	sdelay $0x3  }
0x511: {  	v0 =	vld.idx.msk [tilespmem:v57+s19+$0x0], $0xffff;
	v1 =	vor.u32 v27, v59  }
0x512: {  	v54 =	vld.idx.msk [tilespmem:v54+s19+$0x0], $0xffff;
	v6 =	vor.u32 v2, v25  }
0x513: {  	v4 =	vand.u32 $0x38, v5;
	v7 =	vld.idx.msk [tilespmem:v55+s19+$0x0], $0xffff;
	v57 =	vor.u32 v2, v26;
	v59 =	vmul.f32 v29, v28  }
0x514: {  	v58 =	vld.idx.msk [tilespmem:v58+s19+$0x0], $0xffff;
	v60 =	vmul.f32 v31, v30;
	v24 =	vor.u32 v2, v24;
	v62 =	vmul.f32 v33, v32  }
0x515: {  	v61 =	vld.idx.msk [tilespmem:v56+s19+$0x0], $0xffff;
	v30 =	vmul.f32 v35, v34;
	v23 =	vor.u32 v2, v23;
	v63 =	vmul.f32 v39, v38  }
0x516: {  	v32 =	vmul.f32 v37, v36;
	v22 =	vor.u32 v2, v22;
	v41 =	vmul.f32 v41, v40;
	v1 =	vld.idx.msk [tilespmem:v1+s19+$0x0], $0xffff  }
0x517: {  	v44 =	vmul.f32 v44, v42;
	v17 =	vor.u32 v2, v17;
	v4 =	vor.u32 v4, v2;
	v6 =	vld.idx.msk [tilespmem:v6+s14+$0x0], $0xffff  }
0x518: {  	v49 =	vmul.f32 v49, v50;
	v12 =	vor.u32 v2, v12;
	v4 =	vor.u32 v8, v4;
	v8 =	vld.idx.msk [tilespmem:v57+s14+$0x0], $0xffff  }
0x519: {  	v50 =	vmul.f32 v48, v45;
	v51 =	vmul.f32 v47, v51;
	v24 =	vld.idx.msk [tilespmem:v24+s14+$0x0], $0xffff  }
0x51a: {  	v11 =	vor.u32 v2, v11;
	v10 =	vor.u32 v2, v10;
	v52 =	vmul.f32 v52, v46;
	v23 =	vld.idx.msk [tilespmem:v23+s14+$0x0], $0xffff  }
0x51b: {  	v2 =	vor.u32 v2, v9;
	v55 =	vmul.f32 v13, v59;
	v56 =	vmul.f32 v15, v60;
	v22 =	vld.idx.msk [tilespmem:v22+s14+$0x0], $0xffff  }
0x51c: {  	v16 =	vmul.f32 v16, v62;
	v14 =	vmul.f32 v14, v41;
	v57 =	vld.idx.msk [tilespmem:v17+s14+$0x0], $0xffff  }
0x51d: {  	v0 =	vmul.f32 v54, v0;
	v7 =	vmul.f32 v58, v7;
	v12 =	vld.idx.msk [tilespmem:v12+s14+$0x0], $0xffff  }
0x51e: {  	v3 =	vadd.f32 v55, v3;
	v58 =	vmul.f32 v21, v49;
	v4 =	vld.idx.msk [tilespmem:v4+s14+$0x0], $0xffff;
	v1 =	vmul.f32 v1, v61  }
0x51f: {  	v54 =	vmul.f32 v53, v43;
	v11 =	vld.idx.msk [tilespmem:v11+s14+$0x0], $0xffff;
	v0 =	vmul.f32 v8, v0  }
0x520: {  	v2 =	vld.idx.msk [tilespmem:v2+s14+$0x0], $0xffff;
	v3 =	vadd.f32 v58, v3;
	v7 =	vmul.f32 v24, v7;
	v1 =	vmul.f32 v23, v1  }
0x521: {  	v59 =	vld.idx.msk [tilespmem:v10+s14+$0x0], $0xffff;
	v6 =	vmul.f32 v6, v51;
	v60 =	vmul.f32 v22, v52;
	v0 =	vadd.f32 v0, v20  }
0x522: {  	v5 =	vmul.f32 v57, v54;
	v7 =	vadd.f32 v7, v18;
	v1 =	vadd.f32 v1, v19  }
0x523: {  	v61 =	vmul.f32 v12, v44;
	v4 =	vmul.f32 v4, v63;
	v0 =	vadd.f32 v6, v0  }
0x524: {  	v62 =	vmul.f32 v11, v50;
	v7 =	vadd.f32 v60, v7;
	v1 =	vadd.f32 v5, v1  }
0x525: {  	v2 =	vmul.f32 v2, v32;
	v3 =	vadd.f32 v4, v3;
	v0 =	vadd.f32 v14, v0  }
0x526: {  	v63 =	vmul.f32 v59, v30;
	v6 =	vadd.f32 v61, v7;
	v1 =	vadd.f32 v62, v1  }
0x527: {  	v3 =	vadd.f32 v56, v3;
	v0 =	vadd.f32 v16, v0  }
0x528: {  	v4 =	vadd.f32 v63, v6;
	v1 =	vadd.f32 v2, v1  }
0x529: {  	s28 =	sadd.s32 $0x1, s28  }
0x52a: {  	p0 =	sne.s32 s28, $0x40;
	v0 =	vadd.f32 v0, v3;
	v1 =	vadd.f32 v1, v4  }
.Ltmp11:
0x52b: {  	_ = 	snop;
	(pc) =	sbr.rel @p0 .LBB2_2-.Ltmp11, $4  }
0x52c: {  	s29 =	sor.u32 s4, s29;
	v0 =	vadd.f32 v1, v0  }
0x52d: {  	s29 =	sshrl.u32 s29, $0x3  }
0x52e: {  	s29 =	sadd.s32 s6, s29;
	v1 =	vld [tilespmem:$0x1FFF0];
	[tilespmem:$0x19B70] =	vst v0  }
0x52f: {  	v0 =	vld [tilespmem:$0x1FFE0];
	[hbm4b:s29+s2] =	stream.linear.scatter [tilespmem:s24], [sflag:$0x4], $0x40, $0x38  }
0x530: {  	s26 =	sadd.s32 $0x1, s26  }
0x531: {  	_ =	swait.ge [sflag:s25], $0x40;
	p0 =	sne.s32 s26, s10  }
.Ltmp12:
0x532: {  	[sflag:s25] =	ssyncset.done $0x0;
	(pc) =	sbr.rel @p0 .LBB2_1-.Ltmp12, $4  }
0x533: {  	[sflag:s25] =	ssyncadd.s32 $0xFFFFFFC0  }
0x534: {  	_ =	swait.ge [sflag:s23], $0x40  }
0x535: {  	[sflag:s23] =	ssyncset.done $0x0  }
0x536: {  	[sflag:s23] =	ssyncadd.s32 $0xFFFFFFC0  }
0x537: {  	_ =	sfence.sel $0x180000  }
0x538: {  	[bflag:$0x0] =	sbarrier.arrive $0xFFFF  }
0x539: {  	p0 =	sne.s32 s1, $0x0;
	_ =	strace $0x9000004A  }
0x53a: {  	s0 =	sadd.s32 @!p0 $0x100000, s0;
	[bflag:$0x2] =	sbarrier.arrive $0xFFFF  }
0x53b: {  	[sflag:s0] =	ssyncadd.tile.s32 @!p0 $0x1;
	_ =	shalt  }
.Lfunc_end2:
_tile_overlayer_lowered:
.L_overlay_start_2:
0x53c: {  	(tag) =	ssettag $0x2  }
0x53d: {  	s0 =	rddreg [dreg:$0x0];
	s2 =	stileid.u32  }
0x53e: {  	s1 =	rddreg [dreg:$0x1];
	p0 =	sne.s32 s2, $0x0  }
0x53f: {  	s3 =	rddreg [dreg:$0x2];
	[bflag:$0x3] =	sbarrier.arrive $0xFFFF;
	s2 =	simm.s32 @!p0 $0x1C05  }
0x540: {  	[timem:s3], [sflag:s2] =	dma.local @!p0 [hbm:s0], s1  }
0x541: {  	s0 =	simm.s32 @!p0 $0x5  }
0x542: {  	_ =	swait.ge @!p0 [sflag:s0], s1  }
0x543: {  	s1 =	ssub.s32 @!p0 $0x0, s1;
	[sflag:s0] =	ssyncset.done @!p0 $0x0  }
0x544: {  	[sflag:s0] =	ssyncadd.s32 @!p0 s1  }
0x545: {  	[bflag:$0x3] =	sbarrier.arrive $0xFFFF  }
0x546: {  	_ =	shalt  }

// kernel: sparse-core-data-format-call.cloned.1.call-start
scs
called_computation_lowered:
.L_overlay_start_0:
0x0: {  	s2 =	sld [smem:$0x3FD9]  }
0x1: {  	s3 =	sld [smem:$0x3FFE];
	_ =	sdelay $0x1  }
0x2: {  	s1 =	srdreg.scid  }
0x3: {  	s0 =	sand.u32 $0x1, s1  }
0x4: {  	s18 =	sshll.u32 s0, $0xA;
	s2 =	sadd.s32 s3, s2  }
0x5: {  	s2 =	sadd.s32 s2, s18  }
0x6: {  	[smem:$0x3FC3] =	sst s2  }
0x7: {  	_ = 	snop  }
0x8: {  	s2 =	sld [smem:$0x3FC9];
	(tm) =	ssettm $0x1  }
0x9: {  	s19 =	sld [smem:$0x3FFB];
	_ =	sdelay $0x3  }
0xa: {  	_ =	strace s19  }
0xb: {  	s3 =	sld [smem:$0x3FFC];
	_ =	sdelay $0x3  }
0xc: {  	_ =	strace s3  }
0xd: {  	s3 =	sld [smem:$0x3FFD];
	_ =	sdelay $0x3  }
0xe: {  	_ =	strace s3  }
0xf: {  	_ =	strace $0x8FFFFFFF  }
0x10: {  	s20 =	sld [smem:$0x3FDB];
	_ =	sdelay $0x1  }
0x11: {  	s4 =	simm.s32 $_scs_section_size  }
0x12: {  	s5 =	simm.s32 $_size__tile_overlayer_lowered;
	s6 =	simm.s32 $_tile_overlayer_lowered  }
0x13: {  	s23 =	simm.s32 $0x1BFF;
	s22 =	sshll.u32 s6, $0x1;
	s3 =	sadd.s32 s4, s20  }
0x14: {  	s7 =	simm.s32 $0x0;
	s21 =	sshll.u32 s5, $0x1;
	s5 =	sadd.s32 s22, s3  }
0x15: {  	[timem:s7], [sflag:s23] =	dma.local [hbm:s5], s21  }
0x16: {  	_ =	swait.ge [sflag:s23], s21  }
0x17: {  	s4 =	ssub.s32 $0x0, s21;
	[sflag:s23] =	ssyncset.done $0x0  }
0x18: {  	[sflag:s23] =	ssyncadd.s32 s4;
	_ =	sdelay $0x1  }
0x19: {  	s24 =	simm.s32 $0x1B8B  }
0x1a: {  	_ =	swait.ge [sflag:s24], $0x1  }
0x1b: {  	[sflag:s24] =	ssyncset.done $0x0  }
0x1c: {  	s26 =	simm.s32 $0x1B8E;
	s25 =	sld [smem:$0x3FFE];
	[sflag:s24] =	ssyncadd.s32 $0xFFFFFFFF  }
0x1d: {  	s27 =	simm.s32 $execute0_lowered;
	[smem:$0x3FD2] =	sst s26  }
0x1e: {  	s5 =	sshll.u32 s27, $0x1;
	_ =	strace $0x80000046;
	[dreg:$0x1] =	wrdreg $0xFFFFFFFF  }
0x1f: {  	s28 =	simm.s32 $_size_execute0_lowered;
	s3 =	sadd.s32 s3, s5;
	[dreg:$0x0] =	wrdreg $0x0  }
0x20: {  	s5 =	sshll.u32 s28, $0x1;
	[dreg:$0x2] =	wrdreg s3  }
0x21: {  	[dreg:$0x3] =	wrdreg s5  }
0x22: {  	[dreg:$0x4] =	wrdreg $0xC0  }
0x23: {  	_ =	task [dreg:s7], $0x5FFFF  }
0x24: {  	[dreg:$0x1] =	wrdreg $0xFFFFFFFF  }
0x25: {  	[dreg:$0x0] =	wrdreg $0x60  }
0x26: {  	[dreg:$0x2] =	wrdreg s2  }
0x27: {  	[dreg:$0x3] =	wrdreg s25  }
0x28: {  	[dreg:$0x4] =	wrdreg $0x9  }
0x29: {  	_ =	task.clear_ibuf [dreg:s7], $0x5FFFF;
	_ =	strace $0x90000046  }
0x2a: {  	s29 =	simm.s32 $0x9;
	_ =	strace $0x80000048  }
0x2b: {  	_ =	swait.ge [sflag:s29], $0x1  }
0x2c: {  	[sflag:s29] =	ssyncadd.s32 $0xFFFFFFFF  }
0x2d: {  	_ =	strace $0x90000048  }
0x2e: {  	_ =	sfence  }
0x2f: {  	s30 =	sld [smem:$0x0];
	_ =	sdelay $0x2  }
0x30: {  	s31 =	sshll.u32 s1, $0xD;
	s1 =	sshrl.u32 s1, $0x2  }
0x31: {  	s3 =	sand.u32 $0x4000, s31;
	s1 =	sadd.s32 s1, s30  }
0x32: {  	s0 =	sor.u32 s3, s0;
	s1 =	sshll.u32 s1, $0x11  }
0x33: {  	s0 =	sor.u32 s1, s0  }
0x34: {  	s0 =	sadd.s32 $0x8F2B, s0  }
0x35: {  	[sflag:s0] =	ssyncadd.remote.s32 $0x1  }
0x36: {  	_ =	sfence.sel $0xFFFF  }
0x37: {  	[dreg:$0x0] =	wrdreg $0xFFFFFFFF;
	(pc) =	sbr.abs _section_cstart, $3  }
0x38: {  	[dreg:$0x1] =	wrdreg $0xFFFFFFFF  }
0x39: {  	_ =	task.clear_ibuf [dreg:s7], $0x2FFFF;
	_ =	strace $0x9FFFFFFF  }
0x3a: {  	(tm) =	ssettm $0x7FFFFFFF  }
0x3b: {  	_ =	shalt  }
tec
execute0_lowered:
.L_overlay_start_1:
0x0: {  	(tag) =	ssettag $0x1  }
0x1: {  	s0 =	srdreg.scid;
	s2 =	rddreg [dreg:$0x0]  }
0x2: {  	s5 =	rddreg [dreg:$0x1];
	s1 =	stileid.u32  }
0x3: {  	s4 =	simm.s32 $0x1;
	s6 =	simm.s32 $0x2;
	s15 =	simm.s32 $0x0  }
0x4: {  	p0 =	por $0x0, $0x0;
	s8 =	simm.s32 $0x80;
	s0 =	sshll.u32 s0, $0x4  }
0x5: {  	s14 =	simm.s32 $0x0;
	s9 =	simm.s32 $0x0;
	s3 =	sand.u32 $0x10, s0  }
.Ltmp0:
0x6: {  	s10 =	simm.s32 $0x0;
	s3 =	sor.u32 s1, s3;
	(pc) =	sbr.rel .LBB1_1-.Ltmp0, $4  }
0x7: {  	s0 =	rddreg [dreg:$0x2];
	_ =	strace $0x80000047;
	s3 =	sshll.u32 s3, $0x7  }
0x8: {  	s12 =	simm.s32 $0x0;
	[sflag:s4] =	ssyncpa.u1 $0x0;
	s7 =	ssub.s32 $0xF4200, s3  }
0x9: {  	s13 =	simm.s32 $0x0;
	[sflag:s6] =	ssyncpa.u1 $0x0;
	s6 =	sshrl.u32 s7, $0xC  }
0xa: {  	s5 =	sadd.s32 $0x1000, s5;
	s11 =	smov.u32 s3;
	s7 =	sadd.s32 $0x2, s6  }
.LBB1_5:
0xb: {  	p1 =	slt.u32 s13, $0x2  }
0xc: {  	s17 =	smov.u32 s15;
	p2 =	sgt.s32 @!p1 s15, $0xF41C0;
	s16 =	sshra.s32 @!p1 s15, $0x1F  }
0xd: {  	p3 =	sgt.s32 @!p1 s14, $0x40;
	s18 =	sshra.s32 @!p1 s14, $0x1F;
	p2 =	por !p2, p1  }
0xe: {  	s15 =	sand.u32 @!p1 s16, s15;
	p3 =	por !p3, p1;
	s16 =	smov.u32 s14  }
0xf: {  	s14 =	sand.u32 @!p1 s18, s14;
	s17 =	simm.s32 @p2 $0xF41C0;
	s16 =	simm.s32 @p3 $0x40  }
0x10: {  	s15 =	ssub.s32 @!p1 s17, s15;
	s14 =	ssub.s32 @!p1 s16, s14  }
0x11: {  	s18 =	smov.u32 s12;
	s16 =	sadd.s32 @!p1 $0xFFF0BE40, s15;
	s17 =	sadd.s32 @!p1 $0xFFFFFFC0, s14  }
0x12: {  	s15 =	ssub.s32 @!p1 $0xF4240, s15;
	p2 =	sgt.s32 @!p1 s16, $0x7F;
	p3 =	sgt.s32 @!p1 s17, $0x3F  }
0x13: {  	s14 =	ssub.s32 @!p1 $0x80, s14;
	p2 =	por !p2, p1;
	p3 =	por !p3, p1  }
0x14: {  	s16 =	sadd.s32 $0x1000, s11;
	s15 =	simm.s32 @!p2 $0x0;
	s14 =	simm.s32 @!p3 $0x0  }
0x15: {  	p2 =	sgt.s32 s16, $0xF423F;
	s14 =	smul.u32 @!p1 s14, s15;
	s15 =	sadd.s32 $0x40, s12  }
0x16: {  	s18 =	smov.u32 @p2 s15  }
0x17: {  	s16 =	smov.u32 @p2 s3;
	p2 =	sgt.s32 s18, $0x3F  }
0x18: {  	s18 =	simm.s32 @p2 $0x0;
	p2 =	sne.s32 s13, s7  }
.Ltmp1:
0x19: {  	p0 =	por !p0, !p0;
	s17 =	simm.s32 @!p1 $0x2;
	(pc) =	sbr.rel @!p2 .LBB1_6-.Ltmp1, $4  }
0x1a: {  	s15 =	smov.u32 s9;
	s9 =	smov.u32 s11;
	s14 =	sand.u32 @!p1 $0x3FFFFFFF, s14  }
0x1b: {  	s11 =	smov.u32 s16;
	_ =	swait.ge @!p1 [sflag:s17], s14;
	s19 =	ssub.s32 @!p1 $0x0, s14  }
0x1c: {  	s14 =	smov.u32 s10;
	s13 =	sadd.s32 $0x1, s13;
	[sflag:s17] =	ssyncset.done @!p1 $0x0  }
0x1d: {  	s10 =	smov.u32 s12;
	s12 =	smov.u32 s18;
	[sflag:s17] =	ssyncadd.s32 @!p1 s19  }
.LBB1_1:
0x1e: {  	p1 =	sgt.u32 s13, s6  }
0x1f: {  	s16 =	sshrl.u32 @!p1 s12, $0x3  }
0x20: {  	s17 =	sshll.u32 @!p1 s11, $0x3;
	s16 =	smul.u32 @!p1 $0x7A1400, s16  }
0x21: {  	s18 =	sshll.u32 @!p1 s12, $0x7;
	s17 =	sand.u32 @!p1 $0xFFFFFC00, s17  }
0x22: {  	s16 =	sadd.s32 @!p1 s16, s17;
	s17 =	sand.u32 @!p1 $0x380, s18  }
0x23: {  	s18 =	sand.u32 @!p1 $0x7F, s11;
	s16 =	sor.u32 @!p1 s17, s16  }
0x24: {  	s17 =	sor.u32 @!p1 s18, s16  }
0x25: {  	s18 =	smulhi.u32 @!p1 $0x218D6287, s17;
	_ =	sdelay $0x1  }
0x26: {  	s16 =	smulhi.u32 @!p1 $0x218D6287, s16;
	s18 =	sshrl.u32 @!p1 s18, $0x11  }
0x27: {  	s18 =	smul.u32 @!p1 $0xF4280, s18  }
0x28: {  	s19 =	sxor.u32 @!p1 $0xFFFFFFFF, s13;
	s16 =	sshrl.u32 @!p1 s16, $0x11  }
0x29: {  	s19 =	sshll.u32 @!p1 s19, $0xD;
	s16 =	sand.u32 @!p1 $0x3F, s16;
	s17 =	ssub.s32 @!p1 s17, s18  }
0x2a: {  	s16 =	smul.u32 @!p1 $0x1E850, s16;
	s18 =	sshrl.u32 @!p1 s17, $0x3;
	s17 =	sand.u32 @!p1 $0x7, s17  }
0x2b: {  	s19 =	sand.u32 @!p1 $0x2000, s19;
	s18 =	sadd.s32 @!p1 s2, s18;
	s17 =	sshll.u32 @!p1 s17, $0x12  }
0x2c: {  	s16 =	sadd.s32 @!p1 s16, s18;
	s17 =	sor.u32 @!p1 $0x400, s17;
	s18 =	simm.s32 @!p1 $0x7A1400  }
0x2d: {  	[tilespmem:s19], [sflag:$0x1] =	stream.strided.gather @!p1 [hbm4b:s16+s17], $0x2000, s18, s17, $0x38;
	[tilespmem:$0x8100] =	vst v63  }
0x2e: {  	p1 =	seq.s32 s13, $0x0  }
0x2f: {  	p2 =	sge.u32 @!p1 s13, s7  }
0x30: {  	p1 =	por p1, p2  }
.Ltmp2:
0x31: {  	_ = 	snop;
	(pc) =	sbr.rel @p1 .LBB1_5-.Ltmp2, $1  }
0x32: {  	_ =	sdelay $0x3  }
0x33: {  	s16 =	simm.s32 $0x1  }
0x34: {  	_ =	swait.ge [sflag:s4], $0x2000;
	s16 =	simm.s32 @!p0 $0x0  }
0x35: {  	[sflag:s4] =	ssyncset.done $0x0;
	s17 =	sshll.u32 s16, $0xD  }
0x36: {  	[sflag:s4] =	ssyncadd.s32 $0xFFFFE000;
	s17 =	sor.u32 $0x40, s17  }
0x37: {  	s16 =	smul.u32 $0x8200, s16;
	v0 =	vld [tilespmem:s17+$0x30]  }
0x38: {  	v1 =	vld [tilespmem:s17+$0xFFFFFFD0]  }
0x39: {  	s16 =	sshrl.u32 s16, $0x2;
	v5 =	vld [tilespmem:s17+$0xFFFFFFE0]  }
0x3a: {  	v6 =	vld [tilespmem:s17+$0xFFFFFFF0];
	s19 =	sor.u32 $0x4000, s16  }
0x3b: {  	s31 =	sand.u32 $0x1, s13;
	v4 =	vld [tilespmem:s17+$0x0];
	s18 =	sadd.s32 $0x0, s19  }
0x3c: {  	v3 =	vld [tilespmem:s17+$0x10];
	s16 =	smul.u32 $0x8200, s31;
	[tilespmem:s18+$0x1C70 ss:$0x41] =	vst.msk $0xffff, v0  }
0x3d: {  	v2 =	vld [tilespmem:s17+$0x20];
	[tilespmem:s18+$0x410 ss:$0x41] =	vst.msk $0xffff, v1  }
0x3e: {  	s16 =	sshrl.u32 s16, $0x2;
	v1 =	vld [tilespmem:s17+$0xFFFFFFC0];
	[tilespmem:s18+$0x820 ss:$0x41] =	vst.msk $0xffff, v5;
	s17 =	sadd.s32 $0x80, s17  }
0x3f: {  	s20 =	simm.s32 $0x4;
	s21 =	simm.s32 $0x8;
	s16 =	sor.u32 $0x4000, s16;
	[tilespmem:s18+$0xC30 ss:$0x41] =	vst.msk $0xffff, v6;
	v0 =	vld [tilespmem:s17+$0x30]  }
.LBB1_3:
0x40: {  	p1 =	sne.s32 s21, $0xFC;
	v5 =	vld [tilespmem:s17+$0xFFFFFFD0];
	[tilespmem:s18+$0x1040 ss:$0x41] =	vst.msk $0xffff, v4  }
0x41: {  	v6 =	vld [tilespmem:s17+$0xFFFFFFE0];
	[tilespmem:s18+$0x1450 ss:$0x41] =	vst.msk $0xffff, v3  }
0x42: {  	s22 =	sshra.s32 s20, $0x2;
	s20 =	smov.u32 s21;
	v7 =	vld [tilespmem:s17+$0xFFFFFFF0];
	[tilespmem:s18+$0x1860 ss:$0x41] =	vst.msk $0xffff, v2  }
.Ltmp3:
0x43: {  	v4 =	vld [tilespmem:s17+$0x0];
	[tilespmem:s18+$0x0 ss:$0x41] =	vst.msk $0xffff, v1;
	s18 =	sadd.s32 s22, s19;
	(pc) =	sbr.rel @p1 .LBB1_3-.Ltmp3, $4  }
0x44: {  	v3 =	vld [tilespmem:s17+$0x10];
	[tilespmem:s18+$0x1C70 ss:$0x41] =	vst.msk $0xffff, v0  }
0x45: {  	[tilespmem:s18+$0x410 ss:$0x41] =	vst.msk $0xffff, v5;
	v2 =	vld [tilespmem:s17+$0x20]  }
0x46: {  	v1 =	vld [tilespmem:s17+$0xFFFFFFC0];
	[tilespmem:s18+$0x820 ss:$0x41] =	vst.msk $0xffff, v6;
	s17 =	sadd.s32 $0x80, s17  }
0x47: {  	s21 =	sadd.s32 $0x4, s21;
	v0 =	vld [tilespmem:s17+$0x30];
	[tilespmem:s18+$0xC30 ss:$0x41] =	vst.msk $0xffff, v7  }
0x48: {  	s21 =	sshll.u32 s9, $0x7;
	s22 =	sshll.u32 s10, $0x3;
	s20 =	sshra.s32 s20, $0x2  }
0x49: {  	p1 =	sgt.s32 s9, $0xF41C0;
	s30 =	sshra.s32 s9, $0x1F;
	s25 =	sshra.s32 s10, $0x1F  }
0x4a: {  	v5 =	vld [tilespmem:s17+$0xFFFFFFD0];
	s28 =	sshrl.u32 s10, $0x3;
	s23 =	sand.u32 $0xFFFFFC00, s21;
	s22 =	sand.u32 $0xFFFFFC00, s22  }
0x4b: {  	[tilespmem:s18+$0x1040 ss:$0x41] =	vst.msk $0xffff, v4;
	v58 =	vld [tilespmem:s17+$0xFFFFFFE0];
	s21 =	sand.u32 $0x380, s21;
	s19 =	sadd.s32 s20, s19;
	s22 =	sadd.s32 s22, s23  }
0x4c: {  	v59 =	vld [tilespmem:s17+$0xFFFFFFF0];
	[tilespmem:s18+$0x1450 ss:$0x41] =	vst.msk $0xffff, v3;
	s29 =	sor.u32 s21, s22;
	s21 =	smov.u32 s9;
	s22 =	sand.u32 s30, s9  }
0x4d: {  	v60 =	vld [tilespmem:s17+$0x0];
	[tilespmem:s18+$0x1860 ss:$0x41] =	vst.msk $0xffff, v2;
	s30 =	sand.u32 $0x7, s10;
	s20 =	sshrl.u32 s29, $0x7;
	s21 =	simm.s32 @!p1 $0xF41C0  }
0x4e: {  	v61 =	vld [tilespmem:s17+$0x10];
	[tilespmem:s18+$0x0 ss:$0x41] =	vst.msk $0xffff, v1;
	p1 =	sgt.s32 s10, $0x40;
	s24 =	ssub.s32 s21, s22;
	s21 =	smov.u32 s10  }
0x4f: {  	v62 =	vld [tilespmem:s17+$0x20];
	[tilespmem:s19+$0x1C70 ss:$0x41] =	vst.msk $0xffff, v0;
	s31 =	smulhi.u32 $0x218DEF5, s20;
	s22 =	sand.u32 s25, s10;
	s21 =	simm.s32 @!p1 $0x40  }
0x50: {  	v63 =	vld [tilespmem:s17+$0xFFFFFFC0];
	[tilespmem:s19+$0x410 ss:$0x41] =	vst.msk $0xffff, v5;
	s26 =	sadd.s32 $0xFFF0BE40, s24;
	s17 =	ssub.s32 $0xF4240, s24;
	s21 =	ssub.s32 s21, s22  }
0x51: {  	[tilespmem:s19+$0x820 ss:$0x41] =	vst.msk $0xffff, v58;
	s23 =	sshrl.u32 s31, $0xD;
	p1 =	sgt.s32 s26, $0x7F;
	s27 =	sadd.s32 $0xFFFFFFC0, s21  }
0x52: {  	[tilespmem:s19+$0xC30 ss:$0x41] =	vst.msk $0xffff, v59;
	s23 =	smul.u32 $0xF4240, s23;
	s18 =	ssub.s32 $0x80, s21;
	p2 =	sgt.s32 s27, $0x3F  }
.Ltmp4:
0x53: {  	[tilespmem:s19+$0x1040 ss:$0x41] =	vst.msk $0xffff, v60;
	s17 =	simm.s32 @p1 $0x0;
	s18 =	simm.s32 @p2 $0x0;
	(pc) =	sbr.rel .LBB1_5-.Ltmp4, $4  }
0x54: {  	s29 =	sand.u32 $0xF, s28;
	[tilespmem:s19+$0x1450 ss:$0x41] =	vst.msk $0xffff, v61;
	s20 =	ssub.s32 s20, s23;
	s17 =	smul.u32 s18, s17  }
0x55: {  	[tilespmem:s19+$0x1860 ss:$0x41] =	vst.msk $0xffff, v62;
	s21 =	sshll.u32 s30, $0x12;
	s20 =	sshll.u32 s20, $0x4;
	s18 =	sadd.s32 s5, s29  }
0x56: {  	[tilespmem:s19+$0x0 ss:$0x41] =	vst.msk $0xffff, v63;
	s31 =	sor.u32 $0x40, s21;
	s18 =	sadd.s32 s20, s18;
	s17 =	sand.u32 $0x3FFFFFFF, s17  }
0x57: {  	[hbm4b:s18+s31] =	stream.strided.scatter [tilespmem:s16], [sflag:$0x2], s17, s8, s31, $0x18;
	[tilespmem:$0x8100] =	vst v63  }
.LBB1_6:
0x58: {  	_ =	sfence.sel $0x180000  }
0x59: {  	s2 =	simm.s32 $0x1;
	[bflag:$0x0] =	sbarrier.arrive $0xFFFF  }
0x5a: {  	s31 =	simm.s32 $0x2;
	[sflag:s2] =	ssyncpa.u1 $0x1  }
0x5b: {  	[sflag:s31] =	ssyncpa.u1 $0x1  }
0x5c: {  	p0 =	sne.s32 s1, $0x0;
	_ =	strace $0x90000047  }
0x5d: {  	s0 =	sadd.s32 @!p0 $0x100000, s0;
	[bflag:$0x2] =	sbarrier.arrive $0xFFFF  }
0x5e: {  	[sflag:s0] =	ssyncadd.tile.s32 @!p0 $0x1;
	_ =	shalt  }
.Lfunc_end1:
_tile_overlayer_lowered:
.L_overlay_start_2:
0x5f: {  	(tag) =	ssettag $0x2  }
0x60: {  	s0 =	rddreg [dreg:$0x0];
	s2 =	stileid.u32  }
0x61: {  	s1 =	rddreg [dreg:$0x1];
	p0 =	sne.s32 s2, $0x0  }
0x62: {  	s3 =	rddreg [dreg:$0x2];
	[bflag:$0x3] =	sbarrier.arrive $0xFFFF;
	s2 =	simm.s32 @!p0 $0x1C01  }
0x63: {  	[timem:s3], [sflag:s2] =	dma.local @!p0 [hbm:s0], s1  }
0x64: {  	s0 =	simm.s32 @!p0 $0x1  }
0x65: {  	_ =	swait.ge @!p0 [sflag:s0], s1  }
0x66: {  	s1 =	ssub.s32 @!p0 $0x0, s1;
	[sflag:s0] =	ssyncset.done @!p0 $0x0  }
0x67: {  	[sflag:s0] =	ssyncadd.s32 @!p0 s1  }
0x68: {  	[bflag:$0x3] =	sbarrier.arrive $0xFFFF  }
0x69: {  	_ =	shalt  }

</sc_bundles>
